<compile_context>
chip_gen: v7x
topology: tpu7x:2x2x1
jax: 0.10.2.dev20260603
libtpu: 0.0.44.dev20260713+nightly
codegen_flags: <defaults>
</compile_context>

<pallas_src>
import functools

import jax
import jax.numpy as jnp
from jax import lax
from jax.experimental import pallas as pl
from jax.experimental.pallas import tpu as pltpu
from jax.experimental.pallas import tpu_sc as plsc

N = 10000
NP = 10240
E = 160000
EP = 163840
D = 256
H = 128
NG = 64
NV = 300
CHUNK = 128
CPT = EP // 16 // CHUNK
DW = 16
ECH = 64
NCNK = EP // 16 // ECH
PAIRS = NCNK // 2
RB = 1280
GRID = NP // RB
NPT = NP // 16


def _deg_body(dst_hbm, deg_hbm, idx_v, ones_v, zbuf_v, shared):
    c = lax.axis_index("c")
    t = lax.axis_index("s")

    def _init(i, _):
        ones_v[i, :] = jnp.ones((DW,), jnp.float32)
        zbuf_v[i, :] = jnp.zeros((DW,), jnp.float32)
        return 0

    lax.fori_loop(0, CHUNK, _init, 0)
    for kk in range(NPT // CHUNK):
        pltpu.sync_copy(zbuf_v, shared.at[pl.ds(t * NPT + kk * CHUNK, CHUNK)])
    plsc.subcore_barrier()

    def _step(k, _):
        pltpu.sync_copy(dst_hbm.at[c, t, k], idx_v)
        pltpu.sync_copy(ones_v, shared.at[idx_v], add=True)
        return 0

    lax.fori_loop(0, CPT, _step, 0)
    plsc.subcore_barrier()
    pltpu.sync_copy(shared.at[pl.ds(t * NPT, NPT)],
                    deg_hbm.at[c, pl.ds(t * NPT, NPT)])


def _conv_body(z_hbm, srcs_hbm, dst_hbm, out_hbm,
               is0, is1, dslab, rows0, rows1, shared, sg0, sg1, si0, si1):
    c = lax.axis_index("c")
    t = lax.axis_index("s")
    base = t * NPT

    def _zb(i, _):
        for j in range(H // 16):
            rows0[i, pl.ds(j * 16, 16)] = jnp.zeros((16,), jnp.float32)
        return 0

    lax.fori_loop(0, ECH, _zb, 0)
    for kk in range(NPT // ECH):
        pltpu.sync_copy(rows0, shared.at[pl.ds(base + kk * ECH, ECH)])
    pltpu.sync_copy(dst_hbm.at[t], dslab)
    plsc.subcore_barrier()

    pltpu.sync_copy(srcs_hbm.at[c, t, 0], is0)
    pltpu.async_copy(z_hbm.at[is0], rows0, sg0)
    pltpu.sync_copy(srcs_hbm.at[c, t, 1], is1)
    pltpu.async_copy(z_hbm.at[is1], rows1, sg1)

    def _step(k, _):
        pltpu.make_async_copy(z_hbm.at[is0], rows0, sg0).wait()
        pltpu.async_copy(srcs_hbm.at[c, t, 2 * k + 2], is0, si0)
        pltpu.sync_copy(rows0, shared.at[dslab.at[2 * k]], add=True)
        pltpu.make_async_copy(srcs_hbm.at[c, t, 2 * k + 2], is0, si0).wait()
        pltpu.async_copy(z_hbm.at[is0], rows0, sg0)
        pltpu.make_async_copy(z_hbm.at[is1], rows1, sg1).wait()
        pltpu.async_copy(srcs_hbm.at[c, t, 2 * k + 3], is1, si1)
        pltpu.sync_copy(rows1, shared.at[dslab.at[2 * k + 1]], add=True)
        pltpu.make_async_copy(srcs_hbm.at[c, t, 2 * k + 3], is1, si1).wait()
        pltpu.async_copy(z_hbm.at[is1], rows1, sg1)
        return 0

    lax.fori_loop(0, PAIRS, _step, 0)
    pltpu.make_async_copy(z_hbm.at[is0], rows0, sg0).wait()
    pltpu.make_async_copy(z_hbm.at[is1], rows1, sg1).wait()
    plsc.subcore_barrier()
    pltpu.sync_copy(shared.at[pl.ds(base, NPT)],
                    out_hbm.at[c, pl.ds(base, NPT)])


@functools.cache
def _sc_kernels():
    mesh = plsc.VectorSubcoreMesh(core_axis_name="c", subcore_axis_name="s",
                                  num_cores=2, num_subcores=16)
    deg = pl.kernel(
        _deg_body,
        out_type=jax.ShapeDtypeStruct((2, NP, DW), jnp.float32),
        mesh=mesh,
        scratch_types=[
            pltpu.VMEM((CHUNK,), jnp.int32),
            pltpu.VMEM((CHUNK, DW), jnp.float32),
            pltpu.VMEM((CHUNK, DW), jnp.float32),
            pltpu.VMEM_SHARED((NP, DW), jnp.float32),
        ],
    )
    conv = pl.kernel(
        _conv_body,
        out_type=jax.ShapeDtypeStruct((2, NP, H), jnp.float32),
        mesh=mesh,
        scratch_types=[
            pltpu.VMEM((ECH,), jnp.int32),
            pltpu.VMEM((ECH,), jnp.int32),
            pltpu.VMEM((NCNK, ECH), jnp.int32),
            pltpu.VMEM((ECH, H), jnp.float32),
            pltpu.VMEM((ECH, H), jnp.float32),
            pltpu.VMEM_SHARED((NP, H), jnp.float32),
            pltpu.SemaphoreType.DMA,
            pltpu.SemaphoreType.DMA,
            pltpu.SemaphoreType.DMA,
            pltpu.SemaphoreType.DMA,
        ],
    )
    return deg, conv


def _k0_body(p_ref, id_ref, dege_ref, posW_ref, posb_ref, emb_ref,
             wt_ref, wb_ref, nodeb_ref, w0_ref, n0_ref, z0_ref):
    pos = jnp.maximum(
        jnp.dot(p_ref[...], posW_ref[...], preferred_element_type=jnp.float32)
        + posb_ref[...], 0.0)
    iota = lax.broadcasted_iota(jnp.int32, (RB, NV), 1)
    oh = (iota == id_ref[...]).astype(jnp.float32)
    idf = jnp.dot(oh, jnp.maximum(emb_ref[...], 0.0),
                  preferred_element_type=jnp.float32)
    n0 = jnp.maximum(
        jnp.dot(pos, wt_ref[...], preferred_element_type=jnp.float32)
        + jnp.dot(idf, wb_ref[...], preferred_element_type=jnp.float32)
        + nodeb_ref[...], 0.0)
    dis = lax.rsqrt(dege_ref[...] + 1.0)
    z0 = jnp.dot(n0, w0_ref[...], preferred_element_type=jnp.float32) * dis
    n0_ref[...] = n0
    z0_ref[0] = z0[:, :H]
    z0_ref[1] = z0[:, H:]


def _full(shape):
    return pl.BlockSpec(shape, lambda i: tuple(0 for _ in shape))


def _k0(p, ids, deg_e, pos_W, pos_b, emb, node_W, node_b, w0):
    return pl.pallas_call(
        _k0_body,
        grid=(GRID,),
        in_specs=[
            pl.BlockSpec((RB, 3), lambda i: (i, 0)),
            pl.BlockSpec((RB, 1), lambda i: (i, 0)),
            pl.BlockSpec((RB, 1), lambda i: (i, 0)),
            _full((3, D)),
            _full((1, D)),
            _full((NV, D)),
            _full((D, D)),
            _full((D, D)),
            _full((1, D)),
            _full((D, D)),
        ],
        out_specs=[
            pl.BlockSpec((RB, D), lambda i: (i, 0)),
            pl.BlockSpec((2, RB, H), lambda i: (0, i, 0)),
        ],
        out_shape=[
            jax.ShapeDtypeStruct((NP, D), jnp.float32),
            jax.ShapeDtypeStruct((2, NP, H), jnp.float32),
        ],
    )(p, ids, deg_e, pos_W, pos_b.reshape(1, D), emb,
      node_W[:D], node_W[D:], node_b.reshape(1, D), w0)


def _stage_body(out_x, s_ref, z_ref, degc_ref, degn_ref, b_ref,
                w_ref, *out_refs):
    s = jnp.concatenate([s_ref[0], s_ref[1]], axis=1)
    z = jnp.concatenate([z_ref[0], z_ref[1]], axis=1)
    dis = lax.rsqrt(degc_ref[...] + 1.0)
    x = jnp.maximum(dis * (s + z) + b_ref[...], 0.0)
    zn = jnp.dot(x, w_ref[...], preferred_element_type=jnp.float32) \
        * lax.rsqrt(degn_ref[...] + 1.0)
    out_refs[0][0] = zn[:, :H]
    out_refs[0][1] = zn[:, H:]
    if out_x:
        out_refs[1][...] = x


def _stage(s2, z2, deg_c, deg_n, b, w, out_x):
    out_specs = [pl.BlockSpec((2, RB, H), lambda i: (0, i, 0))]
    out_shape = [jax.ShapeDtypeStruct((2, NP, H), jnp.float32)]
    if out_x:
        out_specs.append(pl.BlockSpec((RB, D), lambda i: (i, 0)))
        out_shape.append(jax.ShapeDtypeStruct((NP, D), jnp.float32))
    return pl.pallas_call(
        functools.partial(_stage_body, out_x),
        grid=(GRID,),
        in_specs=[
            pl.BlockSpec((2, RB, H), lambda i: (0, i, 0)),
            pl.BlockSpec((2, RB, H), lambda i: (0, i, 0)),
            pl.BlockSpec((RB, 1), lambda i: (i, 0)),
            pl.BlockSpec((RB, 1), lambda i: (i, 0)),
            _full((1, D)),
            _full((D, D)),
        ],
        out_specs=out_specs,
        out_shape=out_shape,
    )(s2, z2, deg_c, deg_n, b.reshape(1, D), w)


def _last_body(s_ref, z_ref, degc_ref, b_ref, x_ref):
    s = jnp.concatenate([s_ref[0], s_ref[1]], axis=1)
    z = jnp.concatenate([z_ref[0], z_ref[1]], axis=1)
    dis = lax.rsqrt(degc_ref[...] + 1.0)
    x_ref[...] = jnp.maximum(dis * (s + z) + b_ref[...], 0.0)


def _last(s2, z2, deg_c, b):
    return pl.pallas_call(
        _last_body,
        grid=(GRID,),
        in_specs=[
            pl.BlockSpec((2, RB, H), lambda i: (0, i, 0)),
            pl.BlockSpec((2, RB, H), lambda i: (0, i, 0)),
            pl.BlockSpec((RB, 1), lambda i: (i, 0)),
            _full((1, D)),
        ],
        out_specs=pl.BlockSpec((RB, D), lambda i: (i, 0)),
        out_shape=jax.ShapeDtypeStruct((NP, D), jnp.float32),
    )(s2, z2, deg_c, b.reshape(1, D))


def _pool_body(batch_ref, batch2_ref, a_ref, b_ref, c_ref, g_ref):
    g = pl.program_id(0)
    b2 = batch2_ref[...]
    start = jnp.sum((b2 < g).astype(jnp.int32))
    cnt = jnp.sum((b2 == g).astype(jnp.int32))
    c0 = start // 8
    c1 = (start + cnt + 7) // 8
    neg = jnp.full((8, D), -jnp.inf, jnp.float32)

    def _cond(carry):
        return carry[0] < c1

    def _body(carry):
        c, m0, m1, m2 = carry
        r = pl.ds(c * 8, 8)
        bm = batch_ref[r, :] == g

        def mx(acc, ref):
            return jnp.maximum(acc, jnp.where(bm, ref[r, :], -jnp.inf))

        return (c + 1, mx(m0, a_ref), mx(m1, b_ref), mx(m2, c_ref))

    _, m0, m1, m2 = lax.while_loop(_cond, _body, (c0, neg, neg, neg))
    g_ref[0, :, 0:D] = jnp.max(m0, axis=0, keepdims=True)
    g_ref[0, :, D:2 * D] = jnp.max(m1, axis=0, keepdims=True)
    g_ref[0, :, 2 * D:3 * D] = jnp.max(m2, axis=0, keepdims=True)


def _pool(batch_col, batch2d, a, b, c):
    return pl.pallas_call(
        _pool_body,
        grid=(NG,),
        in_specs=[
            _full((NP, 1)),
            _full((NP // 128, 128)),
            _full((NP, D)),
            _full((NP, D)),
            _full((NP, D)),
        ],
        out_specs=pl.BlockSpec((1, 1, 3 * D), lambda g: (g, 0, 0)),
        out_shape=jax.ShapeDtypeStruct((NG, 1, 3 * D), jnp.float32),
    )(batch_col, batch2d, a, b, c).reshape(NG, 3 * D)


def _final_body(g_ref, w_ref, b_ref, out_ref):
    out_ref[...] = jnp.dot(g_ref[...], w_ref[...],
                           preferred_element_type=jnp.float32) + b_ref[...]


def _final(g, w, b):
    return pl.pallas_call(
        _final_body,
        grid=(1,),
        in_specs=[_full((NG, 3 * D)), _full((3 * D, D)), _full((1, D))],
        out_specs=_full((NG, D)),
        out_shape=jax.ShapeDtypeStruct((NG, D), jnp.float32),
    )(g, w, b.reshape(1, D))


def kernel(position_feature, id_feature, edge_index, temporal_edge_index,
           batch, pos_W, pos_b, id_emb, node_W, node_b, conv_W, conv_b,
           agg_W, agg_b):
    f32 = jnp.float32
    i32 = jnp.int32

    p = jnp.zeros((NP, 3), f32).at[:N].set(position_feature.astype(f32))
    ids = jnp.zeros((NP, 1), i32).at[:N].set(id_feature.astype(i32))
    batch_col = jnp.full((NP, 1), NG, i32).at[:N, 0].set(batch.astype(i32))

    pad_i = N + (jnp.arange(EP - E, dtype=i32) % (NP - N))
    dummy = jnp.broadcast_to(
        (N + (jnp.arange(2 * ECH, dtype=i32) % (NP - N))).reshape(1, 2, ECH),
        (16, 2, ECH))

    def prep(ei):
        s = jnp.concatenate([ei[0].astype(i32), pad_i]).reshape(16, NCNK, ECH)
        d = jnp.concatenate([ei[1].astype(i32), pad_i]).reshape(16, NCNK, ECH)
        s = jnp.concatenate([s, dummy], axis=1)
        srcs = jnp.stack([s, s + NP])
        return srcs, d

    srcs_e, dst_e = prep(edge_index)
    srcs_t, dst_t = prep(temporal_edge_index)

    _deg_kernel, _conv_kernel = _sc_kernels()
    counts = _deg_kernel(
        jnp.stack([dst_e, dst_t]).reshape(2, 16, CPT, CHUNK))
    deg_e = counts[0, :, :1]
    deg_t = counts[1, :, :1]

    n0, z0 = _k0(p, ids, deg_e, pos_W, pos_b, id_emb, node_W, node_b,
                 conv_W[0])
    s0 = _conv_kernel(z0.reshape(2 * NP, H), srcs_e, dst_e)
    (z1,) = _stage(s0, z0, deg_e, deg_t, conv_b[0], conv_W[1], out_x=False)
    s1 = _conv_kernel(z1.reshape(2 * NP, H), srcs_t, dst_t)
    z2, x2 = _stage(s1, z1, deg_t, deg_e, conv_b[1], conv_W[2], out_x=True)
    s2 = _conv_kernel(z2.reshape(2 * NP, H), srcs_e, dst_e)
    (z3,) = _stage(s2, z2, deg_e, deg_t, conv_b[2], conv_W[3], out_x=False)
    s3 = _conv_kernel(z3.reshape(2 * NP, H), srcs_t, dst_t)
    x4 = _last(s3, z3, deg_t, conv_b[3])

    g = _pool(batch_col, batch_col.reshape(NP // 128, 128), n0, x2, x4)
    return _final(g, agg_W, agg_b)

# --- scband reference (transcript-rebuilt; emitter-appended) ---
"""Pipeline reference for scband-graph-encoder-86543591014950 (READ-ONLY COPY).

The authoritative reference and input builder live on the scoring server;
editing this copy changes nothing except your own understanding.
"""

import jax, jax.numpy as jnp
import numpy as np

N = 10000
E = 160000
D = 256
NG = 64
NL = 2


def setup_inputs(seed: int = 0) -> dict:
    key = jax.random.key(seed)
    ks = jax.random.split(key, 16)
    inp = {}
    inp["position_feature"] = jax.random.normal(ks[0], (N, 3), dtype=jnp.float32)
    inp["id_feature"] = jax.random.randint(ks[1], (N, 1), 0, 300).astype(jnp.int64)
    inp["edge_index"] = jax.random.randint(ks[2], (2, E), 0, N).astype(jnp.int64)
    inp["temporal_edge_index"] = jax.random.randint(ks[3], (2, E), 0, N).astype(jnp.int64)
    inp["batch"] = jnp.sort(jax.random.randint(ks[4], (N,), 0, NG)).astype(jnp.int64)
    # learned parameters
    inp["pos_W"] = jax.random.normal(ks[5], (3, D), dtype=jnp.float32) * 0.1
    inp["pos_b"] = jnp.zeros((D,), dtype=jnp.float32)
    inp["id_emb"] = jax.random.normal(ks[6], (300, D), dtype=jnp.float32) * 0.1
    inp["node_W"] = jax.random.normal(ks[7], (2 * D, D), dtype=jnp.float32) * 0.05
    inp["node_b"] = jnp.zeros((D,), dtype=jnp.float32)
    inp["conv_W"] = jax.random.normal(ks[8], (2 * NL, D, D), dtype=jnp.float32) * 0.05
    inp["conv_b"] = jnp.zeros((2 * NL, D), dtype=jnp.float32)
    inp["agg_W"] = jax.random.normal(ks[9], (D * (1 + NL), D), dtype=jnp.float32) * 0.05
    inp["agg_b"] = jnp.zeros((D,), dtype=jnp.float32)
    return inp


def _gcn_conv(x, edge_index, W, b):
    # GCNConv: x' = D^{-1/2} (A + I) D^{-1/2} X W + b
    n = x.shape[0]
    x = x @ W
    loop = jnp.arange(n, dtype=edge_index.dtype)
    src = jnp.concatenate([edge_index[0], loop])
    dst = jnp.concatenate([edge_index[1], loop])
    deg = jnp.zeros((n,), dtype=x.dtype).at[dst].add(1.0)
    safe = jnp.where(deg > 0, deg, 1.0)
    deg_inv_sqrt = jnp.where(deg > 0, 1.0 / jnp.sqrt(safe), 0.0)
    norm = deg_inv_sqrt[src] * deg_inv_sqrt[dst]
    msgs = x[src] * norm[:, None]
    out = jnp.zeros_like(x).at[dst].add(msgs)
    return out + b


def _global_max_pool(x, batch):
    return jax.ops.segment_max(x, batch, num_segments=NG, indices_are_sorted=True)


def reference(position_feature, id_feature, edge_index, temporal_edge_index, batch,
              pos_W, pos_b, id_emb, node_W, node_b, conv_W, conv_b, agg_W, agg_b):
    pos = jax.nn.relu(position_feature @ pos_W + pos_b)
    idf = jax.nn.relu(jnp.take(id_emb, id_feature, axis=0))  # [N,1,D]
    idf = jnp.squeeze(idf, axis=1)  # [N,D]
    node = jnp.concatenate([pos, idf], axis=1)
    n_embed = jax.nn.relu(node @ node_W + node_b)
    g_embed = _global_max_pool(n_embed, batch)
    for l in range(NL):
        n_embed = jax.nn.relu(_gcn_conv(n_embed, edge_index, conv_W[2 * l], conv_b[2 * l]))
        n_embed = jax.nn.relu(_gcn_conv(n_embed, temporal_edge_index, conv_W[2 * l + 1], conv_b[2 * l + 1]))
        g_embed = jnp.concatenate([g_embed, _global_max_pool(n_embed, batch)], axis=1)
    latent = g_embed @ agg_W + agg_b
    return latent

if __name__ == "__main__":
    import jax
    _d = setup_inputs()
    print(jax.jit(kernel)(*tuple(_d.values())))

</pallas_src>

<mosaic_0001>
#map = affine_map<(d0, d1) -> (0, 0)>
#map1 = affine_map<(d0, d1) -> (0, 0, 0, 0)>
#map2 = affine_map<(d0, d1) -> (0, 0, 0)>
module attributes {stable_mosaic.version = 14 : i64} {
  func.func @_conv_body(%arg0: i32, %arg1: i32, %arg2: memref<20480x128xf32, #tpu.memory_space<hbm>>, %arg3: memref<2x16x162x64xi32, #tpu.memory_space<hbm>>, %arg4: memref<16x160x64xi32, #tpu.memory_space<hbm>>, %arg5: memref<2x10240x128xf32, #tpu.memory_space<hbm>>, %arg6: memref<64xi32, #tpu.memory_space<vmem>>, %arg7: memref<64xi32, #tpu.memory_space<vmem>>, %arg8: memref<160x64xi32, #tpu.memory_space<vmem>>, %arg9: memref<64x128xf32, #tpu.memory_space<vmem>>, %arg10: memref<64x128xf32, #tpu.memory_space<vmem>>, %arg11: memref<10240x128xf32, #tpu.memory_space<vmem_shared>>, %arg12: memref<!tpu.dma_semaphore, #tpu.memory_space<semaphore_mem>>, %arg13: memref<!tpu.dma_semaphore, #tpu.memory_space<semaphore_mem>>, %arg14: memref<!tpu.dma_semaphore, #tpu.memory_space<semaphore_mem>>, %arg15: memref<!tpu.dma_semaphore, #tpu.memory_space<semaphore_mem>>) attributes {dimension_semantics = [#tpu.dimension_semantics<core_parallel>, #tpu.dimension_semantics<subcore_parallel>], iteration_bounds = array<i64: 2, 16>, scalar_prefetch = 0 : i64, scratch_operands = 10 : i64, tpu.core_type = #tpu.core_type<sc_vector_subcore>, window_params = [{transform_indices = #map}, {transform_indices = #map1}, {transform_indices = #map2}, {transform_indices = #map2}]} {
    %mul3A = arith.constant 640 : i32
    %mul3A_0 = arith.muli %arg1, %mul3A : i32
    %scan3A = arith.constant 0 : i32
    %scan3A_1 = arith.constant 0 : i32
    %scan3A_2 = arith.constant 64 : i32
    %scan3A_3 = arith.addi %scan3A_1, %scan3A_2 : i32
    %scan3A_4 = arith.constant 1 : i32
    %scan3A_5 = scf.for %scan3A_45 = %scan3A_1 to %scan3A_3 step %scan3A_4 iter_args(%scan3A_46 = %scan3A) -> (i32)  : i32 {
      %broadcast_in_dim3A = arith.constant 0.000000e+00 : f32
      %broadcast_in_dim3A_47 = vector.broadcast %broadcast_in_dim3A : f32 to vector<16xf32>
      %swap3A = arith.index_cast %scan3A_45 : i32 to index
      %swap3A_48 = arith.constant 0 : index
      %swap3A_49 = tpu.vector_load %arg9[%swap3A, %swap3A_48] {strides = array<i32>} : memref<64x128xf32, #tpu.memory_space<vmem>>, vector<1x16xf32>,
      %swap3A_50 = vector.shape_cast %swap3A_49 : vector<1x16xf32> to vector<16xf32>
      %swap3A_51 = vector.shape_cast %broadcast_in_dim3A_47 : vector<16xf32> to vector<1x16xf32>
      tpu.vector_store %arg9[%swap3A, %swap3A_48], %swap3A_51 {strides = array<i32>} : memref<64x128xf32, #tpu.memory_space<vmem>>, vector<1x16xf32>,
      %broadcast_in_dim3A_52 = arith.constant 0.000000e+00 : f32
      %broadcast_in_dim3A_53 = vector.broadcast %broadcast_in_dim3A_52 : f32 to vector<16xf32>
      %swap3A_54 = arith.index_cast %scan3A_45 : i32 to index
      %swap3A_55 = arith.constant 16 : index
      %swap3A_56 = tpu.vector_load %arg9[%swap3A_54, %swap3A_55] {strides = array<i32>} : memref<64x128xf32, #tpu.memory_space<vmem>>, vector<1x16xf32>,
      %swap3A_57 = vector.shape_cast %swap3A_56 : vector<1x16xf32> to vector<16xf32>
      %swap3A_58 = vector.shape_cast %broadcast_in_dim3A_53 : vector<16xf32> to vector<1x16xf32>
      tpu.vector_store %arg9[%swap3A_54, %swap3A_55], %swap3A_58 {strides = array<i32>} : memref<64x128xf32, #tpu.memory_space<vmem>>, vector<1x16xf32>,
      %broadcast_in_dim3A_59 = arith.constant 0.000000e+00 : f32
      %broadcast_in_dim3A_60 = vector.broadcast %broadcast_in_dim3A_59 : f32 to vector<16xf32>
      %swap3A_61 = arith.index_cast %scan3A_45 : i32 to index
      %swap3A_62 = arith.constant 32 : index
      %swap3A_63 = tpu.vector_load %arg9[%swap3A_61, %swap3A_62] {strides = array<i32>} : memref<64x128xf32, #tpu.memory_space<vmem>>, vector<1x16xf32>,
      %swap3A_64 = vector.shape_cast %swap3A_63 : vector<1x16xf32> to vector<16xf32>
      %swap3A_65 = vector.shape_cast %broadcast_in_dim3A_60 : vector<16xf32> to vector<1x16xf32>
      tpu.vector_store %arg9[%swap3A_61, %swap3A_62], %swap3A_65 {strides = array<i32>} : memref<64x128xf32, #tpu.memory_space<vmem>>, vector<1x16xf32>,
      %broadcast_in_dim3A_66 = arith.constant 0.000000e+00 : f32
      %broadcast_in_dim3A_67 = vector.broadcast %broadcast_in_dim3A_66 : f32 to vector<16xf32>
      %swap3A_68 = arith.index_cast %scan3A_45 : i32 to index
      %swap3A_69 = arith.constant 48 : index
      %swap3A_70 = tpu.vector_load %arg9[%swap3A_68, %swap3A_69] {strides = array<i32>} : memref<64x128xf32, #tpu.memory_space<vmem>>, vector<1x16xf32>,
      %swap3A_71 = vector.shape_cast %swap3A_70 : vector<1x16xf32> to vector<16xf32>
      %swap3A_72 = vector.shape_cast %broadcast_in_dim3A_67 : vector<16xf32> to vector<1x16xf32>
      tpu.vector_store %arg9[%swap3A_68, %swap3A_69], %swap3A_72 {strides = array<i32>} : memref<64x128xf32, #tpu.memory_space<vmem>>, vector<1x16xf32>,
      %broadcast_in_dim3A_73 = arith.constant 0.000000e+00 : f32
      %broadcast_in_dim3A_74 = vector.broadcast %broadcast_in_dim3A_73 : f32 to vector<16xf32>
      %swap3A_75 = arith.index_cast %scan3A_45 : i32 to index
      %swap3A_76 = arith.constant 64 : index
      %swap3A_77 = tpu.vector_load %arg9[%swap3A_75, %swap3A_76] {strides = array<i32>} : memref<64x128xf32, #tpu.memory_space<vmem>>, vector<1x16xf32>,
      %swap3A_78 = vector.shape_cast %swap3A_77 : vector<1x16xf32> to vector<16xf32>
      %swap3A_79 = vector.shape_cast %broadcast_in_dim3A_74 : vector<16xf32> to vector<1x16xf32>
      tpu.vector_store %arg9[%swap3A_75, %swap3A_76], %swap3A_79 {strides = array<i32>} : memref<64x128xf32, #tpu.memory_space<vmem>>, vector<1x16xf32>,
      %broadcast_in_dim3A_80 = arith.constant 0.000000e+00 : f32
      %broadcast_in_dim3A_81 = vector.broadcast %broadcast_in_dim3A_80 : f32 to vector<16xf32>
      %swap3A_82 = arith.index_cast %scan3A_45 : i32 to index
      %swap3A_83 = arith.constant 80 : index
      %swap3A_84 = tpu.vector_load %arg9[%swap3A_82, %swap3A_83] {strides = array<i32>} : memref<64x128xf32, #tpu.memory_space<vmem>>, vector<1x16xf32>,
      %swap3A_85 = vector.shape_cast %swap3A_84 : vector<1x16xf32> to vector<16xf32>
      %swap3A_86 = vector.shape_cast %broadcast_in_dim3A_81 : vector<16xf32> to vector<1x16xf32>
      tpu.vector_store %arg9[%swap3A_82, %swap3A_83], %swap3A_86 {strides = array<i32>} : memref<64x128xf32, #tpu.memory_space<vmem>>, vector<1x16xf32>,
      %broadcast_in_dim3A_87 = arith.constant 0.000000e+00 : f32
      %broadcast_in_dim3A_88 = vector.broadcast %broadcast_in_dim3A_87 : f32 to vector<16xf32>
      %swap3A_89 = arith.index_cast %scan3A_45 : i32 to index
      %swap3A_90 = arith.constant 96 : index
      %swap3A_91 = tpu.vector_load %arg9[%swap3A_89, %swap3A_90] {strides = array<i32>} : memref<64x128xf32, #tpu.memory_space<vmem>>, vector<1x16xf32>,
      %swap3A_92 = vector.shape_cast %swap3A_91 : vector<1x16xf32> to vector<16xf32>
      %swap3A_93 = vector.shape_cast %broadcast_in_dim3A_88 : vector<16xf32> to vector<1x16xf32>
      tpu.vector_store %arg9[%swap3A_89, %swap3A_90], %swap3A_93 {strides = array<i32>} : memref<64x128xf32, #tpu.memory_space<vmem>>, vector<1x16xf32>,
      %broadcast_in_dim3A_94 = arith.constant 0.000000e+00 : f32
      %broadcast_in_dim3A_95 = vector.broadcast %broadcast_in_dim3A_94 : f32 to vector<16xf32>
      %swap3A_96 = arith.index_cast %scan3A_45 : i32 to index
      %swap3A_97 = arith.constant 112 : index
      %swap3A_98 = tpu.vector_load %arg9[%swap3A_96, %swap3A_97] {strides = array<i32>} : memref<64x128xf32, #tpu.memory_space<vmem>>, vector<1x16xf32>,
      %swap3A_99 = vector.shape_cast %swap3A_98 : vector<1x16xf32> to vector<16xf32>
      %swap3A_100 = vector.shape_cast %broadcast_in_dim3A_95 : vector<16xf32> to vector<1x16xf32>
      tpu.vector_store %arg9[%swap3A_96, %swap3A_97], %swap3A_100 {strides = array<i32>} : memref<64x128xf32, #tpu.memory_space<vmem>>, vector<1x16xf32>,
      %scan3A_101 = arith.constant 0 : i32
      scf.yield %scan3A_101 : i32
    }
    %scan3A_6 = arith.constant 64 : i32
    %add3A = arith.constant 0 : i32
    %add3A_7 = arith.addi %mul3A_0, %add3A : i32
    "tpu.region"() ({
      %run_scoped3A_45 = tpu.sem_alloc : memref<!tpu.dma_semaphore, #tpu.memory_space<semaphore_mem>>
      %dma_start3A_46 = arith.constant 0 : i32
      %dma_start3A_47 = tpu.memref_slice %arg11[%add3A_7, %dma_start3A_46] : memref<10240x128xf32, #tpu.memory_space<vmem_shared>> -> memref<64x128xf32, #tpu.memory_space<vmem_shared>>
      %dma_start3A_48 = arith.constant 0 : i32
      %dma_start3A_49 = tpu.memref_slice %arg11[%add3A_7, %dma_start3A_48] : memref<10240x128xf32, #tpu.memory_space<vmem_shared>> -> memref<64x128xf32, #tpu.memory_space<vmem_shared>>
      tpu.enqueue_dma source(%arg9 : memref<64x128xf32, #tpu.memory_space<vmem>>) target(%dma_start3A_49 : memref<64x128xf32, #tpu.memory_space<vmem_shared>>) target_semaphore(%run_scoped3A_45 : memref<!tpu.dma_semaphore, #tpu.memory_space<semaphore_mem>>)
      %dma_wait3A_50 = arith.constant 0 : i32
      %dma_wait3A_51 = tpu.memref_slice %arg11[%add3A_7, %dma_wait3A_50] : memref<10240x128xf32, #tpu.memory_space<vmem_shared>> -> memref<64x128xf32, #tpu.memory_space<vmem_shared>>
      %dma_wait3A_52 = arith.constant 0 : i32
      %dma_wait3A_53 = tpu.memref_slice %arg11[%add3A_7, %dma_wait3A_52] : memref<10240x128xf32, #tpu.memory_space<vmem_shared>> -> memref<64x128xf32, #tpu.memory_space<vmem_shared>>
      tpu.wait_dma2 semaphore(%run_scoped3A_45 : memref<!tpu.dma_semaphore, #tpu.memory_space<semaphore_mem>>) src(%arg9 : memref<64x128xf32, #tpu.memory_space<vmem>>) dst(%dma_wait3A_53 : memref<64x128xf32, #tpu.memory_space<vmem_shared>>)
      tpu.yield
    }) : () -> ()
    %add3A_8 = arith.constant 64 : i32
    %add3A_9 = arith.addi %mul3A_0, %add3A_8 : i32
    "tpu.region"() ({
      %run_scoped3A_45 = tpu.sem_alloc : memref<!tpu.dma_semaphore, #tpu.memory_space<semaphore_mem>>
      %dma_start3A_46 = arith.constant 0 : i32
      %dma_start3A_47 = tpu.memref_slice %arg11[%add3A_9, %dma_start3A_46] : memref<10240x128xf32, #tpu.memory_space<vmem_shared>> -> memref<64x128xf32, #tpu.memory_space<vmem_shared>>
      %dma_start3A_48 = arith.constant 0 : i32
      %dma_start3A_49 = tpu.memref_slice %arg11[%add3A_9, %dma_start3A_48] : memref<10240x128xf32, #tpu.memory_space<vmem_shared>> -> memref<64x128xf32, #tpu.memory_space<vmem_shared>>
      tpu.enqueue_dma source(%arg9 : memref<64x128xf32, #tpu.memory_space<vmem>>) target(%dma_start3A_49 : memref<64x128xf32, #tpu.memory_space<vmem_shared>>) target_semaphore(%run_scoped3A_45 : memref<!tpu.dma_semaphore, #tpu.memory_space<semaphore_mem>>)
      %dma_wait3A_50 = arith.constant 0 : i32
      %dma_wait3A_51 = tpu.memref_slice %arg11[%add3A_9, %dma_wait3A_50] : memref<10240x128xf32, #tpu.memory_space<vmem_shared>> -> memref<64x128xf32, #tpu.memory_space<vmem_shared>>
      %dma_wait3A_52 = arith.constant 0 : i32
      %dma_wait3A_53 = tpu.memref_slice %arg11[%add3A_9, %dma_wait3A_52] : memref<10240x128xf32, #tpu.memory_space<vmem_shared>> -> memref<64x128xf32, #tpu.memory_space<vmem_shared>>
      tpu.wait_dma2 semaphore(%run_scoped3A_45 : memref<!tpu.dma_semaphore, #tpu.memory_space<semaphore_mem>>) src(%arg9 : memref<64x128xf32, #tpu.memory_space<vmem>>) dst(%dma_wait3A_53 : memref<64x128xf32, #tpu.memory_space<vmem_shared>>)
      tpu.yield
    }) : () -> ()
    %add3A_10 = arith.constant 128 : i32
    %add3A_11 = arith.addi %mul3A_0, %add3A_10 : i32
    "tpu.region"() ({
      %run_scoped3A_45 = tpu.sem_alloc : memref<!tpu.dma_semaphore, #tpu.memory_space<semaphore_mem>>
      %dma_start3A_46 = arith.constant 0 : i32
      %dma_start3A_47 = tpu.memref_slice %arg11[%add3A_11, %dma_start3A_46] : memref<10240x128xf32, #tpu.memory_space<vmem_shared>> -> memref<64x128xf32, #tpu.memory_space<vmem_shared>>
      %dma_start3A_48 = arith.constant 0 : i32
      %dma_start3A_49 = tpu.memref_slice %arg11[%add3A_11, %dma_start3A_48] : memref<10240x128xf32, #tpu.memory_space<vmem_shared>> -> memref<64x128xf32, #tpu.memory_space<vmem_shared>>
      tpu.enqueue_dma source(%arg9 : memref<64x128xf32, #tpu.memory_space<vmem>>) target(%dma_start3A_49 : memref<64x128xf32, #tpu.memory_space<vmem_shared>>) target_semaphore(%run_scoped3A_45 : memref<!tpu.dma_semaphore, #tpu.memory_space<semaphore_mem>>)
      %dma_wait3A_50 = arith.constant 0 : i32
      %dma_wait3A_51 = tpu.memref_slice %arg11[%add3A_11, %dma_wait3A_50] : memref<10240x128xf32, #tpu.memory_space<vmem_shared>> -> memref<64x128xf32, #tpu.memory_space<vmem_shared>>
      %dma_wait3A_52 = arith.constant 0 : i32
      %dma_wait3A_53 = tpu.memref_slice %arg11[%add3A_11, %dma_wait3A_52] : memref<10240x128xf32, #tpu.memory_space<vmem_shared>> -> memref<64x128xf32, #tpu.memory_space<vmem_shared>>
      tpu.wait_dma2 semaphore(%run_scoped3A_45 : memref<!tpu.dma_semaphore, #tpu.memory_space<semaphore_mem>>) src(%arg9 : memref<64x128xf32, #tpu.memory_space<vmem>>) dst(%dma_wait3A_53 : memref<64x128xf32, #tpu.memory_space<vmem_shared>>)
      tpu.yield
    }) : () -> ()
    %add3A_12 = arith.constant 192 : i32
    %add3A_13 = arith.addi %mul3A_0, %add3A_12 : i32
    "tpu.region"() ({
      %run_scoped3A_45 = tpu.sem_alloc : memref<!tpu.dma_semaphore, #tpu.memory_space<semaphore_mem>>
      %dma_start3A_46 = arith.constant 0 : i32
      %dma_start3A_47 = tpu.memref_slice %arg11[%add3A_13, %dma_start3A_46] : memref<10240x128xf32, #tpu.memory_space<vmem_shared>> -> memref<64x128xf32, #tpu.memory_space<vmem_shared>>
      %dma_start3A_48 = arith.constant 0 : i32
      %dma_start3A_49 = tpu.memref_slice %arg11[%add3A_13, %dma_start3A_48] : memref<10240x128xf32, #tpu.memory_space<vmem_shared>> -> memref<64x128xf32, #tpu.memory_space<vmem_shared>>
      tpu.enqueue_dma source(%arg9 : memref<64x128xf32, #tpu.memory_space<vmem>>) target(%dma_start3A_49 : memref<64x128xf32, #tpu.memory_space<vmem_shared>>) target_semaphore(%run_scoped3A_45 : memref<!tpu.dma_semaphore, #tpu.memory_space<semaphore_mem>>)
      %dma_wait3A_50 = arith.constant 0 : i32
      %dma_wait3A_51 = tpu.memref_slice %arg11[%add3A_13, %dma_wait3A_50] : memref<10240x128xf32, #tpu.memory_space<vmem_shared>> -> memref<64x128xf32, #tpu.memory_space<vmem_shared>>
      %dma_wait3A_52 = arith.constant 0 : i32
      %dma_wait3A_53 = tpu.memref_slice %arg11[%add3A_13, %dma_wait3A_52] : memref<10240x128xf32, #tpu.memory_space<vmem_shared>> -> memref<64x128xf32, #tpu.memory_space<vmem_shared>>
      tpu.wait_dma2 semaphore(%run_scoped3A_45 : memref<!tpu.dma_semaphore, #tpu.memory_space<semaphore_mem>>) src(%arg9 : memref<64x128xf32, #tpu.memory_space<vmem>>) dst(%dma_wait3A_53 : memref<64x128xf32, #tpu.memory_space<vmem_shared>>)
      tpu.yield
    }) : () -> ()
    %add3A_14 = arith.constant 256 : i32
    %add3A_15 = arith.addi %mul3A_0, %add3A_14 : i32
    "tpu.region"() ({
      %run_scoped3A_45 = tpu.sem_alloc : memref<!tpu.dma_semaphore, #tpu.memory_space<semaphore_mem>>
      %dma_start3A_46 = arith.constant 0 : i32
      %dma_start3A_47 = tpu.memref_slice %arg11[%add3A_15, %dma_start3A_46] : memref<10240x128xf32, #tpu.memory_space<vmem_shared>> -> memref<64x128xf32, #tpu.memory_space<vmem_shared>>
      %dma_start3A_48 = arith.constant 0 : i32
      %dma_start3A_49 = tpu.memref_slice %arg11[%add3A_15, %dma_start3A_48] : memref<10240x128xf32, #tpu.memory_space<vmem_shared>> -> memref<64x128xf32, #tpu.memory_space<vmem_shared>>
      tpu.enqueue_dma source(%arg9 : memref<64x128xf32, #tpu.memory_space<vmem>>) target(%dma_start3A_49 : memref<64x128xf32, #tpu.memory_space<vmem_shared>>) target_semaphore(%run_scoped3A_45 : memref<!tpu.dma_semaphore, #tpu.memory_space<semaphore_mem>>)
      %dma_wait3A_50 = arith.constant 0 : i32
      %dma_wait3A_51 = tpu.memref_slice %arg11[%add3A_15, %dma_wait3A_50] : memref<10240x128xf32, #tpu.memory_space<vmem_shared>> -> memref<64x128xf32, #tpu.memory_space<vmem_shared>>
      %dma_wait3A_52 = arith.constant 0 : i32
      %dma_wait3A_53 = tpu.memref_slice %arg11[%add3A_15, %dma_wait3A_52] : memref<10240x128xf32, #tpu.memory_space<vmem_shared>> -> memref<64x128xf32, #tpu.memory_space<vmem_shared>>
      tpu.wait_dma2 semaphore(%run_scoped3A_45 : memref<!tpu.dma_semaphore, #tpu.memory_space<semaphore_mem>>) src(%arg9 : memref<64x128xf32, #tpu.memory_space<vmem>>) dst(%dma_wait3A_53 : memref<64x128xf32, #tpu.memory_space<vmem_shared>>)
      tpu.yield
    }) : () -> ()
    %add3A_16 = arith.constant 320 : i32
    %add3A_17 = arith.addi %mul3A_0, %add3A_16 : i32
    "tpu.region"() ({
      %run_scoped3A_45 = tpu.sem_alloc : memref<!tpu.dma_semaphore, #tpu.memory_space<semaphore_mem>>
      %dma_start3A_46 = arith.constant 0 : i32
      %dma_start3A_47 = tpu.memref_slice %arg11[%add3A_17, %dma_start3A_46] : memref<10240x128xf32, #tpu.memory_space<vmem_shared>> -> memref<64x128xf32, #tpu.memory_space<vmem_shared>>
      %dma_start3A_48 = arith.constant 0 : i32
      %dma_start3A_49 = tpu.memref_slice %arg11[%add3A_17, %dma_start3A_48] : memref<10240x128xf32, #tpu.memory_space<vmem_shared>> -> memref<64x128xf32, #tpu.memory_space<vmem_shared>>
      tpu.enqueue_dma source(%arg9 : memref<64x128xf32, #tpu.memory_space<vmem>>) target(%dma_start3A_49 : memref<64x128xf32, #tpu.memory_space<vmem_shared>>) target_semaphore(%run_scoped3A_45 : memref<!tpu.dma_semaphore, #tpu.memory_space<semaphore_mem>>)
      %dma_wait3A_50 = arith.constant 0 : i32
      %dma_wait3A_51 = tpu.memref_slice %arg11[%add3A_17, %dma_wait3A_50] : memref<10240x128xf32, #tpu.memory_space<vmem_shared>> -> memref<64x128xf32, #tpu.memory_space<vmem_shared>>
      %dma_wait3A_52 = arith.constant 0 : i32
      %dma_wait3A_53 = tpu.memref_slice %arg11[%add3A_17, %dma_wait3A_52] : memref<10240x128xf32, #tpu.memory_space<vmem_shared>> -> memref<64x128xf32, #tpu.memory_space<vmem_shared>>
      tpu.wait_dma2 semaphore(%run_scoped3A_45 : memref<!tpu.dma_semaphore, #tpu.memory_space<semaphore_mem>>) src(%arg9 : memref<64x128xf32, #tpu.memory_space<vmem>>) dst(%dma_wait3A_53 : memref<64x128xf32, #tpu.memory_space<vmem_shared>>)
      tpu.yield
    }) : () -> ()
    %add3A_18 = arith.constant 384 : i32
    %add3A_19 = arith.addi %mul3A_0, %add3A_18 : i32
    "tpu.region"() ({
      %run_scoped3A_45 = tpu.sem_alloc : memref<!tpu.dma_semaphore, #tpu.memory_space<semaphore_mem>>
      %dma_start3A_46 = arith.constant 0 : i32
      %dma_start3A_47 = tpu.memref_slice %arg11[%add3A_19, %dma_start3A_46] : memref<10240x128xf32, #tpu.memory_space<vmem_shared>> -> memref<64x128xf32, #tpu.memory_space<vmem_shared>>
      %dma_start3A_48 = arith.constant 0 : i32
      %dma_start3A_49 = tpu.memref_slice %arg11[%add3A_19, %dma_start3A_48] : memref<10240x128xf32, #tpu.memory_space<vmem_shared>> -> memref<64x128xf32, #tpu.memory_space<vmem_shared>>
      tpu.enqueue_dma source(%arg9 : memref<64x128xf32, #tpu.memory_space<vmem>>) target(%dma_start3A_49 : memref<64x128xf32, #tpu.memory_space<vmem_shared>>) target_semaphore(%run_scoped3A_45 : memref<!tpu.dma_semaphore, #tpu.memory_space<semaphore_mem>>)
      %dma_wait3A_50 = arith.constant 0 : i32
      %dma_wait3A_51 = tpu.memref_slice %arg11[%add3A_19, %dma_wait3A_50] : memref<10240x128xf32, #tpu.memory_space<vmem_shared>> -> memref<64x128xf32, #tpu.memory_space<vmem_shared>>
      %dma_wait3A_52 = arith.constant 0 : i32
      %dma_wait3A_53 = tpu.memref_slice %arg11[%add3A_19, %dma_wait3A_52] : memref<10240x128xf32, #tpu.memory_space<vmem_shared>> -> memref<64x128xf32, #tpu.memory_space<vmem_shared>>
      tpu.wait_dma2 semaphore(%run_scoped3A_45 : memref<!tpu.dma_semaphore, #tpu.memory_space<semaphore_mem>>) src(%arg9 : memref<64x128xf32, #tpu.memory_space<vmem>>) dst(%dma_wait3A_53 : memref<64x128xf32, #tpu.memory_space<vmem_shared>>)
      tpu.yield
    }) : () -> ()
    %add3A_20 = arith.constant 448 : i32
    %add3A_21 = arith.addi %mul3A_0, %add3A_20 : i32
    "tpu.region"() ({
      %run_scoped3A_45 = tpu.sem_alloc : memref<!tpu.dma_semaphore, #tpu.memory_space<semaphore_mem>>
      %dma_start3A_46 = arith.constant 0 : i32
      %dma_start3A_47 = tpu.memref_slice %arg11[%add3A_21, %dma_start3A_46] : memref<10240x128xf32, #tpu.memory_space<vmem_shared>> -> memref<64x128xf32, #tpu.memory_space<vmem_shared>>
      %dma_start3A_48 = arith.constant 0 : i32
      %dma_start3A_49 = tpu.memref_slice %arg11[%add3A_21, %dma_start3A_48] : memref<10240x128xf32, #tpu.memory_space<vmem_shared>> -> memref<64x128xf32, #tpu.memory_space<vmem_shared>>
      tpu.enqueue_dma source(%arg9 : memref<64x128xf32, #tpu.memory_space<vmem>>) target(%dma_start3A_49 : memref<64x128xf32, #tpu.memory_space<vmem_shared>>) target_semaphore(%run_scoped3A_45 : memref<!tpu.dma_semaphore, #tpu.memory_space<semaphore_mem>>)
      %dma_wait3A_50 = arith.constant 0 : i32
      %dma_wait3A_51 = tpu.memref_slice %arg11[%add3A_21, %dma_wait3A_50] : memref<10240x128xf32, #tpu.memory_space<vmem_shared>> -> memref<64x128xf32, #tpu.memory_space<vmem_shared>>
      %dma_wait3A_52 = arith.constant 0 : i32
      %dma_wait3A_53 = tpu.memref_slice %arg11[%add3A_21, %dma_wait3A_52] : memref<10240x128xf32, #tpu.memory_space<vmem_shared>> -> memref<64x128xf32, #tpu.memory_space<vmem_shared>>
      tpu.wait_dma2 semaphore(%run_scoped3A_45 : memref<!tpu.dma_semaphore, #tpu.memory_space<semaphore_mem>>) src(%arg9 : memref<64x128xf32, #tpu.memory_space<vmem>>) dst(%dma_wait3A_53 : memref<64x128xf32, #tpu.memory_space<vmem_shared>>)
      tpu.yield
    }) : () -> ()
    %add3A_22 = arith.constant 512 : i32
    %add3A_23 = arith.addi %mul3A_0, %add3A_22 : i32
    "tpu.region"() ({
      %run_scoped3A_45 = tpu.sem_alloc : memref<!tpu.dma_semaphore, #tpu.memory_space<semaphore_mem>>
      %dma_start3A_46 = arith.constant 0 : i32
      %dma_start3A_47 = tpu.memref_slice %arg11[%add3A_23, %dma_start3A_46] : memref<10240x128xf32, #tpu.memory_space<vmem_shared>> -> memref<64x128xf32, #tpu.memory_space<vmem_shared>>
      %dma_start3A_48 = arith.constant 0 : i32
      %dma_start3A_49 = tpu.memref_slice %arg11[%add3A_23, %dma_start3A_48] : memref<10240x128xf32, #tpu.memory_space<vmem_shared>> -> memref<64x128xf32, #tpu.memory_space<vmem_shared>>
      tpu.enqueue_dma source(%arg9 : memref<64x128xf32, #tpu.memory_space<vmem>>) target(%dma_start3A_49 : memref<64x128xf32, #tpu.memory_space<vmem_shared>>) target_semaphore(%run_scoped3A_45 : memref<!tpu.dma_semaphore, #tpu.memory_space<semaphore_mem>>)
      %dma_wait3A_50 = arith.constant 0 : i32
      %dma_wait3A_51 = tpu.memref_slice %arg11[%add3A_23, %dma_wait3A_50] : memref<10240x128xf32, #tpu.memory_space<vmem_shared>> -> memref<64x128xf32, #tpu.memory_space<vmem_shared>>
      %dma_wait3A_52 = arith.constant 0 : i32
      %dma_wait3A_53 = tpu.memref_slice %arg11[%add3A_23, %dma_wait3A_52] : memref<10240x128xf32, #tpu.memory_space<vmem_shared>> -> memref<64x128xf32, #tpu.memory_space<vmem_shared>>
      tpu.wait_dma2 semaphore(%run_scoped3A_45 : memref<!tpu.dma_semaphore, #tpu.memory_space<semaphore_mem>>) src(%arg9 : memref<64x128xf32, #tpu.memory_space<vmem>>) dst(%dma_wait3A_53 : memref<64x128xf32, #tpu.memory_space<vmem_shared>>)
      tpu.yield
    }) : () -> ()
    %add3A_24 = arith.constant 576 : i32
    %add3A_25 = arith.addi %mul3A_0, %add3A_24 : i32
    "tpu.region"() ({
      %run_scoped3A_45 = tpu.sem_alloc : memref<!tpu.dma_semaphore, #tpu.memory_space<semaphore_mem>>
      %dma_start3A_46 = arith.constant 0 : i32
      %dma_start3A_47 = tpu.memref_slice %arg11[%add3A_25, %dma_start3A_46] : memref<10240x128xf32, #tpu.memory_space<vmem_shared>> -> memref<64x128xf32, #tpu.memory_space<vmem_shared>>
      %dma_start3A_48 = arith.constant 0 : i32
      %dma_start3A_49 = tpu.memref_slice %arg11[%add3A_25, %dma_start3A_48] : memref<10240x128xf32, #tpu.memory_space<vmem_shared>> -> memref<64x128xf32, #tpu.memory_space<vmem_shared>>
      tpu.enqueue_dma source(%arg9 : memref<64x128xf32, #tpu.memory_space<vmem>>) target(%dma_start3A_49 : memref<64x128xf32, #tpu.memory_space<vmem_shared>>) target_semaphore(%run_scoped3A_45 : memref<!tpu.dma_semaphore, #tpu.memory_space<semaphore_mem>>)
      %dma_wait3A_50 = arith.constant 0 : i32
      %dma_wait3A_51 = tpu.memref_slice %arg11[%add3A_25, %dma_wait3A_50] : memref<10240x128xf32, #tpu.memory_space<vmem_shared>> -> memref<64x128xf32, #tpu.memory_space<vmem_shared>>
      %dma_wait3A_52 = arith.constant 0 : i32
      %dma_wait3A_53 = tpu.memref_slice %arg11[%add3A_25, %dma_wait3A_52] : memref<10240x128xf32, #tpu.memory_space<vmem_shared>> -> memref<64x128xf32, #tpu.memory_space<vmem_shared>>
      tpu.wait_dma2 semaphore(%run_scoped3A_45 : memref<!tpu.dma_semaphore, #tpu.memory_space<semaphore_mem>>) src(%arg9 : memref<64x128xf32, #tpu.memory_space<vmem>>) dst(%dma_wait3A_53 : memref<64x128xf32, #tpu.memory_space<vmem_shared>>)
      tpu.yield
    }) : () -> ()
    "tpu.region"() ({
      %run_scoped3A_45 = tpu.sem_alloc : memref<!tpu.dma_semaphore, #tpu.memory_space<semaphore_mem>>
      %dma_start3A_46 = arith.constant 0 : i32
      %dma_start3A_47 = arith.constant 0 : i32
      %dma_start3A_48 = tpu.memref_slice %arg4[%arg1, %dma_start3A_46, %dma_start3A_47] : memref<16x160x64xi32, #tpu.memory_space<hbm>> -> memref<1x160x64xi32, #tpu.memory_space<hbm>>
      %dma_start3A_49 = tpu.memref_squeeze %dma_start3A_48 : memref<1x160x64xi32, #tpu.memory_space<hbm>> -> memref<160x64xi32, #tpu.memory_space<hbm>>
      %dma_start3A_50 = arith.constant 0 : i32
      %dma_start3A_51 = arith.constant 0 : i32
      %dma_start3A_52 = tpu.memref_slice %arg4[%arg1, %dma_start3A_50, %dma_start3A_51] : memref<16x160x64xi32, #tpu.memory_space<hbm>> -> memref<1x160x64xi32, #tpu.memory_space<hbm>>
      %dma_start3A_53 = tpu.memref_squeeze %dma_start3A_52 : memref<1x160x64xi32, #tpu.memory_space<hbm>> -> memref<160x64xi32, #tpu.memory_space<hbm>>
      tpu.enqueue_dma source(%dma_start3A_53 : memref<160x64xi32, #tpu.memory_space<hbm>>) target(%arg8 : memref<160x64xi32, #tpu.memory_space<vmem>>) target_semaphore(%run_scoped3A_45 : memref<!tpu.dma_semaphore, #tpu.memory_space<semaphore_mem>>)
      %dma_wait3A_54 = arith.constant 0 : i32
      %dma_wait3A_55 = arith.constant 0 : i32
      %dma_wait3A_56 = tpu.memref_slice %arg4[%arg1, %dma_wait3A_54, %dma_wait3A_55] : memref<16x160x64xi32, #tpu.memory_space<hbm>> -> memref<1x160x64xi32, #tpu.memory_space<hbm>>
      %dma_wait3A_57 = tpu.memref_squeeze %dma_wait3A_56 : memref<1x160x64xi32, #tpu.memory_space<hbm>> -> memref<160x64xi32, #tpu.memory_space<hbm>>
      %dma_wait3A_58 = arith.constant 0 : i32
      %dma_wait3A_59 = arith.constant 0 : i32
      %dma_wait3A_60 = tpu.memref_slice %arg4[%arg1, %dma_wait3A_58, %dma_wait3A_59] : memref<16x160x64xi32, #tpu.memory_space<hbm>> -> memref<1x160x64xi32, #tpu.memory_space<hbm>>
      %dma_wait3A_61 = tpu.memref_squeeze %dma_wait3A_60 : memref<1x160x64xi32, #tpu.memory_space<hbm>> -> memref<160x64xi32, #tpu.memory_space<hbm>>
      tpu.wait_dma2 semaphore(%run_scoped3A_45 : memref<!tpu.dma_semaphore, #tpu.memory_space<semaphore_mem>>) src(%dma_wait3A_61 : memref<160x64xi32, #tpu.memory_space<hbm>>) dst(%arg8 : memref<160x64xi32, #tpu.memory_space<vmem>>)
      tpu.yield
    }) : () -> ()
    %barrier3A = arith.constant 0 : index
    tpu.barrier barrier_id(%barrier3A)
    %run_scoped3A = arith.constant 0 : i32
    "tpu.region"() ({
      %run_scoped3A_45 = tpu.sem_alloc : memref<!tpu.dma_semaphore, #tpu.memory_space<semaphore_mem>>
      %dma_start3A_46 = arith.constant 0 : i32
      %dma_start3A_47 = tpu.memref_slice %arg3[%arg0, %arg1, %run_scoped3A, %dma_start3A_46] : memref<2x16x162x64xi32, #tpu.memory_space<hbm>> -> memref<1x1x1x64xi32, #tpu.memory_space<hbm>>
      %dma_start3A_48 = tpu.memref_squeeze %dma_start3A_47 : memref<1x1x1x64xi32, #tpu.memory_space<hbm>> -> memref<64xi32, #tpu.memory_space<hbm>>
      %dma_start3A_49 = arith.constant 0 : i32
      %dma_start3A_50 = tpu.memref_slice %arg3[%arg0, %arg1, %run_scoped3A, %dma_start3A_49] : memref<2x16x162x64xi32, #tpu.memory_space<hbm>> -> memref<1x1x1x64xi32, #tpu.memory_space<hbm>>
      %dma_start3A_51 = tpu.memref_squeeze %dma_start3A_50 : memref<1x1x1x64xi32, #tpu.memory_space<hbm>> -> memref<64xi32, #tpu.memory_space<hbm>>
      tpu.enqueue_dma source(%dma_start3A_51 : memref<64xi32, #tpu.memory_space<hbm>>) target(%arg6 : memref<64xi32, #tpu.memory_space<vmem>>) target_semaphore(%run_scoped3A_45 : memref<!tpu.dma_semaphore, #tpu.memory_space<semaphore_mem>>)
      %dma_wait3A_52 = arith.constant 0 : i32
      %dma_wait3A_53 = tpu.memref_slice %arg3[%arg0, %arg1, %run_scoped3A, %dma_wait3A_52] : memref<2x16x162x64xi32, #tpu.memory_space<hbm>> -> memref<1x1x1x64xi32, #tpu.memory_space<hbm>>
      %dma_wait3A_54 = tpu.memref_squeeze %dma_wait3A_53 : memref<1x1x1x64xi32, #tpu.memory_space<hbm>> -> memref<64xi32, #tpu.memory_space<hbm>>
      %dma_wait3A_55 = arith.constant 0 : i32
      %dma_wait3A_56 = tpu.memref_slice %arg3[%arg0, %arg1, %run_scoped3A, %dma_wait3A_55] : memref<2x16x162x64xi32, #tpu.memory_space<hbm>> -> memref<1x1x1x64xi32, #tpu.memory_space<hbm>>
      %dma_wait3A_57 = tpu.memref_squeeze %dma_wait3A_56 : memref<1x1x1x64xi32, #tpu.memory_space<hbm>> -> memref<64xi32, #tpu.memory_space<hbm>>
      tpu.wait_dma2 semaphore(%run_scoped3A_45 : memref<!tpu.dma_semaphore, #tpu.memory_space<semaphore_mem>>) src(%dma_wait3A_57 : memref<64xi32, #tpu.memory_space<hbm>>) dst(%arg6 : memref<64xi32, #tpu.memory_space<vmem>>)
      tpu.yield
    }) : () -> ()
    %dma_start3A = arith.constant 0 : i32
    %dma_start3A_26 = arith.constant 0 : i32
    %dma_start3A_27 = tpu.memref_slice %arg2[%dma_start3A, %dma_start3A_26] : memref<20480x128xf32, #tpu.memory_space<hbm>> -> memref<20480x128xf32, #tpu.memory_space<hbm>>
    tpu.enqueue_indirect_dma source(%dma_start3A_27 : memref<20480x128xf32, #tpu.memory_space<hbm>>) target(%arg9 : memref<64x128xf32, #tpu.memory_space<vmem>>) offsets(%arg6 : memref<64xi32, #tpu.memory_space<vmem>>) semaphore(%arg12 : memref<!tpu.dma_semaphore, #tpu.memory_space<semaphore_mem>>)
    %run_scoped3A_28 = arith.constant 1 : i32
    "tpu.region"() ({
      %run_scoped3A_45 = tpu.sem_alloc : memref<!tpu.dma_semaphore, #tpu.memory_space<semaphore_mem>>
      %dma_start3A_46 = arith.constant 0 : i32
      %dma_start3A_47 = tpu.memref_slice %arg3[%arg0, %arg1, %run_scoped3A_28, %dma_start3A_46] : memref<2x16x162x64xi32, #tpu.memory_space<hbm>> -> memref<1x1x1x64xi32, #tpu.memory_space<hbm>>
      %dma_start3A_48 = tpu.memref_squeeze %dma_start3A_47 : memref<1x1x1x64xi32, #tpu.memory_space<hbm>> -> memref<64xi32, #tpu.memory_space<hbm>>
      %dma_start3A_49 = arith.constant 0 : i32
      %dma_start3A_50 = tpu.memref_slice %arg3[%arg0, %arg1, %run_scoped3A_28, %dma_start3A_49] : memref<2x16x162x64xi32, #tpu.memory_space<hbm>> -> memref<1x1x1x64xi32, #tpu.memory_space<hbm>>
      %dma_start3A_51 = tpu.memref_squeeze %dma_start3A_50 : memref<1x1x1x64xi32, #tpu.memory_space<hbm>> -> memref<64xi32, #tpu.memory_space<hbm>>
      tpu.enqueue_dma source(%dma_start3A_51 : memref<64xi32, #tpu.memory_space<hbm>>) target(%arg7 : memref<64xi32, #tpu.memory_space<vmem>>) target_semaphore(%run_scoped3A_45 : memref<!tpu.dma_semaphore, #tpu.memory_space<semaphore_mem>>)
      %dma_wait3A_52 = arith.constant 0 : i32
      %dma_wait3A_53 = tpu.memref_slice %arg3[%arg0, %arg1, %run_scoped3A_28, %dma_wait3A_52] : memref<2x16x162x64xi32, #tpu.memory_space<hbm>> -> memref<1x1x1x64xi32, #tpu.memory_space<hbm>>
      %dma_wait3A_54 = tpu.memref_squeeze %dma_wait3A_53 : memref<1x1x1x64xi32, #tpu.memory_space<hbm>> -> memref<64xi32, #tpu.memory_space<hbm>>
      %dma_wait3A_55 = arith.constant 0 : i32
      %dma_wait3A_56 = tpu.memref_slice %arg3[%arg0, %arg1, %run_scoped3A_28, %dma_wait3A_55] : memref<2x16x162x64xi32, #tpu.memory_space<hbm>> -> memref<1x1x1x64xi32, #tpu.memory_space<hbm>>
      %dma_wait3A_57 = tpu.memref_squeeze %dma_wait3A_56 : memref<1x1x1x64xi32, #tpu.memory_space<hbm>> -> memref<64xi32, #tpu.memory_space<hbm>>
      tpu.wait_dma2 semaphore(%run_scoped3A_45 : memref<!tpu.dma_semaphore, #tpu.memory_space<semaphore_mem>>) src(%dma_wait3A_57 : memref<64xi32, #tpu.memory_space<hbm>>) dst(%arg7 : memref<64xi32, #tpu.memory_space<vmem>>)
      tpu.yield
    }) : () -> ()
    %dma_start3A_29 = arith.constant 0 : i32
    %dma_start3A_30 = arith.constant 0 : i32
    %dma_start3A_31 = tpu.memref_slice %arg2[%dma_start3A_29, %dma_start3A_30] : memref<20480x128xf32, #tpu.memory_space<hbm>> -> memref<20480x128xf32, #tpu.memory_space<hbm>>
    tpu.enqueue_indirect_dma source(%dma_start3A_31 : memref<20480x128xf32, #tpu.memory_space<hbm>>) target(%arg10 : memref<64x128xf32, #tpu.memory_space<vmem>>) offsets(%arg7 : memref<64xi32, #tpu.memory_space<vmem>>) semaphore(%arg13 : memref<!tpu.dma_semaphore, #tpu.memory_space<semaphore_mem>>)
    %scan3A_32 = arith.constant 0 : i32
    %scan3A_33 = arith.constant 0 : i32
    %scan3A_34 = arith.constant 80 : i32
    %scan3A_35 = arith.addi %scan3A_33, %scan3A_34 : i32
    %scan3A_36 = arith.constant 1 : i32
    %scan3A_37 = scf.for %scan3A_45 = %scan3A_33 to %scan3A_35 step %scan3A_36 iter_args(%scan3A_46 = %scan3A_32) -> (i32)  : i32 {
      %dma_wait3A_47 = arith.constant 0 : i32
      %dma_wait3A_48 = arith.constant 0 : i32
      %dma_wait3A_49 = tpu.memref_slice %arg2[%dma_wait3A_47, %dma_wait3A_48] : memref<20480x128xf32, #tpu.memory_space<hbm>> -> memref<20480x128xf32, #tpu.memory_space<hbm>>
      tpu.wait_indirect_dma semaphore(%arg12 : memref<!tpu.dma_semaphore, #tpu.memory_space<semaphore_mem>>) src(%dma_wait3A_49 : memref<20480x128xf32, #tpu.memory_space<hbm>>) dst(%arg9 : memref<64x128xf32, #tpu.memory_space<vmem>>)
      %mul3A_50 = arith.constant 2 : i32
      %mul3A_51 = arith.muli %mul3A_50, %scan3A_45 : i32
      %add3A_52 = arith.constant 2 : i32
      %add3A_53 = arith.addi %mul3A_51, %add3A_52 : i32
      %dma_start3A_54 = arith.constant 0 : i32
      %dma_start3A_55 = tpu.memref_slice %arg3[%arg0, %arg1, %add3A_53, %dma_start3A_54] : memref<2x16x162x64xi32, #tpu.memory_space<hbm>> -> memref<1x1x1x64xi32, #tpu.memory_space<hbm>>
      %dma_start3A_56 = tpu.memref_squeeze %dma_start3A_55 : memref<1x1x1x64xi32, #tpu.memory_space<hbm>> -> memref<64xi32, #tpu.memory_space<hbm>>
      %dma_start3A_57 = arith.constant 0 : i32
      %dma_start3A_58 = tpu.memref_slice %arg3[%arg0, %arg1, %add3A_53, %dma_start3A_57] : memref<2x16x162x64xi32, #tpu.memory_space<hbm>> -> memref<1x1x1x64xi32, #tpu.memory_space<hbm>>
      %dma_start3A_59 = tpu.memref_squeeze %dma_start3A_58 : memref<1x1x1x64xi32, #tpu.memory_space<hbm>> -> memref<64xi32, #tpu.memory_space<hbm>>
      tpu.enqueue_dma source(%dma_start3A_59 : memref<64xi32, #tpu.memory_space<hbm>>) target(%arg6 : memref<64xi32, #tpu.memory_space<vmem>>) target_semaphore(%arg14 : memref<!tpu.dma_semaphore, #tpu.memory_space<semaphore_mem>>)
      %mul3A_60 = arith.constant 2 : i32
      %mul3A_61 = arith.muli %mul3A_60, %scan3A_45 : i32
      "tpu.region"() ({
        %run_scoped3A_106 = tpu.sem_alloc : memref<!tpu.dma_semaphore, #tpu.memory_space<semaphore_mem>>
        %dma_start3A_107 = arith.constant 0 : i32
        %dma_start3A_108 = tpu.memref_slice %arg8[%mul3A_61, %dma_start3A_107] : memref<160x64xi32, #tpu.memory_space<vmem>> -> memref<1x64xi32, #tpu.memory_space<vmem>>
        %dma_start3A_109 = tpu.memref_squeeze %dma_start3A_108 : memref<1x64xi32, #tpu.memory_space<vmem>> -> memref<64xi32, #tpu.memory_space<vmem>>
        %dma_start3A_110 = arith.constant 0 : i32
        %dma_start3A_111 = arith.constant 0 : i32
        %dma_start3A_112 = tpu.memref_slice %arg11[%dma_start3A_110, %dma_start3A_111] : memref<10240x128xf32, #tpu.memory_space<vmem_shared>> -> memref<10240x128xf32, #tpu.memory_space<vmem_shared>>
        tpu.enqueue_indirect_dma source(%arg9 : memref<64x128xf32, #tpu.memory_space<vmem>>) target(%dma_start3A_112 : memref<10240x128xf32, #tpu.memory_space<vmem_shared>>) offsets(%dma_start3A_109 : memref<64xi32, #tpu.memory_space<vmem>>) semaphore(%run_scoped3A_106 : memref<!tpu.dma_semaphore, #tpu.memory_space<semaphore_mem>>) {add = true}
        %dma_wait3A_113 = arith.constant 0 : i32
        %dma_wait3A_114 = tpu.memref_slice %arg8[%mul3A_61, %dma_wait3A_113] : memref<160x64xi32, #tpu.memory_space<vmem>> -> memref<1x64xi32, #tpu.memory_space<vmem>>
        %dma_wait3A_115 = tpu.memref_squeeze %dma_wait3A_114 : memref<1x64xi32, #tpu.memory_space<vmem>> -> memref<64xi32, #tpu.memory_space<vmem>>
        %dma_wait3A_116 = arith.constant 0 : i32
        %dma_wait3A_117 = arith.constant 0 : i32
        %dma_wait3A_118 = tpu.memref_slice %arg11[%dma_wait3A_116, %dma_wait3A_117] : memref<10240x128xf32, #tpu.memory_space<vmem_shared>> -> memref<10240x128xf32, #tpu.memory_space<vmem_shared>>
        tpu.wait_indirect_dma semaphore(%run_scoped3A_106 : memref<!tpu.dma_semaphore, #tpu.memory_space<semaphore_mem>>) src(%arg9 : memref<64x128xf32, #tpu.memory_space<vmem>>) dst(%dma_wait3A_118 : memref<10240x128xf32, #tpu.memory_space<vmem_shared>>)
        tpu.yield
      }) : () -> ()
      %mul3A_62 = arith.constant 2 : i32
      %mul3A_63 = arith.muli %mul3A_62, %scan3A_45 : i32
      %add3A_64 = arith.constant 2 : i32
      %add3A_65 = arith.addi %mul3A_63, %add3A_64 : i32
      %dma_wait3A_66 = arith.constant 0 : i32
      %dma_wait3A_67 = tpu.memref_slice %arg3[%arg0, %arg1, %add3A_65, %dma_wait3A_66] : memref<2x16x162x64xi32, #tpu.memory_space<hbm>> -> memref<1x1x1x64xi32, #tpu.memory_space<hbm>>
      %dma_wait3A_68 = tpu.memref_squeeze %dma_wait3A_67 : memref<1x1x1x64xi32, #tpu.memory_space<hbm>> -> memref<64xi32, #tpu.memory_space<hbm>>
      %dma_wait3A_69 = arith.constant 0 : i32
      %dma_wait3A_70 = tpu.memref_slice %arg3[%arg0, %arg1, %add3A_65, %dma_wait3A_69] : memref<2x16x162x64xi32, #tpu.memory_space<hbm>> -> memref<1x1x1x64xi32, #tpu.memory_space<hbm>>
      %dma_wait3A_71 = tpu.memref_squeeze %dma_wait3A_70 : memref<1x1x1x64xi32, #tpu.memory_space<hbm>> -> memref<64xi32, #tpu.memory_space<hbm>>
      tpu.wait_dma2 semaphore(%arg14 : memref<!tpu.dma_semaphore, #tpu.memory_space<semaphore_mem>>) src(%dma_wait3A_71 : memref<64xi32, #tpu.memory_space<hbm>>) dst(%arg6 : memref<64xi32, #tpu.memory_space<vmem>>)
      %dma_start3A_72 = arith.constant 0 : i32
      %dma_start3A_73 = arith.constant 0 : i32
      %dma_start3A_74 = tpu.memref_slice %arg2[%dma_start3A_72, %dma_start3A_73] : memref<20480x128xf32, #tpu.memory_space<hbm>> -> memref<20480x128xf32, #tpu.memory_space<hbm>>
      tpu.enqueue_indirect_dma source(%dma_start3A_74 : memref<20480x128xf32, #tpu.memory_space<hbm>>) target(%arg9 : memref<64x128xf32, #tpu.memory_space<vmem>>) offsets(%arg6 : memref<64xi32, #tpu.memory_space<vmem>>) semaphore(%arg12 : memref<!tpu.dma_semaphore, #tpu.memory_space<semaphore_mem>>)
      %dma_wait3A_75 = arith.constant 0 : i32
      %dma_wait3A_76 = arith.constant 0 : i32
      %dma_wait3A_77 = tpu.memref_slice %arg2[%dma_wait3A_75, %dma_wait3A_76] : memref<20480x128xf32, #tpu.memory_space<hbm>> -> memref<20480x128xf32, #tpu.memory_space<hbm>>
      tpu.wait_indirect_dma semaphore(%arg13 : memref<!tpu.dma_semaphore, #tpu.memory_space<semaphore_mem>>) src(%dma_wait3A_77 : memref<20480x128xf32, #tpu.memory_space<hbm>>) dst(%arg10 : memref<64x128xf32, #tpu.memory_space<vmem>>)
      %mul3A_78 = arith.constant 2 : i32
      %mul3A_79 = arith.muli %mul3A_78, %scan3A_45 : i32
      %add3A_80 = arith.constant 3 : i32
      %add3A_81 = arith.addi %mul3A_79, %add3A_80 : i32
      %dma_start3A_82 = arith.constant 0 : i32
      %dma_start3A_83 = tpu.memref_slice %arg3[%arg0, %arg1, %add3A_81, %dma_start3A_82] : memref<2x16x162x64xi32, #tpu.memory_space<hbm>> -> memref<1x1x1x64xi32, #tpu.memory_space<hbm>>
      %dma_start3A_84 = tpu.memref_squeeze %dma_start3A_83 : memref<1x1x1x64xi32, #tpu.memory_space<hbm>> -> memref<64xi32, #tpu.memory_space<hbm>>
      %dma_start3A_85 = arith.constant 0 : i32
      %dma_start3A_86 = tpu.memref_slice %arg3[%arg0, %arg1, %add3A_81, %dma_start3A_85] : memref<2x16x162x64xi32, #tpu.memory_space<hbm>> -> memref<1x1x1x64xi32, #tpu.memory_space<hbm>>
      %dma_start3A_87 = tpu.memref_squeeze %dma_start3A_86 : memref<1x1x1x64xi32, #tpu.memory_space<hbm>> -> memref<64xi32, #tpu.memory_space<hbm>>
      tpu.enqueue_dma source(%dma_start3A_87 : memref<64xi32, #tpu.memory_space<hbm>>) target(%arg7 : memref<64xi32, #tpu.memory_space<vmem>>) target_semaphore(%arg15 : memref<!tpu.dma_semaphore, #tpu.memory_space<semaphore_mem>>)
      %mul3A_88 = arith.constant 2 : i32
      %mul3A_89 = arith.muli %mul3A_88, %scan3A_45 : i32
      %add3A_90 = arith.constant 1 : i32
      %add3A_91 = arith.addi %mul3A_89, %add3A_90 : i32
      "tpu.region"() ({
        %run_scoped3A_106 = tpu.sem_alloc : memref<!tpu.dma_semaphore, #tpu.memory_space<semaphore_mem>>
        %dma_start3A_107 = arith.constant 0 : i32
        %dma_start3A_108 = tpu.memref_slice %arg8[%add3A_91, %dma_start3A_107] : memref<160x64xi32, #tpu.memory_space<vmem>> -> memref<1x64xi32, #tpu.memory_space<vmem>>
        %dma_start3A_109 = tpu.memref_squeeze %dma_start3A_108 : memref<1x64xi32, #tpu.memory_space<vmem>> -> memref<64xi32, #tpu.memory_space<vmem>>
        %dma_start3A_110 = arith.constant 0 : i32
        %dma_start3A_111 = arith.constant 0 : i32
        %dma_start3A_112 = tpu.memref_slice %arg11[%dma_start3A_110, %dma_start3A_111] : memref<10240x128xf32, #tpu.memory_space<vmem_shared>> -> memref<10240x128xf32, #tpu.memory_space<vmem_shared>>
        tpu.enqueue_indirect_dma source(%arg10 : memref<64x128xf32, #tpu.memory_space<vmem>>) target(%dma_start3A_112 : memref<10240x128xf32, #tpu.memory_space<vmem_shared>>) offsets(%dma_start3A_109 : memref<64xi32, #tpu.memory_space<vmem>>) semaphore(%run_scoped3A_106 : memref<!tpu.dma_semaphore, #tpu.memory_space<semaphore_mem>>) {add = true}
        %dma_wait3A_113 = arith.constant 0 : i32
        %dma_wait3A_114 = tpu.memref_slice %arg8[%add3A_91, %dma_wait3A_113] : memref<160x64xi32, #tpu.memory_space<vmem>> -> memref<1x64xi32, #tpu.memory_space<vmem>>
        %dma_wait3A_115 = tpu.memref_squeeze %dma_wait3A_114 : memref<1x64xi32, #tpu.memory_space<vmem>> -> memref<64xi32, #tpu.memory_space<vmem>>
        %dma_wait3A_116 = arith.constant 0 : i32
        %dma_wait3A_117 = arith.constant 0 : i32
        %dma_wait3A_118 = tpu.memref_slice %arg11[%dma_wait3A_116, %dma_wait3A_117] : memref<10240x128xf32, #tpu.memory_space<vmem_shared>> -> memref<10240x128xf32, #tpu.memory_space<vmem_shared>>
        tpu.wait_indirect_dma semaphore(%run_scoped3A_106 : memref<!tpu.dma_semaphore, #tpu.memory_space<semaphore_mem>>) src(%arg10 : memref<64x128xf32, #tpu.memory_space<vmem>>) dst(%dma_wait3A_118 : memref<10240x128xf32, #tpu.memory_space<vmem_shared>>)
        tpu.yield
      }) : () -> ()
      %mul3A_92 = arith.constant 2 : i32
      %mul3A_93 = arith.muli %mul3A_92, %scan3A_45 : i32
      %add3A_94 = arith.constant 3 : i32
      %add3A_95 = arith.addi %mul3A_93, %add3A_94 : i32
      %dma_wait3A_96 = arith.constant 0 : i32
      %dma_wait3A_97 = tpu.memref_slice %arg3[%arg0, %arg1, %add3A_95, %dma_wait3A_96] : memref<2x16x162x64xi32, #tpu.memory_space<hbm>> -> memref<1x1x1x64xi32, #tpu.memory_space<hbm>>
      %dma_wait3A_98 = tpu.memref_squeeze %dma_wait3A_97 : memref<1x1x1x64xi32, #tpu.memory_space<hbm>> -> memref<64xi32, #tpu.memory_space<hbm>>
      %dma_wait3A_99 = arith.constant 0 : i32
      %dma_wait3A_100 = tpu.memref_slice %arg3[%arg0, %arg1, %add3A_95, %dma_wait3A_99] : memref<2x16x162x64xi32, #tpu.memory_space<hbm>> -> memref<1x1x1x64xi32, #tpu.memory_space<hbm>>
      %dma_wait3A_101 = tpu.memref_squeeze %dma_wait3A_100 : memref<1x1x1x64xi32, #tpu.memory_space<hbm>> -> memref<64xi32, #tpu.memory_space<hbm>>
      tpu.wait_dma2 semaphore(%arg15 : memref<!tpu.dma_semaphore, #tpu.memory_space<semaphore_mem>>) src(%dma_wait3A_101 : memref<64xi32, #tpu.memory_space<hbm>>) dst(%arg7 : memref<64xi32, #tpu.memory_space<vmem>>)
      %dma_start3A_102 = arith.constant 0 : i32
      %dma_start3A_103 = arith.constant 0 : i32
      %dma_start3A_104 = tpu.memref_slice %arg2[%dma_start3A_102, %dma_start3A_103] : memref<20480x128xf32, #tpu.memory_space<hbm>> -> memref<20480x128xf32, #tpu.memory_space<hbm>>
      tpu.enqueue_indirect_dma source(%dma_start3A_104 : memref<20480x128xf32, #tpu.memory_space<hbm>>) target(%arg10 : memref<64x128xf32, #tpu.memory_space<vmem>>) offsets(%arg7 : memref<64xi32, #tpu.memory_space<vmem>>) semaphore(%arg13 : memref<!tpu.dma_semaphore, #tpu.memory_space<semaphore_mem>>)
      %scan3A_105 = arith.constant 0 : i32
      scf.yield %scan3A_105 : i32
    }
    %scan3A_38 = arith.constant 80 : i32
    %dma_wait3A = arith.constant 0 : i32
    %dma_wait3A_39 = arith.constant 0 : i32
    %dma_wait3A_40 = tpu.memref_slice %arg2[%dma_wait3A, %dma_wait3A_39] : memref<20480x128xf32, #tpu.memory_space<hbm>> -> memref<20480x128xf32, #tpu.memory_space<hbm>>
    tpu.wait_indirect_dma semaphore(%arg12 : memref<!tpu.dma_semaphore, #tpu.memory_space<semaphore_mem>>) src(%dma_wait3A_40 : memref<20480x128xf32, #tpu.memory_space<hbm>>) dst(%arg9 : memref<64x128xf32, #tpu.memory_space<vmem>>)
    %dma_wait3A_41 = arith.constant 0 : i32
    %dma_wait3A_42 = arith.constant 0 : i32
    %dma_wait3A_43 = tpu.memref_slice %arg2[%dma_wait3A_41, %dma_wait3A_42] : memref<20480x128xf32, #tpu.memory_space<hbm>> -> memref<20480x128xf32, #tpu.memory_space<hbm>>
    tpu.wait_indirect_dma semaphore(%arg13 : memref<!tpu.dma_semaphore, #tpu.memory_space<semaphore_mem>>) src(%dma_wait3A_43 : memref<20480x128xf32, #tpu.memory_space<hbm>>) dst(%arg10 : memref<64x128xf32, #tpu.memory_space<vmem>>)
    %barrier3A_44 = arith.constant 0 : index
    tpu.barrier barrier_id(%barrier3A_44)
    "tpu.region"() ({
      %run_scoped3A_45 = tpu.sem_alloc : memref<!tpu.dma_semaphore, #tpu.memory_space<semaphore_mem>>
      %dma_start3A_46 = arith.constant 0 : i32
      %dma_start3A_47 = tpu.memref_slice %arg5[%arg0, %mul3A_0, %dma_start3A_46] : memref<2x10240x128xf32, #tpu.memory_space<hbm>> -> memref<1x640x128xf32, #tpu.memory_space<hbm>>
      %dma_start3A_48 = tpu.memref_squeeze %dma_start3A_47 : memref<1x640x128xf32, #tpu.memory_space<hbm>> -> memref<640x128xf32, #tpu.memory_space<hbm>>
      %dma_start3A_49 = arith.constant 0 : i32
      %dma_start3A_50 = tpu.memref_slice %arg11[%mul3A_0, %dma_start3A_49] : memref<10240x128xf32, #tpu.memory_space<vmem_shared>> -> memref<640x128xf32, #tpu.memory_space<vmem_shared>>
      tpu.enqueue_dma source(%dma_start3A_50 : memref<640x128xf32, #tpu.memory_space<vmem_shared>>) target(%dma_start3A_48 : memref<640x128xf32, #tpu.memory_space<hbm>>) target_semaphore(%run_scoped3A_45 : memref<!tpu.dma_semaphore, #tpu.memory_space<semaphore_mem>>)
      %dma_wait3A_51 = arith.constant 0 : i32
      %dma_wait3A_52 = tpu.memref_slice %arg5[%arg0, %mul3A_0, %dma_wait3A_51] : memref<2x10240x128xf32, #tpu.memory_space<hbm>> -> memref<1x640x128xf32, #tpu.memory_space<hbm>>
      %dma_wait3A_53 = tpu.memref_squeeze %dma_wait3A_52 : memref<1x640x128xf32, #tpu.memory_space<hbm>> -> memref<640x128xf32, #tpu.memory_space<hbm>>
      %dma_wait3A_54 = arith.constant 0 : i32
      %dma_wait3A_55 = tpu.memref_slice %arg11[%mul3A_0, %dma_wait3A_54] : memref<10240x128xf32, #tpu.memory_space<vmem_shared>> -> memref<640x128xf32, #tpu.memory_space<vmem_shared>>
      tpu.wait_dma2 semaphore(%run_scoped3A_45 : memref<!tpu.dma_semaphore, #tpu.memory_space<semaphore_mem>>) src(%dma_wait3A_55 : memref<640x128xf32, #tpu.memory_space<vmem_shared>>) dst(%dma_wait3A_53 : memref<640x128xf32, #tpu.memory_space<hbm>>)
      tpu.yield
    }) : () -> ()
    return
  }
}

#map = affine_map<(d0, d1) -> (0, 0, 0, 0)>
#map1 = affine_map<(d0, d1) -> (0, 0, 0)>
module attributes {stable_mosaic.version = 14 : i64} {
  func.func @_deg_body(%arg0: i32, %arg1: i32, %arg2: memref<2x16x80x128xi32, #tpu.memory_space<hbm>>, %arg3: memref<2x10240x16xf32, #tpu.memory_space<hbm>>, %arg4: memref<128xi32, #tpu.memory_space<vmem>>, %arg5: memref<128x16xf32, #tpu.memory_space<vmem>>, %arg6: memref<128x16xf32, #tpu.memory_space<vmem>>, %arg7: memref<10240x16xf32, #tpu.memory_space<vmem_shared>>) attributes {dimension_semantics = [#tpu.dimension_semantics<core_parallel>, #tpu.dimension_semantics<subcore_parallel>], iteration_bounds = array<i64: 2, 16>, scalar_prefetch = 0 : i64, scratch_operands = 4 : i64, tpu.core_type = #tpu.core_type<sc_vector_subcore>, window_params = [{transform_indices = #map}, {transform_indices = #map1}]} {
    %scan3A = arith.constant 0 : i32
    %scan3A_0 = arith.constant 0 : i32
    %scan3A_1 = arith.constant 128 : i32
    %scan3A_2 = arith.addi %scan3A_0, %scan3A_1 : i32
    %scan3A_3 = arith.constant 1 : i32
    %scan3A_4 = scf.for %scan3A_36 = %scan3A_0 to %scan3A_2 step %scan3A_3 iter_args(%scan3A_37 = %scan3A) -> (i32)  : i32 {
      %broadcast_in_dim3A = arith.constant 1.000000e+00 : f32
      %broadcast_in_dim3A_38 = vector.broadcast %broadcast_in_dim3A : f32 to vector<16xf32>
      %swap3A = arith.index_cast %scan3A_36 : i32 to index
      %swap3A_39 = arith.constant 0 : index
      %swap3A_40 = tpu.vector_load %arg5[%swap3A, %swap3A_39] {strides = array<i32>} : memref<128x16xf32, #tpu.memory_space<vmem>>, vector<1x16xf32>,
      %swap3A_41 = vector.shape_cast %swap3A_40 : vector<1x16xf32> to vector<16xf32>
      %swap3A_42 = vector.shape_cast %broadcast_in_dim3A_38 : vector<16xf32> to vector<1x16xf32>
      tpu.vector_store %arg5[%swap3A, %swap3A_39], %swap3A_42 {strides = array<i32>} : memref<128x16xf32, #tpu.memory_space<vmem>>, vector<1x16xf32>,
      %broadcast_in_dim3A_43 = arith.constant 0.000000e+00 : f32
      %broadcast_in_dim3A_44 = vector.broadcast %broadcast_in_dim3A_43 : f32 to vector<16xf32>
      %swap3A_45 = arith.index_cast %scan3A_36 : i32 to index
      %swap3A_46 = arith.constant 0 : index
      %swap3A_47 = tpu.vector_load %arg6[%swap3A_45, %swap3A_46] {strides = array<i32>} : memref<128x16xf32, #tpu.memory_space<vmem>>, vector<1x16xf32>,
      %swap3A_48 = vector.shape_cast %swap3A_47 : vector<1x16xf32> to vector<16xf32>
      %swap3A_49 = vector.shape_cast %broadcast_in_dim3A_44 : vector<16xf32> to vector<1x16xf32>
      tpu.vector_store %arg6[%swap3A_45, %swap3A_46], %swap3A_49 {strides = array<i32>} : memref<128x16xf32, #tpu.memory_space<vmem>>, vector<1x16xf32>,
      %scan3A_50 = arith.constant 0 : i32
      scf.yield %scan3A_50 : i32
    }
    %scan3A_5 = arith.constant 128 : i32
    %mul3A = arith.constant 640 : i32
    %mul3A_6 = arith.muli %arg1, %mul3A : i32
    %add3A = arith.constant 0 : i32
    %add3A_7 = arith.addi %mul3A_6, %add3A : i32
    "tpu.region"() ({
      %run_scoped3A = tpu.sem_alloc : memref<!tpu.dma_semaphore, #tpu.memory_space<semaphore_mem>>
      %dma_start3A = arith.constant 0 : i32
      %dma_start3A_36 = tpu.memref_slice %arg7[%add3A_7, %dma_start3A] : memref<10240x16xf32, #tpu.memory_space<vmem_shared>> -> memref<128x16xf32, #tpu.memory_space<vmem_shared>>
      %dma_start3A_37 = arith.constant 0 : i32
      %dma_start3A_38 = tpu.memref_slice %arg7[%add3A_7, %dma_start3A_37] : memref<10240x16xf32, #tpu.memory_space<vmem_shared>> -> memref<128x16xf32, #tpu.memory_space<vmem_shared>>
      tpu.enqueue_dma source(%arg6 : memref<128x16xf32, #tpu.memory_space<vmem>>) target(%dma_start3A_38 : memref<128x16xf32, #tpu.memory_space<vmem_shared>>) target_semaphore(%run_scoped3A : memref<!tpu.dma_semaphore, #tpu.memory_space<semaphore_mem>>)
      %dma_wait3A = arith.constant 0 : i32
      %dma_wait3A_39 = tpu.memref_slice %arg7[%add3A_7, %dma_wait3A] : memref<10240x16xf32, #tpu.memory_space<vmem_shared>> -> memref<128x16xf32, #tpu.memory_space<vmem_shared>>
      %dma_wait3A_40 = arith.constant 0 : i32
      %dma_wait3A_41 = tpu.memref_slice %arg7[%add3A_7, %dma_wait3A_40] : memref<10240x16xf32, #tpu.memory_space<vmem_shared>> -> memref<128x16xf32, #tpu.memory_space<vmem_shared>>
      tpu.wait_dma2 semaphore(%run_scoped3A : memref<!tpu.dma_semaphore, #tpu.memory_space<semaphore_mem>>) src(%arg6 : memref<128x16xf32, #tpu.memory_space<vmem>>) dst(%dma_wait3A_41 : memref<128x16xf32, #tpu.memory_space<vmem_shared>>)
      tpu.yield
    }) : () -> ()
    %mul3A_8 = arith.constant 640 : i32
    %mul3A_9 = arith.muli %arg1, %mul3A_8 : i32
    %add3A_10 = arith.constant 128 : i32
    %add3A_11 = arith.addi %mul3A_9, %add3A_10 : i32
    "tpu.region"() ({
      %run_scoped3A = tpu.sem_alloc : memref<!tpu.dma_semaphore, #tpu.memory_space<semaphore_mem>>
      %dma_start3A = arith.constant 0 : i32
      %dma_start3A_36 = tpu.memref_slice %arg7[%add3A_11, %dma_start3A] : memref<10240x16xf32, #tpu.memory_space<vmem_shared>> -> memref<128x16xf32, #tpu.memory_space<vmem_shared>>
      %dma_start3A_37 = arith.constant 0 : i32
      %dma_start3A_38 = tpu.memref_slice %arg7[%add3A_11, %dma_start3A_37] : memref<10240x16xf32, #tpu.memory_space<vmem_shared>> -> memref<128x16xf32, #tpu.memory_space<vmem_shared>>
      tpu.enqueue_dma source(%arg6 : memref<128x16xf32, #tpu.memory_space<vmem>>) target(%dma_start3A_38 : memref<128x16xf32, #tpu.memory_space<vmem_shared>>) target_semaphore(%run_scoped3A : memref<!tpu.dma_semaphore, #tpu.memory_space<semaphore_mem>>)
      %dma_wait3A = arith.constant 0 : i32
      %dma_wait3A_39 = tpu.memref_slice %arg7[%add3A_11, %dma_wait3A] : memref<10240x16xf32, #tpu.memory_space<vmem_shared>> -> memref<128x16xf32, #tpu.memory_space<vmem_shared>>
      %dma_wait3A_40 = arith.constant 0 : i32
      %dma_wait3A_41 = tpu.memref_slice %arg7[%add3A_11, %dma_wait3A_40] : memref<10240x16xf32, #tpu.memory_space<vmem_shared>> -> memref<128x16xf32, #tpu.memory_space<vmem_shared>>
      tpu.wait_dma2 semaphore(%run_scoped3A : memref<!tpu.dma_semaphore, #tpu.memory_space<semaphore_mem>>) src(%arg6 : memref<128x16xf32, #tpu.memory_space<vmem>>) dst(%dma_wait3A_41 : memref<128x16xf32, #tpu.memory_space<vmem_shared>>)
      tpu.yield
    }) : () -> ()
    %mul3A_12 = arith.constant 640 : i32
    %mul3A_13 = arith.muli %arg1, %mul3A_12 : i32
    %add3A_14 = arith.constant 256 : i32
    %add3A_15 = arith.addi %mul3A_13, %add3A_14 : i32
    "tpu.region"() ({
      %run_scoped3A = tpu.sem_alloc : memref<!tpu.dma_semaphore, #tpu.memory_space<semaphore_mem>>
      %dma_start3A = arith.constant 0 : i32
      %dma_start3A_36 = tpu.memref_slice %arg7[%add3A_15, %dma_start3A] : memref<10240x16xf32, #tpu.memory_space<vmem_shared>> -> memref<128x16xf32, #tpu.memory_space<vmem_shared>>
      %dma_start3A_37 = arith.constant 0 : i32
      %dma_start3A_38 = tpu.memref_slice %arg7[%add3A_15, %dma_start3A_37] : memref<10240x16xf32, #tpu.memory_space<vmem_shared>> -> memref<128x16xf32, #tpu.memory_space<vmem_shared>>
      tpu.enqueue_dma source(%arg6 : memref<128x16xf32, #tpu.memory_space<vmem>>) target(%dma_start3A_38 : memref<128x16xf32, #tpu.memory_space<vmem_shared>>) target_semaphore(%run_scoped3A : memref<!tpu.dma_semaphore, #tpu.memory_space<semaphore_mem>>)
      %dma_wait3A = arith.constant 0 : i32
      %dma_wait3A_39 = tpu.memref_slice %arg7[%add3A_15, %dma_wait3A] : memref<10240x16xf32, #tpu.memory_space<vmem_shared>> -> memref<128x16xf32, #tpu.memory_space<vmem_shared>>
      %dma_wait3A_40 = arith.constant 0 : i32
      %dma_wait3A_41 = tpu.memref_slice %arg7[%add3A_15, %dma_wait3A_40] : memref<10240x16xf32, #tpu.memory_space<vmem_shared>> -> memref<128x16xf32, #tpu.memory_space<vmem_shared>>
      tpu.wait_dma2 semaphore(%run_scoped3A : memref<!tpu.dma_semaphore, #tpu.memory_space<semaphore_mem>>) src(%arg6 : memref<128x16xf32, #tpu.memory_space<vmem>>) dst(%dma_wait3A_41 : memref<128x16xf32, #tpu.memory_space<vmem_shared>>)
      tpu.yield
    }) : () -> ()
    %mul3A_16 = arith.constant 640 : i32
    %mul3A_17 = arith.muli %arg1, %mul3A_16 : i32
    %add3A_18 = arith.constant 384 : i32
    %add3A_19 = arith.addi %mul3A_17, %add3A_18 : i32
    "tpu.region"() ({
      %run_scoped3A = tpu.sem_alloc : memref<!tpu.dma_semaphore, #tpu.memory_space<semaphore_mem>>
      %dma_start3A = arith.constant 0 : i32
      %dma_start3A_36 = tpu.memref_slice %arg7[%add3A_19, %dma_start3A] : memref<10240x16xf32, #tpu.memory_space<vmem_shared>> -> memref<128x16xf32, #tpu.memory_space<vmem_shared>>
      %dma_start3A_37 = arith.constant 0 : i32
      %dma_start3A_38 = tpu.memref_slice %arg7[%add3A_19, %dma_start3A_37] : memref<10240x16xf32, #tpu.memory_space<vmem_shared>> -> memref<128x16xf32, #tpu.memory_space<vmem_shared>>
      tpu.enqueue_dma source(%arg6 : memref<128x16xf32, #tpu.memory_space<vmem>>) target(%dma_start3A_38 : memref<128x16xf32, #tpu.memory_space<vmem_shared>>) target_semaphore(%run_scoped3A : memref<!tpu.dma_semaphore, #tpu.memory_space<semaphore_mem>>)
      %dma_wait3A = arith.constant 0 : i32
      %dma_wait3A_39 = tpu.memref_slice %arg7[%add3A_19, %dma_wait3A] : memref<10240x16xf32, #tpu.memory_space<vmem_shared>> -> memref<128x16xf32, #tpu.memory_space<vmem_shared>>
      %dma_wait3A_40 = arith.constant 0 : i32
      %dma_wait3A_41 = tpu.memref_slice %arg7[%add3A_19, %dma_wait3A_40] : memref<10240x16xf32, #tpu.memory_space<vmem_shared>> -> memref<128x16xf32, #tpu.memory_space<vmem_shared>>
      tpu.wait_dma2 semaphore(%run_scoped3A : memref<!tpu.dma_semaphore, #tpu.memory_space<semaphore_mem>>) src(%arg6 : memref<128x16xf32, #tpu.memory_space<vmem>>) dst(%dma_wait3A_41 : memref<128x16xf32, #tpu.memory_space<vmem_shared>>)
      tpu.yield
    }) : () -> ()
    %mul3A_20 = arith.constant 640 : i32
    %mul3A_21 = arith.muli %arg1, %mul3A_20 : i32
    %add3A_22 = arith.constant 512 : i32
    %add3A_23 = arith.addi %mul3A_21, %add3A_22 : i32
    "tpu.region"() ({
      %run_scoped3A = tpu.sem_alloc : memref<!tpu.dma_semaphore, #tpu.memory_space<semaphore_mem>>
      %dma_start3A = arith.constant 0 : i32
      %dma_start3A_36 = tpu.memref_slice %arg7[%add3A_23, %dma_start3A] : memref<10240x16xf32, #tpu.memory_space<vmem_shared>> -> memref<128x16xf32, #tpu.memory_space<vmem_shared>>
      %dma_start3A_37 = arith.constant 0 : i32
      %dma_start3A_38 = tpu.memref_slice %arg7[%add3A_23, %dma_start3A_37] : memref<10240x16xf32, #tpu.memory_space<vmem_shared>> -> memref<128x16xf32, #tpu.memory_space<vmem_shared>>
      tpu.enqueue_dma source(%arg6 : memref<128x16xf32, #tpu.memory_space<vmem>>) target(%dma_start3A_38 : memref<128x16xf32, #tpu.memory_space<vmem_shared>>) target_semaphore(%run_scoped3A : memref<!tpu.dma_semaphore, #tpu.memory_space<semaphore_mem>>)
      %dma_wait3A = arith.constant 0 : i32
      %dma_wait3A_39 = tpu.memref_slice %arg7[%add3A_23, %dma_wait3A] : memref<10240x16xf32, #tpu.memory_space<vmem_shared>> -> memref<128x16xf32, #tpu.memory_space<vmem_shared>>
      %dma_wait3A_40 = arith.constant 0 : i32
      %dma_wait3A_41 = tpu.memref_slice %arg7[%add3A_23, %dma_wait3A_40] : memref<10240x16xf32, #tpu.memory_space<vmem_shared>> -> memref<128x16xf32, #tpu.memory_space<vmem_shared>>
      tpu.wait_dma2 semaphore(%run_scoped3A : memref<!tpu.dma_semaphore, #tpu.memory_space<semaphore_mem>>) src(%arg6 : memref<128x16xf32, #tpu.memory_space<vmem>>) dst(%dma_wait3A_41 : memref<128x16xf32, #tpu.memory_space<vmem_shared>>)
      tpu.yield
    }) : () -> ()
    %barrier3A = arith.constant 0 : index
    tpu.barrier barrier_id(%barrier3A)
    %scan3A_24 = arith.constant 0 : i32
    %scan3A_25 = arith.constant 0 : i32
    %scan3A_26 = arith.constant 80 : i32
    %scan3A_27 = arith.addi %scan3A_25, %scan3A_26 : i32
    %scan3A_28 = arith.constant 1 : i32
    %scan3A_29 = scf.for %scan3A_36 = %scan3A_25 to %scan3A_27 step %scan3A_28 iter_args(%scan3A_37 = %scan3A_24) -> (i32)  : i32 {
      "tpu.region"() ({
        %run_scoped3A = tpu.sem_alloc : memref<!tpu.dma_semaphore, #tpu.memory_space<semaphore_mem>>
        %dma_start3A = arith.constant 0 : i32
        %dma_start3A_39 = tpu.memref_slice %arg2[%arg0, %arg1, %scan3A_36, %dma_start3A] : memref<2x16x80x128xi32, #tpu.memory_space<hbm>> -> memref<1x1x1x128xi32, #tpu.memory_space<hbm>>
        %dma_start3A_40 = tpu.memref_squeeze %dma_start3A_39 : memref<1x1x1x128xi32, #tpu.memory_space<hbm>> -> memref<128xi32, #tpu.memory_space<hbm>>
        %dma_start3A_41 = arith.constant 0 : i32
        %dma_start3A_42 = tpu.memref_slice %arg2[%arg0, %arg1, %scan3A_36, %dma_start3A_41] : memref<2x16x80x128xi32, #tpu.memory_space<hbm>> -> memref<1x1x1x128xi32, #tpu.memory_space<hbm>>
        %dma_start3A_43 = tpu.memref_squeeze %dma_start3A_42 : memref<1x1x1x128xi32, #tpu.memory_space<hbm>> -> memref<128xi32, #tpu.memory_space<hbm>>
        tpu.enqueue_dma source(%dma_start3A_43 : memref<128xi32, #tpu.memory_space<hbm>>) target(%arg4 : memref<128xi32, #tpu.memory_space<vmem>>) target_semaphore(%run_scoped3A : memref<!tpu.dma_semaphore, #tpu.memory_space<semaphore_mem>>)
        %dma_wait3A = arith.constant 0 : i32
        %dma_wait3A_44 = tpu.memref_slice %arg2[%arg0, %arg1, %scan3A_36, %dma_wait3A] : memref<2x16x80x128xi32, #tpu.memory_space<hbm>> -> memref<1x1x1x128xi32, #tpu.memory_space<hbm>>
        %dma_wait3A_45 = tpu.memref_squeeze %dma_wait3A_44 : memref<1x1x1x128xi32, #tpu.memory_space<hbm>> -> memref<128xi32, #tpu.memory_space<hbm>>
        %dma_wait3A_46 = arith.constant 0 : i32
        %dma_wait3A_47 = tpu.memref_slice %arg2[%arg0, %arg1, %scan3A_36, %dma_wait3A_46] : memref<2x16x80x128xi32, #tpu.memory_space<hbm>> -> memref<1x1x1x128xi32, #tpu.memory_space<hbm>>
        %dma_wait3A_48 = tpu.memref_squeeze %dma_wait3A_47 : memref<1x1x1x128xi32, #tpu.memory_space<hbm>> -> memref<128xi32, #tpu.memory_space<hbm>>
        tpu.wait_dma2 semaphore(%run_scoped3A : memref<!tpu.dma_semaphore, #tpu.memory_space<semaphore_mem>>) src(%dma_wait3A_48 : memref<128xi32, #tpu.memory_space<hbm>>) dst(%arg4 : memref<128xi32, #tpu.memory_space<vmem>>)
        tpu.yield
      }) : () -> ()
      "tpu.region"() ({
        %run_scoped3A = tpu.sem_alloc : memref<!tpu.dma_semaphore, #tpu.memory_space<semaphore_mem>>
        %dma_start3A = arith.constant 0 : i32
        %dma_start3A_39 = arith.constant 0 : i32
        %dma_start3A_40 = tpu.memref_slice %arg7[%dma_start3A, %dma_start3A_39] : memref<10240x16xf32, #tpu.memory_space<vmem_shared>> -> memref<10240x16xf32, #tpu.memory_space<vmem_shared>>
        tpu.enqueue_indirect_dma source(%arg5 : memref<128x16xf32, #tpu.memory_space<vmem>>) target(%dma_start3A_40 : memref<10240x16xf32, #tpu.memory_space<vmem_shared>>) offsets(%arg4 : memref<128xi32, #tpu.memory_space<vmem>>) semaphore(%run_scoped3A : memref<!tpu.dma_semaphore, #tpu.memory_space<semaphore_mem>>) {add = true}
        %dma_wait3A = arith.constant 0 : i32
        %dma_wait3A_41 = arith.constant 0 : i32
        %dma_wait3A_42 = tpu.memref_slice %arg7[%dma_wait3A, %dma_wait3A_41] : memref<10240x16xf32, #tpu.memory_space<vmem_shared>> -> memref<10240x16xf32, #tpu.memory_space<vmem_shared>>
        tpu.wait_indirect_dma semaphore(%run_scoped3A : memref<!tpu.dma_semaphore, #tpu.memory_space<semaphore_mem>>) src(%arg5 : memref<128x16xf32, #tpu.memory_space<vmem>>) dst(%dma_wait3A_42 : memref<10240x16xf32, #tpu.memory_space<vmem_shared>>)
        tpu.yield
      }) : () -> ()
      %scan3A_38 = arith.constant 0 : i32
      scf.yield %scan3A_38 : i32
    }
    %scan3A_30 = arith.constant 80 : i32
    %barrier3A_31 = arith.constant 0 : index
    tpu.barrier barrier_id(%barrier3A_31)
    %mul3A_32 = arith.constant 640 : i32
    %mul3A_33 = arith.muli %arg1, %mul3A_32 : i32
    %mul3A_34 = arith.constant 640 : i32
    %mul3A_35 = arith.muli %arg1, %mul3A_34 : i32
    "tpu.region"() ({
      %run_scoped3A = tpu.sem_alloc : memref<!tpu.dma_semaphore, #tpu.memory_space<semaphore_mem>>
      %dma_start3A = arith.constant 0 : i32
      %dma_start3A_36 = tpu.memref_slice %arg3[%arg0, %mul3A_35, %dma_start3A] : memref<2x10240x16xf32, #tpu.memory_space<hbm>> -> memref<1x640x16xf32, #tpu.memory_space<hbm>>
      %dma_start3A_37 = tpu.memref_squeeze %dma_start3A_36 : memref<1x640x16xf32, #tpu.memory_space<hbm>> -> memref<640x16xf32, #tpu.memory_space<hbm>>
      %dma_start3A_38 = arith.constant 0 : i32
      %dma_start3A_39 = tpu.memref_slice %arg7[%mul3A_33, %dma_start3A_38] : memref<10240x16xf32, #tpu.memory_space<vmem_shared>> -> memref<640x16xf32, #tpu.memory_space<vmem_shared>>
      tpu.enqueue_dma source(%dma_start3A_39 : memref<640x16xf32, #tpu.memory_space<vmem_shared>>) target(%dma_start3A_37 : memref<640x16xf32, #tpu.memory_space<hbm>>) target_semaphore(%run_scoped3A : memref<!tpu.dma_semaphore, #tpu.memory_space<semaphore_mem>>)
      %dma_wait3A = arith.constant 0 : i32
      %dma_wait3A_40 = tpu.memref_slice %arg3[%arg0, %mul3A_35, %dma_wait3A] : memref<2x10240x16xf32, #tpu.memory_space<hbm>> -> memref<1x640x16xf32, #tpu.memory_space<hbm>>
      %dma_wait3A_41 = tpu.memref_squeeze %dma_wait3A_40 : memref<1x640x16xf32, #tpu.memory_space<hbm>> -> memref<640x16xf32, #tpu.memory_space<hbm>>
      %dma_wait3A_42 = arith.constant 0 : i32
      %dma_wait3A_43 = tpu.memref_slice %arg7[%mul3A_33, %dma_wait3A_42] : memref<10240x16xf32, #tpu.memory_space<vmem_shared>> -> memref<640x16xf32, #tpu.memory_space<vmem_shared>>
      tpu.wait_dma2 semaphore(%run_scoped3A : memref<!tpu.dma_semaphore, #tpu.memory_space<semaphore_mem>>) src(%dma_wait3A_43 : memref<640x16xf32, #tpu.memory_space<vmem_shared>>) dst(%dma_wait3A_41 : memref<640x16xf32, #tpu.memory_space<hbm>>)
      tpu.yield
    }) : () -> ()
    return
  }
}

#map = affine_map<(d0, d1) -> (0, 0)>
#map1 = affine_map<(d0, d1) -> (0, 0, 0, 0)>
#map2 = affine_map<(d0, d1) -> (0, 0, 0)>
module attributes {stable_mosaic.version = 14 : i64} {
  func.func @_conv_body(%arg0: i32, %arg1: i32, %arg2: memref<20480x128xf32, #tpu.memory_space<hbm>>, %arg3: memref<2x16x162x64xi32, #tpu.memory_space<hbm>>, %arg4: memref<16x160x64xi32, #tpu.memory_space<hbm>>, %arg5: memref<2x10240x128xf32, #tpu.memory_space<hbm>>, %arg6: memref<64xi32, #tpu.memory_space<vmem>>, %arg7: memref<64xi32, #tpu.memory_space<vmem>>, %arg8: memref<160x64xi32, #tpu.memory_space<vmem>>, %arg9: memref<64x128xf32, #tpu.memory_space<vmem>>, %arg10: memref<64x128xf32, #tpu.memory_space<vmem>>, %arg11: memref<10240x128xf32, #tpu.memory_space<vmem_shared>>, %arg12: memref<!tpu.dma_semaphore, #tpu.memory_space<semaphore_mem>>, %arg13: memref<!tpu.dma_semaphore, #tpu.memory_space<semaphore_mem>>, %arg14: memref<!tpu.dma_semaphore, #tpu.memory_space<semaphore_mem>>, %arg15: memref<!tpu.dma_semaphore, #tpu.memory_space<semaphore_mem>>) attributes {dimension_semantics = [#tpu.dimension_semantics<core_parallel>, #tpu.dimension_semantics<subcore_parallel>], iteration_bounds = array<i64: 2, 16>, scalar_prefetch = 0 : i64, scratch_operands = 10 : i64, tpu.core_type = #tpu.core_type<sc_vector_subcore>, window_params = [{transform_indices = #map}, {transform_indices = #map1}, {transform_indices = #map2}, {transform_indices = #map2}]} {
    %mul3A = arith.constant 640 : i32
    %mul3A_0 = arith.muli %arg1, %mul3A : i32
    %scan3A = arith.constant 0 : i32
    %scan3A_1 = arith.constant 0 : i32
    %scan3A_2 = arith.constant 64 : i32
    %scan3A_3 = arith.addi %scan3A_1, %scan3A_2 : i32
    %scan3A_4 = arith.constant 1 : i32
    %scan3A_5 = scf.for %scan3A_45 = %scan3A_1 to %scan3A_3 step %scan3A_4 iter_args(%scan3A_46 = %scan3A) -> (i32)  : i32 {
      %broadcast_in_dim3A = arith.constant 0.000000e+00 : f32
      %broadcast_in_dim3A_47 = vector.broadcast %broadcast_in_dim3A : f32 to vector<16xf32>
      %swap3A = arith.index_cast %scan3A_45 : i32 to index
      %swap3A_48 = arith.constant 0 : index
      %swap3A_49 = tpu.vector_load %arg9[%swap3A, %swap3A_48] {strides = array<i32>} : memref<64x128xf32, #tpu.memory_space<vmem>>, vector<1x16xf32>,
      %swap3A_50 = vector.shape_cast %swap3A_49 : vector<1x16xf32> to vector<16xf32>
      %swap3A_51 = vector.shape_cast %broadcast_in_dim3A_47 : vector<16xf32> to vector<1x16xf32>
      tpu.vector_store %arg9[%swap3A, %swap3A_48], %swap3A_51 {strides = array<i32>} : memref<64x128xf32, #tpu.memory_space<vmem>>, vector<1x16xf32>,
      %broadcast_in_dim3A_52 = arith.constant 0.000000e+00 : f32
      %broadcast_in_dim3A_53 = vector.broadcast %broadcast_in_dim3A_52 : f32 to vector<16xf32>
      %swap3A_54 = arith.index_cast %scan3A_45 : i32 to index
      %swap3A_55 = arith.constant 16 : index
      %swap3A_56 = tpu.vector_load %arg9[%swap3A_54, %swap3A_55] {strides = array<i32>} : memref<64x128xf32, #tpu.memory_space<vmem>>, vector<1x16xf32>,
      %swap3A_57 = vector.shape_cast %swap3A_56 : vector<1x16xf32> to vector<16xf32>
      %swap3A_58 = vector.shape_cast %broadcast_in_dim3A_53 : vector<16xf32> to vector<1x16xf32>
      tpu.vector_store %arg9[%swap3A_54, %swap3A_55], %swap3A_58 {strides = array<i32>} : memref<64x128xf32, #tpu.memory_space<vmem>>, vector<1x16xf32>,
      %broadcast_in_dim3A_59 = arith.constant 0.000000e+00 : f32
      %broadcast_in_dim3A_60 = vector.broadcast %broadcast_in_dim3A_59 : f32 to vector<16xf32>
      %swap3A_61 = arith.index_cast %scan3A_45 : i32 to index
      %swap3A_62 = arith.constant 32 : index
      %swap3A_63 = tpu.vector_load %arg9[%swap3A_61, %swap3A_62] {strides = array<i32>} : memref<64x128xf32, #tpu.memory_space<vmem>>, vector<1x16xf32>,
      %swap3A_64 = vector.shape_cast %swap3A_63 : vector<1x16xf32> to vector<16xf32>
      %swap3A_65 = vector.shape_cast %broadcast_in_dim3A_60 : vector<16xf32> to vector<1x16xf32>
      tpu.vector_store %arg9[%swap3A_61, %swap3A_62], %swap3A_65 {strides = array<i32>} : memref<64x128xf32, #tpu.memory_space<vmem>>, vector<1x16xf32>,
      %broadcast_in_dim3A_66 = arith.constant 0.000000e+00 : f32
      %broadcast_in_dim3A_67 = vector.broadcast %broadcast_in_dim3A_66 : f32 to vector<16xf32>
      %swap3A_68 = arith.index_cast %scan3A_45 : i32 to index
      %swap3A_69 = arith.constant 48 : index
      %swap3A_70 = tpu.vector_load %arg9[%swap3A_68, %swap3A_69] {strides = array<i32>} : memref<64x128xf32, #tpu.memory_space<vmem>>, vector<1x16xf32>,
      %swap3A_71 = vector.shape_cast %swap3A_70 : vector<1x16xf32> to vector<16xf32>
      %swap3A_72 = vector.shape_cast %broadcast_in_dim3A_67 : vector<16xf32> to vector<1x16xf32>
      tpu.vector_store %arg9[%swap3A_68, %swap3A_69], %swap3A_72 {strides = array<i32>} : memref<64x128xf32, #tpu.memory_space<vmem>>, vector<1x16xf32>,
      %broadcast_in_dim3A_73 = arith.constant 0.000000e+00 : f32
      %broadcast_in_dim3A_74 = vector.broadcast %broadcast_in_dim3A_73 : f32 to vector<16xf32>
      %swap3A_75 = arith.index_cast %scan3A_45 : i32 to index
      %swap3A_76 = arith.constant 64 : index
      %swap3A_77 = tpu.vector_load %arg9[%swap3A_75, %swap3A_76] {strides = array<i32>} : memref<64x128xf32, #tpu.memory_space<vmem>>, vector<1x16xf32>,
      %swap3A_78 = vector.shape_cast %swap3A_77 : vector<1x16xf32> to vector<16xf32>
      %swap3A_79 = vector.shape_cast %broadcast_in_dim3A_74 : vector<16xf32> to vector<1x16xf32>
      tpu.vector_store %arg9[%swap3A_75, %swap3A_76], %swap3A_79 {strides = array<i32>} : memref<64x128xf32, #tpu.memory_space<vmem>>, vector<1x16xf32>,
      %broadcast_in_dim3A_80 = arith.constant 0.000000e+00 : f32
      %broadcast_in_dim3A_81 = vector.broadcast %broadcast_in_dim3A_80 : f32 to vector<16xf32>
      %swap3A_82 = arith.index_cast %scan3A_45 : i32 to index
      %swap3A_83 = arith.constant 80 : index
      %swap3A_84 = tpu.vector_load %arg9[%swap3A_82, %swap3A_83] {strides = array<i32>} : memref<64x128xf32, #tpu.memory_space<vmem>>, vector<1x16xf32>,
      %swap3A_85 = vector.shape_cast %swap3A_84 : vector<1x16xf32> to vector<16xf32>
      %swap3A_86 = vector.shape_cast %broadcast_in_dim3A_81 : vector<16xf32> to vector<1x16xf32>
      tpu.vector_store %arg9[%swap3A_82, %swap3A_83], %swap3A_86 {strides = array<i32>} : memref<64x128xf32, #tpu.memory_space<vmem>>, vector<1x16xf32>,
      %broadcast_in_dim3A_87 = arith.constant 0.000000e+00 : f32
      %broadcast_in_dim3A_88 = vector.broadcast %broadcast_in_dim3A_87 : f32 to vector<16xf32>
      %swap3A_89 = arith.index_cast %scan3A_45 : i32 to index
      %swap3A_90 = arith.constant 96 : index
      %swap3A_91 = tpu.vector_load %arg9[%swap3A_89, %swap3A_90] {strides = array<i32>} : memref<64x128xf32, #tpu.memory_space<vmem>>, vector<1x16xf32>,
      %swap3A_92 = vector.shape_cast %swap3A_91 : vector<1x16xf32> to vector<16xf32>
      %swap3A_93 = vector.shape_cast %broadcast_in_dim3A_88 : vector<16xf32> to vector<1x16xf32>
      tpu.vector_store %arg9[%swap3A_89, %swap3A_90], %swap3A_93 {strides = array<i32>} : memref<64x128xf32, #tpu.memory_space<vmem>>, vector<1x16xf32>,
      %broadcast_in_dim3A_94 = arith.constant 0.000000e+00 : f32
      %broadcast_in_dim3A_95 = vector.broadcast %broadcast_in_dim3A_94 : f32 to vector<16xf32>
      %swap3A_96 = arith.index_cast %scan3A_45 : i32 to index
      %swap3A_97 = arith.constant 112 : index
      %swap3A_98 = tpu.vector_load %arg9[%swap3A_96, %swap3A_97] {strides = array<i32>} : memref<64x128xf32, #tpu.memory_space<vmem>>, vector<1x16xf32>,
      %swap3A_99 = vector.shape_cast %swap3A_98 : vector<1x16xf32> to vector<16xf32>
      %swap3A_100 = vector.shape_cast %broadcast_in_dim3A_95 : vector<16xf32> to vector<1x16xf32>
      tpu.vector_store %arg9[%swap3A_96, %swap3A_97], %swap3A_100 {strides = array<i32>} : memref<64x128xf32, #tpu.memory_space<vmem>>, vector<1x16xf32>,
      %scan3A_101 = arith.constant 0 : i32
      scf.yield %scan3A_101 : i32
    }
    %scan3A_6 = arith.constant 64 : i32
    %add3A = arith.constant 0 : i32
    %add3A_7 = arith.addi %mul3A_0, %add3A : i32
    "tpu.region"() ({
      %run_scoped3A_45 = tpu.sem_alloc : memref<!tpu.dma_semaphore, #tpu.memory_space<semaphore_mem>>
      %dma_start3A_46 = arith.constant 0 : i32
      %dma_start3A_47 = tpu.memref_slice %arg11[%add3A_7, %dma_start3A_46] : memref<10240x128xf32, #tpu.memory_space<vmem_shared>> -> memref<64x128xf32, #tpu.memory_space<vmem_shared>>
      %dma_start3A_48 = arith.constant 0 : i32
      %dma_start3A_49 = tpu.memref_slice %arg11[%add3A_7, %dma_start3A_48] : memref<10240x128xf32, #tpu.memory_space<vmem_shared>> -> memref<64x128xf32, #tpu.memory_space<vmem_shared>>
      tpu.enqueue_dma source(%arg9 : memref<64x128xf32, #tpu.memory_space<vmem>>) target(%dma_start3A_49 : memref<64x128xf32, #tpu.memory_space<vmem_shared>>) target_semaphore(%run_scoped3A_45 : memref<!tpu.dma_semaphore, #tpu.memory_space<semaphore_mem>>)
      %dma_wait3A_50 = arith.constant 0 : i32
      %dma_wait3A_51 = tpu.memref_slice %arg11[%add3A_7, %dma_wait3A_50] : memref<10240x128xf32, #tpu.memory_space<vmem_shared>> -> memref<64x128xf32, #tpu.memory_space<vmem_shared>>
      %dma_wait3A_52 = arith.constant 0 : i32
      %dma_wait3A_53 = tpu.memref_slice %arg11[%add3A_7, %dma_wait3A_52] : memref<10240x128xf32, #tpu.memory_space<vmem_shared>> -> memref<64x128xf32, #tpu.memory_space<vmem_shared>>
      tpu.wait_dma2 semaphore(%run_scoped3A_45 : memref<!tpu.dma_semaphore, #tpu.memory_space<semaphore_mem>>) src(%arg9 : memref<64x128xf32, #tpu.memory_space<vmem>>) dst(%dma_wait3A_53 : memref<64x128xf32, #tpu.memory_space<vmem_shared>>)
      tpu.yield
    }) : () -> ()
    %add3A_8 = arith.constant 64 : i32
    %add3A_9 = arith.addi %mul3A_0, %add3A_8 : i32
    "tpu.region"() ({
      %run_scoped3A_45 = tpu.sem_alloc : memref<!tpu.dma_semaphore, #tpu.memory_space<semaphore_mem>>
      %dma_start3A_46 = arith.constant 0 : i32
      %dma_start3A_47 = tpu.memref_slice %arg11[%add3A_9, %dma_start3A_46] : memref<10240x128xf32, #tpu.memory_space<vmem_shared>> -> memref<64x128xf32, #tpu.memory_space<vmem_shared>>
      %dma_start3A_48 = arith.constant 0 : i32
      %dma_start3A_49 = tpu.memref_slice %arg11[%add3A_9, %dma_start3A_48] : memref<10240x128xf32, #tpu.memory_space<vmem_shared>> -> memref<64x128xf32, #tpu.memory_space<vmem_shared>>
      tpu.enqueue_dma source(%arg9 : memref<64x128xf32, #tpu.memory_space<vmem>>) target(%dma_start3A_49 : memref<64x128xf32, #tpu.memory_space<vmem_shared>>) target_semaphore(%run_scoped3A_45 : memref<!tpu.dma_semaphore, #tpu.memory_space<semaphore_mem>>)
      %dma_wait3A_50 = arith.constant 0 : i32
      %dma_wait3A_51 = tpu.memref_slice %arg11[%add3A_9, %dma_wait3A_50] : memref<10240x128xf32, #tpu.memory_space<vmem_shared>> -> memref<64x128xf32, #tpu.memory_space<vmem_shared>>
      %dma_wait3A_52 = arith.constant 0 : i32
      %dma_wait3A_53 = tpu.memref_slice %arg11[%add3A_9, %dma_wait3A_52] : memref<10240x128xf32, #tpu.memory_space<vmem_shared>> -> memref<64x128xf32, #tpu.memory_space<vmem_shared>>
      tpu.wait_dma2 semaphore(%run_scoped3A_45 : memref<!tpu.dma_semaphore, #tpu.memory_space<semaphore_mem>>) src(%arg9 : memref<64x128xf32, #tpu.memory_space<vmem>>) dst(%dma_wait3A_53 : memref<64x128xf32, #tpu.memory_space<vmem_shared>>)
      tpu.yield
    }) : () -> ()
    %add3A_10 = arith.constant 128 : i32
    %add3A_11 = arith.addi %mul3A_0, %add3A_10 : i32
    "tpu.region"() ({
      %run_scoped3A_45 = tpu.sem_alloc : memref<!tpu.dma_semaphore, #tpu.memory_space<semaphore_mem>>
      %dma_start3A_46 = arith.constant 0 : i32
      %dma_start3A_47 = tpu.memref_slice %arg11[%add3A_11, %dma_start3A_46] : memref<10240x128xf32, #tpu.memory_space<vmem_shared>> -> memref<64x128xf32, #tpu.memory_space<vmem_shared>>
      %dma_start3A_48 = arith.constant 0 : i32
      %dma_start3A_49 = tpu.memref_slice %arg11[%add3A_11, %dma_start3A_48] : memref<10240x128xf32, #tpu.memory_space<vmem_shared>> -> memref<64x128xf32, #tpu.memory_space<vmem_shared>>
      tpu.enqueue_dma source(%arg9 : memref<64x128xf32, #tpu.memory_space<vmem>>) target(%dma_start3A_49 : memref<64x128xf32, #tpu.memory_space<vmem_shared>>) target_semaphore(%run_scoped3A_45 : memref<!tpu.dma_semaphore, #tpu.memory_space<semaphore_mem>>)
      %dma_wait3A_50 = arith.constant 0 : i32
      %dma_wait3A_51 = tpu.memref_slice %arg11[%add3A_11, %dma_wait3A_50] : memref<10240x128xf32, #tpu.memory_space<vmem_shared>> -> memref<64x128xf32, #tpu.memory_space<vmem_shared>>
      %dma_wait3A_52 = arith.constant 0 : i32
      %dma_wait3A_53 = tpu.memref_slice %arg11[%add3A_11, %dma_wait3A_52] : memref<10240x128xf32, #tpu.memory_space<vmem_shared>> -> memref<64x128xf32, #tpu.memory_space<vmem_shared>>
      tpu.wait_dma2 semaphore(%run_scoped3A_45 : memref<!tpu.dma_semaphore, #tpu.memory_space<semaphore_mem>>) src(%arg9 : memref<64x128xf32, #tpu.memory_space<vmem>>) dst(%dma_wait3A_53 : memref<64x128xf32, #tpu.memory_space<vmem_shared>>)
      tpu.yield
    }) : () -> ()
    %add3A_12 = arith.constant 192 : i32
    %add3A_13 = arith.addi %mul3A_0, %add3A_12 : i32
    "tpu.region"() ({
      %run_scoped3A_45 = tpu.sem_alloc : memref<!tpu.dma_semaphore, #tpu.memory_space<semaphore_mem>>
      %dma_start3A_46 = arith.constant 0 : i32
      %dma_start3A_47 = tpu.memref_slice %arg11[%add3A_13, %dma_start3A_46] : memref<10240x128xf32, #tpu.memory_space<vmem_shared>> -> memref<64x128xf32, #tpu.memory_space<vmem_shared>>
      %dma_start3A_48 = arith.constant 0 : i32
      %dma_start3A_49 = tpu.memref_slice %arg11[%add3A_13, %dma_start3A_48] : memref<10240x128xf32, #tpu.memory_space<vmem_shared>> -> memref<64x128xf32, #tpu.memory_space<vmem_shared>>
      tpu.enqueue_dma source(%arg9 : memref<64x128xf32, #tpu.memory_space<vmem>>) target(%dma_start3A_49 : memref<64x128xf32, #tpu.memory_space<vmem_shared>>) target_semaphore(%run_scoped3A_45 : memref<!tpu.dma_semaphore, #tpu.memory_space<semaphore_mem>>)
      %dma_wait3A_50 = arith.constant 0 : i32
      %dma_wait3A_51 = tpu.memref_slice %arg11[%add3A_13, %dma_wait3A_50] : memref<10240x128xf32, #tpu.memory_space<vmem_shared>> -> memref<64x128xf32, #tpu.memory_space<vmem_shared>>
      %dma_wait3A_52 = arith.constant 0 : i32
      %dma_wait3A_53 = tpu.memref_slice %arg11[%add3A_13, %dma_wait3A_52] : memref<10240x128xf32, #tpu.memory_space<vmem_shared>> -> memref<64x128xf32, #tpu.memory_space<vmem_shared>>
      tpu.wait_dma2 semaphore(%run_scoped3A_45 : memref<!tpu.dma_semaphore, #tpu.memory_space<semaphore_mem>>) src(%arg9 : memref<64x128xf32, #tpu.memory_space<vmem>>) dst(%dma_wait3A_53 : memref<64x128xf32, #tpu.memory_space<vmem_shared>>)
      tpu.yield
    }) : () -> ()
    %add3A_14 = arith.constant 256 : i32
    %add3A_15 = arith.addi %mul3A_0, %add3A_14 : i32
    "tpu.region"() ({
      %run_scoped3A_45 = tpu.sem_alloc : memref<!tpu.dma_semaphore, #tpu.memory_space<semaphore_mem>>
      %dma_start3A_46 = arith.constant 0 : i32
      %dma_start3A_47 = tpu.memref_slice %arg11[%add3A_15, %dma_start3A_46] : memref<10240x128xf32, #tpu.memory_space<vmem_shared>> -> memref<64x128xf32, #tpu.memory_space<vmem_shared>>
      %dma_start3A_48 = arith.constant 0 : i32
      %dma_start3A_49 = tpu.memref_slice %arg11[%add3A_15, %dma_start3A_48] : memref<10240x128xf32, #tpu.memory_space<vmem_shared>> -> memref<64x128xf32, #tpu.memory_space<vmem_shared>>
      tpu.enqueue_dma source(%arg9 : memref<64x128xf32, #tpu.memory_space<vmem>>) target(%dma_start3A_49 : memref<64x128xf32, #tpu.memory_space<vmem_shared>>) target_semaphore(%run_scoped3A_45 : memref<!tpu.dma_semaphore, #tpu.memory_space<semaphore_mem>>)
      %dma_wait3A_50 = arith.constant 0 : i32
      %dma_wait3A_51 = tpu.memref_slice %arg11[%add3A_15, %dma_wait3A_50] : memref<10240x128xf32, #tpu.memory_space<vmem_shared>> -> memref<64x128xf32, #tpu.memory_space<vmem_shared>>
      %dma_wait3A_52 = arith.constant 0 : i32
      %dma_wait3A_53 = tpu.memref_slice %arg11[%add3A_15, %dma_wait3A_52] : memref<10240x128xf32, #tpu.memory_space<vmem_shared>> -> memref<64x128xf32, #tpu.memory_space<vmem_shared>>
      tpu.wait_dma2 semaphore(%run_scoped3A_45 : memref<!tpu.dma_semaphore, #tpu.memory_space<semaphore_mem>>) src(%arg9 : memref<64x128xf32, #tpu.memory_space<vmem>>) dst(%dma_wait3A_53 : memref<64x128xf32, #tpu.memory_space<vmem_shared>>)
      tpu.yield
    }) : () -> ()
    %add3A_16 = arith.constant 320 : i32
    %add3A_17 = arith.addi %mul3A_0, %add3A_16 : i32
    "tpu.region"() ({
      %run_scoped3A_45 = tpu.sem_alloc : memref<!tpu.dma_semaphore, #tpu.memory_space<semaphore_mem>>
      %dma_start3A_46 = arith.constant 0 : i32
      %dma_start3A_47 = tpu.memref_slice %arg11[%add3A_17, %dma_start3A_46] : memref<10240x128xf32, #tpu.memory_space<vmem_shared>> -> memref<64x128xf32, #tpu.memory_space<vmem_shared>>
      %dma_start3A_48 = arith.constant 0 : i32
      %dma_start3A_49 = tpu.memref_slice %arg11[%add3A_17, %dma_start3A_48] : memref<10240x128xf32, #tpu.memory_space<vmem_shared>> -> memref<64x128xf32, #tpu.memory_space<vmem_shared>>
      tpu.enqueue_dma source(%arg9 : memref<64x128xf32, #tpu.memory_space<vmem>>) target(%dma_start3A_49 : memref<64x128xf32, #tpu.memory_space<vmem_shared>>) target_semaphore(%run_scoped3A_45 : memref<!tpu.dma_semaphore, #tpu.memory_space<semaphore_mem>>)
      %dma_wait3A_50 = arith.constant 0 : i32
      %dma_wait3A_51 = tpu.memref_slice %arg11[%add3A_17, %dma_wait3A_50] : memref<10240x128xf32, #tpu.memory_space<vmem_shared>> -> memref<64x128xf32, #tpu.memory_space<vmem_shared>>
      %dma_wait3A_52 = arith.constant 0 : i32
      %dma_wait3A_53 = tpu.memref_slice %arg11[%add3A_17, %dma_wait3A_52] : memref<10240x128xf32, #tpu.memory_space<vmem_shared>> -> memref<64x128xf32, #tpu.memory_space<vmem_shared>>
      tpu.wait_dma2 semaphore(%run_scoped3A_45 : memref<!tpu.dma_semaphore, #tpu.memory_space<semaphore_mem>>) src(%arg9 : memref<64x128xf32, #tpu.memory_space<vmem>>) dst(%dma_wait3A_53 : memref<64x128xf32, #tpu.memory_space<vmem_shared>>)
      tpu.yield
    }) : () -> ()
    %add3A_18 = arith.constant 384 : i32
    %add3A_19 = arith.addi %mul3A_0, %add3A_18 : i32
    "tpu.region"() ({
      %run_scoped3A_45 = tpu.sem_alloc : memref<!tpu.dma_semaphore, #tpu.memory_space<semaphore_mem>>
      %dma_start3A_46 = arith.constant 0 : i32
      %dma_start3A_47 = tpu.memref_slice %arg11[%add3A_19, %dma_start3A_46] : memref<10240x128xf32, #tpu.memory_space<vmem_shared>> -> memref<64x128xf32, #tpu.memory_space<vmem_shared>>
      %dma_start3A_48 = arith.constant 0 : i32
      %dma_start3A_49 = tpu.memref_slice %arg11[%add3A_19, %dma_start3A_48] : memref<10240x128xf32, #tpu.memory_space<vmem_shared>> -> memref<64x128xf32, #tpu.memory_space<vmem_shared>>
      tpu.enqueue_dma source(%arg9 : memref<64x128xf32, #tpu.memory_space<vmem>>) target(%dma_start3A_49 : memref<64x128xf32, #tpu.memory_space<vmem_shared>>) target_semaphore(%run_scoped3A_45 : memref<!tpu.dma_semaphore, #tpu.memory_space<semaphore_mem>>)
      %dma_wait3A_50 = arith.constant 0 : i32
      %dma_wait3A_51 = tpu.memref_slice %arg11[%add3A_19, %dma_wait3A_50] : memref<10240x128xf32, #tpu.memory_space<vmem_shared>> -> memref<64x128xf32, #tpu.memory_space<vmem_shared>>
      %dma_wait3A_52 = arith.constant 0 : i32
      %dma_wait3A_53 = tpu.memref_slice %arg11[%add3A_19, %dma_wait3A_52] : memref<10240x128xf32, #tpu.memory_space<vmem_shared>> -> memref<64x128xf32, #tpu.memory_space<vmem_shared>>
      tpu.wait_dma2 semaphore(%run_scoped3A_45 : memref<!tpu.dma_semaphore, #tpu.memory_space<semaphore_mem>>) src(%arg9 : memref<64x128xf32, #tpu.memory_space<vmem>>) dst(%dma_wait3A_53 : memref<64x128xf32, #tpu.memory_space<vmem_shared>>)
      tpu.yield
    }) : () -> ()
    %add3A_20 = arith.constant 448 : i32
    %add3A_21 = arith.addi %mul3A_0, %add3A_20 : i32
    "tpu.region"() ({
      %run_scoped3A_45 = tpu.sem_alloc : memref<!tpu.dma_semaphore, #tpu.memory_space<semaphore_mem>>
      %dma_start3A_46 = arith.constant 0 : i32
      %dma_start3A_47 = tpu.memref_slice %arg11[%add3A_21, %dma_start3A_46] : memref<10240x128xf32, #tpu.memory_space<vmem_shared>> -> memref<64x128xf32, #tpu.memory_space<vmem_shared>>
      %dma_start3A_48 = arith.constant 0 : i32
      %dma_start3A_49 = tpu.memref_slice %arg11[%add3A_21, %dma_start3A_48] : memref<10240x128xf32, #tpu.memory_space<vmem_shared>> -> memref<64x128xf32, #tpu.memory_space<vmem_shared>>
      tpu.enqueue_dma source(%arg9 : memref<64x128xf32, #tpu.memory_space<vmem>>) target(%dma_start3A_49 : memref<64x128xf32, #tpu.memory_space<vmem_shared>>) target_semaphore(%run_scoped3A_45 : memref<!tpu.dma_semaphore, #tpu.memory_space<semaphore_mem>>)
      %dma_wait3A_50 = arith.constant 0 : i32
      %dma_wait3A_51 = tpu.memref_slice %arg11[%add3A_21, %dma_wait3A_50] : memref<10240x128xf32, #tpu.memory_space<vmem_shared>> -> memref<64x128xf32, #tpu.memory_space<vmem_shared>>
      %dma_wait3A_52 = arith.constant 0 : i32
      %dma_wait3A_53 = tpu.memref_slice %arg11[%add3A_21, %dma_wait3A_52] : memref<10240x128xf32, #tpu.memory_space<vmem_shared>> -> memref<64x128xf32, #tpu.memory_space<vmem_shared>>
      tpu.wait_dma2 semaphore(%run_scoped3A_45 : memref<!tpu.dma_semaphore, #tpu.memory_space<semaphore_mem>>) src(%arg9 : memref<64x128xf32, #tpu.memory_space<vmem>>) dst(%dma_wait3A_53 : memref<64x128xf32, #tpu.memory_space<vmem_shared>>)
      tpu.yield
    }) : () -> ()
    %add3A_22 = arith.constant 512 : i32
    %add3A_23 = arith.addi %mul3A_0, %add3A_22 : i32
    "tpu.region"() ({
      %run_scoped3A_45 = tpu.sem_alloc : memref<!tpu.dma_semaphore, #tpu.memory_space<semaphore_mem>>
      %dma_start3A_46 = arith.constant 0 : i32
      %dma_start3A_47 = tpu.memref_slice %arg11[%add3A_23, %dma_start3A_46] : memref<10240x128xf32, #tpu.memory_space<vmem_shared>> -> memref<64x128xf32, #tpu.memory_space<vmem_shared>>
      %dma_start3A_48 = arith.constant 0 : i32
      %dma_start3A_49 = tpu.memref_slice %arg11[%add3A_23, %dma_start3A_48] : memref<10240x128xf32, #tpu.memory_space<vmem_shared>> -> memref<64x128xf32, #tpu.memory_space<vmem_shared>>
      tpu.enqueue_dma source(%arg9 : memref<64x128xf32, #tpu.memory_space<vmem>>) target(%dma_start3A_49 : memref<64x128xf32, #tpu.memory_space<vmem_shared>>) target_semaphore(%run_scoped3A_45 : memref<!tpu.dma_semaphore, #tpu.memory_space<semaphore_mem>>)
      %dma_wait3A_50 = arith.constant 0 : i32
      %dma_wait3A_51 = tpu.memref_slice %arg11[%add3A_23, %dma_wait3A_50] : memref<10240x128xf32, #tpu.memory_space<vmem_shared>> -> memref<64x128xf32, #tpu.memory_space<vmem_shared>>
      %dma_wait3A_52 = arith.constant 0 : i32
      %dma_wait3A_53 = tpu.memref_slice %arg11[%add3A_23, %dma_wait3A_52] : memref<10240x128xf32, #tpu.memory_space<vmem_shared>> -> memref<64x128xf32, #tpu.memory_space<vmem_shared>>
      tpu.wait_dma2 semaphore(%run_scoped3A_45 : memref<!tpu.dma_semaphore, #tpu.memory_space<semaphore_mem>>) src(%arg9 : memref<64x128xf32, #tpu.memory_space<vmem>>) dst(%dma_wait3A_53 : memref<64x128xf32, #tpu.memory_space<vmem_shared>>)
      tpu.yield
    }) : () -> ()
    %add3A_24 = arith.constant 576 : i32
    %add3A_25 = arith.addi %mul3A_0, %add3A_24 : i32
    "tpu.region"() ({
      %run_scoped3A_45 = tpu.sem_alloc : memref<!tpu.dma_semaphore, #tpu.memory_space<semaphore_mem>>
      %dma_start3A_46 = arith.constant 0 : i32
      %dma_start3A_47 = tpu.memref_slice %arg11[%add3A_25, %dma_start3A_46] : memref<10240x128xf32, #tpu.memory_space<vmem_shared>> -> memref<64x128xf32, #tpu.memory_space<vmem_shared>>
      %dma_start3A_48 = arith.constant 0 : i32
      %dma_start3A_49 = tpu.memref_slice %arg11[%add3A_25, %dma_start3A_48] : memref<10240x128xf32, #tpu.memory_space<vmem_shared>> -> memref<64x128xf32, #tpu.memory_space<vmem_shared>>
      tpu.enqueue_dma source(%arg9 : memref<64x128xf32, #tpu.memory_space<vmem>>) target(%dma_start3A_49 : memref<64x128xf32, #tpu.memory_space<vmem_shared>>) target_semaphore(%run_scoped3A_45 : memref<!tpu.dma_semaphore, #tpu.memory_space<semaphore_mem>>)
      %dma_wait3A_50 = arith.constant 0 : i32
      %dma_wait3A_51 = tpu.memref_slice %arg11[%add3A_25, %dma_wait3A_50] : memref<10240x128xf32, #tpu.memory_space<vmem_shared>> -> memref<64x128xf32, #tpu.memory_space<vmem_shared>>
      %dma_wait3A_52 = arith.constant 0 : i32
      %dma_wait3A_53 = tpu.memref_slice %arg11[%add3A_25, %dma_wait3A_52] : memref<10240x128xf32, #tpu.memory_space<vmem_shared>> -> memref<64x128xf32, #tpu.memory_space<vmem_shared>>
      tpu.wait_dma2 semaphore(%run_scoped3A_45 : memref<!tpu.dma_semaphore, #tpu.memory_space<semaphore_mem>>) src(%arg9 : memref<64x128xf32, #tpu.memory_space<vmem>>) dst(%dma_wait3A_53 : memref<64x128xf32, #tpu.memory_space<vmem_shared>>)
      tpu.yield
    }) : () -> ()
    "tpu.region"() ({
      %run_scoped3A_45 = tpu.sem_alloc : memref<!tpu.dma_semaphore, #tpu.memory_space<semaphore_mem>>
      %dma_start3A_46 = arith.constant 0 : i32
      %dma_start3A_47 = arith.constant 0 : i32
      %dma_start3A_48 = tpu.memref_slice %arg4[%arg1, %dma_start3A_46, %dma_start3A_47] : memref<16x160x64xi32, #tpu.memory_space<hbm>> -> memref<1x160x64xi32, #tpu.memory_space<hbm>>
      %dma_start3A_49 = tpu.memref_squeeze %dma_start3A_48 : memref<1x160x64xi32, #tpu.memory_space<hbm>> -> memref<160x64xi32, #tpu.memory_space<hbm>>
      %dma_start3A_50 = arith.constant 0 : i32
      %dma_start3A_51 = arith.constant 0 : i32
      %dma_start3A_52 = tpu.memref_slice %arg4[%arg1, %dma_start3A_50, %dma_start3A_51] : memref<16x160x64xi32, #tpu.memory_space<hbm>> -> memref<1x160x64xi32, #tpu.memory_space<hbm>>
      %dma_start3A_53 = tpu.memref_squeeze %dma_start3A_52 : memref<1x160x64xi32, #tpu.memory_space<hbm>> -> memref<160x64xi32, #tpu.memory_space<hbm>>
      tpu.enqueue_dma source(%dma_start3A_53 : memref<160x64xi32, #tpu.memory_space<hbm>>) target(%arg8 : memref<160x64xi32, #tpu.memory_space<vmem>>) target_semaphore(%run_scoped3A_45 : memref<!tpu.dma_semaphore, #tpu.memory_space<semaphore_mem>>)
      %dma_wait3A_54 = arith.constant 0 : i32
      %dma_wait3A_55 = arith.constant 0 : i32
      %dma_wait3A_56 = tpu.memref_slice %arg4[%arg1, %dma_wait3A_54, %dma_wait3A_55] : memref<16x160x64xi32, #tpu.memory_space<hbm>> -> memref<1x160x64xi32, #tpu.memory_space<hbm>>
      %dma_wait3A_57 = tpu.memref_squeeze %dma_wait3A_56 : memref<1x160x64xi32, #tpu.memory_space<hbm>> -> memref<160x64xi32, #tpu.memory_space<hbm>>
      %dma_wait3A_58 = arith.constant 0 : i32
      %dma_wait3A_59 = arith.constant 0 : i32
      %dma_wait3A_60 = tpu.memref_slice %arg4[%arg1, %dma_wait3A_58, %dma_wait3A_59] : memref<16x160x64xi32, #tpu.memory_space<hbm>> -> memref<1x160x64xi32, #tpu.memory_space<hbm>>
      %dma_wait3A_61 = tpu.memref_squeeze %dma_wait3A_60 : memref<1x160x64xi32, #tpu.memory_space<hbm>> -> memref<160x64xi32, #tpu.memory_space<hbm>>
      tpu.wait_dma2 semaphore(%run_scoped3A_45 : memref<!tpu.dma_semaphore, #tpu.memory_space<semaphore_mem>>) src(%dma_wait3A_61 : memref<160x64xi32, #tpu.memory_space<hbm>>) dst(%arg8 : memref<160x64xi32, #tpu.memory_space<vmem>>)
      tpu.yield
    }) : () -> ()
    %barrier3A = arith.constant 0 : index
    tpu.barrier barrier_id(%barrier3A)
    %run_scoped3A = arith.constant 0 : i32
    "tpu.region"() ({
      %run_scoped3A_45 = tpu.sem_alloc : memref<!tpu.dma_semaphore, #tpu.memory_space<semaphore_mem>>
      %dma_start3A_46 = arith.constant 0 : i32
      %dma_start3A_47 = tpu.memref_slice %arg3[%arg0, %arg1, %run_scoped3A, %dma_start3A_46] : memref<2x16x162x64xi32, #tpu.memory_space<hbm>> -> memref<1x1x1x64xi32, #tpu.memory_space<hbm>>
      %dma_start3A_48 = tpu.memref_squeeze %dma_start3A_47 : memref<1x1x1x64xi32, #tpu.memory_space<hbm>> -> memref<64xi32, #tpu.memory_space<hbm>>
      %dma_start3A_49 = arith.constant 0 : i32
      %dma_start3A_50 = tpu.memref_slice %arg3[%arg0, %arg1, %run_scoped3A, %dma_start3A_49] : memref<2x16x162x64xi32, #tpu.memory_space<hbm>> -> memref<1x1x1x64xi32, #tpu.memory_space<hbm>>
      %dma_start3A_51 = tpu.memref_squeeze %dma_start3A_50 : memref<1x1x1x64xi32, #tpu.memory_space<hbm>> -> memref<64xi32, #tpu.memory_space<hbm>>
      tpu.enqueue_dma source(%dma_start3A_51 : memref<64xi32, #tpu.memory_space<hbm>>) target(%arg6 : memref<64xi32, #tpu.memory_space<vmem>>) target_semaphore(%run_scoped3A_45 : memref<!tpu.dma_semaphore, #tpu.memory_space<semaphore_mem>>)
      %dma_wait3A_52 = arith.constant 0 : i32
      %dma_wait3A_53 = tpu.memref_slice %arg3[%arg0, %arg1, %run_scoped3A, %dma_wait3A_52] : memref<2x16x162x64xi32, #tpu.memory_space<hbm>> -> memref<1x1x1x64xi32, #tpu.memory_space<hbm>>
      %dma_wait3A_54 = tpu.memref_squeeze %dma_wait3A_53 : memref<1x1x1x64xi32, #tpu.memory_space<hbm>> -> memref<64xi32, #tpu.memory_space<hbm>>
      %dma_wait3A_55 = arith.constant 0 : i32
      %dma_wait3A_56 = tpu.memref_slice %arg3[%arg0, %arg1, %run_scoped3A, %dma_wait3A_55] : memref<2x16x162x64xi32, #tpu.memory_space<hbm>> -> memref<1x1x1x64xi32, #tpu.memory_space<hbm>>
      %dma_wait3A_57 = tpu.memref_squeeze %dma_wait3A_56 : memref<1x1x1x64xi32, #tpu.memory_space<hbm>> -> memref<64xi32, #tpu.memory_space<hbm>>
      tpu.wait_dma2 semaphore(%run_scoped3A_45 : memref<!tpu.dma_semaphore, #tpu.memory_space<semaphore_mem>>) src(%dma_wait3A_57 : memref<64xi32, #tpu.memory_space<hbm>>) dst(%arg6 : memref<64xi32, #tpu.memory_space<vmem>>)
      tpu.yield
    }) : () -> ()
    %dma_start3A = arith.constant 0 : i32
    %dma_start3A_26 = arith.constant 0 : i32
    %dma_start3A_27 = tpu.memref_slice %arg2[%dma_start3A, %dma_start3A_26] : memref<20480x128xf32, #tpu.memory_space<hbm>> -> memref<20480x128xf32, #tpu.memory_space<hbm>>
    tpu.enqueue_indirect_dma source(%dma_start3A_27 : memref<20480x128xf32, #tpu.memory_space<hbm>>) target(%arg9 : memref<64x128xf32, #tpu.memory_space<vmem>>) offsets(%arg6 : memref<64xi32, #tpu.memory_space<vmem>>) semaphore(%arg12 : memref<!tpu.dma_semaphore, #tpu.memory_space<semaphore_mem>>)
    %run_scoped3A_28 = arith.constant 1 : i32
    "tpu.region"() ({
      %run_scoped3A_45 = tpu.sem_alloc : memref<!tpu.dma_semaphore, #tpu.memory_space<semaphore_mem>>
      %dma_start3A_46 = arith.constant 0 : i32
      %dma_start3A_47 = tpu.memref_slice %arg3[%arg0, %arg1, %run_scoped3A_28, %dma_start3A_46] : memref<2x16x162x64xi32, #tpu.memory_space<hbm>> -> memref<1x1x1x64xi32, #tpu.memory_space<hbm>>
      %dma_start3A_48 = tpu.memref_squeeze %dma_start3A_47 : memref<1x1x1x64xi32, #tpu.memory_space<hbm>> -> memref<64xi32, #tpu.memory_space<hbm>>
      %dma_start3A_49 = arith.constant 0 : i32
      %dma_start3A_50 = tpu.memref_slice %arg3[%arg0, %arg1, %run_scoped3A_28, %dma_start3A_49] : memref<2x16x162x64xi32, #tpu.memory_space<hbm>> -> memref<1x1x1x64xi32, #tpu.memory_space<hbm>>
      %dma_start3A_51 = tpu.memref_squeeze %dma_start3A_50 : memref<1x1x1x64xi32, #tpu.memory_space<hbm>> -> memref<64xi32, #tpu.memory_space<hbm>>
      tpu.enqueue_dma source(%dma_start3A_51 : memref<64xi32, #tpu.memory_space<hbm>>) target(%arg7 : memref<64xi32, #tpu.memory_space<vmem>>) target_semaphore(%run_scoped3A_45 : memref<!tpu.dma_semaphore, #tpu.memory_space<semaphore_mem>>)
      %dma_wait3A_52 = arith.constant 0 : i32
      %dma_wait3A_53 = tpu.memref_slice %arg3[%arg0, %arg1, %run_scoped3A_28, %dma_wait3A_52] : memref<2x16x162x64xi32, #tpu.memory_space<hbm>> -> memref<1x1x1x64xi32, #tpu.memory_space<hbm>>
      %dma_wait3A_54 = tpu.memref_squeeze %dma_wait3A_53 : memref<1x1x1x64xi32, #tpu.memory_space<hbm>> -> memref<64xi32, #tpu.memory_space<hbm>>
      %dma_wait3A_55 = arith.constant 0 : i32
      %dma_wait3A_56 = tpu.memref_slice %arg3[%arg0, %arg1, %run_scoped3A_28, %dma_wait3A_55] : memref<2x16x162x64xi32, #tpu.memory_space<hbm>> -> memref<1x1x1x64xi32, #tpu.memory_space<hbm>>
      %dma_wait3A_57 = tpu.memref_squeeze %dma_wait3A_56 : memref<1x1x1x64xi32, #tpu.memory_space<hbm>> -> memref<64xi32, #tpu.memory_space<hbm>>
      tpu.wait_dma2 semaphore(%run_scoped3A_45 : memref<!tpu.dma_semaphore, #tpu.memory_space<semaphore_mem>>) src(%dma_wait3A_57 : memref<64xi32, #tpu.memory_space<hbm>>) dst(%arg7 : memref<64xi32, #tpu.memory_space<vmem>>)
      tpu.yield
    }) : () -> ()
    %dma_start3A_29 = arith.constant 0 : i32
    %dma_start3A_30 = arith.constant 0 : i32
    %dma_start3A_31 = tpu.memref_slice %arg2[%dma_start3A_29, %dma_start3A_30] : memref<20480x128xf32, #tpu.memory_space<hbm>> -> memref<20480x128xf32, #tpu.memory_space<hbm>>
    tpu.enqueue_indirect_dma source(%dma_start3A_31 : memref<20480x128xf32, #tpu.memory_space<hbm>>) target(%arg10 : memref<64x128xf32, #tpu.memory_space<vmem>>) offsets(%arg7 : memref<64xi32, #tpu.memory_space<vmem>>) semaphore(%arg13 : memref<!tpu.dma_semaphore, #tpu.memory_space<semaphore_mem>>)
    %scan3A_32 = arith.constant 0 : i32
    %scan3A_33 = arith.constant 0 : i32
    %scan3A_34 = arith.constant 80 : i32
    %scan3A_35 = arith.addi %scan3A_33, %scan3A_34 : i32
    %scan3A_36 = arith.constant 1 : i32
    %scan3A_37 = scf.for %scan3A_45 = %scan3A_33 to %scan3A_35 step %scan3A_36 iter_args(%scan3A_46 = %scan3A_32) -> (i32)  : i32 {
      %dma_wait3A_47 = arith.constant 0 : i32
      %dma_wait3A_48 = arith.constant 0 : i32
      %dma_wait3A_49 = tpu.memref_slice %arg2[%dma_wait3A_47, %dma_wait3A_48] : memref<20480x128xf32, #tpu.memory_space<hbm>> -> memref<20480x128xf32, #tpu.memory_space<hbm>>
      tpu.wait_indirect_dma semaphore(%arg12 : memref<!tpu.dma_semaphore, #tpu.memory_space<semaphore_mem>>) src(%dma_wait3A_49 : memref<20480x128xf32, #tpu.memory_space<hbm>>) dst(%arg9 : memref<64x128xf32, #tpu.memory_space<vmem>>)
      %mul3A_50 = arith.constant 2 : i32
      %mul3A_51 = arith.muli %mul3A_50, %scan3A_45 : i32
      %add3A_52 = arith.constant 2 : i32
      %add3A_53 = arith.addi %mul3A_51, %add3A_52 : i32
      %dma_start3A_54 = arith.constant 0 : i32
      %dma_start3A_55 = tpu.memref_slice %arg3[%arg0, %arg1, %add3A_53, %dma_start3A_54] : memref<2x16x162x64xi32, #tpu.memory_space<hbm>> -> memref<1x1x1x64xi32, #tpu.memory_space<hbm>>
      %dma_start3A_56 = tpu.memref_squeeze %dma_start3A_55 : memref<1x1x1x64xi32, #tpu.memory_space<hbm>> -> memref<64xi32, #tpu.memory_space<hbm>>
      %dma_start3A_57 = arith.constant 0 : i32
      %dma_start3A_58 = tpu.memref_slice %arg3[%arg0, %arg1, %add3A_53, %dma_start3A_57] : memref<2x16x162x64xi32, #tpu.memory_space<hbm>> -> memref<1x1x1x64xi32, #tpu.memory_space<hbm>>
      %dma_start3A_59 = tpu.memref_squeeze %dma_start3A_58 : memref<1x1x1x64xi32, #tpu.memory_space<hbm>> -> memref<64xi32, #tpu.memory_space<hbm>>
      tpu.enqueue_dma source(%dma_start3A_59 : memref<64xi32, #tpu.memory_space<hbm>>) target(%arg6 : memref<64xi32, #tpu.memory_space<vmem>>) target_semaphore(%arg14 : memref<!tpu.dma_semaphore, #tpu.memory_space<semaphore_mem>>)
      %mul3A_60 = arith.constant 2 : i32
      %mul3A_61 = arith.muli %mul3A_60, %scan3A_45 : i32
      "tpu.region"() ({
        %run_scoped3A_106 = tpu.sem_alloc : memref<!tpu.dma_semaphore, #tpu.memory_space<semaphore_mem>>
        %dma_start3A_107 = arith.constant 0 : i32
        %dma_start3A_108 = tpu.memref_slice %arg8[%mul3A_61, %dma_start3A_107] : memref<160x64xi32, #tpu.memory_space<vmem>> -> memref<1x64xi32, #tpu.memory_space<vmem>>
        %dma_start3A_109 = tpu.memref_squeeze %dma_start3A_108 : memref<1x64xi32, #tpu.memory_space<vmem>> -> memref<64xi32, #tpu.memory_space<vmem>>
        %dma_start3A_110 = arith.constant 0 : i32
        %dma_start3A_111 = arith.constant 0 : i32
        %dma_start3A_112 = tpu.memref_slice %arg11[%dma_start3A_110, %dma_start3A_111] : memref<10240x128xf32, #tpu.memory_space<vmem_shared>> -> memref<10240x128xf32, #tpu.memory_space<vmem_shared>>
        tpu.enqueue_indirect_dma source(%arg9 : memref<64x128xf32, #tpu.memory_space<vmem>>) target(%dma_start3A_112 : memref<10240x128xf32, #tpu.memory_space<vmem_shared>>) offsets(%dma_start3A_109 : memref<64xi32, #tpu.memory_space<vmem>>) semaphore(%run_scoped3A_106 : memref<!tpu.dma_semaphore, #tpu.memory_space<semaphore_mem>>) {add = true}
        %dma_wait3A_113 = arith.constant 0 : i32
        %dma_wait3A_114 = tpu.memref_slice %arg8[%mul3A_61, %dma_wait3A_113] : memref<160x64xi32, #tpu.memory_space<vmem>> -> memref<1x64xi32, #tpu.memory_space<vmem>>
        %dma_wait3A_115 = tpu.memref_squeeze %dma_wait3A_114 : memref<1x64xi32, #tpu.memory_space<vmem>> -> memref<64xi32, #tpu.memory_space<vmem>>
        %dma_wait3A_116 = arith.constant 0 : i32
        %dma_wait3A_117 = arith.constant 0 : i32
        %dma_wait3A_118 = tpu.memref_slice %arg11[%dma_wait3A_116, %dma_wait3A_117] : memref<10240x128xf32, #tpu.memory_space<vmem_shared>> -> memref<10240x128xf32, #tpu.memory_space<vmem_shared>>
        tpu.wait_indirect_dma semaphore(%run_scoped3A_106 : memref<!tpu.dma_semaphore, #tpu.memory_space<semaphore_mem>>) src(%arg9 : memref<64x128xf32, #tpu.memory_space<vmem>>) dst(%dma_wait3A_118 : memref<10240x128xf32, #tpu.memory_space<vmem_shared>>)
        tpu.yield
      }) : () -> ()
      %mul3A_62 = arith.constant 2 : i32
      %mul3A_63 = arith.muli %mul3A_62, %scan3A_45 : i32
      %add3A_64 = arith.constant 2 : i32
      %add3A_65 = arith.addi %mul3A_63, %add3A_64 : i32
      %dma_wait3A_66 = arith.constant 0 : i32
      %dma_wait3A_67 = tpu.memref_slice %arg3[%arg0, %arg1, %add3A_65, %dma_wait3A_66] : memref<2x16x162x64xi32, #tpu.memory_space<hbm>> -> memref<1x1x1x64xi32, #tpu.memory_space<hbm>>
      %dma_wait3A_68 = tpu.memref_squeeze %dma_wait3A_67 : memref<1x1x1x64xi32, #tpu.memory_space<hbm>> -> memref<64xi32, #tpu.memory_space<hbm>>
      %dma_wait3A_69 = arith.constant 0 : i32
      %dma_wait3A_70 = tpu.memref_slice %arg3[%arg0, %arg1, %add3A_65, %dma_wait3A_69] : memref<2x16x162x64xi32, #tpu.memory_space<hbm>> -> memref<1x1x1x64xi32, #tpu.memory_space<hbm>>
      %dma_wait3A_71 = tpu.memref_squeeze %dma_wait3A_70 : memref<1x1x1x64xi32, #tpu.memory_space<hbm>> -> memref<64xi32, #tpu.memory_space<hbm>>
      tpu.wait_dma2 semaphore(%arg14 : memref<!tpu.dma_semaphore, #tpu.memory_space<semaphore_mem>>) src(%dma_wait3A_71 : memref<64xi32, #tpu.memory_space<hbm>>) dst(%arg6 : memref<64xi32, #tpu.memory_space<vmem>>)
      %dma_start3A_72 = arith.constant 0 : i32
      %dma_start3A_73 = arith.constant 0 : i32
      %dma_start3A_74 = tpu.memref_slice %arg2[%dma_start3A_72, %dma_start3A_73] : memref<20480x128xf32, #tpu.memory_space<hbm>> -> memref<20480x128xf32, #tpu.memory_space<hbm>>
      tpu.enqueue_indirect_dma source(%dma_start3A_74 : memref<20480x128xf32, #tpu.memory_space<hbm>>) target(%arg9 : memref<64x128xf32, #tpu.memory_space<vmem>>) offsets(%arg6 : memref<64xi32, #tpu.memory_space<vmem>>) semaphore(%arg12 : memref<!tpu.dma_semaphore, #tpu.memory_space<semaphore_mem>>)
      %dma_wait3A_75 = arith.constant 0 : i32
      %dma_wait3A_76 = arith.constant 0 : i32
      %dma_wait3A_77 = tpu.memref_slice %arg2[%dma_wait3A_75, %dma_wait3A_76] : memref<20480x128xf32, #tpu.memory_space<hbm>> -> memref<20480x128xf32, #tpu.memory_space<hbm>>
      tpu.wait_indirect_dma semaphore(%arg13 : memref<!tpu.dma_semaphore, #tpu.memory_space<semaphore_mem>>) src(%dma_wait3A_77 : memref<20480x128xf32, #tpu.memory_space<hbm>>) dst(%arg10 : memref<64x128xf32, #tpu.memory_space<vmem>>)
      %mul3A_78 = arith.constant 2 : i32
      %mul3A_79 = arith.muli %mul3A_78, %scan3A_45 : i32
      %add3A_80 = arith.constant 3 : i32
      %add3A_81 = arith.addi %mul3A_79, %add3A_80 : i32
      %dma_start3A_82 = arith.constant 0 : i32
      %dma_start3A_83 = tpu.memref_slice %arg3[%arg0, %arg1, %add3A_81, %dma_start3A_82] : memref<2x16x162x64xi32, #tpu.memory_space<hbm>> -> memref<1x1x1x64xi32, #tpu.memory_space<hbm>>
      %dma_start3A_84 = tpu.memref_squeeze %dma_start3A_83 : memref<1x1x1x64xi32, #tpu.memory_space<hbm>> -> memref<64xi32, #tpu.memory_space<hbm>>
      %dma_start3A_85 = arith.constant 0 : i32
      %dma_start3A_86 = tpu.memref_slice %arg3[%arg0, %arg1, %add3A_81, %dma_start3A_85] : memref<2x16x162x64xi32, #tpu.memory_space<hbm>> -> memref<1x1x1x64xi32, #tpu.memory_space<hbm>>
      %dma_start3A_87 = tpu.memref_squeeze %dma_start3A_86 : memref<1x1x1x64xi32, #tpu.memory_space<hbm>> -> memref<64xi32, #tpu.memory_space<hbm>>
      tpu.enqueue_dma source(%dma_start3A_87 : memref<64xi32, #tpu.memory_space<hbm>>) target(%arg7 : memref<64xi32, #tpu.memory_space<vmem>>) target_semaphore(%arg15 : memref<!tpu.dma_semaphore, #tpu.memory_space<semaphore_mem>>)
      %mul3A_88 = arith.constant 2 : i32
      %mul3A_89 = arith.muli %mul3A_88, %scan3A_45 : i32
      %add3A_90 = arith.constant 1 : i32
      %add3A_91 = arith.addi %mul3A_89, %add3A_90 : i32
      "tpu.region"() ({
        %run_scoped3A_106 = tpu.sem_alloc : memref<!tpu.dma_semaphore, #tpu.memory_space<semaphore_mem>>
        %dma_start3A_107 = arith.constant 0 : i32
        %dma_start3A_108 = tpu.memref_slice %arg8[%add3A_91, %dma_start3A_107] : memref<160x64xi32, #tpu.memory_space<vmem>> -> memref<1x64xi32, #tpu.memory_space<vmem>>
        %dma_start3A_109 = tpu.memref_squeeze %dma_start3A_108 : memref<1x64xi32, #tpu.memory_space<vmem>> -> memref<64xi32, #tpu.memory_space<vmem>>
        %dma_start3A_110 = arith.constant 0 : i32
        %dma_start3A_111 = arith.constant 0 : i32
        %dma_start3A_112 = tpu.memref_slice %arg11[%dma_start3A_110, %dma_start3A_111] : memref<10240x128xf32, #tpu.memory_space<vmem_shared>> -> memref<10240x128xf32, #tpu.memory_space<vmem_shared>>
        tpu.enqueue_indirect_dma source(%arg10 : memref<64x128xf32, #tpu.memory_space<vmem>>) target(%dma_start3A_112 : memref<10240x128xf32, #tpu.memory_space<vmem_shared>>) offsets(%dma_start3A_109 : memref<64xi32, #tpu.memory_space<vmem>>) semaphore(%run_scoped3A_106 : memref<!tpu.dma_semaphore, #tpu.memory_space<semaphore_mem>>) {add = true}
        %dma_wait3A_113 = arith.constant 0 : i32
        %dma_wait3A_114 = tpu.memref_slice %arg8[%add3A_91, %dma_wait3A_113] : memref<160x64xi32, #tpu.memory_space<vmem>> -> memref<1x64xi32, #tpu.memory_space<vmem>>
        %dma_wait3A_115 = tpu.memref_squeeze %dma_wait3A_114 : memref<1x64xi32, #tpu.memory_space<vmem>> -> memref<64xi32, #tpu.memory_space<vmem>>
        %dma_wait3A_116 = arith.constant 0 : i32
        %dma_wait3A_117 = arith.constant 0 : i32
        %dma_wait3A_118 = tpu.memref_slice %arg11[%dma_wait3A_116, %dma_wait3A_117] : memref<10240x128xf32, #tpu.memory_space<vmem_shared>> -> memref<10240x128xf32, #tpu.memory_space<vmem_shared>>
        tpu.wait_indirect_dma semaphore(%run_scoped3A_106 : memref<!tpu.dma_semaphore, #tpu.memory_space<semaphore_mem>>) src(%arg10 : memref<64x128xf32, #tpu.memory_space<vmem>>) dst(%dma_wait3A_118 : memref<10240x128xf32, #tpu.memory_space<vmem_shared>>)
        tpu.yield
      }) : () -> ()
      %mul3A_92 = arith.constant 2 : i32
      %mul3A_93 = arith.muli %mul3A_92, %scan3A_45 : i32
      %add3A_94 = arith.constant 3 : i32
      %add3A_95 = arith.addi %mul3A_93, %add3A_94 : i32
      %dma_wait3A_96 = arith.constant 0 : i32
      %dma_wait3A_97 = tpu.memref_slice %arg3[%arg0, %arg1, %add3A_95, %dma_wait3A_96] : memref<2x16x162x64xi32, #tpu.memory_space<hbm>> -> memref<1x1x1x64xi32, #tpu.memory_space<hbm>>
      %dma_wait3A_98 = tpu.memref_squeeze %dma_wait3A_97 : memref<1x1x1x64xi32, #tpu.memory_space<hbm>> -> memref<64xi32, #tpu.memory_space<hbm>>
      %dma_wait3A_99 = arith.constant 0 : i32
      %dma_wait3A_100 = tpu.memref_slice %arg3[%arg0, %arg1, %add3A_95, %dma_wait3A_99] : memref<2x16x162x64xi32, #tpu.memory_space<hbm>> -> memref<1x1x1x64xi32, #tpu.memory_space<hbm>>
      %dma_wait3A_101 = tpu.memref_squeeze %dma_wait3A_100 : memref<1x1x1x64xi32, #tpu.memory_space<hbm>> -> memref<64xi32, #tpu.memory_space<hbm>>
      tpu.wait_dma2 semaphore(%arg15 : memref<!tpu.dma_semaphore, #tpu.memory_space<semaphore_mem>>) src(%dma_wait3A_101 : memref<64xi32, #tpu.memory_space<hbm>>) dst(%arg7 : memref<64xi32, #tpu.memory_space<vmem>>)
      %dma_start3A_102 = arith.constant 0 : i32
      %dma_start3A_103 = arith.constant 0 : i32
      %dma_start3A_104 = tpu.memref_slice %arg2[%dma_start3A_102, %dma_start3A_103] : memref<20480x128xf32, #tpu.memory_space<hbm>> -> memref<20480x128xf32, #tpu.memory_space<hbm>>
      tpu.enqueue_indirect_dma source(%dma_start3A_104 : memref<20480x128xf32, #tpu.memory_space<hbm>>) target(%arg10 : memref<64x128xf32, #tpu.memory_space<vmem>>) offsets(%arg7 : memref<64xi32, #tpu.memory_space<vmem>>) semaphore(%arg13 : memref<!tpu.dma_semaphore, #tpu.memory_space<semaphore_mem>>)
      %scan3A_105 = arith.constant 0 : i32
      scf.yield %scan3A_105 : i32
    }
    %scan3A_38 = arith.constant 80 : i32
    %dma_wait3A = arith.constant 0 : i32
    %dma_wait3A_39 = arith.constant 0 : i32
    %dma_wait3A_40 = tpu.memref_slice %arg2[%dma_wait3A, %dma_wait3A_39] : memref<20480x128xf32, #tpu.memory_space<hbm>> -> memref<20480x128xf32, #tpu.memory_space<hbm>>
    tpu.wait_indirect_dma semaphore(%arg12 : memref<!tpu.dma_semaphore, #tpu.memory_space<semaphore_mem>>) src(%dma_wait3A_40 : memref<20480x128xf32, #tpu.memory_space<hbm>>) dst(%arg9 : memref<64x128xf32, #tpu.memory_space<vmem>>)
    %dma_wait3A_41 = arith.constant 0 : i32
    %dma_wait3A_42 = arith.constant 0 : i32
    %dma_wait3A_43 = tpu.memref_slice %arg2[%dma_wait3A_41, %dma_wait3A_42] : memref<20480x128xf32, #tpu.memory_space<hbm>> -> memref<20480x128xf32, #tpu.memory_space<hbm>>
    tpu.wait_indirect_dma semaphore(%arg13 : memref<!tpu.dma_semaphore, #tpu.memory_space<semaphore_mem>>) src(%dma_wait3A_43 : memref<20480x128xf32, #tpu.memory_space<hbm>>) dst(%arg10 : memref<64x128xf32, #tpu.memory_space<vmem>>)
    %barrier3A_44 = arith.constant 0 : index
    tpu.barrier barrier_id(%barrier3A_44)
    "tpu.region"() ({
      %run_scoped3A_45 = tpu.sem_alloc : memref<!tpu.dma_semaphore, #tpu.memory_space<semaphore_mem>>
      %dma_start3A_46 = arith.constant 0 : i32
      %dma_start3A_47 = tpu.memref_slice %arg5[%arg0, %mul3A_0, %dma_start3A_46] : memref<2x10240x128xf32, #tpu.memory_space<hbm>> -> memref<1x640x128xf32, #tpu.memory_space<hbm>>
      %dma_start3A_48 = tpu.memref_squeeze %dma_start3A_47 : memref<1x640x128xf32, #tpu.memory_space<hbm>> -> memref<640x128xf32, #tpu.memory_space<hbm>>
      %dma_start3A_49 = arith.constant 0 : i32
      %dma_start3A_50 = tpu.memref_slice %arg11[%mul3A_0, %dma_start3A_49] : memref<10240x128xf32, #tpu.memory_space<vmem_shared>> -> memref<640x128xf32, #tpu.memory_space<vmem_shared>>
      tpu.enqueue_dma source(%dma_start3A_50 : memref<640x128xf32, #tpu.memory_space<vmem_shared>>) target(%dma_start3A_48 : memref<640x128xf32, #tpu.memory_space<hbm>>) target_semaphore(%run_scoped3A_45 : memref<!tpu.dma_semaphore, #tpu.memory_space<semaphore_mem>>)
      %dma_wait3A_51 = arith.constant 0 : i32
      %dma_wait3A_52 = tpu.memref_slice %arg5[%arg0, %mul3A_0, %dma_wait3A_51] : memref<2x10240x128xf32, #tpu.memory_space<hbm>> -> memref<1x640x128xf32, #tpu.memory_space<hbm>>
      %dma_wait3A_53 = tpu.memref_squeeze %dma_wait3A_52 : memref<1x640x128xf32, #tpu.memory_space<hbm>> -> memref<640x128xf32, #tpu.memory_space<hbm>>
      %dma_wait3A_54 = arith.constant 0 : i32
      %dma_wait3A_55 = tpu.memref_slice %arg11[%mul3A_0, %dma_wait3A_54] : memref<10240x128xf32, #tpu.memory_space<vmem_shared>> -> memref<640x128xf32, #tpu.memory_space<vmem_shared>>
      tpu.wait_dma2 semaphore(%run_scoped3A_45 : memref<!tpu.dma_semaphore, #tpu.memory_space<semaphore_mem>>) src(%dma_wait3A_55 : memref<640x128xf32, #tpu.memory_space<vmem_shared>>) dst(%dma_wait3A_53 : memref<640x128xf32, #tpu.memory_space<hbm>>)
      tpu.yield
    }) : () -> ()
    return
  }
}

#map = affine_map<(d0, d1) -> (0, 0)>
#map1 = affine_map<(d0, d1) -> (0, 0, 0, 0)>
#map2 = affine_map<(d0, d1) -> (0, 0, 0)>
module attributes {stable_mosaic.version = 14 : i64} {
  func.func @_conv_body(%arg0: i32, %arg1: i32, %arg2: memref<20480x128xf32, #tpu.memory_space<hbm>>, %arg3: memref<2x16x162x64xi32, #tpu.memory_space<hbm>>, %arg4: memref<16x160x64xi32, #tpu.memory_space<hbm>>, %arg5: memref<2x10240x128xf32, #tpu.memory_space<hbm>>, %arg6: memref<64xi32, #tpu.memory_space<vmem>>, %arg7: memref<64xi32, #tpu.memory_space<vmem>>, %arg8: memref<160x64xi32, #tpu.memory_space<vmem>>, %arg9: memref<64x128xf32, #tpu.memory_space<vmem>>, %arg10: memref<64x128xf32, #tpu.memory_space<vmem>>, %arg11: memref<10240x128xf32, #tpu.memory_space<vmem_shared>>, %arg12: memref<!tpu.dma_semaphore, #tpu.memory_space<semaphore_mem>>, %arg13: memref<!tpu.dma_semaphore, #tpu.memory_space<semaphore_mem>>, %arg14: memref<!tpu.dma_semaphore, #tpu.memory_space<semaphore_mem>>, %arg15: memref<!tpu.dma_semaphore, #tpu.memory_space<semaphore_mem>>) attributes {dimension_semantics = [#tpu.dimension_semantics<core_parallel>, #tpu.dimension_semantics<subcore_parallel>], iteration_bounds = array<i64: 2, 16>, scalar_prefetch = 0 : i64, scratch_operands = 10 : i64, tpu.core_type = #tpu.core_type<sc_vector_subcore>, window_params = [{transform_indices = #map}, {transform_indices = #map1}, {transform_indices = #map2}, {transform_indices = #map2}]} {
    %mul3A = arith.constant 640 : i32
    %mul3A_0 = arith.muli %arg1, %mul3A : i32
    %scan3A = arith.constant 0 : i32
    %scan3A_1 = arith.constant 0 : i32
    %scan3A_2 = arith.constant 64 : i32
    %scan3A_3 = arith.addi %scan3A_1, %scan3A_2 : i32
    %scan3A_4 = arith.constant 1 : i32
    %scan3A_5 = scf.for %scan3A_45 = %scan3A_1 to %scan3A_3 step %scan3A_4 iter_args(%scan3A_46 = %scan3A) -> (i32)  : i32 {
      %broadcast_in_dim3A = arith.constant 0.000000e+00 : f32
      %broadcast_in_dim3A_47 = vector.broadcast %broadcast_in_dim3A : f32 to vector<16xf32>
      %swap3A = arith.index_cast %scan3A_45 : i32 to index
      %swap3A_48 = arith.constant 0 : index
      %swap3A_49 = tpu.vector_load %arg9[%swap3A, %swap3A_48] {strides = array<i32>} : memref<64x128xf32, #tpu.memory_space<vmem>>, vector<1x16xf32>,
      %swap3A_50 = vector.shape_cast %swap3A_49 : vector<1x16xf32> to vector<16xf32>
      %swap3A_51 = vector.shape_cast %broadcast_in_dim3A_47 : vector<16xf32> to vector<1x16xf32>
      tpu.vector_store %arg9[%swap3A, %swap3A_48], %swap3A_51 {strides = array<i32>} : memref<64x128xf32, #tpu.memory_space<vmem>>, vector<1x16xf32>,
      %broadcast_in_dim3A_52 = arith.constant 0.000000e+00 : f32
      %broadcast_in_dim3A_53 = vector.broadcast %broadcast_in_dim3A_52 : f32 to vector<16xf32>
      %swap3A_54 = arith.index_cast %scan3A_45 : i32 to index
      %swap3A_55 = arith.constant 16 : index
      %swap3A_56 = tpu.vector_load %arg9[%swap3A_54, %swap3A_55] {strides = array<i32>} : memref<64x128xf32, #tpu.memory_space<vmem>>, vector<1x16xf32>,
      %swap3A_57 = vector.shape_cast %swap3A_56 : vector<1x16xf32> to vector<16xf32>
      %swap3A_58 = vector.shape_cast %broadcast_in_dim3A_53 : vector<16xf32> to vector<1x16xf32>
      tpu.vector_store %arg9[%swap3A_54, %swap3A_55], %swap3A_58 {strides = array<i32>} : memref<64x128xf32, #tpu.memory_space<vmem>>, vector<1x16xf32>,
      %broadcast_in_dim3A_59 = arith.constant 0.000000e+00 : f32
      %broadcast_in_dim3A_60 = vector.broadcast %broadcast_in_dim3A_59 : f32 to vector<16xf32>
      %swap3A_61 = arith.index_cast %scan3A_45 : i32 to index
      %swap3A_62 = arith.constant 32 : index
      %swap3A_63 = tpu.vector_load %arg9[%swap3A_61, %swap3A_62] {strides = array<i32>} : memref<64x128xf32, #tpu.memory_space<vmem>>, vector<1x16xf32>,
      %swap3A_64 = vector.shape_cast %swap3A_63 : vector<1x16xf32> to vector<16xf32>
      %swap3A_65 = vector.shape_cast %broadcast_in_dim3A_60 : vector<16xf32> to vector<1x16xf32>
      tpu.vector_store %arg9[%swap3A_61, %swap3A_62], %swap3A_65 {strides = array<i32>} : memref<64x128xf32, #tpu.memory_space<vmem>>, vector<1x16xf32>,
      %broadcast_in_dim3A_66 = arith.constant 0.000000e+00 : f32
      %broadcast_in_dim3A_67 = vector.broadcast %broadcast_in_dim3A_66 : f32 to vector<16xf32>
      %swap3A_68 = arith.index_cast %scan3A_45 : i32 to index
      %swap3A_69 = arith.constant 48 : index
      %swap3A_70 = tpu.vector_load %arg9[%swap3A_68, %swap3A_69] {strides = array<i32>} : memref<64x128xf32, #tpu.memory_space<vmem>>, vector<1x16xf32>,
      %swap3A_71 = vector.shape_cast %swap3A_70 : vector<1x16xf32> to vector<16xf32>
      %swap3A_72 = vector.shape_cast %broadcast_in_dim3A_67 : vector<16xf32> to vector<1x16xf32>
      tpu.vector_store %arg9[%swap3A_68, %swap3A_69], %swap3A_72 {strides = array<i32>} : memref<64x128xf32, #tpu.memory_space<vmem>>, vector<1x16xf32>,
      %broadcast_in_dim3A_73 = arith.constant 0.000000e+00 : f32
      %broadcast_in_dim3A_74 = vector.broadcast %broadcast_in_dim3A_73 : f32 to vector<16xf32>
      %swap3A_75 = arith.index_cast %scan3A_45 : i32 to index
      %swap3A_76 = arith.constant 64 : index
      %swap3A_77 = tpu.vector_load %arg9[%swap3A_75, %swap3A_76] {strides = array<i32>} : memref<64x128xf32, #tpu.memory_space<vmem>>, vector<1x16xf32>,
      %swap3A_78 = vector.shape_cast %swap3A_77 : vector<1x16xf32> to vector<16xf32>
      %swap3A_79 = vector.shape_cast %broadcast_in_dim3A_74 : vector<16xf32> to vector<1x16xf32>
      tpu.vector_store %arg9[%swap3A_75, %swap3A_76], %swap3A_79 {strides = array<i32>} : memref<64x128xf32, #tpu.memory_space<vmem>>, vector<1x16xf32>,
      %broadcast_in_dim3A_80 = arith.constant 0.000000e+00 : f32
      %broadcast_in_dim3A_81 = vector.broadcast %broadcast_in_dim3A_80 : f32 to vector<16xf32>
      %swap3A_82 = arith.index_cast %scan3A_45 : i32 to index
      %swap3A_83 = arith.constant 80 : index
      %swap3A_84 = tpu.vector_load %arg9[%swap3A_82, %swap3A_83] {strides = array<i32>} : memref<64x128xf32, #tpu.memory_space<vmem>>, vector<1x16xf32>,
      %swap3A_85 = vector.shape_cast %swap3A_84 : vector<1x16xf32> to vector<16xf32>
      %swap3A_86 = vector.shape_cast %broadcast_in_dim3A_81 : vector<16xf32> to vector<1x16xf32>
      tpu.vector_store %arg9[%swap3A_82, %swap3A_83], %swap3A_86 {strides = array<i32>} : memref<64x128xf32, #tpu.memory_space<vmem>>, vector<1x16xf32>,
      %broadcast_in_dim3A_87 = arith.constant 0.000000e+00 : f32
      %broadcast_in_dim3A_88 = vector.broadcast %broadcast_in_dim3A_87 : f32 to vector<16xf32>
      %swap3A_89 = arith.index_cast %scan3A_45 : i32 to index
      %swap3A_90 = arith.constant 96 : index
      %swap3A_91 = tpu.vector_load %arg9[%swap3A_89, %swap3A_90] {strides = array<i32>} : memref<64x128xf32, #tpu.memory_space<vmem>>, vector<1x16xf32>,
      %swap3A_92 = vector.shape_cast %swap3A_91 : vector<1x16xf32> to vector<16xf32>
      %swap3A_93 = vector.shape_cast %broadcast_in_dim3A_88 : vector<16xf32> to vector<1x16xf32>
      tpu.vector_store %arg9[%swap3A_89, %swap3A_90], %swap3A_93 {strides = array<i32>} : memref<64x128xf32, #tpu.memory_space<vmem>>, vector<1x16xf32>,
      %broadcast_in_dim3A_94 = arith.constant 0.000000e+00 : f32
      %broadcast_in_dim3A_95 = vector.broadcast %broadcast_in_dim3A_94 : f32 to vector<16xf32>
      %swap3A_96 = arith.index_cast %scan3A_45 : i32 to index
      %swap3A_97 = arith.constant 112 : index
      %swap3A_98 = tpu.vector_load %arg9[%swap3A_96, %swap3A_97] {strides = array<i32>} : memref<64x128xf32, #tpu.memory_space<vmem>>, vector<1x16xf32>,
      %swap3A_99 = vector.shape_cast %swap3A_98 : vector<1x16xf32> to vector<16xf32>
      %swap3A_100 = vector.shape_cast %broadcast_in_dim3A_95 : vector<16xf32> to vector<1x16xf32>
      tpu.vector_store %arg9[%swap3A_96, %swap3A_97], %swap3A_100 {strides = array<i32>} : memref<64x128xf32, #tpu.memory_space<vmem>>, vector<1x16xf32>,
      %scan3A_101 = arith.constant 0 : i32
      scf.yield %scan3A_101 : i32
    }
    %scan3A_6 = arith.constant 64 : i32
    %add3A = arith.constant 0 : i32
    %add3A_7 = arith.addi %mul3A_0, %add3A : i32
    "tpu.region"() ({
      %run_scoped3A_45 = tpu.sem_alloc : memref<!tpu.dma_semaphore, #tpu.memory_space<semaphore_mem>>
      %dma_start3A_46 = arith.constant 0 : i32
      %dma_start3A_47 = tpu.memref_slice %arg11[%add3A_7, %dma_start3A_46] : memref<10240x128xf32, #tpu.memory_space<vmem_shared>> -> memref<64x128xf32, #tpu.memory_space<vmem_shared>>
      %dma_start3A_48 = arith.constant 0 : i32
      %dma_start3A_49 = tpu.memref_slice %arg11[%add3A_7, %dma_start3A_48] : memref<10240x128xf32, #tpu.memory_space<vmem_shared>> -> memref<64x128xf32, #tpu.memory_space<vmem_shared>>
      tpu.enqueue_dma source(%arg9 : memref<64x128xf32, #tpu.memory_space<vmem>>) target(%dma_start3A_49 : memref<64x128xf32, #tpu.memory_space<vmem_shared>>) target_semaphore(%run_scoped3A_45 : memref<!tpu.dma_semaphore, #tpu.memory_space<semaphore_mem>>)
      %dma_wait3A_50 = arith.constant 0 : i32
      %dma_wait3A_51 = tpu.memref_slice %arg11[%add3A_7, %dma_wait3A_50] : memref<10240x128xf32, #tpu.memory_space<vmem_shared>> -> memref<64x128xf32, #tpu.memory_space<vmem_shared>>
      %dma_wait3A_52 = arith.constant 0 : i32
      %dma_wait3A_53 = tpu.memref_slice %arg11[%add3A_7, %dma_wait3A_52] : memref<10240x128xf32, #tpu.memory_space<vmem_shared>> -> memref<64x128xf32, #tpu.memory_space<vmem_shared>>
      tpu.wait_dma2 semaphore(%run_scoped3A_45 : memref<!tpu.dma_semaphore, #tpu.memory_space<semaphore_mem>>) src(%arg9 : memref<64x128xf32, #tpu.memory_space<vmem>>) dst(%dma_wait3A_53 : memref<64x128xf32, #tpu.memory_space<vmem_shared>>)
      tpu.yield
    }) : () -> ()
    %add3A_8 = arith.constant 64 : i32
    %add3A_9 = arith.addi %mul3A_0, %add3A_8 : i32
    "tpu.region"() ({
      %run_scoped3A_45 = tpu.sem_alloc : memref<!tpu.dma_semaphore, #tpu.memory_space<semaphore_mem>>
      %dma_start3A_46 = arith.constant 0 : i32
      %dma_start3A_47 = tpu.memref_slice %arg11[%add3A_9, %dma_start3A_46] : memref<10240x128xf32, #tpu.memory_space<vmem_shared>> -> memref<64x128xf32, #tpu.memory_space<vmem_shared>>
      %dma_start3A_48 = arith.constant 0 : i32
      %dma_start3A_49 = tpu.memref_slice %arg11[%add3A_9, %dma_start3A_48] : memref<10240x128xf32, #tpu.memory_space<vmem_shared>> -> memref<64x128xf32, #tpu.memory_space<vmem_shared>>
      tpu.enqueue_dma source(%arg9 : memref<64x128xf32, #tpu.memory_space<vmem>>) target(%dma_start3A_49 : memref<64x128xf32, #tpu.memory_space<vmem_shared>>) target_semaphore(%run_scoped3A_45 : memref<!tpu.dma_semaphore, #tpu.memory_space<semaphore_mem>>)
      %dma_wait3A_50 = arith.constant 0 : i32
      %dma_wait3A_51 = tpu.memref_slice %arg11[%add3A_9, %dma_wait3A_50] : memref<10240x128xf32, #tpu.memory_space<vmem_shared>> -> memref<64x128xf32, #tpu.memory_space<vmem_shared>>
      %dma_wait3A_52 = arith.constant 0 : i32
      %dma_wait3A_53 = tpu.memref_slice %arg11[%add3A_9, %dma_wait3A_52] : memref<10240x128xf32, #tpu.memory_space<vmem_shared>> -> memref<64x128xf32, #tpu.memory_space<vmem_shared>>
      tpu.wait_dma2 semaphore(%run_scoped3A_45 : memref<!tpu.dma_semaphore, #tpu.memory_space<semaphore_mem>>) src(%arg9 : memref<64x128xf32, #tpu.memory_space<vmem>>) dst(%dma_wait3A_53 : memref<64x128xf32, #tpu.memory_space<vmem_shared>>)
      tpu.yield
    }) : () -> ()
    %add3A_10 = arith.constant 128 : i32
    %add3A_11 = arith.addi %mul3A_0, %add3A_10 : i32
    "tpu.region"() ({
      %run_scoped3A_45 = tpu.sem_alloc : memref<!tpu.dma_semaphore, #tpu.memory_space<semaphore_mem>>
      %dma_start3A_46 = arith.constant 0 : i32
      %dma_start3A_47 = tpu.memref_slice %arg11[%add3A_11, %dma_start3A_46] : memref<10240x128xf32, #tpu.memory_space<vmem_shared>> -> memref<64x128xf32, #tpu.memory_space<vmem_shared>>
      %dma_start3A_48 = arith.constant 0 : i32
      %dma_start3A_49 = tpu.memref_slice %arg11[%add3A_11, %dma_start3A_48] : memref<10240x128xf32, #tpu.memory_space<vmem_shared>> -> memref<64x128xf32, #tpu.memory_space<vmem_shared>>
      tpu.enqueue_dma source(%arg9 : memref<64x128xf32, #tpu.memory_space<vmem>>) target(%dma_start3A_49 : memref<64x128xf32, #tpu.memory_space<vmem_shared>>) target_semaphore(%run_scoped3A_45 : memref<!tpu.dma_semaphore, #tpu.memory_space<semaphore_mem>>)
      %dma_wait3A_50 = arith.constant 0 : i32
      %dma_wait3A_51 = tpu.memref_slice %arg11[%add3A_11, %dma_wait3A_50] : memref<10240x128xf32, #tpu.memory_space<vmem_shared>> -> memref<64x128xf32, #tpu.memory_space<vmem_shared>>
      %dma_wait3A_52 = arith.constant 0 : i32
      %dma_wait3A_53 = tpu.memref_slice %arg11[%add3A_11, %dma_wait3A_52] : memref<10240x128xf32, #tpu.memory_space<vmem_shared>> -> memref<64x128xf32, #tpu.memory_space<vmem_shared>>
      tpu.wait_dma2 semaphore(%run_scoped3A_45 : memref<!tpu.dma_semaphore, #tpu.memory_space<semaphore_mem>>) src(%arg9 : memref<64x128xf32, #tpu.memory_space<vmem>>) dst(%dma_wait3A_53 : memref<64x128xf32, #tpu.memory_space<vmem_shared>>)
      tpu.yield
    }) : () -> ()
    %add3A_12 = arith.constant 192 : i32
    %add3A_13 = arith.addi %mul3A_0, %add3A_12 : i32
    "tpu.region"() ({
      %run_scoped3A_45 = tpu.sem_alloc : memref<!tpu.dma_semaphore, #tpu.memory_space<semaphore_mem>>
      %dma_start3A_46 = arith.constant 0 : i32
      %dma_start3A_47 = tpu.memref_slice %arg11[%add3A_13, %dma_start3A_46] : memref<10240x128xf32, #tpu.memory_space<vmem_shared>> -> memref<64x128xf32, #tpu.memory_space<vmem_shared>>
      %dma_start3A_48 = arith.constant 0 : i32
      %dma_start3A_49 = tpu.memref_slice %arg11[%add3A_13, %dma_start3A_48] : memref<10240x128xf32, #tpu.memory_space<vmem_shared>> -> memref<64x128xf32, #tpu.memory_space<vmem_shared>>
      tpu.enqueue_dma source(%arg9 : memref<64x128xf32, #tpu.memory_space<vmem>>) target(%dma_start3A_49 : memref<64x128xf32, #tpu.memory_space<vmem_shared>>) target_semaphore(%run_scoped3A_45 : memref<!tpu.dma_semaphore, #tpu.memory_space<semaphore_mem>>)
      %dma_wait3A_50 = arith.constant 0 : i32
      %dma_wait3A_51 = tpu.memref_slice %arg11[%add3A_13, %dma_wait3A_50] : memref<10240x128xf32, #tpu.memory_space<vmem_shared>> -> memref<64x128xf32, #tpu.memory_space<vmem_shared>>
      %dma_wait3A_52 = arith.constant 0 : i32
      %dma_wait3A_53 = tpu.memref_slice %arg11[%add3A_13, %dma_wait3A_52] : memref<10240x128xf32, #tpu.memory_space<vmem_shared>> -> memref<64x128xf32, #tpu.memory_space<vmem_shared>>
      tpu.wait_dma2 semaphore(%run_scoped3A_45 : memref<!tpu.dma_semaphore, #tpu.memory_space<semaphore_mem>>) src(%arg9 : memref<64x128xf32, #tpu.memory_space<vmem>>) dst(%dma_wait3A_53 : memref<64x128xf32, #tpu.memory_space<vmem_shared>>)
      tpu.yield
    }) : () -> ()
    %add3A_14 = arith.constant 256 : i32
    %add3A_15 = arith.addi %mul3A_0, %add3A_14 : i32
    "tpu.region"() ({
      %run_scoped3A_45 = tpu.sem_alloc : memref<!tpu.dma_semaphore, #tpu.memory_space<semaphore_mem>>
      %dma_start3A_46 = arith.constant 0 : i32
      %dma_start3A_47 = tpu.memref_slice %arg11[%add3A_15, %dma_start3A_46] : memref<10240x128xf32, #tpu.memory_space<vmem_shared>> -> memref<64x128xf32, #tpu.memory_space<vmem_shared>>
      %dma_start3A_48 = arith.constant 0 : i32
      %dma_start3A_49 = tpu.memref_slice %arg11[%add3A_15, %dma_start3A_48] : memref<10240x128xf32, #tpu.memory_space<vmem_shared>> -> memref<64x128xf32, #tpu.memory_space<vmem_shared>>
      tpu.enqueue_dma source(%arg9 : memref<64x128xf32, #tpu.memory_space<vmem>>) target(%dma_start3A_49 : memref<64x128xf32, #tpu.memory_space<vmem_shared>>) target_semaphore(%run_scoped3A_45 : memref<!tpu.dma_semaphore, #tpu.memory_space<semaphore_mem>>)
      %dma_wait3A_50 = arith.constant 0 : i32
      %dma_wait3A_51 = tpu.memref_slice %arg11[%add3A_15, %dma_wait3A_50] : memref<10240x128xf32, #tpu.memory_space<vmem_shared>> -> memref<64x128xf32, #tpu.memory_space<vmem_shared>>
      %dma_wait3A_52 = arith.constant 0 : i32
      %dma_wait3A_53 = tpu.memref_slice %arg11[%add3A_15, %dma_wait3A_52] : memref<10240x128xf32, #tpu.memory_space<vmem_shared>> -> memref<64x128xf32, #tpu.memory_space<vmem_shared>>
      tpu.wait_dma2 semaphore(%run_scoped3A_45 : memref<!tpu.dma_semaphore, #tpu.memory_space<semaphore_mem>>) src(%arg9 : memref<64x128xf32, #tpu.memory_space<vmem>>) dst(%dma_wait3A_53 : memref<64x128xf32, #tpu.memory_space<vmem_shared>>)
      tpu.yield
    }) : () -> ()
    %add3A_16 = arith.constant 320 : i32
    %add3A_17 = arith.addi %mul3A_0, %add3A_16 : i32
    "tpu.region"() ({
      %run_scoped3A_45 = tpu.sem_alloc : memref<!tpu.dma_semaphore, #tpu.memory_space<semaphore_mem>>
      %dma_start3A_46 = arith.constant 0 : i32
      %dma_start3A_47 = tpu.memref_slice %arg11[%add3A_17, %dma_start3A_46] : memref<10240x128xf32, #tpu.memory_space<vmem_shared>> -> memref<64x128xf32, #tpu.memory_space<vmem_shared>>
      %dma_start3A_48 = arith.constant 0 : i32
      %dma_start3A_49 = tpu.memref_slice %arg11[%add3A_17, %dma_start3A_48] : memref<10240x128xf32, #tpu.memory_space<vmem_shared>> -> memref<64x128xf32, #tpu.memory_space<vmem_shared>>
      tpu.enqueue_dma source(%arg9 : memref<64x128xf32, #tpu.memory_space<vmem>>) target(%dma_start3A_49 : memref<64x128xf32, #tpu.memory_space<vmem_shared>>) target_semaphore(%run_scoped3A_45 : memref<!tpu.dma_semaphore, #tpu.memory_space<semaphore_mem>>)
      %dma_wait3A_50 = arith.constant 0 : i32
      %dma_wait3A_51 = tpu.memref_slice %arg11[%add3A_17, %dma_wait3A_50] : memref<10240x128xf32, #tpu.memory_space<vmem_shared>> -> memref<64x128xf32, #tpu.memory_space<vmem_shared>>
      %dma_wait3A_52 = arith.constant 0 : i32
      %dma_wait3A_53 = tpu.memref_slice %arg11[%add3A_17, %dma_wait3A_52] : memref<10240x128xf32, #tpu.memory_space<vmem_shared>> -> memref<64x128xf32, #tpu.memory_space<vmem_shared>>
      tpu.wait_dma2 semaphore(%run_scoped3A_45 : memref<!tpu.dma_semaphore, #tpu.memory_space<semaphore_mem>>) src(%arg9 : memref<64x128xf32, #tpu.memory_space<vmem>>) dst(%dma_wait3A_53 : memref<64x128xf32, #tpu.memory_space<vmem_shared>>)
      tpu.yield
    }) : () -> ()
    %add3A_18 = arith.constant 384 : i32
    %add3A_19 = arith.addi %mul3A_0, %add3A_18 : i32
    "tpu.region"() ({
      %run_scoped3A_45 = tpu.sem_alloc : memref<!tpu.dma_semaphore, #tpu.memory_space<semaphore_mem>>
      %dma_start3A_46 = arith.constant 0 : i32
      %dma_start3A_47 = tpu.memref_slice %arg11[%add3A_19, %dma_start3A_46] : memref<10240x128xf32, #tpu.memory_space<vmem_shared>> -> memref<64x128xf32, #tpu.memory_space<vmem_shared>>
      %dma_start3A_48 = arith.constant 0 : i32
      %dma_start3A_49 = tpu.memref_slice %arg11[%add3A_19, %dma_start3A_48] : memref<10240x128xf32, #tpu.memory_space<vmem_shared>> -> memref<64x128xf32, #tpu.memory_space<vmem_shared>>
      tpu.enqueue_dma source(%arg9 : memref<64x128xf32, #tpu.memory_space<vmem>>) target(%dma_start3A_49 : memref<64x128xf32, #tpu.memory_space<vmem_shared>>) target_semaphore(%run_scoped3A_45 : memref<!tpu.dma_semaphore, #tpu.memory_space<semaphore_mem>>)
      %dma_wait3A_50 = arith.constant 0 : i32
      %dma_wait3A_51 = tpu.memref_slice %arg11[%add3A_19, %dma_wait3A_50] : memref<10240x128xf32, #tpu.memory_space<vmem_shared>> -> memref<64x128xf32, #tpu.memory_space<vmem_shared>>
      %dma_wait3A_52 = arith.constant 0 : i32
      %dma_wait3A_53 = tpu.memref_slice %arg11[%add3A_19, %dma_wait3A_52] : memref<10240x128xf32, #tpu.memory_space<vmem_shared>> -> memref<64x128xf32, #tpu.memory_space<vmem_shared>>
      tpu.wait_dma2 semaphore(%run_scoped3A_45 : memref<!tpu.dma_semaphore, #tpu.memory_space<semaphore_mem>>) src(%arg9 : memref<64x128xf32, #tpu.memory_space<vmem>>) dst(%dma_wait3A_53 : memref<64x128xf32, #tpu.memory_space<vmem_shared>>)
      tpu.yield
    }) : () -> ()
    %add3A_20 = arith.constant 448 : i32
    %add3A_21 = arith.addi %mul3A_0, %add3A_20 : i32
    "tpu.region"() ({
      %run_scoped3A_45 = tpu.sem_alloc : memref<!tpu.dma_semaphore, #tpu.memory_space<semaphore_mem>>
      %dma_start3A_46 = arith.constant 0 : i32
      %dma_start3A_47 = tpu.memref_slice %arg11[%add3A_21, %dma_start3A_46] : memref<10240x128xf32, #tpu.memory_space<vmem_shared>> -> memref<64x128xf32, #tpu.memory_space<vmem_shared>>
      %dma_start3A_48 = arith.constant 0 : i32
      %dma_start3A_49 = tpu.memref_slice %arg11[%add3A_21, %dma_start3A_48] : memref<10240x128xf32, #tpu.memory_space<vmem_shared>> -> memref<64x128xf32, #tpu.memory_space<vmem_shared>>
      tpu.enqueue_dma source(%arg9 : memref<64x128xf32, #tpu.memory_space<vmem>>) target(%dma_start3A_49 : memref<64x128xf32, #tpu.memory_space<vmem_shared>>) target_semaphore(%run_scoped3A_45 : memref<!tpu.dma_semaphore, #tpu.memory_space<semaphore_mem>>)
      %dma_wait3A_50 = arith.constant 0 : i32
      %dma_wait3A_51 = tpu.memref_slice %arg11[%add3A_21, %dma_wait3A_50] : memref<10240x128xf32, #tpu.memory_space<vmem_shared>> -> memref<64x128xf32, #tpu.memory_space<vmem_shared>>
      %dma_wait3A_52 = arith.constant 0 : i32
      %dma_wait3A_53 = tpu.memref_slice %arg11[%add3A_21, %dma_wait3A_52] : memref<10240x128xf32, #tpu.memory_space<vmem_shared>> -> memref<64x128xf32, #tpu.memory_space<vmem_shared>>
      tpu.wait_dma2 semaphore(%run_scoped3A_45 : memref<!tpu.dma_semaphore, #tpu.memory_space<semaphore_mem>>) src(%arg9 : memref<64x128xf32, #tpu.memory_space<vmem>>) dst(%dma_wait3A_53 : memref<64x128xf32, #tpu.memory_space<vmem_shared>>)
      tpu.yield
    }) : () -> ()
    %add3A_22 = arith.constant 512 : i32
    %add3A_23 = arith.addi %mul3A_0, %add3A_22 : i32
    "tpu.region"() ({
      %run_scoped3A_45 = tpu.sem_alloc : memref<!tpu.dma_semaphore, #tpu.memory_space<semaphore_mem>>
      %dma_start3A_46 = arith.constant 0 : i32
      %dma_start3A_47 = tpu.memref_slice %arg11[%add3A_23, %dma_start3A_46] : memref<10240x128xf32, #tpu.memory_space<vmem_shared>> -> memref<64x128xf32, #tpu.memory_space<vmem_shared>>
      %dma_start3A_48 = arith.constant 0 : i32
      %dma_start3A_49 = tpu.memref_slice %arg11[%add3A_23, %dma_start3A_48] : memref<10240x128xf32, #tpu.memory_space<vmem_shared>> -> memref<64x128xf32, #tpu.memory_space<vmem_shared>>
      tpu.enqueue_dma source(%arg9 : memref<64x128xf32, #tpu.memory_space<vmem>>) target(%dma_start3A_49 : memref<64x128xf32, #tpu.memory_space<vmem_shared>>) target_semaphore(%run_scoped3A_45 : memref<!tpu.dma_semaphore, #tpu.memory_space<semaphore_mem>>)
      %dma_wait3A_50 = arith.constant 0 : i32
      %dma_wait3A_51 = tpu.memref_slice %arg11[%add3A_23, %dma_wait3A_50] : memref<10240x128xf32, #tpu.memory_space<vmem_shared>> -> memref<64x128xf32, #tpu.memory_space<vmem_shared>>
      %dma_wait3A_52 = arith.constant 0 : i32
      %dma_wait3A_53 = tpu.memref_slice %arg11[%add3A_23, %dma_wait3A_52] : memref<10240x128xf32, #tpu.memory_space<vmem_shared>> -> memref<64x128xf32, #tpu.memory_space<vmem_shared>>
      tpu.wait_dma2 semaphore(%run_scoped3A_45 : memref<!tpu.dma_semaphore, #tpu.memory_space<semaphore_mem>>) src(%arg9 : memref<64x128xf32, #tpu.memory_space<vmem>>) dst(%dma_wait3A_53 : memref<64x128xf32, #tpu.memory_space<vmem_shared>>)
      tpu.yield
    }) : () -> ()
    %add3A_24 = arith.constant 576 : i32
    %add3A_25 = arith.addi %mul3A_0, %add3A_24 : i32
    "tpu.region"() ({
      %run_scoped3A_45 = tpu.sem_alloc : memref<!tpu.dma_semaphore, #tpu.memory_space<semaphore_mem>>
      %dma_start3A_46 = arith.constant 0 : i32
      %dma_start3A_47 = tpu.memref_slice %arg11[%add3A_25, %dma_start3A_46] : memref<10240x128xf32, #tpu.memory_space<vmem_shared>> -> memref<64x128xf32, #tpu.memory_space<vmem_shared>>
      %dma_start3A_48 = arith.constant 0 : i32
      %dma_start3A_49 = tpu.memref_slice %arg11[%add3A_25, %dma_start3A_48] : memref<10240x128xf32, #tpu.memory_space<vmem_shared>> -> memref<64x128xf32, #tpu.memory_space<vmem_shared>>
      tpu.enqueue_dma source(%arg9 : memref<64x128xf32, #tpu.memory_space<vmem>>) target(%dma_start3A_49 : memref<64x128xf32, #tpu.memory_space<vmem_shared>>) target_semaphore(%run_scoped3A_45 : memref<!tpu.dma_semaphore, #tpu.memory_space<semaphore_mem>>)
      %dma_wait3A_50 = arith.constant 0 : i32
      %dma_wait3A_51 = tpu.memref_slice %arg11[%add3A_25, %dma_wait3A_50] : memref<10240x128xf32, #tpu.memory_space<vmem_shared>> -> memref<64x128xf32, #tpu.memory_space<vmem_shared>>
      %dma_wait3A_52 = arith.constant 0 : i32
      %dma_wait3A_53 = tpu.memref_slice %arg11[%add3A_25, %dma_wait3A_52] : memref<10240x128xf32, #tpu.memory_space<vmem_shared>> -> memref<64x128xf32, #tpu.memory_space<vmem_shared>>
      tpu.wait_dma2 semaphore(%run_scoped3A_45 : memref<!tpu.dma_semaphore, #tpu.memory_space<semaphore_mem>>) src(%arg9 : memref<64x128xf32, #tpu.memory_space<vmem>>) dst(%dma_wait3A_53 : memref<64x128xf32, #tpu.memory_space<vmem_shared>>)
      tpu.yield
    }) : () -> ()
    "tpu.region"() ({
      %run_scoped3A_45 = tpu.sem_alloc : memref<!tpu.dma_semaphore, #tpu.memory_space<semaphore_mem>>
      %dma_start3A_46 = arith.constant 0 : i32
      %dma_start3A_47 = arith.constant 0 : i32
      %dma_start3A_48 = tpu.memref_slice %arg4[%arg1, %dma_start3A_46, %dma_start3A_47] : memref<16x160x64xi32, #tpu.memory_space<hbm>> -> memref<1x160x64xi32, #tpu.memory_space<hbm>>
      %dma_start3A_49 = tpu.memref_squeeze %dma_start3A_48 : memref<1x160x64xi32, #tpu.memory_space<hbm>> -> memref<160x64xi32, #tpu.memory_space<hbm>>
      %dma_start3A_50 = arith.constant 0 : i32
      %dma_start3A_51 = arith.constant 0 : i32
      %dma_start3A_52 = tpu.memref_slice %arg4[%arg1, %dma_start3A_50, %dma_start3A_51] : memref<16x160x64xi32, #tpu.memory_space<hbm>> -> memref<1x160x64xi32, #tpu.memory_space<hbm>>
      %dma_start3A_53 = tpu.memref_squeeze %dma_start3A_52 : memref<1x160x64xi32, #tpu.memory_space<hbm>> -> memref<160x64xi32, #tpu.memory_space<hbm>>
      tpu.enqueue_dma source(%dma_start3A_53 : memref<160x64xi32, #tpu.memory_space<hbm>>) target(%arg8 : memref<160x64xi32, #tpu.memory_space<vmem>>) target_semaphore(%run_scoped3A_45 : memref<!tpu.dma_semaphore, #tpu.memory_space<semaphore_mem>>)
      %dma_wait3A_54 = arith.constant 0 : i32
      %dma_wait3A_55 = arith.constant 0 : i32
      %dma_wait3A_56 = tpu.memref_slice %arg4[%arg1, %dma_wait3A_54, %dma_wait3A_55] : memref<16x160x64xi32, #tpu.memory_space<hbm>> -> memref<1x160x64xi32, #tpu.memory_space<hbm>>
      %dma_wait3A_57 = tpu.memref_squeeze %dma_wait3A_56 : memref<1x160x64xi32, #tpu.memory_space<hbm>> -> memref<160x64xi32, #tpu.memory_space<hbm>>
      %dma_wait3A_58 = arith.constant 0 : i32
      %dma_wait3A_59 = arith.constant 0 : i32
      %dma_wait3A_60 = tpu.memref_slice %arg4[%arg1, %dma_wait3A_58, %dma_wait3A_59] : memref<16x160x64xi32, #tpu.memory_space<hbm>> -> memref<1x160x64xi32, #tpu.memory_space<hbm>>
      %dma_wait3A_61 = tpu.memref_squeeze %dma_wait3A_60 : memref<1x160x64xi32, #tpu.memory_space<hbm>> -> memref<160x64xi32, #tpu.memory_space<hbm>>
      tpu.wait_dma2 semaphore(%run_scoped3A_45 : memref<!tpu.dma_semaphore, #tpu.memory_space<semaphore_mem>>) src(%dma_wait3A_61 : memref<160x64xi32, #tpu.memory_space<hbm>>) dst(%arg8 : memref<160x64xi32, #tpu.memory_space<vmem>>)
      tpu.yield
    }) : () -> ()
    %barrier3A = arith.constant 0 : index
    tpu.barrier barrier_id(%barrier3A)
    %run_scoped3A = arith.constant 0 : i32
    "tpu.region"() ({
      %run_scoped3A_45 = tpu.sem_alloc : memref<!tpu.dma_semaphore, #tpu.memory_space<semaphore_mem>>
      %dma_start3A_46 = arith.constant 0 : i32
      %dma_start3A_47 = tpu.memref_slice %arg3[%arg0, %arg1, %run_scoped3A, %dma_start3A_46] : memref<2x16x162x64xi32, #tpu.memory_space<hbm>> -> memref<1x1x1x64xi32, #tpu.memory_space<hbm>>
      %dma_start3A_48 = tpu.memref_squeeze %dma_start3A_47 : memref<1x1x1x64xi32, #tpu.memory_space<hbm>> -> memref<64xi32, #tpu.memory_space<hbm>>
      %dma_start3A_49 = arith.constant 0 : i32
      %dma_start3A_50 = tpu.memref_slice %arg3[%arg0, %arg1, %run_scoped3A, %dma_start3A_49] : memref<2x16x162x64xi32, #tpu.memory_space<hbm>> -> memref<1x1x1x64xi32, #tpu.memory_space<hbm>>
      %dma_start3A_51 = tpu.memref_squeeze %dma_start3A_50 : memref<1x1x1x64xi32, #tpu.memory_space<hbm>> -> memref<64xi32, #tpu.memory_space<hbm>>
      tpu.enqueue_dma source(%dma_start3A_51 : memref<64xi32, #tpu.memory_space<hbm>>) target(%arg6 : memref<64xi32, #tpu.memory_space<vmem>>) target_semaphore(%run_scoped3A_45 : memref<!tpu.dma_semaphore, #tpu.memory_space<semaphore_mem>>)
      %dma_wait3A_52 = arith.constant 0 : i32
      %dma_wait3A_53 = tpu.memref_slice %arg3[%arg0, %arg1, %run_scoped3A, %dma_wait3A_52] : memref<2x16x162x64xi32, #tpu.memory_space<hbm>> -> memref<1x1x1x64xi32, #tpu.memory_space<hbm>>
      %dma_wait3A_54 = tpu.memref_squeeze %dma_wait3A_53 : memref<1x1x1x64xi32, #tpu.memory_space<hbm>> -> memref<64xi32, #tpu.memory_space<hbm>>
      %dma_wait3A_55 = arith.constant 0 : i32
      %dma_wait3A_56 = tpu.memref_slice %arg3[%arg0, %arg1, %run_scoped3A, %dma_wait3A_55] : memref<2x16x162x64xi32, #tpu.memory_space<hbm>> -> memref<1x1x1x64xi32, #tpu.memory_space<hbm>>
      %dma_wait3A_57 = tpu.memref_squeeze %dma_wait3A_56 : memref<1x1x1x64xi32, #tpu.memory_space<hbm>> -> memref<64xi32, #tpu.memory_space<hbm>>
      tpu.wait_dma2 semaphore(%run_scoped3A_45 : memref<!tpu.dma_semaphore, #tpu.memory_space<semaphore_mem>>) src(%dma_wait3A_57 : memref<64xi32, #tpu.memory_space<hbm>>) dst(%arg6 : memref<64xi32, #tpu.memory_space<vmem>>)
      tpu.yield
    }) : () -> ()
    %dma_start3A = arith.constant 0 : i32
    %dma_start3A_26 = arith.constant 0 : i32
    %dma_start3A_27 = tpu.memref_slice %arg2[%dma_start3A, %dma_start3A_26] : memref<20480x128xf32, #tpu.memory_space<hbm>> -> memref<20480x128xf32, #tpu.memory_space<hbm>>
    tpu.enqueue_indirect_dma source(%dma_start3A_27 : memref<20480x128xf32, #tpu.memory_space<hbm>>) target(%arg9 : memref<64x128xf32, #tpu.memory_space<vmem>>) offsets(%arg6 : memref<64xi32, #tpu.memory_space<vmem>>) semaphore(%arg12 : memref<!tpu.dma_semaphore, #tpu.memory_space<semaphore_mem>>)
    %run_scoped3A_28 = arith.constant 1 : i32
    "tpu.region"() ({
      %run_scoped3A_45 = tpu.sem_alloc : memref<!tpu.dma_semaphore, #tpu.memory_space<semaphore_mem>>
      %dma_start3A_46 = arith.constant 0 : i32
      %dma_start3A_47 = tpu.memref_slice %arg3[%arg0, %arg1, %run_scoped3A_28, %dma_start3A_46] : memref<2x16x162x64xi32, #tpu.memory_space<hbm>> -> memref<1x1x1x64xi32, #tpu.memory_space<hbm>>
      %dma_start3A_48 = tpu.memref_squeeze %dma_start3A_47 : memref<1x1x1x64xi32, #tpu.memory_space<hbm>> -> memref<64xi32, #tpu.memory_space<hbm>>
      %dma_start3A_49 = arith.constant 0 : i32
      %dma_start3A_50 = tpu.memref_slice %arg3[%arg0, %arg1, %run_scoped3A_28, %dma_start3A_49] : memref<2x16x162x64xi32, #tpu.memory_space<hbm>> -> memref<1x1x1x64xi32, #tpu.memory_space<hbm>>
      %dma_start3A_51 = tpu.memref_squeeze %dma_start3A_50 : memref<1x1x1x64xi32, #tpu.memory_space<hbm>> -> memref<64xi32, #tpu.memory_space<hbm>>
      tpu.enqueue_dma source(%dma_start3A_51 : memref<64xi32, #tpu.memory_space<hbm>>) target(%arg7 : memref<64xi32, #tpu.memory_space<vmem>>) target_semaphore(%run_scoped3A_45 : memref<!tpu.dma_semaphore, #tpu.memory_space<semaphore_mem>>)
      %dma_wait3A_52 = arith.constant 0 : i32
      %dma_wait3A_53 = tpu.memref_slice %arg3[%arg0, %arg1, %run_scoped3A_28, %dma_wait3A_52] : memref<2x16x162x64xi32, #tpu.memory_space<hbm>> -> memref<1x1x1x64xi32, #tpu.memory_space<hbm>>
      %dma_wait3A_54 = tpu.memref_squeeze %dma_wait3A_53 : memref<1x1x1x64xi32, #tpu.memory_space<hbm>> -> memref<64xi32, #tpu.memory_space<hbm>>
      %dma_wait3A_55 = arith.constant 0 : i32
      %dma_wait3A_56 = tpu.memref_slice %arg3[%arg0, %arg1, %run_scoped3A_28, %dma_wait3A_55] : memref<2x16x162x64xi32, #tpu.memory_space<hbm>> -> memref<1x1x1x64xi32, #tpu.memory_space<hbm>>
      %dma_wait3A_57 = tpu.memref_squeeze %dma_wait3A_56 : memref<1x1x1x64xi32, #tpu.memory_space<hbm>> -> memref<64xi32, #tpu.memory_space<hbm>>
      tpu.wait_dma2 semaphore(%run_scoped3A_45 : memref<!tpu.dma_semaphore, #tpu.memory_space<semaphore_mem>>) src(%dma_wait3A_57 : memref<64xi32, #tpu.memory_space<hbm>>) dst(%arg7 : memref<64xi32, #tpu.memory_space<vmem>>)
      tpu.yield
    }) : () -> ()
    %dma_start3A_29 = arith.constant 0 : i32
    %dma_start3A_30 = arith.constant 0 : i32
    %dma_start3A_31 = tpu.memref_slice %arg2[%dma_start3A_29, %dma_start3A_30] : memref<20480x128xf32, #tpu.memory_space<hbm>> -> memref<20480x128xf32, #tpu.memory_space<hbm>>
    tpu.enqueue_indirect_dma source(%dma_start3A_31 : memref<20480x128xf32, #tpu.memory_space<hbm>>) target(%arg10 : memref<64x128xf32, #tpu.memory_space<vmem>>) offsets(%arg7 : memref<64xi32, #tpu.memory_space<vmem>>) semaphore(%arg13 : memref<!tpu.dma_semaphore, #tpu.memory_space<semaphore_mem>>)
    %scan3A_32 = arith.constant 0 : i32
    %scan3A_33 = arith.constant 0 : i32
    %scan3A_34 = arith.constant 80 : i32
    %scan3A_35 = arith.addi %scan3A_33, %scan3A_34 : i32
    %scan3A_36 = arith.constant 1 : i32
    %scan3A_37 = scf.for %scan3A_45 = %scan3A_33 to %scan3A_35 step %scan3A_36 iter_args(%scan3A_46 = %scan3A_32) -> (i32)  : i32 {
      %dma_wait3A_47 = arith.constant 0 : i32
      %dma_wait3A_48 = arith.constant 0 : i32
      %dma_wait3A_49 = tpu.memref_slice %arg2[%dma_wait3A_47, %dma_wait3A_48] : memref<20480x128xf32, #tpu.memory_space<hbm>> -> memref<20480x128xf32, #tpu.memory_space<hbm>>
      tpu.wait_indirect_dma semaphore(%arg12 : memref<!tpu.dma_semaphore, #tpu.memory_space<semaphore_mem>>) src(%dma_wait3A_49 : memref<20480x128xf32, #tpu.memory_space<hbm>>) dst(%arg9 : memref<64x128xf32, #tpu.memory_space<vmem>>)
      %mul3A_50 = arith.constant 2 : i32
      %mul3A_51 = arith.muli %mul3A_50, %scan3A_45 : i32
      %add3A_52 = arith.constant 2 : i32
      %add3A_53 = arith.addi %mul3A_51, %add3A_52 : i32
      %dma_start3A_54 = arith.constant 0 : i32
      %dma_start3A_55 = tpu.memref_slice %arg3[%arg0, %arg1, %add3A_53, %dma_start3A_54] : memref<2x16x162x64xi32, #tpu.memory_space<hbm>> -> memref<1x1x1x64xi32, #tpu.memory_space<hbm>>
      %dma_start3A_56 = tpu.memref_squeeze %dma_start3A_55 : memref<1x1x1x64xi32, #tpu.memory_space<hbm>> -> memref<64xi32, #tpu.memory_space<hbm>>
      %dma_start3A_57 = arith.constant 0 : i32
      %dma_start3A_58 = tpu.memref_slice %arg3[%arg0, %arg1, %add3A_53, %dma_start3A_57] : memref<2x16x162x64xi32, #tpu.memory_space<hbm>> -> memref<1x1x1x64xi32, #tpu.memory_space<hbm>>
      %dma_start3A_59 = tpu.memref_squeeze %dma_start3A_58 : memref<1x1x1x64xi32, #tpu.memory_space<hbm>> -> memref<64xi32, #tpu.memory_space<hbm>>
      tpu.enqueue_dma source(%dma_start3A_59 : memref<64xi32, #tpu.memory_space<hbm>>) target(%arg6 : memref<64xi32, #tpu.memory_space<vmem>>) target_semaphore(%arg14 : memref<!tpu.dma_semaphore, #tpu.memory_space<semaphore_mem>>)
      %mul3A_60 = arith.constant 2 : i32
      %mul3A_61 = arith.muli %mul3A_60, %scan3A_45 : i32
      "tpu.region"() ({
        %run_scoped3A_106 = tpu.sem_alloc : memref<!tpu.dma_semaphore, #tpu.memory_space<semaphore_mem>>
        %dma_start3A_107 = arith.constant 0 : i32
        %dma_start3A_108 = tpu.memref_slice %arg8[%mul3A_61, %dma_start3A_107] : memref<160x64xi32, #tpu.memory_space<vmem>> -> memref<1x64xi32, #tpu.memory_space<vmem>>
        %dma_start3A_109 = tpu.memref_squeeze %dma_start3A_108 : memref<1x64xi32, #tpu.memory_space<vmem>> -> memref<64xi32, #tpu.memory_space<vmem>>
        %dma_start3A_110 = arith.constant 0 : i32
        %dma_start3A_111 = arith.constant 0 : i32
        %dma_start3A_112 = tpu.memref_slice %arg11[%dma_start3A_110, %dma_start3A_111] : memref<10240x128xf32, #tpu.memory_space<vmem_shared>> -> memref<10240x128xf32, #tpu.memory_space<vmem_shared>>
        tpu.enqueue_indirect_dma source(%arg9 : memref<64x128xf32, #tpu.memory_space<vmem>>) target(%dma_start3A_112 : memref<10240x128xf32, #tpu.memory_space<vmem_shared>>) offsets(%dma_start3A_109 : memref<64xi32, #tpu.memory_space<vmem>>) semaphore(%run_scoped3A_106 : memref<!tpu.dma_semaphore, #tpu.memory_space<semaphore_mem>>) {add = true}
        %dma_wait3A_113 = arith.constant 0 : i32
        %dma_wait3A_114 = tpu.memref_slice %arg8[%mul3A_61, %dma_wait3A_113] : memref<160x64xi32, #tpu.memory_space<vmem>> -> memref<1x64xi32, #tpu.memory_space<vmem>>
        %dma_wait3A_115 = tpu.memref_squeeze %dma_wait3A_114 : memref<1x64xi32, #tpu.memory_space<vmem>> -> memref<64xi32, #tpu.memory_space<vmem>>
        %dma_wait3A_116 = arith.constant 0 : i32
        %dma_wait3A_117 = arith.constant 0 : i32
        %dma_wait3A_118 = tpu.memref_slice %arg11[%dma_wait3A_116, %dma_wait3A_117] : memref<10240x128xf32, #tpu.memory_space<vmem_shared>> -> memref<10240x128xf32, #tpu.memory_space<vmem_shared>>
        tpu.wait_indirect_dma semaphore(%run_scoped3A_106 : memref<!tpu.dma_semaphore, #tpu.memory_space<semaphore_mem>>) src(%arg9 : memref<64x128xf32, #tpu.memory_space<vmem>>) dst(%dma_wait3A_118 : memref<10240x128xf32, #tpu.memory_space<vmem_shared>>)
        tpu.yield
      }) : () -> ()
      %mul3A_62 = arith.constant 2 : i32
      %mul3A_63 = arith.muli %mul3A_62, %scan3A_45 : i32
      %add3A_64 = arith.constant 2 : i32
      %add3A_65 = arith.addi %mul3A_63, %add3A_64 : i32
      %dma_wait3A_66 = arith.constant 0 : i32
      %dma_wait3A_67 = tpu.memref_slice %arg3[%arg0, %arg1, %add3A_65, %dma_wait3A_66] : memref<2x16x162x64xi32, #tpu.memory_space<hbm>> -> memref<1x1x1x64xi32, #tpu.memory_space<hbm>>
      %dma_wait3A_68 = tpu.memref_squeeze %dma_wait3A_67 : memref<1x1x1x64xi32, #tpu.memory_space<hbm>> -> memref<64xi32, #tpu.memory_space<hbm>>
      %dma_wait3A_69 = arith.constant 0 : i32
      %dma_wait3A_70 = tpu.memref_slice %arg3[%arg0, %arg1, %add3A_65, %dma_wait3A_69] : memref<2x16x162x64xi32, #tpu.memory_space<hbm>> -> memref<1x1x1x64xi32, #tpu.memory_space<hbm>>
      %dma_wait3A_71 = tpu.memref_squeeze %dma_wait3A_70 : memref<1x1x1x64xi32, #tpu.memory_space<hbm>> -> memref<64xi32, #tpu.memory_space<hbm>>
      tpu.wait_dma2 semaphore(%arg14 : memref<!tpu.dma_semaphore, #tpu.memory_space<semaphore_mem>>) src(%dma_wait3A_71 : memref<64xi32, #tpu.memory_space<hbm>>) dst(%arg6 : memref<64xi32, #tpu.memory_space<vmem>>)
      %dma_start3A_72 = arith.constant 0 : i32
      %dma_start3A_73 = arith.constant 0 : i32
      %dma_start3A_74 = tpu.memref_slice %arg2[%dma_start3A_72, %dma_start3A_73] : memref<20480x128xf32, #tpu.memory_space<hbm>> -> memref<20480x128xf32, #tpu.memory_space<hbm>>
      tpu.enqueue_indirect_dma source(%dma_start3A_74 : memref<20480x128xf32, #tpu.memory_space<hbm>>) target(%arg9 : memref<64x128xf32, #tpu.memory_space<vmem>>) offsets(%arg6 : memref<64xi32, #tpu.memory_space<vmem>>) semaphore(%arg12 : memref<!tpu.dma_semaphore, #tpu.memory_space<semaphore_mem>>)
      %dma_wait3A_75 = arith.constant 0 : i32
      %dma_wait3A_76 = arith.constant 0 : i32
      %dma_wait3A_77 = tpu.memref_slice %arg2[%dma_wait3A_75, %dma_wait3A_76] : memref<20480x128xf32, #tpu.memory_space<hbm>> -> memref<20480x128xf32, #tpu.memory_space<hbm>>
      tpu.wait_indirect_dma semaphore(%arg13 : memref<!tpu.dma_semaphore, #tpu.memory_space<semaphore_mem>>) src(%dma_wait3A_77 : memref<20480x128xf32, #tpu.memory_space<hbm>>) dst(%arg10 : memref<64x128xf32, #tpu.memory_space<vmem>>)
      %mul3A_78 = arith.constant 2 : i32
      %mul3A_79 = arith.muli %mul3A_78, %scan3A_45 : i32
      %add3A_80 = arith.constant 3 : i32
      %add3A_81 = arith.addi %mul3A_79, %add3A_80 : i32
      %dma_start3A_82 = arith.constant 0 : i32
      %dma_start3A_83 = tpu.memref_slice %arg3[%arg0, %arg1, %add3A_81, %dma_start3A_82] : memref<2x16x162x64xi32, #tpu.memory_space<hbm>> -> memref<1x1x1x64xi32, #tpu.memory_space<hbm>>
      %dma_start3A_84 = tpu.memref_squeeze %dma_start3A_83 : memref<1x1x1x64xi32, #tpu.memory_space<hbm>> -> memref<64xi32, #tpu.memory_space<hbm>>
      %dma_start3A_85 = arith.constant 0 : i32
      %dma_start3A_86 = tpu.memref_slice %arg3[%arg0, %arg1, %add3A_81, %dma_start3A_85] : memref<2x16x162x64xi32, #tpu.memory_space<hbm>> -> memref<1x1x1x64xi32, #tpu.memory_space<hbm>>
      %dma_start3A_87 = tpu.memref_squeeze %dma_start3A_86 : memref<1x1x1x64xi32, #tpu.memory_space<hbm>> -> memref<64xi32, #tpu.memory_space<hbm>>
      tpu.enqueue_dma source(%dma_start3A_87 : memref<64xi32, #tpu.memory_space<hbm>>) target(%arg7 : memref<64xi32, #tpu.memory_space<vmem>>) target_semaphore(%arg15 : memref<!tpu.dma_semaphore, #tpu.memory_space<semaphore_mem>>)
      %mul3A_88 = arith.constant 2 : i32
      %mul3A_89 = arith.muli %mul3A_88, %scan3A_45 : i32
      %add3A_90 = arith.constant 1 : i32
      %add3A_91 = arith.addi %mul3A_89, %add3A_90 : i32
      "tpu.region"() ({
        %run_scoped3A_106 = tpu.sem_alloc : memref<!tpu.dma_semaphore, #tpu.memory_space<semaphore_mem>>
        %dma_start3A_107 = arith.constant 0 : i32
        %dma_start3A_108 = tpu.memref_slice %arg8[%add3A_91, %dma_start3A_107] : memref<160x64xi32, #tpu.memory_space<vmem>> -> memref<1x64xi32, #tpu.memory_space<vmem>>
        %dma_start3A_109 = tpu.memref_squeeze %dma_start3A_108 : memref<1x64xi32, #tpu.memory_space<vmem>> -> memref<64xi32, #tpu.memory_space<vmem>>
        %dma_start3A_110 = arith.constant 0 : i32
        %dma_start3A_111 = arith.constant 0 : i32
        %dma_start3A_112 = tpu.memref_slice %arg11[%dma_start3A_110, %dma_start3A_111] : memref<10240x128xf32, #tpu.memory_space<vmem_shared>> -> memref<10240x128xf32, #tpu.memory_space<vmem_shared>>
        tpu.enqueue_indirect_dma source(%arg10 : memref<64x128xf32, #tpu.memory_space<vmem>>) target(%dma_start3A_112 : memref<10240x128xf32, #tpu.memory_space<vmem_shared>>) offsets(%dma_start3A_109 : memref<64xi32, #tpu.memory_space<vmem>>) semaphore(%run_scoped3A_106 : memref<!tpu.dma_semaphore, #tpu.memory_space<semaphore_mem>>) {add = true}
        %dma_wait3A_113 = arith.constant 0 : i32
        %dma_wait3A_114 = tpu.memref_slice %arg8[%add3A_91, %dma_wait3A_113] : memref<160x64xi32, #tpu.memory_space<vmem>> -> memref<1x64xi32, #tpu.memory_space<vmem>>
        %dma_wait3A_115 = tpu.memref_squeeze %dma_wait3A_114 : memref<1x64xi32, #tpu.memory_space<vmem>> -> memref<64xi32, #tpu.memory_space<vmem>>
        %dma_wait3A_116 = arith.constant 0 : i32
        %dma_wait3A_117 = arith.constant 0 : i32
        %dma_wait3A_118 = tpu.memref_slice %arg11[%dma_wait3A_116, %dma_wait3A_117] : memref<10240x128xf32, #tpu.memory_space<vmem_shared>> -> memref<10240x128xf32, #tpu.memory_space<vmem_shared>>
        tpu.wait_indirect_dma semaphore(%run_scoped3A_106 : memref<!tpu.dma_semaphore, #tpu.memory_space<semaphore_mem>>) src(%arg10 : memref<64x128xf32, #tpu.memory_space<vmem>>) dst(%dma_wait3A_118 : memref<10240x128xf32, #tpu.memory_space<vmem_shared>>)
        tpu.yield
      }) : () -> ()
      %mul3A_92 = arith.constant 2 : i32
      %mul3A_93 = arith.muli %mul3A_92, %scan3A_45 : i32
      %add3A_94 = arith.constant 3 : i32
      %add3A_95 = arith.addi %mul3A_93, %add3A_94 : i32
      %dma_wait3A_96 = arith.constant 0 : i32
      %dma_wait3A_97 = tpu.memref_slice %arg3[%arg0, %arg1, %add3A_95, %dma_wait3A_96] : memref<2x16x162x64xi32, #tpu.memory_space<hbm>> -> memref<1x1x1x64xi32, #tpu.memory_space<hbm>>
      %dma_wait3A_98 = tpu.memref_squeeze %dma_wait3A_97 : memref<1x1x1x64xi32, #tpu.memory_space<hbm>> -> memref<64xi32, #tpu.memory_space<hbm>>
      %dma_wait3A_99 = arith.constant 0 : i32
      %dma_wait3A_100 = tpu.memref_slice %arg3[%arg0, %arg1, %add3A_95, %dma_wait3A_99] : memref<2x16x162x64xi32, #tpu.memory_space<hbm>> -> memref<1x1x1x64xi32, #tpu.memory_space<hbm>>
      %dma_wait3A_101 = tpu.memref_squeeze %dma_wait3A_100 : memref<1x1x1x64xi32, #tpu.memory_space<hbm>> -> memref<64xi32, #tpu.memory_space<hbm>>
      tpu.wait_dma2 semaphore(%arg15 : memref<!tpu.dma_semaphore, #tpu.memory_space<semaphore_mem>>) src(%dma_wait3A_101 : memref<64xi32, #tpu.memory_space<hbm>>) dst(%arg7 : memref<64xi32, #tpu.memory_space<vmem>>)
      %dma_start3A_102 = arith.constant 0 : i32
      %dma_start3A_103 = arith.constant 0 : i32
      %dma_start3A_104 = tpu.memref_slice %arg2[%dma_start3A_102, %dma_start3A_103] : memref<20480x128xf32, #tpu.memory_space<hbm>> -> memref<20480x128xf32, #tpu.memory_space<hbm>>
      tpu.enqueue_indirect_dma source(%dma_start3A_104 : memref<20480x128xf32, #tpu.memory_space<hbm>>) target(%arg10 : memref<64x128xf32, #tpu.memory_space<vmem>>) offsets(%arg7 : memref<64xi32, #tpu.memory_space<vmem>>) semaphore(%arg13 : memref<!tpu.dma_semaphore, #tpu.memory_space<semaphore_mem>>)
      %scan3A_105 = arith.constant 0 : i32
      scf.yield %scan3A_105 : i32
    }
    %scan3A_38 = arith.constant 80 : i32
    %dma_wait3A = arith.constant 0 : i32
    %dma_wait3A_39 = arith.constant 0 : i32
    %dma_wait3A_40 = tpu.memref_slice %arg2[%dma_wait3A, %dma_wait3A_39] : memref<20480x128xf32, #tpu.memory_space<hbm>> -> memref<20480x128xf32, #tpu.memory_space<hbm>>
    tpu.wait_indirect_dma semaphore(%arg12 : memref<!tpu.dma_semaphore, #tpu.memory_space<semaphore_mem>>) src(%dma_wait3A_40 : memref<20480x128xf32, #tpu.memory_space<hbm>>) dst(%arg9 : memref<64x128xf32, #tpu.memory_space<vmem>>)
    %dma_wait3A_41 = arith.constant 0 : i32
    %dma_wait3A_42 = arith.constant 0 : i32
    %dma_wait3A_43 = tpu.memref_slice %arg2[%dma_wait3A_41, %dma_wait3A_42] : memref<20480x128xf32, #tpu.memory_space<hbm>> -> memref<20480x128xf32, #tpu.memory_space<hbm>>
    tpu.wait_indirect_dma semaphore(%arg13 : memref<!tpu.dma_semaphore, #tpu.memory_space<semaphore_mem>>) src(%dma_wait3A_43 : memref<20480x128xf32, #tpu.memory_space<hbm>>) dst(%arg10 : memref<64x128xf32, #tpu.memory_space<vmem>>)
    %barrier3A_44 = arith.constant 0 : index
    tpu.barrier barrier_id(%barrier3A_44)
    "tpu.region"() ({
      %run_scoped3A_45 = tpu.sem_alloc : memref<!tpu.dma_semaphore, #tpu.memory_space<semaphore_mem>>
      %dma_start3A_46 = arith.constant 0 : i32
      %dma_start3A_47 = tpu.memref_slice %arg5[%arg0, %mul3A_0, %dma_start3A_46] : memref<2x10240x128xf32, #tpu.memory_space<hbm>> -> memref<1x640x128xf32, #tpu.memory_space<hbm>>
      %dma_start3A_48 = tpu.memref_squeeze %dma_start3A_47 : memref<1x640x128xf32, #tpu.memory_space<hbm>> -> memref<640x128xf32, #tpu.memory_space<hbm>>
      %dma_start3A_49 = arith.constant 0 : i32
      %dma_start3A_50 = tpu.memref_slice %arg11[%mul3A_0, %dma_start3A_49] : memref<10240x128xf32, #tpu.memory_space<vmem_shared>> -> memref<640x128xf32, #tpu.memory_space<vmem_shared>>
      tpu.enqueue_dma source(%dma_start3A_50 : memref<640x128xf32, #tpu.memory_space<vmem_shared>>) target(%dma_start3A_48 : memref<640x128xf32, #tpu.memory_space<hbm>>) target_semaphore(%run_scoped3A_45 : memref<!tpu.dma_semaphore, #tpu.memory_space<semaphore_mem>>)
      %dma_wait3A_51 = arith.constant 0 : i32
      %dma_wait3A_52 = tpu.memref_slice %arg5[%arg0, %mul3A_0, %dma_wait3A_51] : memref<2x10240x128xf32, #tpu.memory_space<hbm>> -> memref<1x640x128xf32, #tpu.memory_space<hbm>>
      %dma_wait3A_53 = tpu.memref_squeeze %dma_wait3A_52 : memref<1x640x128xf32, #tpu.memory_space<hbm>> -> memref<640x128xf32, #tpu.memory_space<hbm>>
      %dma_wait3A_54 = arith.constant 0 : i32
      %dma_wait3A_55 = tpu.memref_slice %arg11[%mul3A_0, %dma_wait3A_54] : memref<10240x128xf32, #tpu.memory_space<vmem_shared>> -> memref<640x128xf32, #tpu.memory_space<vmem_shared>>
      tpu.wait_dma2 semaphore(%run_scoped3A_45 : memref<!tpu.dma_semaphore, #tpu.memory_space<semaphore_mem>>) src(%dma_wait3A_55 : memref<640x128xf32, #tpu.memory_space<vmem_shared>>) dst(%dma_wait3A_53 : memref<640x128xf32, #tpu.memory_space<hbm>>)
      tpu.yield
    }) : () -> ()
    return
  }
}

#map = affine_map<(d0, d1) -> (0, 0)>
#map1 = affine_map<(d0, d1) -> (0, 0, 0, 0)>
#map2 = affine_map<(d0, d1) -> (0, 0, 0)>
module attributes {stable_mosaic.version = 14 : i64} {
  func.func @_conv_body(%arg0: i32, %arg1: i32, %arg2: memref<20480x128xf32, #tpu.memory_space<hbm>>, %arg3: memref<2x16x162x64xi32, #tpu.memory_space<hbm>>, %arg4: memref<16x160x64xi32, #tpu.memory_space<hbm>>, %arg5: memref<2x10240x128xf32, #tpu.memory_space<hbm>>, %arg6: memref<64xi32, #tpu.memory_space<vmem>>, %arg7: memref<64xi32, #tpu.memory_space<vmem>>, %arg8: memref<160x64xi32, #tpu.memory_space<vmem>>, %arg9: memref<64x128xf32, #tpu.memory_space<vmem>>, %arg10: memref<64x128xf32, #tpu.memory_space<vmem>>, %arg11: memref<10240x128xf32, #tpu.memory_space<vmem_shared>>, %arg12: memref<!tpu.dma_semaphore, #tpu.memory_space<semaphore_mem>>, %arg13: memref<!tpu.dma_semaphore, #tpu.memory_space<semaphore_mem>>, %arg14: memref<!tpu.dma_semaphore, #tpu.memory_space<semaphore_mem>>, %arg15: memref<!tpu.dma_semaphore, #tpu.memory_space<semaphore_mem>>) attributes {dimension_semantics = [#tpu.dimension_semantics<core_parallel>, #tpu.dimension_semantics<subcore_parallel>], iteration_bounds = array<i64: 2, 16>, scalar_prefetch = 0 : i64, scratch_operands = 10 : i64, tpu.core_type = #tpu.core_type<sc_vector_subcore>, window_params = [{transform_indices = #map}, {transform_indices = #map1}, {transform_indices = #map2}, {transform_indices = #map2}]} {
    %mul3A = arith.constant 640 : i32
    %mul3A_0 = arith.muli %arg1, %mul3A : i32
    %scan3A = arith.constant 0 : i32
    %scan3A_1 = arith.constant 0 : i32
    %scan3A_2 = arith.constant 64 : i32
    %scan3A_3 = arith.addi %scan3A_1, %scan3A_2 : i32
    %scan3A_4 = arith.constant 1 : i32
    %scan3A_5 = scf.for %scan3A_45 = %scan3A_1 to %scan3A_3 step %scan3A_4 iter_args(%scan3A_46 = %scan3A) -> (i32)  : i32 {
      %broadcast_in_dim3A = arith.constant 0.000000e+00 : f32
      %broadcast_in_dim3A_47 = vector.broadcast %broadcast_in_dim3A : f32 to vector<16xf32>
      %swap3A = arith.index_cast %scan3A_45 : i32 to index
      %swap3A_48 = arith.constant 0 : index
      %swap3A_49 = tpu.vector_load %arg9[%swap3A, %swap3A_48] {strides = array<i32>} : memref<64x128xf32, #tpu.memory_space<vmem>>, vector<1x16xf32>,
      %swap3A_50 = vector.shape_cast %swap3A_49 : vector<1x16xf32> to vector<16xf32>
      %swap3A_51 = vector.shape_cast %broadcast_in_dim3A_47 : vector<16xf32> to vector<1x16xf32>
      tpu.vector_store %arg9[%swap3A, %swap3A_48], %swap3A_51 {strides = array<i32>} : memref<64x128xf32, #tpu.memory_space<vmem>>, vector<1x16xf32>,
      %broadcast_in_dim3A_52 = arith.constant 0.000000e+00 : f32
      %broadcast_in_dim3A_53 = vector.broadcast %broadcast_in_dim3A_52 : f32 to vector<16xf32>
      %swap3A_54 = arith.index_cast %scan3A_45 : i32 to index
      %swap3A_55 = arith.constant 16 : index
      %swap3A_56 = tpu.vector_load %arg9[%swap3A_54, %swap3A_55] {strides = array<i32>} : memref<64x128xf32, #tpu.memory_space<vmem>>, vector<1x16xf32>,
      %swap3A_57 = vector.shape_cast %swap3A_56 : vector<1x16xf32> to vector<16xf32>
      %swap3A_58 = vector.shape_cast %broadcast_in_dim3A_53 : vector<16xf32> to vector<1x16xf32>
      tpu.vector_store %arg9[%swap3A_54, %swap3A_55], %swap3A_58 {strides = array<i32>} : memref<64x128xf32, #tpu.memory_space<vmem>>, vector<1x16xf32>,
      %broadcast_in_dim3A_59 = arith.constant 0.000000e+00 : f32
      %broadcast_in_dim3A_60 = vector.broadcast %broadcast_in_dim3A_59 : f32 to vector<16xf32>
      %swap3A_61 = arith.index_cast %scan3A_45 : i32 to index
      %swap3A_62 = arith.constant 32 : index
      %swap3A_63 = tpu.vector_load %arg9[%swap3A_61, %swap3A_62] {strides = array<i32>} : memref<64x128xf32, #tpu.memory_space<vmem>>, vector<1x16xf32>,
      %swap3A_64 = vector.shape_cast %swap3A_63 : vector<1x16xf32> to vector<16xf32>
      %swap3A_65 = vector.shape_cast %broadcast_in_dim3A_60 : vector<16xf32> to vector<1x16xf32>
      tpu.vector_store %arg9[%swap3A_61, %swap3A_62], %swap3A_65 {strides = array<i32>} : memref<64x128xf32, #tpu.memory_space<vmem>>, vector<1x16xf32>,
      %broadcast_in_dim3A_66 = arith.constant 0.000000e+00 : f32
      %broadcast_in_dim3A_67 = vector.broadcast %broadcast_in_dim3A_66 : f32 to vector<16xf32>
      %swap3A_68 = arith.index_cast %scan3A_45 : i32 to index
      %swap3A_69 = arith.constant 48 : index
      %swap3A_70 = tpu.vector_load %arg9[%swap3A_68, %swap3A_69] {strides = array<i32>} : memref<64x128xf32, #tpu.memory_space<vmem>>, vector<1x16xf32>,
      %swap3A_71 = vector.shape_cast %swap3A_70 : vector<1x16xf32> to vector<16xf32>
      %swap3A_72 = vector.shape_cast %broadcast_in_dim3A_67 : vector<16xf32> to vector<1x16xf32>
      tpu.vector_store %arg9[%swap3A_68, %swap3A_69], %swap3A_72 {strides = array<i32>} : memref<64x128xf32, #tpu.memory_space<vmem>>, vector<1x16xf32>,
      %broadcast_in_dim3A_73 = arith.constant 0.000000e+00 : f32
      %broadcast_in_dim3A_74 = vector.broadcast %broadcast_in_dim3A_73 : f32 to vector<16xf32>
      %swap3A_75 = arith.index_cast %scan3A_45 : i32 to index
      %swap3A_76 = arith.constant 64 : index
      %swap3A_77 = tpu.vector_load %arg9[%swap3A_75, %swap3A_76] {strides = array<i32>} : memref<64x128xf32, #tpu.memory_space<vmem>>, vector<1x16xf32>,
      %swap3A_78 = vector.shape_cast %swap3A_77 : vector<1x16xf32> to vector<16xf32>
      %swap3A_79 = vector.shape_cast %broadcast_in_dim3A_74 : vector<16xf32> to vector<1x16xf32>
      tpu.vector_store %arg9[%swap3A_75, %swap3A_76], %swap3A_79 {strides = array<i32>} : memref<64x128xf32, #tpu.memory_space<vmem>>, vector<1x16xf32>,
      %broadcast_in_dim3A_80 = arith.constant 0.000000e+00 : f32
      %broadcast_in_dim3A_81 = vector.broadcast %broadcast_in_dim3A_80 : f32 to vector<16xf32>
      %swap3A_82 = arith.index_cast %scan3A_45 : i32 to index
      %swap3A_83 = arith.constant 80 : index
      %swap3A_84 = tpu.vector_load %arg9[%swap3A_82, %swap3A_83] {strides = array<i32>} : memref<64x128xf32, #tpu.memory_space<vmem>>, vector<1x16xf32>,
      %swap3A_85 = vector.shape_cast %swap3A_84 : vector<1x16xf32> to vector<16xf32>
      %swap3A_86 = vector.shape_cast %broadcast_in_dim3A_81 : vector<16xf32> to vector<1x16xf32>
      tpu.vector_store %arg9[%swap3A_82, %swap3A_83], %swap3A_86 {strides = array<i32>} : memref<64x128xf32, #tpu.memory_space<vmem>>, vector<1x16xf32>,
      %broadcast_in_dim3A_87 = arith.constant 0.000000e+00 : f32
      %broadcast_in_dim3A_88 = vector.broadcast %broadcast_in_dim3A_87 : f32 to vector<16xf32>
      %swap3A_89 = arith.index_cast %scan3A_45 : i32 to index
      %swap3A_90 = arith.constant 96 : index
      %swap3A_91 = tpu.vector_load %arg9[%swap3A_89, %swap3A_90] {strides = array<i32>} : memref<64x128xf32, #tpu.memory_space<vmem>>, vector<1x16xf32>,
      %swap3A_92 = vector.shape_cast %swap3A_91 : vector<1x16xf32> to vector<16xf32>
      %swap3A_93 = vector.shape_cast %broadcast_in_dim3A_88 : vector<16xf32> to vector<1x16xf32>
      tpu.vector_store %arg9[%swap3A_89, %swap3A_90], %swap3A_93 {strides = array<i32>} : memref<64x128xf32, #tpu.memory_space<vmem>>, vector<1x16xf32>,
      %broadcast_in_dim3A_94 = arith.constant 0.000000e+00 : f32
      %broadcast_in_dim3A_95 = vector.broadcast %broadcast_in_dim3A_94 : f32 to vector<16xf32>
      %swap3A_96 = arith.index_cast %scan3A_45 : i32 to index
      %swap3A_97 = arith.constant 112 : index
      %swap3A_98 = tpu.vector_load %arg9[%swap3A_96, %swap3A_97] {strides = array<i32>} : memref<64x128xf32, #tpu.memory_space<vmem>>, vector<1x16xf32>,
      %swap3A_99 = vector.shape_cast %swap3A_98 : vector<1x16xf32> to vector<16xf32>
      %swap3A_100 = vector.shape_cast %broadcast_in_dim3A_95 : vector<16xf32> to vector<1x16xf32>
      tpu.vector_store %arg9[%swap3A_96, %swap3A_97], %swap3A_100 {strides = array<i32>} : memref<64x128xf32, #tpu.memory_space<vmem>>, vector<1x16xf32>,
      %scan3A_101 = arith.constant 0 : i32
      scf.yield %scan3A_101 : i32
    }
    %scan3A_6 = arith.constant 64 : i32
    %add3A = arith.constant 0 : i32
    %add3A_7 = arith.addi %mul3A_0, %add3A : i32
    "tpu.region"() ({
      %run_scoped3A_45 = tpu.sem_alloc : memref<!tpu.dma_semaphore, #tpu.memory_space<semaphore_mem>>
      %dma_start3A_46 = arith.constant 0 : i32
      %dma_start3A_47 = tpu.memref_slice %arg11[%add3A_7, %dma_start3A_46] : memref<10240x128xf32, #tpu.memory_space<vmem_shared>> -> memref<64x128xf32, #tpu.memory_space<vmem_shared>>
      %dma_start3A_48 = arith.constant 0 : i32
      %dma_start3A_49 = tpu.memref_slice %arg11[%add3A_7, %dma_start3A_48] : memref<10240x128xf32, #tpu.memory_space<vmem_shared>> -> memref<64x128xf32, #tpu.memory_space<vmem_shared>>
      tpu.enqueue_dma source(%arg9 : memref<64x128xf32, #tpu.memory_space<vmem>>) target(%dma_start3A_49 : memref<64x128xf32, #tpu.memory_space<vmem_shared>>) target_semaphore(%run_scoped3A_45 : memref<!tpu.dma_semaphore, #tpu.memory_space<semaphore_mem>>)
      %dma_wait3A_50 = arith.constant 0 : i32
      %dma_wait3A_51 = tpu.memref_slice %arg11[%add3A_7, %dma_wait3A_50] : memref<10240x128xf32, #tpu.memory_space<vmem_shared>> -> memref<64x128xf32, #tpu.memory_space<vmem_shared>>
      %dma_wait3A_52 = arith.constant 0 : i32
      %dma_wait3A_53 = tpu.memref_slice %arg11[%add3A_7, %dma_wait3A_52] : memref<10240x128xf32, #tpu.memory_space<vmem_shared>> -> memref<64x128xf32, #tpu.memory_space<vmem_shared>>
      tpu.wait_dma2 semaphore(%run_scoped3A_45 : memref<!tpu.dma_semaphore, #tpu.memory_space<semaphore_mem>>) src(%arg9 : memref<64x128xf32, #tpu.memory_space<vmem>>) dst(%dma_wait3A_53 : memref<64x128xf32, #tpu.memory_space<vmem_shared>>)
      tpu.yield
    }) : () -> ()
    %add3A_8 = arith.constant 64 : i32
    %add3A_9 = arith.addi %mul3A_0, %add3A_8 : i32
    "tpu.region"() ({
      %run_scoped3A_45 = tpu.sem_alloc : memref<!tpu.dma_semaphore, #tpu.memory_space<semaphore_mem>>
      %dma_start3A_46 = arith.constant 0 : i32
      %dma_start3A_47 = tpu.memref_slice %arg11[%add3A_9, %dma_start3A_46] : memref<10240x128xf32, #tpu.memory_space<vmem_shared>> -> memref<64x128xf32, #tpu.memory_space<vmem_shared>>
      %dma_start3A_48 = arith.constant 0 : i32
      %dma_start3A_49 = tpu.memref_slice %arg11[%add3A_9, %dma_start3A_48] : memref<10240x128xf32, #tpu.memory_space<vmem_shared>> -> memref<64x128xf32, #tpu.memory_space<vmem_shared>>
      tpu.enqueue_dma source(%arg9 : memref<64x128xf32, #tpu.memory_space<vmem>>) target(%dma_start3A_49 : memref<64x128xf32, #tpu.memory_space<vmem_shared>>) target_semaphore(%run_scoped3A_45 : memref<!tpu.dma_semaphore, #tpu.memory_space<semaphore_mem>>)
      %dma_wait3A_50 = arith.constant 0 : i32
      %dma_wait3A_51 = tpu.memref_slice %arg11[%add3A_9, %dma_wait3A_50] : memref<10240x128xf32, #tpu.memory_space<vmem_shared>> -> memref<64x128xf32, #tpu.memory_space<vmem_shared>>
      %dma_wait3A_52 = arith.constant 0 : i32
      %dma_wait3A_53 = tpu.memref_slice %arg11[%add3A_9, %dma_wait3A_52] : memref<10240x128xf32, #tpu.memory_space<vmem_shared>> -> memref<64x128xf32, #tpu.memory_space<vmem_shared>>
      tpu.wait_dma2 semaphore(%run_scoped3A_45 : memref<!tpu.dma_semaphore, #tpu.memory_space<semaphore_mem>>) src(%arg9 : memref<64x128xf32, #tpu.memory_space<vmem>>) dst(%dma_wait3A_53 : memref<64x128xf32, #tpu.memory_space<vmem_shared>>)
      tpu.yield
    }) : () -> ()
    %add3A_10 = arith.constant 128 : i32
    %add3A_11 = arith.addi %mul3A_0, %add3A_10 : i32
    "tpu.region"() ({
      %run_scoped3A_45 = tpu.sem_alloc : memref<!tpu.dma_semaphore, #tpu.memory_space<semaphore_mem>>
      %dma_start3A_46 = arith.constant 0 : i32
      %dma_start3A_47 = tpu.memref_slice %arg11[%add3A_11, %dma_start3A_46] : memref<10240x128xf32, #tpu.memory_space<vmem_shared>> -> memref<64x128xf32, #tpu.memory_space<vmem_shared>>
      %dma_start3A_48 = arith.constant 0 : i32
      %dma_start3A_49 = tpu.memref_slice %arg11[%add3A_11, %dma_start3A_48] : memref<10240x128xf32, #tpu.memory_space<vmem_shared>> -> memref<64x128xf32, #tpu.memory_space<vmem_shared>>
      tpu.enqueue_dma source(%arg9 : memref<64x128xf32, #tpu.memory_space<vmem>>) target(%dma_start3A_49 : memref<64x128xf32, #tpu.memory_space<vmem_shared>>) target_semaphore(%run_scoped3A_45 : memref<!tpu.dma_semaphore, #tpu.memory_space<semaphore_mem>>)
      %dma_wait3A_50 = arith.constant 0 : i32
      %dma_wait3A_51 = tpu.memref_slice %arg11[%add3A_11, %dma_wait3A_50] : memref<10240x128xf32, #tpu.memory_space<vmem_shared>> -> memref<64x128xf32, #tpu.memory_space<vmem_shared>>
      %dma_wait3A_52 = arith.constant 0 : i32
      %dma_wait3A_53 = tpu.memref_slice %arg11[%add3A_11, %dma_wait3A_52] : memref<10240x128xf32, #tpu.memory_space<vmem_shared>> -> memref<64x128xf32, #tpu.memory_space<vmem_shared>>
      tpu.wait_dma2 semaphore(%run_scoped3A_45 : memref<!tpu.dma_semaphore, #tpu.memory_space<semaphore_mem>>) src(%arg9 : memref<64x128xf32, #tpu.memory_space<vmem>>) dst(%dma_wait3A_53 : memref<64x128xf32, #tpu.memory_space<vmem_shared>>)
      tpu.yield
    }) : () -> ()
    %add3A_12 = arith.constant 192 : i32
    %add3A_13 = arith.addi %mul3A_0, %add3A_12 : i32
    "tpu.region"() ({
      %run_scoped3A_45 = tpu.sem_alloc : memref<!tpu.dma_semaphore, #tpu.memory_space<semaphore_mem>>
      %dma_start3A_46 = arith.constant 0 : i32
      %dma_start3A_47 = tpu.memref_slice %arg11[%add3A_13, %dma_start3A_46] : memref<10240x128xf32, #tpu.memory_space<vmem_shared>> -> memref<64x128xf32, #tpu.memory_space<vmem_shared>>
      %dma_start3A_48 = arith.constant 0 : i32
      %dma_start3A_49 = tpu.memref_slice %arg11[%add3A_13, %dma_start3A_48] : memref<10240x128xf32, #tpu.memory_space<vmem_shared>> -> memref<64x128xf32, #tpu.memory_space<vmem_shared>>
      tpu.enqueue_dma source(%arg9 : memref<64x128xf32, #tpu.memory_space<vmem>>) target(%dma_start3A_49 : memref<64x128xf32, #tpu.memory_space<vmem_shared>>) target_semaphore(%run_scoped3A_45 : memref<!tpu.dma_semaphore, #tpu.memory_space<semaphore_mem>>)
      %dma_wait3A_50 = arith.constant 0 : i32
      %dma_wait3A_51 = tpu.memref_slice %arg11[%add3A_13, %dma_wait3A_50] : memref<10240x128xf32, #tpu.memory_space<vmem_shared>> -> memref<64x128xf32, #tpu.memory_space<vmem_shared>>
      %dma_wait3A_52 = arith.constant 0 : i32
      %dma_wait3A_53 = tpu.memref_slice %arg11[%add3A_13, %dma_wait3A_52] : memref<10240x128xf32, #tpu.memory_space<vmem_shared>> -> memref<64x128xf32, #tpu.memory_space<vmem_shared>>
      tpu.wait_dma2 semaphore(%run_scoped3A_45 : memref<!tpu.dma_semaphore, #tpu.memory_space<semaphore_mem>>) src(%arg9 : memref<64x128xf32, #tpu.memory_space<vmem>>) dst(%dma_wait3A_53 : memref<64x128xf32, #tpu.memory_space<vmem_shared>>)
      tpu.yield
    }) : () -> ()
    %add3A_14 = arith.constant 256 : i32
    %add3A_15 = arith.addi %mul3A_0, %add3A_14 : i32
    "tpu.region"() ({
      %run_scoped3A_45 = tpu.sem_alloc : memref<!tpu.dma_semaphore, #tpu.memory_space<semaphore_mem>>
      %dma_start3A_46 = arith.constant 0 : i32
      %dma_start3A_47 = tpu.memref_slice %arg11[%add3A_15, %dma_start3A_46] : memref<10240x128xf32, #tpu.memory_space<vmem_shared>> -> memref<64x128xf32, #tpu.memory_space<vmem_shared>>
      %dma_start3A_48 = arith.constant 0 : i32
      %dma_start3A_49 = tpu.memref_slice %arg11[%add3A_15, %dma_start3A_48] : memref<10240x128xf32, #tpu.memory_space<vmem_shared>> -> memref<64x128xf32, #tpu.memory_space<vmem_shared>>
      tpu.enqueue_dma source(%arg9 : memref<64x128xf32, #tpu.memory_space<vmem>>) target(%dma_start3A_49 : memref<64x128xf32, #tpu.memory_space<vmem_shared>>) target_semaphore(%run_scoped3A_45 : memref<!tpu.dma_semaphore, #tpu.memory_space<semaphore_mem>>)
      %dma_wait3A_50 = arith.constant 0 : i32
      %dma_wait3A_51 = tpu.memref_slice %arg11[%add3A_15, %dma_wait3A_50] : memref<10240x128xf32, #tpu.memory_space<vmem_shared>> -> memref<64x128xf32, #tpu.memory_space<vmem_shared>>
      %dma_wait3A_52 = arith.constant 0 : i32
      %dma_wait3A_53 = tpu.memref_slice %arg11[%add3A_15, %dma_wait3A_52] : memref<10240x128xf32, #tpu.memory_space<vmem_shared>> -> memref<64x128xf32, #tpu.memory_space<vmem_shared>>
      tpu.wait_dma2 semaphore(%run_scoped3A_45 : memref<!tpu.dma_semaphore, #tpu.memory_space<semaphore_mem>>) src(%arg9 : memref<64x128xf32, #tpu.memory_space<vmem>>) dst(%dma_wait3A_53 : memref<64x128xf32, #tpu.memory_space<vmem_shared>>)
      tpu.yield
    }) : () -> ()
    %add3A_16 = arith.constant 320 : i32
    %add3A_17 = arith.addi %mul3A_0, %add3A_16 : i32
    "tpu.region"() ({
      %run_scoped3A_45 = tpu.sem_alloc : memref<!tpu.dma_semaphore, #tpu.memory_space<semaphore_mem>>
      %dma_start3A_46 = arith.constant 0 : i32
      %dma_start3A_47 = tpu.memref_slice %arg11[%add3A_17, %dma_start3A_46] : memref<10240x128xf32, #tpu.memory_space<vmem_shared>> -> memref<64x128xf32, #tpu.memory_space<vmem_shared>>
      %dma_start3A_48 = arith.constant 0 : i32
      %dma_start3A_49 = tpu.memref_slice %arg11[%add3A_17, %dma_start3A_48] : memref<10240x128xf32, #tpu.memory_space<vmem_shared>> -> memref<64x128xf32, #tpu.memory_space<vmem_shared>>
      tpu.enqueue_dma source(%arg9 : memref<64x128xf32, #tpu.memory_space<vmem>>) target(%dma_start3A_49 : memref<64x128xf32, #tpu.memory_space<vmem_shared>>) target_semaphore(%run_scoped3A_45 : memref<!tpu.dma_semaphore, #tpu.memory_space<semaphore_mem>>)
      %dma_wait3A_50 = arith.constant 0 : i32
      %dma_wait3A_51 = tpu.memref_slice %arg11[%add3A_17, %dma_wait3A_50] : memref<10240x128xf32, #tpu.memory_space<vmem_shared>> -> memref<64x128xf32, #tpu.memory_space<vmem_shared>>
      %dma_wait3A_52 = arith.constant 0 : i32
      %dma_wait3A_53 = tpu.memref_slice %arg11[%add3A_17, %dma_wait3A_52] : memref<10240x128xf32, #tpu.memory_space<vmem_shared>> -> memref<64x128xf32, #tpu.memory_space<vmem_shared>>
      tpu.wait_dma2 semaphore(%run_scoped3A_45 : memref<!tpu.dma_semaphore, #tpu.memory_space<semaphore_mem>>) src(%arg9 : memref<64x128xf32, #tpu.memory_space<vmem>>) dst(%dma_wait3A_53 : memref<64x128xf32, #tpu.memory_space<vmem_shared>>)
      tpu.yield
    }) : () -> ()
    %add3A_18 = arith.constant 384 : i32
    %add3A_19 = arith.addi %mul3A_0, %add3A_18 : i32
    "tpu.region"() ({
      %run_scoped3A_45 = tpu.sem_alloc : memref<!tpu.dma_semaphore, #tpu.memory_space<semaphore_mem>>
      %dma_start3A_46 = arith.constant 0 : i32
      %dma_start3A_47 = tpu.memref_slice %arg11[%add3A_19, %dma_start3A_46] : memref<10240x128xf32, #tpu.memory_space<vmem_shared>> -> memref<64x128xf32, #tpu.memory_space<vmem_shared>>
      %dma_start3A_48 = arith.constant 0 : i32
      %dma_start3A_49 = tpu.memref_slice %arg11[%add3A_19, %dma_start3A_48] : memref<10240x128xf32, #tpu.memory_space<vmem_shared>> -> memref<64x128xf32, #tpu.memory_space<vmem_shared>>
      tpu.enqueue_dma source(%arg9 : memref<64x128xf32, #tpu.memory_space<vmem>>) target(%dma_start3A_49 : memref<64x128xf32, #tpu.memory_space<vmem_shared>>) target_semaphore(%run_scoped3A_45 : memref<!tpu.dma_semaphore, #tpu.memory_space<semaphore_mem>>)
      %dma_wait3A_50 = arith.constant 0 : i32
      %dma_wait3A_51 = tpu.memref_slice %arg11[%add3A_19, %dma_wait3A_50] : memref<10240x128xf32, #tpu.memory_space<vmem_shared>> -> memref<64x128xf32, #tpu.memory_space<vmem_shared>>
      %dma_wait3A_52 = arith.constant 0 : i32
      %dma_wait3A_53 = tpu.memref_slice %arg11[%add3A_19, %dma_wait3A_52] : memref<10240x128xf32, #tpu.memory_space<vmem_shared>> -> memref<64x128xf32, #tpu.memory_space<vmem_shared>>
      tpu.wait_dma2 semaphore(%run_scoped3A_45 : memref<!tpu.dma_semaphore, #tpu.memory_space<semaphore_mem>>) src(%arg9 : memref<64x128xf32, #tpu.memory_space<vmem>>) dst(%dma_wait3A_53 : memref<64x128xf32, #tpu.memory_space<vmem_shared>>)
      tpu.yield
    }) : () -> ()
    %add3A_20 = arith.constant 448 : i32
    %add3A_21 = arith.addi %mul3A_0, %add3A_20 : i32
    "tpu.region"() ({
      %run_scoped3A_45 = tpu.sem_alloc : memref<!tpu.dma_semaphore, #tpu.memory_space<semaphore_mem>>
      %dma_start3A_46 = arith.constant 0 : i32
      %dma_start3A_47 = tpu.memref_slice %arg11[%add3A_21, %dma_start3A_46] : memref<10240x128xf32, #tpu.memory_space<vmem_shared>> -> memref<64x128xf32, #tpu.memory_space<vmem_shared>>
      %dma_start3A_48 = arith.constant 0 : i32
      %dma_start3A_49 = tpu.memref_slice %arg11[%add3A_21, %dma_start3A_48] : memref<10240x128xf32, #tpu.memory_space<vmem_shared>> -> memref<64x128xf32, #tpu.memory_space<vmem_shared>>
      tpu.enqueue_dma source(%arg9 : memref<64x128xf32, #tpu.memory_space<vmem>>) target(%dma_start3A_49 : memref<64x128xf32, #tpu.memory_space<vmem_shared>>) target_semaphore(%run_scoped3A_45 : memref<!tpu.dma_semaphore, #tpu.memory_space<semaphore_mem>>)
      %dma_wait3A_50 = arith.constant 0 : i32
      %dma_wait3A_51 = tpu.memref_slice %arg11[%add3A_21, %dma_wait3A_50] : memref<10240x128xf32, #tpu.memory_space<vmem_shared>> -> memref<64x128xf32, #tpu.memory_space<vmem_shared>>
      %dma_wait3A_52 = arith.constant 0 : i32
      %dma_wait3A_53 = tpu.memref_slice %arg11[%add3A_21, %dma_wait3A_52] : memref<10240x128xf32, #tpu.memory_space<vmem_shared>> -> memref<64x128xf32, #tpu.memory_space<vmem_shared>>
      tpu.wait_dma2 semaphore(%run_scoped3A_45 : memref<!tpu.dma_semaphore, #tpu.memory_space<semaphore_mem>>) src(%arg9 : memref<64x128xf32, #tpu.memory_space<vmem>>) dst(%dma_wait3A_53 : memref<64x128xf32, #tpu.memory_space<vmem_shared>>)
      tpu.yield
    }) : () -> ()
    %add3A_22 = arith.constant 512 : i32
    %add3A_23 = arith.addi %mul3A_0, %add3A_22 : i32
    "tpu.region"() ({
      %run_scoped3A_45 = tpu.sem_alloc : memref<!tpu.dma_semaphore, #tpu.memory_space<semaphore_mem>>
      %dma_start3A_46 = arith.constant 0 : i32
      %dma_start3A_47 = tpu.memref_slice %arg11[%add3A_23, %dma_start3A_46] : memref<10240x128xf32, #tpu.memory_space<vmem_shared>> -> memref<64x128xf32, #tpu.memory_space<vmem_shared>>
      %dma_start3A_48 = arith.constant 0 : i32
      %dma_start3A_49 = tpu.memref_slice %arg11[%add3A_23, %dma_start3A_48] : memref<10240x128xf32, #tpu.memory_space<vmem_shared>> -> memref<64x128xf32, #tpu.memory_space<vmem_shared>>
      tpu.enqueue_dma source(%arg9 : memref<64x128xf32, #tpu.memory_space<vmem>>) target(%dma_start3A_49 : memref<64x128xf32, #tpu.memory_space<vmem_shared>>) target_semaphore(%run_scoped3A_45 : memref<!tpu.dma_semaphore, #tpu.memory_space<semaphore_mem>>)
      %dma_wait3A_50 = arith.constant 0 : i32
      %dma_wait3A_51 = tpu.memref_slice %arg11[%add3A_23, %dma_wait3A_50] : memref<10240x128xf32, #tpu.memory_space<vmem_shared>> -> memref<64x128xf32, #tpu.memory_space<vmem_shared>>
      %dma_wait3A_52 = arith.constant 0 : i32
      %dma_wait3A_53 = tpu.memref_slice %arg11[%add3A_23, %dma_wait3A_52] : memref<10240x128xf32, #tpu.memory_space<vmem_shared>> -> memref<64x128xf32, #tpu.memory_space<vmem_shared>>
      tpu.wait_dma2 semaphore(%run_scoped3A_45 : memref<!tpu.dma_semaphore, #tpu.memory_space<semaphore_mem>>) src(%arg9 : memref<64x128xf32, #tpu.memory_space<vmem>>) dst(%dma_wait3A_53 : memref<64x128xf32, #tpu.memory_space<vmem_shared>>)
      tpu.yield
    }) : () -> ()
    %add3A_24 = arith.constant 576 : i32
    %add3A_25 = arith.addi %mul3A_0, %add3A_24 : i32
    "tpu.region"() ({
      %run_scoped3A_45 = tpu.sem_alloc : memref<!tpu.dma_semaphore, #tpu.memory_space<semaphore_mem>>
      %dma_start3A_46 = arith.constant 0 : i32
      %dma_start3A_47 = tpu.memref_slice %arg11[%add3A_25, %dma_start3A_46] : memref<10240x128xf32, #tpu.memory_space<vmem_shared>> -> memref<64x128xf32, #tpu.memory_space<vmem_shared>>
      %dma_start3A_48 = arith.constant 0 : i32
      %dma_start3A_49 = tpu.memref_slice %arg11[%add3A_25, %dma_start3A_48] : memref<10240x128xf32, #tpu.memory_space<vmem_shared>> -> memref<64x128xf32, #tpu.memory_space<vmem_shared>>
      tpu.enqueue_dma source(%arg9 : memref<64x128xf32, #tpu.memory_space<vmem>>) target(%dma_start3A_49 : memref<64x128xf32, #tpu.memory_space<vmem_shared>>) target_semaphore(%run_scoped3A_45 : memref<!tpu.dma_semaphore, #tpu.memory_space<semaphore_mem>>)
      %dma_wait3A_50 = arith.constant 0 : i32
      %dma_wait3A_51 = tpu.memref_slice %arg11[%add3A_25, %dma_wait3A_50] : memref<10240x128xf32, #tpu.memory_space<vmem_shared>> -> memref<64x128xf32, #tpu.memory_space<vmem_shared>>
      %dma_wait3A_52 = arith.constant 0 : i32
      %dma_wait3A_53 = tpu.memref_slice %arg11[%add3A_25, %dma_wait3A_52] : memref<10240x128xf32, #tpu.memory_space<vmem_shared>> -> memref<64x128xf32, #tpu.memory_space<vmem_shared>>
      tpu.wait_dma2 semaphore(%run_scoped3A_45 : memref<!tpu.dma_semaphore, #tpu.memory_space<semaphore_mem>>) src(%arg9 : memref<64x128xf32, #tpu.memory_space<vmem>>) dst(%dma_wait3A_53 : memref<64x128xf32, #tpu.memory_space<vmem_shared>>)
      tpu.yield
    }) : () -> ()
    "tpu.region"() ({
      %run_scoped3A_45 = tpu.sem_alloc : memref<!tpu.dma_semaphore, #tpu.memory_space<semaphore_mem>>
      %dma_start3A_46 = arith.constant 0 : i32
      %dma_start3A_47 = arith.constant 0 : i32
      %dma_start3A_48 = tpu.memref_slice %arg4[%arg1, %dma_start3A_46, %dma_start3A_47] : memref<16x160x64xi32, #tpu.memory_space<hbm>> -> memref<1x160x64xi32, #tpu.memory_space<hbm>>
      %dma_start3A_49 = tpu.memref_squeeze %dma_start3A_48 : memref<1x160x64xi32, #tpu.memory_space<hbm>> -> memref<160x64xi32, #tpu.memory_space<hbm>>
      %dma_start3A_50 = arith.constant 0 : i32
      %dma_start3A_51 = arith.constant 0 : i32
      %dma_start3A_52 = tpu.memref_slice %arg4[%arg1, %dma_start3A_50, %dma_start3A_51] : memref<16x160x64xi32, #tpu.memory_space<hbm>> -> memref<1x160x64xi32, #tpu.memory_space<hbm>>
      %dma_start3A_53 = tpu.memref_squeeze %dma_start3A_52 : memref<1x160x64xi32, #tpu.memory_space<hbm>> -> memref<160x64xi32, #tpu.memory_space<hbm>>
      tpu.enqueue_dma source(%dma_start3A_53 : memref<160x64xi32, #tpu.memory_space<hbm>>) target(%arg8 : memref<160x64xi32, #tpu.memory_space<vmem>>) target_semaphore(%run_scoped3A_45 : memref<!tpu.dma_semaphore, #tpu.memory_space<semaphore_mem>>)
      %dma_wait3A_54 = arith.constant 0 : i32
      %dma_wait3A_55 = arith.constant 0 : i32
      %dma_wait3A_56 = tpu.memref_slice %arg4[%arg1, %dma_wait3A_54, %dma_wait3A_55] : memref<16x160x64xi32, #tpu.memory_space<hbm>> -> memref<1x160x64xi32, #tpu.memory_space<hbm>>
      %dma_wait3A_57 = tpu.memref_squeeze %dma_wait3A_56 : memref<1x160x64xi32, #tpu.memory_space<hbm>> -> memref<160x64xi32, #tpu.memory_space<hbm>>
      %dma_wait3A_58 = arith.constant 0 : i32
      %dma_wait3A_59 = arith.constant 0 : i32
      %dma_wait3A_60 = tpu.memref_slice %arg4[%arg1, %dma_wait3A_58, %dma_wait3A_59] : memref<16x160x64xi32, #tpu.memory_space<hbm>> -> memref<1x160x64xi32, #tpu.memory_space<hbm>>
      %dma_wait3A_61 = tpu.memref_squeeze %dma_wait3A_60 : memref<1x160x64xi32, #tpu.memory_space<hbm>> -> memref<160x64xi32, #tpu.memory_space<hbm>>
      tpu.wait_dma2 semaphore(%run_scoped3A_45 : memref<!tpu.dma_semaphore, #tpu.memory_space<semaphore_mem>>) src(%dma_wait3A_61 : memref<160x64xi32, #tpu.memory_space<hbm>>) dst(%arg8 : memref<160x64xi32, #tpu.memory_space<vmem>>)
      tpu.yield
    }) : () -> ()
    %barrier3A = arith.constant 0 : index
    tpu.barrier barrier_id(%barrier3A)
    %run_scoped3A = arith.constant 0 : i32
    "tpu.region"() ({
      %run_scoped3A_45 = tpu.sem_alloc : memref<!tpu.dma_semaphore, #tpu.memory_space<semaphore_mem>>
      %dma_start3A_46 = arith.constant 0 : i32
      %dma_start3A_47 = tpu.memref_slice %arg3[%arg0, %arg1, %run_scoped3A, %dma_start3A_46] : memref<2x16x162x64xi32, #tpu.memory_space<hbm>> -> memref<1x1x1x64xi32, #tpu.memory_space<hbm>>
      %dma_start3A_48 = tpu.memref_squeeze %dma_start3A_47 : memref<1x1x1x64xi32, #tpu.memory_space<hbm>> -> memref<64xi32, #tpu.memory_space<hbm>>
      %dma_start3A_49 = arith.constant 0 : i32
      %dma_start3A_50 = tpu.memref_slice %arg3[%arg0, %arg1, %run_scoped3A, %dma_start3A_49] : memref<2x16x162x64xi32, #tpu.memory_space<hbm>> -> memref<1x1x1x64xi32, #tpu.memory_space<hbm>>
      %dma_start3A_51 = tpu.memref_squeeze %dma_start3A_50 : memref<1x1x1x64xi32, #tpu.memory_space<hbm>> -> memref<64xi32, #tpu.memory_space<hbm>>
      tpu.enqueue_dma source(%dma_start3A_51 : memref<64xi32, #tpu.memory_space<hbm>>) target(%arg6 : memref<64xi32, #tpu.memory_space<vmem>>) target_semaphore(%run_scoped3A_45 : memref<!tpu.dma_semaphore, #tpu.memory_space<semaphore_mem>>)
      %dma_wait3A_52 = arith.constant 0 : i32
      %dma_wait3A_53 = tpu.memref_slice %arg3[%arg0, %arg1, %run_scoped3A, %dma_wait3A_52] : memref<2x16x162x64xi32, #tpu.memory_space<hbm>> -> memref<1x1x1x64xi32, #tpu.memory_space<hbm>>
      %dma_wait3A_54 = tpu.memref_squeeze %dma_wait3A_53 : memref<1x1x1x64xi32, #tpu.memory_space<hbm>> -> memref<64xi32, #tpu.memory_space<hbm>>
      %dma_wait3A_55 = arith.constant 0 : i32
      %dma_wait3A_56 = tpu.memref_slice %arg3[%arg0, %arg1, %run_scoped3A, %dma_wait3A_55] : memref<2x16x162x64xi32, #tpu.memory_space<hbm>> -> memref<1x1x1x64xi32, #tpu.memory_space<hbm>>
      %dma_wait3A_57 = tpu.memref_squeeze %dma_wait3A_56 : memref<1x1x1x64xi32, #tpu.memory_space<hbm>> -> memref<64xi32, #tpu.memory_space<hbm>>
      tpu.wait_dma2 semaphore(%run_scoped3A_45 : memref<!tpu.dma_semaphore, #tpu.memory_space<semaphore_mem>>) src(%dma_wait3A_57 : memref<64xi32, #tpu.memory_space<hbm>>) dst(%arg6 : memref<64xi32, #tpu.memory_space<vmem>>)
      tpu.yield
    }) : () -> ()
    %dma_start3A = arith.constant 0 : i32
    %dma_start3A_26 = arith.constant 0 : i32
    %dma_start3A_27 = tpu.memref_slice %arg2[%dma_start3A, %dma_start3A_26] : memref<20480x128xf32, #tpu.memory_space<hbm>> -> memref<20480x128xf32, #tpu.memory_space<hbm>>
    tpu.enqueue_indirect_dma source(%dma_start3A_27 : memref<20480x128xf32, #tpu.memory_space<hbm>>) target(%arg9 : memref<64x128xf32, #tpu.memory_space<vmem>>) offsets(%arg6 : memref<64xi32, #tpu.memory_space<vmem>>) semaphore(%arg12 : memref<!tpu.dma_semaphore, #tpu.memory_space<semaphore_mem>>)
    %run_scoped3A_28 = arith.constant 1 : i32
    "tpu.region"() ({
      %run_scoped3A_45 = tpu.sem_alloc : memref<!tpu.dma_semaphore, #tpu.memory_space<semaphore_mem>>
      %dma_start3A_46 = arith.constant 0 : i32
      %dma_start3A_47 = tpu.memref_slice %arg3[%arg0, %arg1, %run_scoped3A_28, %dma_start3A_46] : memref<2x16x162x64xi32, #tpu.memory_space<hbm>> -> memref<1x1x1x64xi32, #tpu.memory_space<hbm>>
      %dma_start3A_48 = tpu.memref_squeeze %dma_start3A_47 : memref<1x1x1x64xi32, #tpu.memory_space<hbm>> -> memref<64xi32, #tpu.memory_space<hbm>>
      %dma_start3A_49 = arith.constant 0 : i32
      %dma_start3A_50 = tpu.memref_slice %arg3[%arg0, %arg1, %run_scoped3A_28, %dma_start3A_49] : memref<2x16x162x64xi32, #tpu.memory_space<hbm>> -> memref<1x1x1x64xi32, #tpu.memory_space<hbm>>
      %dma_start3A_51 = tpu.memref_squeeze %dma_start3A_50 : memref<1x1x1x64xi32, #tpu.memory_space<hbm>> -> memref<64xi32, #tpu.memory_space<hbm>>
      tpu.enqueue_dma source(%dma_start3A_51 : memref<64xi32, #tpu.memory_space<hbm>>) target(%arg7 : memref<64xi32, #tpu.memory_space<vmem>>) target_semaphore(%run_scoped3A_45 : memref<!tpu.dma_semaphore, #tpu.memory_space<semaphore_mem>>)
      %dma_wait3A_52 = arith.constant 0 : i32
      %dma_wait3A_53 = tpu.memref_slice %arg3[%arg0, %arg1, %run_scoped3A_28, %dma_wait3A_52] : memref<2x16x162x64xi32, #tpu.memory_space<hbm>> -> memref<1x1x1x64xi32, #tpu.memory_space<hbm>>
      %dma_wait3A_54 = tpu.memref_squeeze %dma_wait3A_53 : memref<1x1x1x64xi32, #tpu.memory_space<hbm>> -> memref<64xi32, #tpu.memory_space<hbm>>
      %dma_wait3A_55 = arith.constant 0 : i32
      %dma_wait3A_56 = tpu.memref_slice %arg3[%arg0, %arg1, %run_scoped3A_28, %dma_wait3A_55] : memref<2x16x162x64xi32, #tpu.memory_space<hbm>> -> memref<1x1x1x64xi32, #tpu.memory_space<hbm>>
      %dma_wait3A_57 = tpu.memref_squeeze %dma_wait3A_56 : memref<1x1x1x64xi32, #tpu.memory_space<hbm>> -> memref<64xi32, #tpu.memory_space<hbm>>
      tpu.wait_dma2 semaphore(%run_scoped3A_45 : memref<!tpu.dma_semaphore, #tpu.memory_space<semaphore_mem>>) src(%dma_wait3A_57 : memref<64xi32, #tpu.memory_space<hbm>>) dst(%arg7 : memref<64xi32, #tpu.memory_space<vmem>>)
      tpu.yield
    }) : () -> ()
    %dma_start3A_29 = arith.constant 0 : i32
    %dma_start3A_30 = arith.constant 0 : i32
    %dma_start3A_31 = tpu.memref_slice %arg2[%dma_start3A_29, %dma_start3A_30] : memref<20480x128xf32, #tpu.memory_space<hbm>> -> memref<20480x128xf32, #tpu.memory_space<hbm>>
    tpu.enqueue_indirect_dma source(%dma_start3A_31 : memref<20480x128xf32, #tpu.memory_space<hbm>>) target(%arg10 : memref<64x128xf32, #tpu.memory_space<vmem>>) offsets(%arg7 : memref<64xi32, #tpu.memory_space<vmem>>) semaphore(%arg13 : memref<!tpu.dma_semaphore, #tpu.memory_space<semaphore_mem>>)
    %scan3A_32 = arith.constant 0 : i32
    %scan3A_33 = arith.constant 0 : i32
    %scan3A_34 = arith.constant 80 : i32
    %scan3A_35 = arith.addi %scan3A_33, %scan3A_34 : i32
    %scan3A_36 = arith.constant 1 : i32
    %scan3A_37 = scf.for %scan3A_45 = %scan3A_33 to %scan3A_35 step %scan3A_36 iter_args(%scan3A_46 = %scan3A_32) -> (i32)  : i32 {
      %dma_wait3A_47 = arith.constant 0 : i32
      %dma_wait3A_48 = arith.constant 0 : i32
      %dma_wait3A_49 = tpu.memref_slice %arg2[%dma_wait3A_47, %dma_wait3A_48] : memref<20480x128xf32, #tpu.memory_space<hbm>> -> memref<20480x128xf32, #tpu.memory_space<hbm>>
      tpu.wait_indirect_dma semaphore(%arg12 : memref<!tpu.dma_semaphore, #tpu.memory_space<semaphore_mem>>) src(%dma_wait3A_49 : memref<20480x128xf32, #tpu.memory_space<hbm>>) dst(%arg9 : memref<64x128xf32, #tpu.memory_space<vmem>>)
      %mul3A_50 = arith.constant 2 : i32
      %mul3A_51 = arith.muli %mul3A_50, %scan3A_45 : i32
      %add3A_52 = arith.constant 2 : i32
      %add3A_53 = arith.addi %mul3A_51, %add3A_52 : i32
      %dma_start3A_54 = arith.constant 0 : i32
      %dma_start3A_55 = tpu.memref_slice %arg3[%arg0, %arg1, %add3A_53, %dma_start3A_54] : memref<2x16x162x64xi32, #tpu.memory_space<hbm>> -> memref<1x1x1x64xi32, #tpu.memory_space<hbm>>
      %dma_start3A_56 = tpu.memref_squeeze %dma_start3A_55 : memref<1x1x1x64xi32, #tpu.memory_space<hbm>> -> memref<64xi32, #tpu.memory_space<hbm>>
      %dma_start3A_57 = arith.constant 0 : i32
      %dma_start3A_58 = tpu.memref_slice %arg3[%arg0, %arg1, %add3A_53, %dma_start3A_57] : memref<2x16x162x64xi32, #tpu.memory_space<hbm>> -> memref<1x1x1x64xi32, #tpu.memory_space<hbm>>
      %dma_start3A_59 = tpu.memref_squeeze %dma_start3A_58 : memref<1x1x1x64xi32, #tpu.memory_space<hbm>> -> memref<64xi32, #tpu.memory_space<hbm>>
      tpu.enqueue_dma source(%dma_start3A_59 : memref<64xi32, #tpu.memory_space<hbm>>) target(%arg6 : memref<64xi32, #tpu.memory_space<vmem>>) target_semaphore(%arg14 : memref<!tpu.dma_semaphore, #tpu.memory_space<semaphore_mem>>)
      %mul3A_60 = arith.constant 2 : i32
      %mul3A_61 = arith.muli %mul3A_60, %scan3A_45 : i32
      "tpu.region"() ({
        %run_scoped3A_106 = tpu.sem_alloc : memref<!tpu.dma_semaphore, #tpu.memory_space<semaphore_mem>>
        %dma_start3A_107 = arith.constant 0 : i32
        %dma_start3A_108 = tpu.memref_slice %arg8[%mul3A_61, %dma_start3A_107] : memref<160x64xi32, #tpu.memory_space<vmem>> -> memref<1x64xi32, #tpu.memory_space<vmem>>
        %dma_start3A_109 = tpu.memref_squeeze %dma_start3A_108 : memref<1x64xi32, #tpu.memory_space<vmem>> -> memref<64xi32, #tpu.memory_space<vmem>>
        %dma_start3A_110 = arith.constant 0 : i32
        %dma_start3A_111 = arith.constant 0 : i32
        %dma_start3A_112 = tpu.memref_slice %arg11[%dma_start3A_110, %dma_start3A_111] : memref<10240x128xf32, #tpu.memory_space<vmem_shared>> -> memref<10240x128xf32, #tpu.memory_space<vmem_shared>>
        tpu.enqueue_indirect_dma source(%arg9 : memref<64x128xf32, #tpu.memory_space<vmem>>) target(%dma_start3A_112 : memref<10240x128xf32, #tpu.memory_space<vmem_shared>>) offsets(%dma_start3A_109 : memref<64xi32, #tpu.memory_space<vmem>>) semaphore(%run_scoped3A_106 : memref<!tpu.dma_semaphore, #tpu.memory_space<semaphore_mem>>) {add = true}
        %dma_wait3A_113 = arith.constant 0 : i32
        %dma_wait3A_114 = tpu.memref_slice %arg8[%mul3A_61, %dma_wait3A_113] : memref<160x64xi32, #tpu.memory_space<vmem>> -> memref<1x64xi32, #tpu.memory_space<vmem>>
        %dma_wait3A_115 = tpu.memref_squeeze %dma_wait3A_114 : memref<1x64xi32, #tpu.memory_space<vmem>> -> memref<64xi32, #tpu.memory_space<vmem>>
        %dma_wait3A_116 = arith.constant 0 : i32
        %dma_wait3A_117 = arith.constant 0 : i32
        %dma_wait3A_118 = tpu.memref_slice %arg11[%dma_wait3A_116, %dma_wait3A_117] : memref<10240x128xf32, #tpu.memory_space<vmem_shared>> -> memref<10240x128xf32, #tpu.memory_space<vmem_shared>>
        tpu.wait_indirect_dma semaphore(%run_scoped3A_106 : memref<!tpu.dma_semaphore, #tpu.memory_space<semaphore_mem>>) src(%arg9 : memref<64x128xf32, #tpu.memory_space<vmem>>) dst(%dma_wait3A_118 : memref<10240x128xf32, #tpu.memory_space<vmem_shared>>)
        tpu.yield
      }) : () -> ()
      %mul3A_62 = arith.constant 2 : i32
      %mul3A_63 = arith.muli %mul3A_62, %scan3A_45 : i32
      %add3A_64 = arith.constant 2 : i32
      %add3A_65 = arith.addi %mul3A_63, %add3A_64 : i32
      %dma_wait3A_66 = arith.constant 0 : i32
      %dma_wait3A_67 = tpu.memref_slice %arg3[%arg0, %arg1, %add3A_65, %dma_wait3A_66] : memref<2x16x162x64xi32, #tpu.memory_space<hbm>> -> memref<1x1x1x64xi32, #tpu.memory_space<hbm>>
      %dma_wait3A_68 = tpu.memref_squeeze %dma_wait3A_67 : memref<1x1x1x64xi32, #tpu.memory_space<hbm>> -> memref<64xi32, #tpu.memory_space<hbm>>
      %dma_wait3A_69 = arith.constant 0 : i32
      %dma_wait3A_70 = tpu.memref_slice %arg3[%arg0, %arg1, %add3A_65, %dma_wait3A_69] : memref<2x16x162x64xi32, #tpu.memory_space<hbm>> -> memref<1x1x1x64xi32, #tpu.memory_space<hbm>>
      %dma_wait3A_71 = tpu.memref_squeeze %dma_wait3A_70 : memref<1x1x1x64xi32, #tpu.memory_space<hbm>> -> memref<64xi32, #tpu.memory_space<hbm>>
      tpu.wait_dma2 semaphore(%arg14 : memref<!tpu.dma_semaphore, #tpu.memory_space<semaphore_mem>>) src(%dma_wait3A_71 : memref<64xi32, #tpu.memory_space<hbm>>) dst(%arg6 : memref<64xi32, #tpu.memory_space<vmem>>)
      %dma_start3A_72 = arith.constant 0 : i32
      %dma_start3A_73 = arith.constant 0 : i32
      %dma_start3A_74 = tpu.memref_slice %arg2[%dma_start3A_72, %dma_start3A_73] : memref<20480x128xf32, #tpu.memory_space<hbm>> -> memref<20480x128xf32, #tpu.memory_space<hbm>>
      tpu.enqueue_indirect_dma source(%dma_start3A_74 : memref<20480x128xf32, #tpu.memory_space<hbm>>) target(%arg9 : memref<64x128xf32, #tpu.memory_space<vmem>>) offsets(%arg6 : memref<64xi32, #tpu.memory_space<vmem>>) semaphore(%arg12 : memref<!tpu.dma_semaphore, #tpu.memory_space<semaphore_mem>>)
      %dma_wait3A_75 = arith.constant 0 : i32
      %dma_wait3A_76 = arith.constant 0 : i32
      %dma_wait3A_77 = tpu.memref_slice %arg2[%dma_wait3A_75, %dma_wait3A_76] : memref<20480x128xf32, #tpu.memory_space<hbm>> -> memref<20480x128xf32, #tpu.memory_space<hbm>>
      tpu.wait_indirect_dma semaphore(%arg13 : memref<!tpu.dma_semaphore, #tpu.memory_space<semaphore_mem>>) src(%dma_wait3A_77 : memref<20480x128xf32, #tpu.memory_space<hbm>>) dst(%arg10 : memref<64x128xf32, #tpu.memory_space<vmem>>)
      %mul3A_78 = arith.constant 2 : i32
      %mul3A_79 = arith.muli %mul3A_78, %scan3A_45 : i32
      %add3A_80 = arith.constant 3 : i32
      %add3A_81 = arith.addi %mul3A_79, %add3A_80 : i32
      %dma_start3A_82 = arith.constant 0 : i32
      %dma_start3A_83 = tpu.memref_slice %arg3[%arg0, %arg1, %add3A_81, %dma_start3A_82] : memref<2x16x162x64xi32, #tpu.memory_space<hbm>> -> memref<1x1x1x64xi32, #tpu.memory_space<hbm>>
      %dma_start3A_84 = tpu.memref_squeeze %dma_start3A_83 : memref<1x1x1x64xi32, #tpu.memory_space<hbm>> -> memref<64xi32, #tpu.memory_space<hbm>>
      %dma_start3A_85 = arith.constant 0 : i32
      %dma_start3A_86 = tpu.memref_slice %arg3[%arg0, %arg1, %add3A_81, %dma_start3A_85] : memref<2x16x162x64xi32, #tpu.memory_space<hbm>> -> memref<1x1x1x64xi32, #tpu.memory_space<hbm>>
      %dma_start3A_87 = tpu.memref_squeeze %dma_start3A_86 : memref<1x1x1x64xi32, #tpu.memory_space<hbm>> -> memref<64xi32, #tpu.memory_space<hbm>>
      tpu.enqueue_dma source(%dma_start3A_87 : memref<64xi32, #tpu.memory_space<hbm>>) target(%arg7 : memref<64xi32, #tpu.memory_space<vmem>>) target_semaphore(%arg15 : memref<!tpu.dma_semaphore, #tpu.memory_space<semaphore_mem>>)
      %mul3A_88 = arith.constant 2 : i32
      %mul3A_89 = arith.muli %mul3A_88, %scan3A_45 : i32
      %add3A_90 = arith.constant 1 : i32
      %add3A_91 = arith.addi %mul3A_89, %add3A_90 : i32
      "tpu.region"() ({
        %run_scoped3A_106 = tpu.sem_alloc : memref<!tpu.dma_semaphore, #tpu.memory_space<semaphore_mem>>
        %dma_start3A_107 = arith.constant 0 : i32
        %dma_start3A_108 = tpu.memref_slice %arg8[%add3A_91, %dma_start3A_107] : memref<160x64xi32, #tpu.memory_space<vmem>> -> memref<1x64xi32, #tpu.memory_space<vmem>>
        %dma_start3A_109 = tpu.memref_squeeze %dma_start3A_108 : memref<1x64xi32, #tpu.memory_space<vmem>> -> memref<64xi32, #tpu.memory_space<vmem>>
        %dma_start3A_110 = arith.constant 0 : i32
        %dma_start3A_111 = arith.constant 0 : i32
        %dma_start3A_112 = tpu.memref_slice %arg11[%dma_start3A_110, %dma_start3A_111] : memref<10240x128xf32, #tpu.memory_space<vmem_shared>> -> memref<10240x128xf32, #tpu.memory_space<vmem_shared>>
        tpu.enqueue_indirect_dma source(%arg10 : memref<64x128xf32, #tpu.memory_space<vmem>>) target(%dma_start3A_112 : memref<10240x128xf32, #tpu.memory_space<vmem_shared>>) offsets(%dma_start3A_109 : memref<64xi32, #tpu.memory_space<vmem>>) semaphore(%run_scoped3A_106 : memref<!tpu.dma_semaphore, #tpu.memory_space<semaphore_mem>>) {add = true}
        %dma_wait3A_113 = arith.constant 0 : i32
        %dma_wait3A_114 = tpu.memref_slice %arg8[%add3A_91, %dma_wait3A_113] : memref<160x64xi32, #tpu.memory_space<vmem>> -> memref<1x64xi32, #tpu.memory_space<vmem>>
        %dma_wait3A_115 = tpu.memref_squeeze %dma_wait3A_114 : memref<1x64xi32, #tpu.memory_space<vmem>> -> memref<64xi32, #tpu.memory_space<vmem>>
        %dma_wait3A_116 = arith.constant 0 : i32
        %dma_wait3A_117 = arith.constant 0 : i32
        %dma_wait3A_118 = tpu.memref_slice %arg11[%dma_wait3A_116, %dma_wait3A_117] : memref<10240x128xf32, #tpu.memory_space<vmem_shared>> -> memref<10240x128xf32, #tpu.memory_space<vmem_shared>>
        tpu.wait_indirect_dma semaphore(%run_scoped3A_106 : memref<!tpu.dma_semaphore, #tpu.memory_space<semaphore_mem>>) src(%arg10 : memref<64x128xf32, #tpu.memory_space<vmem>>) dst(%dma_wait3A_118 : memref<10240x128xf32, #tpu.memory_space<vmem_shared>>)
        tpu.yield
      }) : () -> ()
      %mul3A_92 = arith.constant 2 : i32
      %mul3A_93 = arith.muli %mul3A_92, %scan3A_45 : i32
      %add3A_94 = arith.constant 3 : i32
      %add3A_95 = arith.addi %mul3A_93, %add3A_94 : i32
      %dma_wait3A_96 = arith.constant 0 : i32
      %dma_wait3A_97 = tpu.memref_slice %arg3[%arg0, %arg1, %add3A_95, %dma_wait3A_96] : memref<2x16x162x64xi32, #tpu.memory_space<hbm>> -> memref<1x1x1x64xi32, #tpu.memory_space<hbm>>
      %dma_wait3A_98 = tpu.memref_squeeze %dma_wait3A_97 : memref<1x1x1x64xi32, #tpu.memory_space<hbm>> -> memref<64xi32, #tpu.memory_space<hbm>>
      %dma_wait3A_99 = arith.constant 0 : i32
      %dma_wait3A_100 = tpu.memref_slice %arg3[%arg0, %arg1, %add3A_95, %dma_wait3A_99] : memref<2x16x162x64xi32, #tpu.memory_space<hbm>> -> memref<1x1x1x64xi32, #tpu.memory_space<hbm>>
      %dma_wait3A_101 = tpu.memref_squeeze %dma_wait3A_100 : memref<1x1x1x64xi32, #tpu.memory_space<hbm>> -> memref<64xi32, #tpu.memory_space<hbm>>
      tpu.wait_dma2 semaphore(%arg15 : memref<!tpu.dma_semaphore, #tpu.memory_space<semaphore_mem>>) src(%dma_wait3A_101 : memref<64xi32, #tpu.memory_space<hbm>>) dst(%arg7 : memref<64xi32, #tpu.memory_space<vmem>>)
      %dma_start3A_102 = arith.constant 0 : i32
      %dma_start3A_103 = arith.constant 0 : i32
      %dma_start3A_104 = tpu.memref_slice %arg2[%dma_start3A_102, %dma_start3A_103] : memref<20480x128xf32, #tpu.memory_space<hbm>> -> memref<20480x128xf32, #tpu.memory_space<hbm>>
      tpu.enqueue_indirect_dma source(%dma_start3A_104 : memref<20480x128xf32, #tpu.memory_space<hbm>>) target(%arg10 : memref<64x128xf32, #tpu.memory_space<vmem>>) offsets(%arg7 : memref<64xi32, #tpu.memory_space<vmem>>) semaphore(%arg13 : memref<!tpu.dma_semaphore, #tpu.memory_space<semaphore_mem>>)
      %scan3A_105 = arith.constant 0 : i32
      scf.yield %scan3A_105 : i32
    }
    %scan3A_38 = arith.constant 80 : i32
    %dma_wait3A = arith.constant 0 : i32
    %dma_wait3A_39 = arith.constant 0 : i32
    %dma_wait3A_40 = tpu.memref_slice %arg2[%dma_wait3A, %dma_wait3A_39] : memref<20480x128xf32, #tpu.memory_space<hbm>> -> memref<20480x128xf32, #tpu.memory_space<hbm>>
    tpu.wait_indirect_dma semaphore(%arg12 : memref<!tpu.dma_semaphore, #tpu.memory_space<semaphore_mem>>) src(%dma_wait3A_40 : memref<20480x128xf32, #tpu.memory_space<hbm>>) dst(%arg9 : memref<64x128xf32, #tpu.memory_space<vmem>>)
    %dma_wait3A_41 = arith.constant 0 : i32
    %dma_wait3A_42 = arith.constant 0 : i32
    %dma_wait3A_43 = tpu.memref_slice %arg2[%dma_wait3A_41, %dma_wait3A_42] : memref<20480x128xf32, #tpu.memory_space<hbm>> -> memref<20480x128xf32, #tpu.memory_space<hbm>>
    tpu.wait_indirect_dma semaphore(%arg13 : memref<!tpu.dma_semaphore, #tpu.memory_space<semaphore_mem>>) src(%dma_wait3A_43 : memref<20480x128xf32, #tpu.memory_space<hbm>>) dst(%arg10 : memref<64x128xf32, #tpu.memory_space<vmem>>)
    %barrier3A_44 = arith.constant 0 : index
    tpu.barrier barrier_id(%barrier3A_44)
    "tpu.region"() ({
      %run_scoped3A_45 = tpu.sem_alloc : memref<!tpu.dma_semaphore, #tpu.memory_space<semaphore_mem>>
      %dma_start3A_46 = arith.constant 0 : i32
      %dma_start3A_47 = tpu.memref_slice %arg5[%arg0, %mul3A_0, %dma_start3A_46] : memref<2x10240x128xf32, #tpu.memory_space<hbm>> -> memref<1x640x128xf32, #tpu.memory_space<hbm>>
      %dma_start3A_48 = tpu.memref_squeeze %dma_start3A_47 : memref<1x640x128xf32, #tpu.memory_space<hbm>> -> memref<640x128xf32, #tpu.memory_space<hbm>>
      %dma_start3A_49 = arith.constant 0 : i32
      %dma_start3A_50 = tpu.memref_slice %arg11[%mul3A_0, %dma_start3A_49] : memref<10240x128xf32, #tpu.memory_space<vmem_shared>> -> memref<640x128xf32, #tpu.memory_space<vmem_shared>>
      tpu.enqueue_dma source(%dma_start3A_50 : memref<640x128xf32, #tpu.memory_space<vmem_shared>>) target(%dma_start3A_48 : memref<640x128xf32, #tpu.memory_space<hbm>>) target_semaphore(%run_scoped3A_45 : memref<!tpu.dma_semaphore, #tpu.memory_space<semaphore_mem>>)
      %dma_wait3A_51 = arith.constant 0 : i32
      %dma_wait3A_52 = tpu.memref_slice %arg5[%arg0, %mul3A_0, %dma_wait3A_51] : memref<2x10240x128xf32, #tpu.memory_space<hbm>> -> memref<1x640x128xf32, #tpu.memory_space<hbm>>
      %dma_wait3A_53 = tpu.memref_squeeze %dma_wait3A_52 : memref<1x640x128xf32, #tpu.memory_space<hbm>> -> memref<640x128xf32, #tpu.memory_space<hbm>>
      %dma_wait3A_54 = arith.constant 0 : i32
      %dma_wait3A_55 = tpu.memref_slice %arg11[%mul3A_0, %dma_wait3A_54] : memref<10240x128xf32, #tpu.memory_space<vmem_shared>> -> memref<640x128xf32, #tpu.memory_space<vmem_shared>>
      tpu.wait_dma2 semaphore(%run_scoped3A_45 : memref<!tpu.dma_semaphore, #tpu.memory_space<semaphore_mem>>) src(%dma_wait3A_55 : memref<640x128xf32, #tpu.memory_space<vmem_shared>>) dst(%dma_wait3A_53 : memref<640x128xf32, #tpu.memory_space<hbm>>)
      tpu.yield
    }) : () -> ()
    return
  }
}

module attributes {stable_mosaic.version = 14 : i64} {
  func.func @_k0_body(%arg0: i32, %arg1: memref<1280x3xf32, #tpu.memory_space<vmem>>, %arg2: memref<1280x1xi32, #tpu.memory_space<vmem>>, %arg3: memref<1280x1xf32, #tpu.memory_space<vmem>>, %arg4: memref<3x256xf32, #tpu.memory_space<vmem>>, %arg5: memref<1x256xf32, #tpu.memory_space<vmem>>, %arg6: memref<300x256xf32, #tpu.memory_space<vmem>>, %arg7: memref<256x256xf32, #tpu.memory_space<vmem>>, %arg8: memref<256x256xf32, #tpu.memory_space<vmem>>, %arg9: memref<1x256xf32, #tpu.memory_space<vmem>>, %arg10: memref<256x256xf32, #tpu.memory_space<vmem>>, %arg11: memref<1280x256xf32, #tpu.memory_space<vmem>>, %arg12: memref<2x1280x128xf32, #tpu.memory_space<vmem>>) attributes {dimension_semantics = [#tpu.dimension_semantics<arbitrary>], iteration_bounds = array<i64: 8>, scalar_prefetch = 0 : i64, scratch_operands = 0 : i64, tpu.core_type = #tpu.core_type<tc>, window_params = [{transform_indices = @transform_0, window_bounds = array<i64: 1280, 3>}, {transform_indices = @transform_1, window_bounds = array<i64: 1280, 1>}, {transform_indices = @transform_2, window_bounds = array<i64: 1280, 1>}, {pipeline_mode = #tpu.pipeline_mode<synchronous>, transform_indices = @transform_3, window_bounds = array<i64: 3, 256>}, {pipeline_mode = #tpu.pipeline_mode<synchronous>, transform_indices = @transform_4, window_bounds = array<i64: 1, 256>}, {pipeline_mode = #tpu.pipeline_mode<synchronous>, transform_indices = @transform_5, window_bounds = array<i64: 300, 256>}, {pipeline_mode = #tpu.pipeline_mode<synchronous>, transform_indices = @transform_6, window_bounds = array<i64: 256, 256>}, {pipeline_mode = #tpu.pipeline_mode<synchronous>, transform_indices = @transform_7, window_bounds = array<i64: 256, 256>}, {pipeline_mode = #tpu.pipeline_mode<synchronous>, transform_indices = @transform_8, window_bounds = array<i64: 1, 256>}, {pipeline_mode = #tpu.pipeline_mode<synchronous>, transform_indices = @transform_9, window_bounds = array<i64: 256, 256>}, {transform_indices = @transform_10, window_bounds = array<i64: 1280, 256>}, {transform_indices = @transform_11, window_bounds = array<i64: 2, 1280, 128>}]} {
    %get3A = arith.constant 0 : index
    %get3A_0 = arith.constant 0 : index
    %get3A_1 = vector.load %arg1[%get3A, %get3A_0] : memref<1280x3xf32, #tpu.memory_space<vmem>>, vector<1280x3xf32>
    %get3A_2 = arith.constant 0 : index
    %get3A_3 = arith.constant 0 : index
    %get3A_4 = vector.load %arg4[%get3A_2, %get3A_3] : memref<3x256xf32, #tpu.memory_space<vmem>>, vector<3x256xf32>
    %dot_general3A = arith.constant dense<0.000000e+00> : vector<1280x256xf32>
    %dot_general3A_5 = tpu.matmul %get3A_1, %get3A_4, %dot_general3A {dimension_numbers = #tpu.dot_dimension_numbers<[1], [0], [0], [1], [0, 0, 1, 1], [], []>, transpose_lhs_hint = false} : vector<1280x3xf32>, vector<3x256xf32>, vector<1280x256xf32> -> vector<1280x256xf32>
    %get3A_6 = arith.constant 0 : index
    %get3A_7 = arith.constant 0 : index
    %get3A_8 = vector.load %arg5[%get3A_6, %get3A_7] : memref<1x256xf32, #tpu.memory_space<vmem>>, vector<1x256xf32>
    %add3A = vector.broadcast %get3A_8 : vector<1x256xf32> to vector<1280x256xf32>
    %add3A_9 = arith.addf %dot_general3A_5, %add3A : vector<1280x256xf32>
    %max3A = arith.constant 0.000000e+00 : f32
    %max3A_10 = vector.broadcast %max3A : f32 to vector<1280x256xf32>
    %max3A_11 = arith.maximumf %add3A_9, %max3A_10 : vector<1280x256xf32>
    %iota3A = tpu.iota {dimensions = array<i32: 1>} : vector<1280x300xi32>
    %get3A_12 = arith.constant 0 : index
    %get3A_13 = arith.constant 0 : index
    %get3A_14 = vector.load %arg2[%get3A_12, %get3A_13] : memref<1280x1xi32, #tpu.memory_space<vmem>>, vector<1280x1xi32>
    %eq3A = vector.broadcast %get3A_14 : vector<1280x1xi32> to vector<1280x300xi32>
    %eq3A_15 = arith.cmpi eq, %iota3A, %eq3A : vector<1280x300xi32>
    %convert_element_type3A = arith.extui %eq3A_15 : vector<1280x300xi1> to vector<1280x300xi32>
    %convert_element_type3A_16 = arith.sitofp %convert_element_type3A : vector<1280x300xi32> to vector<1280x300xf32>
    %get3A_17 = arith.constant 0 : index
    %get3A_18 = arith.constant 0 : index
    %get3A_19 = vector.load %arg6[%get3A_17, %get3A_18] : memref<300x256xf32, #tpu.memory_space<vmem>>, vector<300x256xf32>
    %max3A_20 = arith.constant 0.000000e+00 : f32
    %max3A_21 = vector.broadcast %max3A_20 : f32 to vector<300x256xf32>
    %max3A_22 = arith.maximumf %get3A_19, %max3A_21 : vector<300x256xf32>
    %dot_general3A_23 = arith.constant dense<0.000000e+00> : vector<1280x256xf32>
    %dot_general3A_24 = tpu.matmul %convert_element_type3A_16, %max3A_22, %dot_general3A_23 {dimension_numbers = #tpu.dot_dimension_numbers<[1], [0], [0], [1], [0, 0, 1, 1], [], []>, transpose_lhs_hint = false} : vector<1280x300xf32>, vector<300x256xf32>, vector<1280x256xf32> -> vector<1280x256xf32>
    %get3A_25 = arith.constant 0 : index
    %get3A_26 = arith.constant 0 : index
    %get3A_27 = vector.load %arg7[%get3A_25, %get3A_26] : memref<256x256xf32, #tpu.memory_space<vmem>>, vector<256x256xf32>
    %dot_general3A_28 = arith.constant dense<0.000000e+00> : vector<1280x256xf32>
    %dot_general3A_29 = tpu.matmul %max3A_11, %get3A_27, %dot_general3A_28 {dimension_numbers = #tpu.dot_dimension_numbers<[1], [0], [0], [1], [0, 0, 1, 1], [], []>, transpose_lhs_hint = false} : vector<1280x256xf32>, vector<256x256xf32>, vector<1280x256xf32> -> vector<1280x256xf32>
    %get3A_30 = arith.constant 0 : index
    %get3A_31 = arith.constant 0 : index
    %get3A_32 = vector.load %arg8[%get3A_30, %get3A_31] : memref<256x256xf32, #tpu.memory_space<vmem>>, vector<256x256xf32>
    %dot_general3A_33 = arith.constant dense<0.000000e+00> : vector<1280x256xf32>
    %dot_general3A_34 = tpu.matmul %dot_general3A_24, %get3A_32, %dot_general3A_33 {dimension_numbers = #tpu.dot_dimension_numbers<[1], [0], [0], [1], [0, 0, 1, 1], [], []>, transpose_lhs_hint = false} : vector<1280x256xf32>, vector<256x256xf32>, vector<1280x256xf32> -> vector<1280x256xf32>
    %add3A_35 = arith.addf %dot_general3A_29, %dot_general3A_34 : vector<1280x256xf32>
    %get3A_36 = arith.constant 0 : index
    %get3A_37 = arith.constant 0 : index
    %get3A_38 = vector.load %arg9[%get3A_36, %get3A_37] : memref<1x256xf32, #tpu.memory_space<vmem>>, vector<1x256xf32>
    %add3A_39 = vector.broadcast %get3A_38 : vector<1x256xf32> to vector<1280x256xf32>
    %add3A_40 = arith.addf %add3A_35, %add3A_39 : vector<1280x256xf32>
    %max3A_41 = arith.constant 0.000000e+00 : f32
    %max3A_42 = vector.broadcast %max3A_41 : f32 to vector<1280x256xf32>
    %max3A_43 = arith.maximumf %add3A_40, %max3A_42 : vector<1280x256xf32>
    %get3A_44 = arith.constant 0 : index
    %get3A_45 = arith.constant 0 : index
    %get3A_46 = vector.load %arg3[%get3A_44, %get3A_45] : memref<1280x1xf32, #tpu.memory_space<vmem>>, vector<1280x1xf32>
    %add3A_47 = arith.constant 1.000000e+00 : f32
    %add3A_48 = vector.broadcast %add3A_47 : f32 to vector<1280x1xf32>
    %add3A_49 = arith.addf %get3A_46, %add3A_48 : vector<1280x1xf32>
    %rsqrt3A = math.rsqrt %add3A_49 : vector<1280x1xf32>
    %get3A_50 = arith.constant 0 : index
    %get3A_51 = arith.constant 0 : index
    %get3A_52 = vector.load %arg10[%get3A_50, %get3A_51] : memref<256x256xf32, #tpu.memory_space<vmem>>, vector<256x256xf32>
    %dot_general3A_53 = arith.constant dense<0.000000e+00> : vector<1280x256xf32>
    %dot_general3A_54 = tpu.matmul %max3A_43, %get3A_52, %dot_general3A_53 {dimension_numbers = #tpu.dot_dimension_numbers<[1], [0], [0], [1], [0, 0, 1, 1], [], []>, transpose_lhs_hint = false} : vector<1280x256xf32>, vector<256x256xf32>, vector<1280x256xf32> -> vector<1280x256xf32>
    %mul3A = vector.broadcast %rsqrt3A : vector<1280x1xf32> to vector<1280x256xf32>
    %mul3A_55 = arith.mulf %dot_general3A_54, %mul3A : vector<1280x256xf32>
    %swap3A = arith.constant 0 : index
    %swap3A_56 = arith.constant 0 : index
    %swap3A_57 = vector.load %arg11[%swap3A, %swap3A_56] : memref<1280x256xf32, #tpu.memory_space<vmem>>, vector<1280x256xf32>
    tpu.vector_store %arg11[%swap3A, %swap3A_56], %max3A_43 {strides = array<i32>} : memref<1280x256xf32, #tpu.memory_space<vmem>>, vector<1280x256xf32>,
    %slice3A = vector.extract_strided_slice %mul3A_55 {offsets = [0, 0], sizes = [1280, 128], strides = [1, 1]} : vector<1280x256xf32> to vector<1280x128xf32>
    %swap3A_58 = arith.constant 0 : index
    %swap3A_59 = arith.constant 0 : index
    %swap3A_60 = arith.constant 0 : index
    %swap3A_61 = vector.load %arg12[%swap3A_58, %swap3A_59, %swap3A_60] : memref<2x1280x128xf32, #tpu.memory_space<vmem>>, vector<1x1280x128xf32>
    %swap3A_62 = vector.shape_cast %swap3A_61 : vector<1x1280x128xf32> to vector<1280x128xf32>
    %swap3A_63 = vector.shape_cast %slice3A : vector<1280x128xf32> to vector<1x1280x128xf32>
    tpu.vector_store %arg12[%swap3A_58, %swap3A_59, %swap3A_60], %swap3A_63 {strides = array<i32>} : memref<2x1280x128xf32, #tpu.memory_space<vmem>>, vector<1x1280x128xf32>,
    %slice3A_64 = vector.extract_strided_slice %mul3A_55 {offsets = [0, 128], sizes = [1280, 128], strides = [1, 1]} : vector<1280x256xf32> to vector<1280x128xf32>
    %swap3A_65 = arith.constant 1 : index
    %swap3A_66 = arith.constant 0 : index
    %swap3A_67 = arith.constant 0 : index
    %swap3A_68 = vector.load %arg12[%swap3A_65, %swap3A_66, %swap3A_67] : memref<2x1280x128xf32, #tpu.memory_space<vmem>>, vector<1x1280x128xf32>
    %swap3A_69 = vector.shape_cast %swap3A_68 : vector<1x1280x128xf32> to vector<1280x128xf32>
    %swap3A_70 = vector.shape_cast %slice3A_64 : vector<1280x128xf32> to vector<1x1280x128xf32>
    tpu.vector_store %arg12[%swap3A_65, %swap3A_66, %swap3A_67], %swap3A_70 {strides = array<i32>} : memref<2x1280x128xf32, #tpu.memory_space<vmem>>, vector<1x1280x128xf32>,
    return
  }
  func.func @transform_0(%arg0: i32) -> (i32, i32) {
    %c0_i32 = arith.constant 0 : i32
    %c0_i32_0 = arith.constant 0 : i32
    return %arg0, %c0_i32 : i32, i32
  }
  func.func @transform_1(%arg0: i32) -> (i32, i32) {
    %c0_i32 = arith.constant 0 : i32
    %c0_i32_0 = arith.constant 0 : i32
    return %arg0, %c0_i32 : i32, i32
  }
  func.func @transform_2(%arg0: i32) -> (i32, i32) {
    %c0_i32 = arith.constant 0 : i32
    %c0_i32_0 = arith.constant 0 : i32
    return %arg0, %c0_i32 : i32, i32
  }
  func.func @transform_3(%arg0: i32) -> (i32, i32) {
    %c0_i32 = arith.constant 0 : i32
    %c0_i32_0 = arith.constant 0 : i32
    %c0_i32_1 = arith.constant 0 : i32
    return %c0_i32, %c0_i32_0 : i32, i32
  }
  func.func @transform_4(%arg0: i32) -> (i32, i32) {
    %c0_i32 = arith.constant 0 : i32
    %c0_i32_0 = arith.constant 0 : i32
    %c0_i32_1 = arith.constant 0 : i32
    return %c0_i32, %c0_i32_0 : i32, i32
  }
  func.func @transform_5(%arg0: i32) -> (i32, i32) {
    %c0_i32 = arith.constant 0 : i32
    %c0_i32_0 = arith.constant 0 : i32
    %c0_i32_1 = arith.constant 0 : i32
    return %c0_i32, %c0_i32_0 : i32, i32
  }
  func.func @transform_6(%arg0: i32) -> (i32, i32) {
    %c0_i32 = arith.constant 0 : i32
    %c0_i32_0 = arith.constant 0 : i32
    %c0_i32_1 = arith.constant 0 : i32
    return %c0_i32, %c0_i32_0 : i32, i32
  }
  func.func @transform_7(%arg0: i32) -> (i32, i32) {
    %c0_i32 = arith.constant 0 : i32
    %c0_i32_0 = arith.constant 0 : i32
    %c0_i32_1 = arith.constant 0 : i32
    return %c0_i32, %c0_i32_0 : i32, i32
  }
  func.func @transform_8(%arg0: i32) -> (i32, i32) {
    %c0_i32 = arith.constant 0 : i32
    %c0_i32_0 = arith.constant 0 : i32
    %c0_i32_1 = arith.constant 0 : i32
    return %c0_i32, %c0_i32_0 : i32, i32
  }
  func.func @transform_9(%arg0: i32) -> (i32, i32) {
    %c0_i32 = arith.constant 0 : i32
    %c0_i32_0 = arith.constant 0 : i32
    %c0_i32_1 = arith.constant 0 : i32
    return %c0_i32, %c0_i32_0 : i32, i32
  }
  func.func @transform_10(%arg0: i32) -> (i32, i32) {
    %c0_i32 = arith.constant 0 : i32
    %c0_i32_0 = arith.constant 0 : i32
    return %arg0, %c0_i32 : i32, i32
  }
  func.func @transform_11(%arg0: i32) -> (i32, i32, i32) {
    %c0_i32 = arith.constant 0 : i32
    %c0_i32_0 = arith.constant 0 : i32
    %c0_i32_1 = arith.constant 0 : i32
    return %c0_i32, %arg0, %c0_i32_0 : i32, i32, i32
  }
}

module attributes {stable_mosaic.version = 14 : i64} {
  func.func @_stage_body(%arg0: i32, %arg1: memref<2x1280x128xf32, #tpu.memory_space<vmem>>, %arg2: memref<2x1280x128xf32, #tpu.memory_space<vmem>>, %arg3: memref<1280x1xf32, #tpu.memory_space<vmem>>, %arg4: memref<1280x1xf32, #tpu.memory_space<vmem>>, %arg5: memref<1x256xf32, #tpu.memory_space<vmem>>, %arg6: memref<256x256xf32, #tpu.memory_space<vmem>>, %arg7: memref<2x1280x128xf32, #tpu.memory_space<vmem>>) attributes {dimension_semantics = [#tpu.dimension_semantics<arbitrary>], iteration_bounds = array<i64: 8>, scalar_prefetch = 0 : i64, scratch_operands = 0 : i64, tpu.core_type = #tpu.core_type<tc>, window_params = [{transform_indices = @transform_0, window_bounds = array<i64: 2, 1280, 128>}, {transform_indices = @transform_1, window_bounds = array<i64: 2, 1280, 128>}, {transform_indices = @transform_2, window_bounds = array<i64: 1280, 1>}, {transform_indices = @transform_3, window_bounds = array<i64: 1280, 1>}, {pipeline_mode = #tpu.pipeline_mode<synchronous>, transform_indices = @transform_4, window_bounds = array<i64: 1, 256>}, {pipeline_mode = #tpu.pipeline_mode<synchronous>, transform_indices = @transform_5, window_bounds = array<i64: 256, 256>}, {transform_indices = @transform_6, window_bounds = array<i64: 2, 1280, 128>}]} {
    %get3A = arith.constant 0 : index
    %get3A_0 = arith.constant 0 : index
    %get3A_1 = arith.constant 0 : index
    %get3A_2 = vector.load %arg1[%get3A, %get3A_0, %get3A_1] : memref<2x1280x128xf32, #tpu.memory_space<vmem>>, vector<1x1280x128xf32>
    %get3A_3 = vector.shape_cast %get3A_2 : vector<1x1280x128xf32> to vector<1280x128xf32>
    %get3A_4 = arith.constant 1 : index
    %get3A_5 = arith.constant 0 : index
    %get3A_6 = arith.constant 0 : index
    %get3A_7 = vector.load %arg1[%get3A_4, %get3A_5, %get3A_6] : memref<2x1280x128xf32, #tpu.memory_space<vmem>>, vector<1x1280x128xf32>
    %get3A_8 = vector.shape_cast %get3A_7 : vector<1x1280x128xf32> to vector<1280x128xf32>
    %concatenate3A = tpu.concatenate %get3A_3, %get3A_8 in 1 : vector<1280x128xf32>, vector<1280x128xf32> -> vector<1280x256xf32>
    %get3A_9 = arith.constant 0 : index
    %get3A_10 = arith.constant 0 : index
    %get3A_11 = arith.constant 0 : index
    %get3A_12 = vector.load %arg2[%get3A_9, %get3A_10, %get3A_11] : memref<2x1280x128xf32, #tpu.memory_space<vmem>>, vector<1x1280x128xf32>
    %get3A_13 = vector.shape_cast %get3A_12 : vector<1x1280x128xf32> to vector<1280x128xf32>
    %get3A_14 = arith.constant 1 : index
    %get3A_15 = arith.constant 0 : index
    %get3A_16 = arith.constant 0 : index
    %get3A_17 = vector.load %arg2[%get3A_14, %get3A_15, %get3A_16] : memref<2x1280x128xf32, #tpu.memory_space<vmem>>, vector<1x1280x128xf32>
    %get3A_18 = vector.shape_cast %get3A_17 : vector<1x1280x128xf32> to vector<1280x128xf32>
    %concatenate3A_19 = tpu.concatenate %get3A_13, %get3A_18 in 1 : vector<1280x128xf32>, vector<1280x128xf32> -> vector<1280x256xf32>
    %get3A_20 = arith.constant 0 : index
    %get3A_21 = arith.constant 0 : index
    %get3A_22 = vector.load %arg3[%get3A_20, %get3A_21] : memref<1280x1xf32, #tpu.memory_space<vmem>>, vector<1280x1xf32>
    %add3A = arith.constant 1.000000e+00 : f32
    %add3A_23 = vector.broadcast %add3A : f32 to vector<1280x1xf32>
    %add3A_24 = arith.addf %get3A_22, %add3A_23 : vector<1280x1xf32>
    %rsqrt3A = math.rsqrt %add3A_24 : vector<1280x1xf32>
    %add3A_25 = arith.addf %concatenate3A, %concatenate3A_19 : vector<1280x256xf32>
    %mul3A = vector.broadcast %rsqrt3A : vector<1280x1xf32> to vector<1280x256xf32>
    %mul3A_26 = arith.mulf %mul3A, %add3A_25 : vector<1280x256xf32>
    %get3A_27 = arith.constant 0 : index
    %get3A_28 = arith.constant 0 : index
    %get3A_29 = vector.load %arg5[%get3A_27, %get3A_28] : memref<1x256xf32, #tpu.memory_space<vmem>>, vector<1x256xf32>
    %add3A_30 = vector.broadcast %get3A_29 : vector<1x256xf32> to vector<1280x256xf32>
    %add3A_31 = arith.addf %mul3A_26, %add3A_30 : vector<1280x256xf32>
    %max3A = arith.constant 0.000000e+00 : f32
    %max3A_32 = vector.broadcast %max3A : f32 to vector<1280x256xf32>
    %max3A_33 = arith.maximumf %add3A_31, %max3A_32 : vector<1280x256xf32>
    %get3A_34 = arith.constant 0 : index
    %get3A_35 = arith.constant 0 : index
    %get3A_36 = vector.load %arg6[%get3A_34, %get3A_35] : memref<256x256xf32, #tpu.memory_space<vmem>>, vector<256x256xf32>
    %dot_general3A = arith.constant dense<0.000000e+00> : vector<1280x256xf32>
    %dot_general3A_37 = tpu.matmul %max3A_33, %get3A_36, %dot_general3A {dimension_numbers = #tpu.dot_dimension_numbers<[1], [0], [0], [1], [0, 0, 1, 1], [], []>, transpose_lhs_hint = false} : vector<1280x256xf32>, vector<256x256xf32>, vector<1280x256xf32> -> vector<1280x256xf32>
    %get3A_38 = arith.constant 0 : index
    %get3A_39 = arith.constant 0 : index
    %get3A_40 = vector.load %arg4[%get3A_38, %get3A_39] : memref<1280x1xf32, #tpu.memory_space<vmem>>, vector<1280x1xf32>
    %add3A_41 = arith.constant 1.000000e+00 : f32
    %add3A_42 = vector.broadcast %add3A_41 : f32 to vector<1280x1xf32>
    %add3A_43 = arith.addf %get3A_40, %add3A_42 : vector<1280x1xf32>
    %rsqrt3A_44 = math.rsqrt %add3A_43 : vector<1280x1xf32>
    %mul3A_45 = vector.broadcast %rsqrt3A_44 : vector<1280x1xf32> to vector<1280x256xf32>
    %mul3A_46 = arith.mulf %dot_general3A_37, %mul3A_45 : vector<1280x256xf32>
    %slice3A = vector.extract_strided_slice %mul3A_46 {offsets = [0, 0], sizes = [1280, 128], strides = [1, 1]} : vector<1280x256xf32> to vector<1280x128xf32>
    %swap3A = arith.constant 0 : index
    %swap3A_47 = arith.constant 0 : index
    %swap3A_48 = arith.constant 0 : index
    %swap3A_49 = vector.load %arg7[%swap3A, %swap3A_47, %swap3A_48] : memref<2x1280x128xf32, #tpu.memory_space<vmem>>, vector<1x1280x128xf32>
    %swap3A_50 = vector.shape_cast %swap3A_49 : vector<1x1280x128xf32> to vector<1280x128xf32>
    %swap3A_51 = vector.shape_cast %slice3A : vector<1280x128xf32> to vector<1x1280x128xf32>
    tpu.vector_store %arg7[%swap3A, %swap3A_47, %swap3A_48], %swap3A_51 {strides = array<i32>} : memref<2x1280x128xf32, #tpu.memory_space<vmem>>, vector<1x1280x128xf32>,
    %slice3A_52 = vector.extract_strided_slice %mul3A_46 {offsets = [0, 128], sizes = [1280, 128], strides = [1, 1]} : vector<1280x256xf32> to vector<1280x128xf32>
    %swap3A_53 = arith.constant 1 : index
    %swap3A_54 = arith.constant 0 : index
    %swap3A_55 = arith.constant 0 : index
    %swap3A_56 = vector.load %arg7[%swap3A_53, %swap3A_54, %swap3A_55] : memref<2x1280x128xf32, #tpu.memory_space<vmem>>, vector<1x1280x128xf32>
    %swap3A_57 = vector.shape_cast %swap3A_56 : vector<1x1280x128xf32> to vector<1280x128xf32>
    %swap3A_58 = vector.shape_cast %slice3A_52 : vector<1280x128xf32> to vector<1x1280x128xf32>
    tpu.vector_store %arg7[%swap3A_53, %swap3A_54, %swap3A_55], %swap3A_58 {strides = array<i32>} : memref<2x1280x128xf32, #tpu.memory_space<vmem>>, vector<1x1280x128xf32>,
    return
  }
  func.func @transform_0(%arg0: i32) -> (i32, i32, i32) {
    %c0_i32 = arith.constant 0 : i32
    %c0_i32_0 = arith.constant 0 : i32
    %c0_i32_1 = arith.constant 0 : i32
    return %c0_i32, %arg0, %c0_i32_0 : i32, i32, i32
  }
  func.func @transform_1(%arg0: i32) -> (i32, i32, i32) {
    %c0_i32 = arith.constant 0 : i32
    %c0_i32_0 = arith.constant 0 : i32
    %c0_i32_1 = arith.constant 0 : i32
    return %c0_i32, %arg0, %c0_i32_0 : i32, i32, i32
  }
  func.func @transform_2(%arg0: i32) -> (i32, i32) {
    %c0_i32 = arith.constant 0 : i32
    %c0_i32_0 = arith.constant 0 : i32
    return %arg0, %c0_i32 : i32, i32
  }
  func.func @transform_3(%arg0: i32) -> (i32, i32) {
    %c0_i32 = arith.constant 0 : i32
    %c0_i32_0 = arith.constant 0 : i32
    return %arg0, %c0_i32 : i32, i32
  }
  func.func @transform_4(%arg0: i32) -> (i32, i32) {
    %c0_i32 = arith.constant 0 : i32
    %c0_i32_0 = arith.constant 0 : i32
    %c0_i32_1 = arith.constant 0 : i32
    return %c0_i32, %c0_i32_0 : i32, i32
  }
  func.func @transform_5(%arg0: i32) -> (i32, i32) {
    %c0_i32 = arith.constant 0 : i32
    %c0_i32_0 = arith.constant 0 : i32
    %c0_i32_1 = arith.constant 0 : i32
    return %c0_i32, %c0_i32_0 : i32, i32
  }
  func.func @transform_6(%arg0: i32) -> (i32, i32, i32) {
    %c0_i32 = arith.constant 0 : i32
    %c0_i32_0 = arith.constant 0 : i32
    %c0_i32_1 = arith.constant 0 : i32
    return %c0_i32, %arg0, %c0_i32_0 : i32, i32, i32
  }
}

module attributes {stable_mosaic.version = 14 : i64} {
  func.func @_stage_body(%arg0: i32, %arg1: memref<2x1280x128xf32, #tpu.memory_space<vmem>>, %arg2: memref<2x1280x128xf32, #tpu.memory_space<vmem>>, %arg3: memref<1280x1xf32, #tpu.memory_space<vmem>>, %arg4: memref<1280x1xf32, #tpu.memory_space<vmem>>, %arg5: memref<1x256xf32, #tpu.memory_space<vmem>>, %arg6: memref<256x256xf32, #tpu.memory_space<vmem>>, %arg7: memref<2x1280x128xf32, #tpu.memory_space<vmem>>, %arg8: memref<1280x256xf32, #tpu.memory_space<vmem>>) attributes {dimension_semantics = [#tpu.dimension_semantics<arbitrary>], iteration_bounds = array<i64: 8>, scalar_prefetch = 0 : i64, scratch_operands = 0 : i64, tpu.core_type = #tpu.core_type<tc>, window_params = [{transform_indices = @transform_0, window_bounds = array<i64: 2, 1280, 128>}, {transform_indices = @transform_1, window_bounds = array<i64: 2, 1280, 128>}, {transform_indices = @transform_2, window_bounds = array<i64: 1280, 1>}, {transform_indices = @transform_3, window_bounds = array<i64: 1280, 1>}, {pipeline_mode = #tpu.pipeline_mode<synchronous>, transform_indices = @transform_4, window_bounds = array<i64: 1, 256>}, {pipeline_mode = #tpu.pipeline_mode<synchronous>, transform_indices = @transform_5, window_bounds = array<i64: 256, 256>}, {transform_indices = @transform_6, window_bounds = array<i64: 2, 1280, 128>}, {transform_indices = @transform_7, window_bounds = array<i64: 1280, 256>}]} {
    %get3A = arith.constant 0 : index
    %get3A_0 = arith.constant 0 : index
    %get3A_1 = arith.constant 0 : index
    %get3A_2 = vector.load %arg1[%get3A, %get3A_0, %get3A_1] : memref<2x1280x128xf32, #tpu.memory_space<vmem>>, vector<1x1280x128xf32>
    %get3A_3 = vector.shape_cast %get3A_2 : vector<1x1280x128xf32> to vector<1280x128xf32>
    %get3A_4 = arith.constant 1 : index
    %get3A_5 = arith.constant 0 : index
    %get3A_6 = arith.constant 0 : index
    %get3A_7 = vector.load %arg1[%get3A_4, %get3A_5, %get3A_6] : memref<2x1280x128xf32, #tpu.memory_space<vmem>>, vector<1x1280x128xf32>
    %get3A_8 = vector.shape_cast %get3A_7 : vector<1x1280x128xf32> to vector<1280x128xf32>
    %concatenate3A = tpu.concatenate %get3A_3, %get3A_8 in 1 : vector<1280x128xf32>, vector<1280x128xf32> -> vector<1280x256xf32>
    %get3A_9 = arith.constant 0 : index
    %get3A_10 = arith.constant 0 : index
    %get3A_11 = arith.constant 0 : index
    %get3A_12 = vector.load %arg2[%get3A_9, %get3A_10, %get3A_11] : memref<2x1280x128xf32, #tpu.memory_space<vmem>>, vector<1x1280x128xf32>
    %get3A_13 = vector.shape_cast %get3A_12 : vector<1x1280x128xf32> to vector<1280x128xf32>
    %get3A_14 = arith.constant 1 : index
    %get3A_15 = arith.constant 0 : index
    %get3A_16 = arith.constant 0 : index
    %get3A_17 = vector.load %arg2[%get3A_14, %get3A_15, %get3A_16] : memref<2x1280x128xf32, #tpu.memory_space<vmem>>, vector<1x1280x128xf32>
    %get3A_18 = vector.shape_cast %get3A_17 : vector<1x1280x128xf32> to vector<1280x128xf32>
    %concatenate3A_19 = tpu.concatenate %get3A_13, %get3A_18 in 1 : vector<1280x128xf32>, vector<1280x128xf32> -> vector<1280x256xf32>
    %get3A_20 = arith.constant 0 : index
    %get3A_21 = arith.constant 0 : index
    %get3A_22 = vector.load %arg3[%get3A_20, %get3A_21] : memref<1280x1xf32, #tpu.memory_space<vmem>>, vector<1280x1xf32>
    %add3A = arith.constant 1.000000e+00 : f32
    %add3A_23 = vector.broadcast %add3A : f32 to vector<1280x1xf32>
    %add3A_24 = arith.addf %get3A_22, %add3A_23 : vector<1280x1xf32>
    %rsqrt3A = math.rsqrt %add3A_24 : vector<1280x1xf32>
    %add3A_25 = arith.addf %concatenate3A, %concatenate3A_19 : vector<1280x256xf32>
    %mul3A = vector.broadcast %rsqrt3A : vector<1280x1xf32> to vector<1280x256xf32>
    %mul3A_26 = arith.mulf %mul3A, %add3A_25 : vector<1280x256xf32>
    %get3A_27 = arith.constant 0 : index
    %get3A_28 = arith.constant 0 : index
    %get3A_29 = vector.load %arg5[%get3A_27, %get3A_28] : memref<1x256xf32, #tpu.memory_space<vmem>>, vector<1x256xf32>
    %add3A_30 = vector.broadcast %get3A_29 : vector<1x256xf32> to vector<1280x256xf32>
    %add3A_31 = arith.addf %mul3A_26, %add3A_30 : vector<1280x256xf32>
    %max3A = arith.constant 0.000000e+00 : f32
    %max3A_32 = vector.broadcast %max3A : f32 to vector<1280x256xf32>
    %max3A_33 = arith.maximumf %add3A_31, %max3A_32 : vector<1280x256xf32>
    %get3A_34 = arith.constant 0 : index
    %get3A_35 = arith.constant 0 : index
    %get3A_36 = vector.load %arg6[%get3A_34, %get3A_35] : memref<256x256xf32, #tpu.memory_space<vmem>>, vector<256x256xf32>
    %dot_general3A = arith.constant dense<0.000000e+00> : vector<1280x256xf32>
    %dot_general3A_37 = tpu.matmul %max3A_33, %get3A_36, %dot_general3A {dimension_numbers = #tpu.dot_dimension_numbers<[1], [0], [0], [1], [0, 0, 1, 1], [], []>, transpose_lhs_hint = false} : vector<1280x256xf32>, vector<256x256xf32>, vector<1280x256xf32> -> vector<1280x256xf32>
    %get3A_38 = arith.constant 0 : index
    %get3A_39 = arith.constant 0 : index
    %get3A_40 = vector.load %arg4[%get3A_38, %get3A_39] : memref<1280x1xf32, #tpu.memory_space<vmem>>, vector<1280x1xf32>
    %add3A_41 = arith.constant 1.000000e+00 : f32
    %add3A_42 = vector.broadcast %add3A_41 : f32 to vector<1280x1xf32>
    %add3A_43 = arith.addf %get3A_40, %add3A_42 : vector<1280x1xf32>
    %rsqrt3A_44 = math.rsqrt %add3A_43 : vector<1280x1xf32>
    %mul3A_45 = vector.broadcast %rsqrt3A_44 : vector<1280x1xf32> to vector<1280x256xf32>
    %mul3A_46 = arith.mulf %dot_general3A_37, %mul3A_45 : vector<1280x256xf32>
    %slice3A = vector.extract_strided_slice %mul3A_46 {offsets = [0, 0], sizes = [1280, 128], strides = [1, 1]} : vector<1280x256xf32> to vector<1280x128xf32>
    %swap3A = arith.constant 0 : index
    %swap3A_47 = arith.constant 0 : index
    %swap3A_48 = arith.constant 0 : index
    %swap3A_49 = vector.load %arg7[%swap3A, %swap3A_47, %swap3A_48] : memref<2x1280x128xf32, #tpu.memory_space<vmem>>, vector<1x1280x128xf32>
    %swap3A_50 = vector.shape_cast %swap3A_49 : vector<1x1280x128xf32> to vector<1280x128xf32>
    %swap3A_51 = vector.shape_cast %slice3A : vector<1280x128xf32> to vector<1x1280x128xf32>
    tpu.vector_store %arg7[%swap3A, %swap3A_47, %swap3A_48], %swap3A_51 {strides = array<i32>} : memref<2x1280x128xf32, #tpu.memory_space<vmem>>, vector<1x1280x128xf32>,
    %slice3A_52 = vector.extract_strided_slice %mul3A_46 {offsets = [0, 128], sizes = [1280, 128], strides = [1, 1]} : vector<1280x256xf32> to vector<1280x128xf32>
    %swap3A_53 = arith.constant 1 : index
    %swap3A_54 = arith.constant 0 : index
    %swap3A_55 = arith.constant 0 : index
    %swap3A_56 = vector.load %arg7[%swap3A_53, %swap3A_54, %swap3A_55] : memref<2x1280x128xf32, #tpu.memory_space<vmem>>, vector<1x1280x128xf32>
    %swap3A_57 = vector.shape_cast %swap3A_56 : vector<1x1280x128xf32> to vector<1280x128xf32>
    %swap3A_58 = vector.shape_cast %slice3A_52 : vector<1280x128xf32> to vector<1x1280x128xf32>
    tpu.vector_store %arg7[%swap3A_53, %swap3A_54, %swap3A_55], %swap3A_58 {strides = array<i32>} : memref<2x1280x128xf32, #tpu.memory_space<vmem>>, vector<1x1280x128xf32>,
    %swap3A_59 = arith.constant 0 : index
    %swap3A_60 = arith.constant 0 : index
    %swap3A_61 = vector.load %arg8[%swap3A_59, %swap3A_60] : memref<1280x256xf32, #tpu.memory_space<vmem>>, vector<1280x256xf32>
    tpu.vector_store %arg8[%swap3A_59, %swap3A_60], %max3A_33 {strides = array<i32>} : memref<1280x256xf32, #tpu.memory_space<vmem>>, vector<1280x256xf32>,
    return
  }
  func.func @transform_0(%arg0: i32) -> (i32, i32, i32) {
    %c0_i32 = arith.constant 0 : i32
    %c0_i32_0 = arith.constant 0 : i32
    %c0_i32_1 = arith.constant 0 : i32
    return %c0_i32, %arg0, %c0_i32_0 : i32, i32, i32
  }
  func.func @transform_1(%arg0: i32) -> (i32, i32, i32) {
    %c0_i32 = arith.constant 0 : i32
    %c0_i32_0 = arith.constant 0 : i32
    %c0_i32_1 = arith.constant 0 : i32
    return %c0_i32, %arg0, %c0_i32_0 : i32, i32, i32
  }
  func.func @transform_2(%arg0: i32) -> (i32, i32) {
    %c0_i32 = arith.constant 0 : i32
    %c0_i32_0 = arith.constant 0 : i32
    return %arg0, %c0_i32 : i32, i32
  }
  func.func @transform_3(%arg0: i32) -> (i32, i32) {
    %c0_i32 = arith.constant 0 : i32
    %c0_i32_0 = arith.constant 0 : i32
    return %arg0, %c0_i32 : i32, i32
  }
  func.func @transform_4(%arg0: i32) -> (i32, i32) {
    %c0_i32 = arith.constant 0 : i32
    %c0_i32_0 = arith.constant 0 : i32
    %c0_i32_1 = arith.constant 0 : i32
    return %c0_i32, %c0_i32_0 : i32, i32
  }
  func.func @transform_5(%arg0: i32) -> (i32, i32) {
    %c0_i32 = arith.constant 0 : i32
    %c0_i32_0 = arith.constant 0 : i32
    %c0_i32_1 = arith.constant 0 : i32
    return %c0_i32, %c0_i32_0 : i32, i32
  }
  func.func @transform_6(%arg0: i32) -> (i32, i32, i32) {
    %c0_i32 = arith.constant 0 : i32
    %c0_i32_0 = arith.constant 0 : i32
    %c0_i32_1 = arith.constant 0 : i32
    return %c0_i32, %arg0, %c0_i32_0 : i32, i32, i32
  }
  func.func @transform_7(%arg0: i32) -> (i32, i32) {
    %c0_i32 = arith.constant 0 : i32
    %c0_i32_0 = arith.constant 0 : i32
    return %arg0, %c0_i32 : i32, i32
  }
}

module attributes {stable_mosaic.version = 14 : i64} {
  func.func @_last_body(%arg0: i32, %arg1: memref<2x1280x128xf32, #tpu.memory_space<vmem>>, %arg2: memref<2x1280x128xf32, #tpu.memory_space<vmem>>, %arg3: memref<1280x1xf32, #tpu.memory_space<vmem>>, %arg4: memref<1x256xf32, #tpu.memory_space<vmem>>, %arg5: memref<1280x256xf32, #tpu.memory_space<vmem>>) attributes {dimension_semantics = [#tpu.dimension_semantics<arbitrary>], iteration_bounds = array<i64: 8>, scalar_prefetch = 0 : i64, scratch_operands = 0 : i64, tpu.core_type = #tpu.core_type<tc>, window_params = [{transform_indices = @transform_0, window_bounds = array<i64: 2, 1280, 128>}, {transform_indices = @transform_1, window_bounds = array<i64: 2, 1280, 128>}, {transform_indices = @transform_2, window_bounds = array<i64: 1280, 1>}, {pipeline_mode = #tpu.pipeline_mode<synchronous>, transform_indices = @transform_3, window_bounds = array<i64: 1, 256>}, {transform_indices = @transform_4, window_bounds = array<i64: 1280, 256>}]} {
    %get3A = arith.constant 0 : index
    %get3A_0 = arith.constant 0 : index
    %get3A_1 = arith.constant 0 : index
    %get3A_2 = vector.load %arg1[%get3A, %get3A_0, %get3A_1] : memref<2x1280x128xf32, #tpu.memory_space<vmem>>, vector<1x1280x128xf32>
    %get3A_3 = vector.shape_cast %get3A_2 : vector<1x1280x128xf32> to vector<1280x128xf32>
    %get3A_4 = arith.constant 1 : index
    %get3A_5 = arith.constant 0 : index
    %get3A_6 = arith.constant 0 : index
    %get3A_7 = vector.load %arg1[%get3A_4, %get3A_5, %get3A_6] : memref<2x1280x128xf32, #tpu.memory_space<vmem>>, vector<1x1280x128xf32>
    %get3A_8 = vector.shape_cast %get3A_7 : vector<1x1280x128xf32> to vector<1280x128xf32>
    %concatenate3A = tpu.concatenate %get3A_3, %get3A_8 in 1 : vector<1280x128xf32>, vector<1280x128xf32> -> vector<1280x256xf32>
    %get3A_9 = arith.constant 0 : index
    %get3A_10 = arith.constant 0 : index
    %get3A_11 = arith.constant 0 : index
    %get3A_12 = vector.load %arg2[%get3A_9, %get3A_10, %get3A_11] : memref<2x1280x128xf32, #tpu.memory_space<vmem>>, vector<1x1280x128xf32>
    %get3A_13 = vector.shape_cast %get3A_12 : vector<1x1280x128xf32> to vector<1280x128xf32>
    %get3A_14 = arith.constant 1 : index
    %get3A_15 = arith.constant 0 : index
    %get3A_16 = arith.constant 0 : index
    %get3A_17 = vector.load %arg2[%get3A_14, %get3A_15, %get3A_16] : memref<2x1280x128xf32, #tpu.memory_space<vmem>>, vector<1x1280x128xf32>
    %get3A_18 = vector.shape_cast %get3A_17 : vector<1x1280x128xf32> to vector<1280x128xf32>
    %concatenate3A_19 = tpu.concatenate %get3A_13, %get3A_18 in 1 : vector<1280x128xf32>, vector<1280x128xf32> -> vector<1280x256xf32>
    %get3A_20 = arith.constant 0 : index
    %get3A_21 = arith.constant 0 : index
    %get3A_22 = vector.load %arg3[%get3A_20, %get3A_21] : memref<1280x1xf32, #tpu.memory_space<vmem>>, vector<1280x1xf32>
    %add3A = arith.constant 1.000000e+00 : f32
    %add3A_23 = vector.broadcast %add3A : f32 to vector<1280x1xf32>
    %add3A_24 = arith.addf %get3A_22, %add3A_23 : vector<1280x1xf32>
    %rsqrt3A = math.rsqrt %add3A_24 : vector<1280x1xf32>
    %add3A_25 = arith.addf %concatenate3A, %concatenate3A_19 : vector<1280x256xf32>
    %mul3A = vector.broadcast %rsqrt3A : vector<1280x1xf32> to vector<1280x256xf32>
    %mul3A_26 = arith.mulf %mul3A, %add3A_25 : vector<1280x256xf32>
    %get3A_27 = arith.constant 0 : index
    %get3A_28 = arith.constant 0 : index
    %get3A_29 = vector.load %arg4[%get3A_27, %get3A_28] : memref<1x256xf32, #tpu.memory_space<vmem>>, vector<1x256xf32>
    %add3A_30 = vector.broadcast %get3A_29 : vector<1x256xf32> to vector<1280x256xf32>
    %add3A_31 = arith.addf %mul3A_26, %add3A_30 : vector<1280x256xf32>
    %max3A = arith.constant 0.000000e+00 : f32
    %max3A_32 = vector.broadcast %max3A : f32 to vector<1280x256xf32>
    %max3A_33 = arith.maximumf %add3A_31, %max3A_32 : vector<1280x256xf32>
    %swap3A = arith.constant 0 : index
    %swap3A_34 = arith.constant 0 : index
    %swap3A_35 = vector.load %arg5[%swap3A, %swap3A_34] : memref<1280x256xf32, #tpu.memory_space<vmem>>, vector<1280x256xf32>
    tpu.vector_store %arg5[%swap3A, %swap3A_34], %max3A_33 {strides = array<i32>} : memref<1280x256xf32, #tpu.memory_space<vmem>>, vector<1280x256xf32>,
    return
  }
  func.func @transform_0(%arg0: i32) -> (i32, i32, i32) {
    %c0_i32 = arith.constant 0 : i32
    %c0_i32_0 = arith.constant 0 : i32
    %c0_i32_1 = arith.constant 0 : i32
    return %c0_i32, %arg0, %c0_i32_0 : i32, i32, i32
  }
  func.func @transform_1(%arg0: i32) -> (i32, i32, i32) {
    %c0_i32 = arith.constant 0 : i32
    %c0_i32_0 = arith.constant 0 : i32
    %c0_i32_1 = arith.constant 0 : i32
    return %c0_i32, %arg0, %c0_i32_0 : i32, i32, i32
  }
  func.func @transform_2(%arg0: i32) -> (i32, i32) {
    %c0_i32 = arith.constant 0 : i32
    %c0_i32_0 = arith.constant 0 : i32
    return %arg0, %c0_i32 : i32, i32
  }
  func.func @transform_3(%arg0: i32) -> (i32, i32) {
    %c0_i32 = arith.constant 0 : i32
    %c0_i32_0 = arith.constant 0 : i32
    %c0_i32_1 = arith.constant 0 : i32
    return %c0_i32, %c0_i32_0 : i32, i32
  }
  func.func @transform_4(%arg0: i32) -> (i32, i32) {
    %c0_i32 = arith.constant 0 : i32
    %c0_i32_0 = arith.constant 0 : i32
    return %arg0, %c0_i32 : i32, i32
  }
}

module attributes {stable_mosaic.version = 14 : i64} {
  func.func @_pool_body(%arg0: i32, %arg1: memref<10240x1xi32, #tpu.memory_space<vmem>>, %arg2: memref<80x128xi32, #tpu.memory_space<vmem>>, %arg3: memref<10240x256xf32, #tpu.memory_space<vmem>>, %arg4: memref<10240x256xf32, #tpu.memory_space<vmem>>, %arg5: memref<10240x256xf32, #tpu.memory_space<vmem>>, %arg6: memref<1x1x768xf32, #tpu.memory_space<vmem>>) attributes {dimension_semantics = [#tpu.dimension_semantics<arbitrary>], iteration_bounds = array<i64: 64>, scalar_prefetch = 0 : i64, scratch_operands = 0 : i64, tpu.core_type = #tpu.core_type<tc>, window_params = [{pipeline_mode = #tpu.pipeline_mode<synchronous>, transform_indices = @transform_0, window_bounds = array<i64: 10240, 1>}, {pipeline_mode = #tpu.pipeline_mode<synchronous>, transform_indices = @transform_1, window_bounds = array<i64: 80, 128>}, {pipeline_mode = #tpu.pipeline_mode<synchronous>, transform_indices = @transform_2, window_bounds = array<i64: 10240, 256>}, {pipeline_mode = #tpu.pipeline_mode<synchronous>, transform_indices = @transform_3, window_bounds = array<i64: 10240, 256>}, {pipeline_mode = #tpu.pipeline_mode<synchronous>, transform_indices = @transform_4, window_bounds = array<i64: 10240, 256>}, {transform_indices = @transform_5, window_bounds = array<i64: 1, 1, 768>}]} {
    %get3A = arith.constant 0 : index
    %get3A_0 = arith.constant 0 : index
    %get3A_1 = vector.load %arg2[%get3A, %get3A_0] : memref<80x128xi32, #tpu.memory_space<vmem>>, vector<80x128xi32>
    %lt3A = vector.broadcast %arg0 : i32 to vector<80x128xi32>
    %lt3A_2 = arith.cmpi slt, %get3A_1, %lt3A : vector<80x128xi32>
    %convert_element_type3A = arith.extui %lt3A_2 : vector<80x128xi1> to vector<80x128xi32>
    %reduce_sum3A = vector.shape_cast %convert_element_type3A : vector<80x128xi32> to vector<1x80x128xi32>
    %reduce_sum3A_3 = arith.constant dense<0> : vector<1xi32>
    %reduce_sum3A_4 = vector.multi_reduction <add>, %reduce_sum3A, %reduce_sum3A_3 [1, 2] : vector<1x80x128xi32> to vector<1xi32>
    %reduce_sum3A_5 = vector.shape_cast %reduce_sum3A_4 : vector<1xi32> to vector<1x1x1xi32>
    %reduce_sum3A_6 = vector.extract %reduce_sum3A_5[0, 0, 0] : i32 from vector<1x1x1xi32>
    %eq3A = vector.broadcast %arg0 : i32 to vector<80x128xi32>
    %eq3A_7 = arith.cmpi eq, %get3A_1, %eq3A : vector<80x128xi32>
    %convert_element_type3A_8 = arith.extui %eq3A_7 : vector<80x128xi1> to vector<80x128xi32>
    %reduce_sum3A_9 = vector.shape_cast %convert_element_type3A_8 : vector<80x128xi32> to vector<1x80x128xi32>
    %reduce_sum3A_10 = arith.constant dense<0> : vector<1xi32>
    %reduce_sum3A_11 = vector.multi_reduction <add>, %reduce_sum3A_9, %reduce_sum3A_10 [1, 2] : vector<1x80x128xi32> to vector<1xi32>
    %reduce_sum3A_12 = vector.shape_cast %reduce_sum3A_11 : vector<1xi32> to vector<1x1x1xi32>
    %reduce_sum3A_13 = vector.extract %reduce_sum3A_12[0, 0, 0] : i32 from vector<1x1x1xi32>
    %jit3A = arith.constant 8 : i32
    %div3A = arith.divsi %reduce_sum3A_6, %jit3A : i32
    %sign3A = arith.constant 0 : i32
    %sign3A_14 = arith.cmpi sgt, %reduce_sum3A_6, %sign3A : i32
    %sign3A_15 = arith.extui %sign3A_14 : i1 to i32
    %sign3A_16 = arith.constant 0 : i32
    %sign3A_17 = arith.cmpi slt, %reduce_sum3A_6, %sign3A_16 : i32
    %sign3A_18 = arith.extui %sign3A_17 : i1 to i32
    %sign3A_19 = arith.subi %sign3A_15, %sign3A_18 : i32
    %sign3A_20 = arith.constant 0 : i32
    %sign3A_21 = arith.cmpi sgt, %jit3A, %sign3A_20 : i32
    %sign3A_22 = arith.extui %sign3A_21 : i1 to i32
    %sign3A_23 = arith.constant 0 : i32
    %sign3A_24 = arith.cmpi slt, %jit3A, %sign3A_23 : i32
    %sign3A_25 = arith.extui %sign3A_24 : i1 to i32
    %sign3A_26 = arith.subi %sign3A_22, %sign3A_25 : i32
    %ne3A = arith.cmpi ne, %sign3A_19, %sign3A_26 : i32
    %rem3A = arith.remsi %reduce_sum3A_6, %jit3A : i32
    %ne3A_27 = arith.constant 0 : i32
    %ne3A_28 = arith.cmpi ne, %rem3A, %ne3A_27 : i32
    %and3A = arith.andi %ne3A, %ne3A_28 : i1
    %sub3A = arith.constant 1 : i32
    %sub3A_29 = arith.subi %div3A, %sub3A : i32
    %select_n3A = arith.select %and3A, %sub3A_29, %div3A : i32
    %add3A = arith.addi %reduce_sum3A_6, %reduce_sum3A_13 : i32
    %add3A_30 = arith.constant 7 : i32
    %add3A_31 = arith.addi %add3A, %add3A_30 : i32
    %jit3A_32 = arith.constant 8 : i32
    %div3A_33 = arith.divsi %add3A_31, %jit3A_32 : i32
    %sign3A_34 = arith.constant 0 : i32
    %sign3A_35 = arith.cmpi sgt, %add3A_31, %sign3A_34 : i32
    %sign3A_36 = arith.extui %sign3A_35 : i1 to i32
    %sign3A_37 = arith.constant 0 : i32
    %sign3A_38 = arith.cmpi slt, %add3A_31, %sign3A_37 : i32
    %sign3A_39 = arith.extui %sign3A_38 : i1 to i32
    %sign3A_40 = arith.subi %sign3A_36, %sign3A_39 : i32
    %sign3A_41 = arith.constant 0 : i32
    %sign3A_42 = arith.cmpi sgt, %jit3A_32, %sign3A_41 : i32
    %sign3A_43 = arith.extui %sign3A_42 : i1 to i32
    %sign3A_44 = arith.constant 0 : i32
    %sign3A_45 = arith.cmpi slt, %jit3A_32, %sign3A_44 : i32
    %sign3A_46 = arith.extui %sign3A_45 : i1 to i32
    %sign3A_47 = arith.subi %sign3A_43, %sign3A_46 : i32
    %ne3A_48 = arith.cmpi ne, %sign3A_40, %sign3A_47 : i32
    %rem3A_49 = arith.remsi %add3A_31, %jit3A_32 : i32
    %ne3A_50 = arith.constant 0 : i32
    %ne3A_51 = arith.cmpi ne, %rem3A_49, %ne3A_50 : i32
    %and3A_52 = arith.andi %ne3A_48, %ne3A_51 : i1
    %sub3A_53 = arith.constant 1 : i32
    %sub3A_54 = arith.subi %div3A_33, %sub3A_53 : i32
    %select_n3A_55 = arith.select %and3A_52, %sub3A_54, %div3A_33 : i32
    %broadcast_in_dim3A = arith.constant 0xFF800000 : f32
    %broadcast_in_dim3A_56 = vector.broadcast %broadcast_in_dim3A : f32 to vector<8x256xf32>
    %while3A:4 = scf.while (%while3A_82 = %select_n3A, %while3A_83 = %broadcast_in_dim3A_56, %while3A_84 = %broadcast_in_dim3A_56, %while3A_85 = %broadcast_in_dim3A_56) : (i32, vector<8x256xf32>, vector<8x256xf32>, vector<8x256xf32>) -> (i32, vector<8x256xf32>, vector<8x256xf32>, vector<8x256xf32>) {
      %lt3A_86 = arith.cmpi slt, %while3A_82, %select_n3A_55 : i32
      scf.condition(%lt3A_86) %while3A_82, %while3A_83, %while3A_84, %while3A_85 : i32, vector<8x256xf32>, vector<8x256xf32>, vector<8x256xf32>
    } do {
    ^bb0(%while3A_82: i32, %while3A_83: vector<8x256xf32>, %while3A_84: vector<8x256xf32>, %while3A_85: vector<8x256xf32>):
      %mul3A = arith.constant 8 : i32
      %mul3A_86 = arith.muli %while3A_82, %mul3A : i32
      %get3A_87 = arith.index_cast %mul3A_86 : i32 to index
      %get3A_88 = arith.constant 0 : index
      %get3A_89 = vector.load %arg1[%get3A_87, %get3A_88] : memref<10240x1xi32, #tpu.memory_space<vmem>>, vector<8x1xi32>
      %eq3A_90 = vector.broadcast %arg0 : i32 to vector<8x1xi32>
      %eq3A_91 = arith.cmpi eq, %get3A_89, %eq3A_90 : vector<8x1xi32>
      %add3A_92 = arith.constant 1 : i32
      %add3A_93 = arith.addi %while3A_82, %add3A_92 : i32
      %get3A_94 = arith.index_cast %mul3A_86 : i32 to index
      %get3A_95 = arith.constant 0 : index
      %get3A_96 = vector.load %arg3[%get3A_94, %get3A_95] : memref<10240x256xf32, #tpu.memory_space<vmem>>, vector<8x256xf32>
      %jit3A_97 = arith.constant 0xFF800000 : f32
      %broadcast_in_dim3A_98 = vector.shape_cast %eq3A_91 : vector<8x1xi1> to vector<8x1xi1>
      %broadcast_in_dim3A_99 = vector.broadcast %broadcast_in_dim3A_98 : vector<8x1xi1> to vector<8x256xi1>
      %broadcast_in_dim3A_100 = vector.broadcast %jit3A_97 : f32 to vector<8x256xf32>
      %select_n3A_101 = arith.select %broadcast_in_dim3A_99, %get3A_96, %broadcast_in_dim3A_100 : vector<8x256xi1>, vector<8x256xf32>
      %max3A = arith.maximumf %while3A_83, %select_n3A_101 : vector<8x256xf32>
      %get3A_102 = arith.index_cast %mul3A_86 : i32 to index
      %get3A_103 = arith.constant 0 : index
      %get3A_104 = vector.load %arg4[%get3A_102, %get3A_103] : memref<10240x256xf32, #tpu.memory_space<vmem>>, vector<8x256xf32>
      %jit3A_105 = arith.constant 0xFF800000 : f32
      %broadcast_in_dim3A_106 = vector.shape_cast %eq3A_91 : vector<8x1xi1> to vector<8x1xi1>
      %broadcast_in_dim3A_107 = vector.broadcast %broadcast_in_dim3A_106 : vector<8x1xi1> to vector<8x256xi1>
      %broadcast_in_dim3A_108 = vector.broadcast %jit3A_105 : f32 to vector<8x256xf32>
      %select_n3A_109 = arith.select %broadcast_in_dim3A_107, %get3A_104, %broadcast_in_dim3A_108 : vector<8x256xi1>, vector<8x256xf32>
      %max3A_110 = arith.maximumf %while3A_84, %select_n3A_109 : vector<8x256xf32>
      %get3A_111 = arith.index_cast %mul3A_86 : i32 to index
      %get3A_112 = arith.constant 0 : index
      %get3A_113 = vector.load %arg5[%get3A_111, %get3A_112] : memref<10240x256xf32, #tpu.memory_space<vmem>>, vector<8x256xf32>
      %jit3A_114 = arith.constant 0xFF800000 : f32
      %broadcast_in_dim3A_115 = vector.shape_cast %eq3A_91 : vector<8x1xi1> to vector<8x1xi1>
      %broadcast_in_dim3A_116 = vector.broadcast %broadcast_in_dim3A_115 : vector<8x1xi1> to vector<8x256xi1>
      %broadcast_in_dim3A_117 = vector.broadcast %jit3A_114 : f32 to vector<8x256xf32>
      %select_n3A_118 = arith.select %broadcast_in_dim3A_116, %get3A_113, %broadcast_in_dim3A_117 : vector<8x256xi1>, vector<8x256xf32>
      %max3A_119 = arith.maximumf %while3A_85, %select_n3A_118 : vector<8x256xf32>
      scf.yield %add3A_93, %max3A, %max3A_110, %max3A_119 : i32, vector<8x256xf32>, vector<8x256xf32>, vector<8x256xf32>
    }
    %reduce_max3A = arith.constant dense<0xFF800000> : vector<256xf32>
    %reduce_max3A_57 = vector.multi_reduction <maximumf>, %while3A#1, %reduce_max3A [0] : vector<8x256xf32> to vector<256xf32>
    %broadcast_in_dim3A_58 = vector.shape_cast %reduce_max3A_57 : vector<256xf32> to vector<1x256xf32>
    %swap3A = arith.constant 0 : index
    %swap3A_59 = arith.constant 0 : index
    %swap3A_60 = arith.constant 0 : index
    %swap3A_61 = vector.load %arg6[%swap3A, %swap3A_59, %swap3A_60] : memref<1x1x768xf32, #tpu.memory_space<vmem>>, vector<1x1x256xf32>
    %swap3A_62 = vector.shape_cast %swap3A_61 : vector<1x1x256xf32> to vector<1x256xf32>
    %swap3A_63 = vector.shape_cast %broadcast_in_dim3A_58 : vector<1x256xf32> to vector<1x1x256xf32>
    tpu.vector_store %arg6[%swap3A, %swap3A_59, %swap3A_60], %swap3A_63 {strides = array<i32>} : memref<1x1x768xf32, #tpu.memory_space<vmem>>, vector<1x1x256xf32>,
    %reduce_max3A_64 = arith.constant dense<0xFF800000> : vector<256xf32>
    %reduce_max3A_65 = vector.multi_reduction <maximumf>, %while3A#2, %reduce_max3A_64 [0] : vector<8x256xf32> to vector<256xf32>
    %broadcast_in_dim3A_66 = vector.shape_cast %reduce_max3A_65 : vector<256xf32> to vector<1x256xf32>
    %swap3A_67 = arith.constant 0 : index
    %swap3A_68 = arith.constant 0 : index
    %swap3A_69 = arith.constant 256 : index
    %swap3A_70 = vector.load %arg6[%swap3A_67, %swap3A_68, %swap3A_69] : memref<1x1x768xf32, #tpu.memory_space<vmem>>, vector<1x1x256xf32>
    %swap3A_71 = vector.shape_cast %swap3A_70 : vector<1x1x256xf32> to vector<1x256xf32>
    %swap3A_72 = vector.shape_cast %broadcast_in_dim3A_66 : vector<1x256xf32> to vector<1x1x256xf32>
    tpu.vector_store %arg6[%swap3A_67, %swap3A_68, %swap3A_69], %swap3A_72 {strides = array<i32>} : memref<1x1x768xf32, #tpu.memory_space<vmem>>, vector<1x1x256xf32>,
    %reduce_max3A_73 = arith.constant dense<0xFF800000> : vector<256xf32>
    %reduce_max3A_74 = vector.multi_reduction <maximumf>, %while3A#3, %reduce_max3A_73 [0] : vector<8x256xf32> to vector<256xf32>
    %broadcast_in_dim3A_75 = vector.shape_cast %reduce_max3A_74 : vector<256xf32> to vector<1x256xf32>
    %swap3A_76 = arith.constant 0 : index
    %swap3A_77 = arith.constant 0 : index
    %swap3A_78 = arith.constant 512 : index
    %swap3A_79 = vector.load %arg6[%swap3A_76, %swap3A_77, %swap3A_78] : memref<1x1x768xf32, #tpu.memory_space<vmem>>, vector<1x1x256xf32>
    %swap3A_80 = vector.shape_cast %swap3A_79 : vector<1x1x256xf32> to vector<1x256xf32>
    %swap3A_81 = vector.shape_cast %broadcast_in_dim3A_75 : vector<1x256xf32> to vector<1x1x256xf32>
    tpu.vector_store %arg6[%swap3A_76, %swap3A_77, %swap3A_78], %swap3A_81 {strides = array<i32>} : memref<1x1x768xf32, #tpu.memory_space<vmem>>, vector<1x1x256xf32>,
    return
  }
  func.func @transform_0(%arg0: i32) -> (i32, i32) {
    %c0_i32 = arith.constant 0 : i32
    %c0_i32_0 = arith.constant 0 : i32
    %c0_i32_1 = arith.constant 0 : i32
    return %c0_i32, %c0_i32_0 : i32, i32
  }
  func.func @transform_1(%arg0: i32) -> (i32, i32) {
    %c0_i32 = arith.constant 0 : i32
    %c0_i32_0 = arith.constant 0 : i32
    %c0_i32_1 = arith.constant 0 : i32
    return %c0_i32, %c0_i32_0 : i32, i32
  }
  func.func @transform_2(%arg0: i32) -> (i32, i32) {
    %c0_i32 = arith.constant 0 : i32
    %c0_i32_0 = arith.constant 0 : i32
    %c0_i32_1 = arith.constant 0 : i32
    return %c0_i32, %c0_i32_0 : i32, i32
  }
  func.func @transform_3(%arg0: i32) -> (i32, i32) {
    %c0_i32 = arith.constant 0 : i32
    %c0_i32_0 = arith.constant 0 : i32
    %c0_i32_1 = arith.constant 0 : i32
    return %c0_i32, %c0_i32_0 : i32, i32
  }
  func.func @transform_4(%arg0: i32) -> (i32, i32) {
    %c0_i32 = arith.constant 0 : i32
    %c0_i32_0 = arith.constant 0 : i32
    %c0_i32_1 = arith.constant 0 : i32
    return %c0_i32, %c0_i32_0 : i32, i32
  }
  func.func @transform_5(%arg0: i32) -> (i32, i32, i32) {
    %c0_i32 = arith.constant 0 : i32
    %c0_i32_0 = arith.constant 0 : i32
    %c0_i32_1 = arith.constant 0 : i32
    return %arg0, %c0_i32, %c0_i32_0 : i32, i32, i32
  }
}

module attributes {stable_mosaic.version = 14 : i64} {
  func.func @_final_body(%arg0: i32, %arg1: memref<64x768xf32, #tpu.memory_space<vmem>>, %arg2: memref<768x256xf32, #tpu.memory_space<vmem>>, %arg3: memref<1x256xf32, #tpu.memory_space<vmem>>, %arg4: memref<64x256xf32, #tpu.memory_space<vmem>>) attributes {dimension_semantics = [#tpu.dimension_semantics<arbitrary>], iteration_bounds = array<i64: 1>, scalar_prefetch = 0 : i64, scratch_operands = 0 : i64, tpu.core_type = #tpu.core_type<tc>, window_params = [{pipeline_mode = #tpu.pipeline_mode<synchronous>, transform_indices = @transform_0, window_bounds = array<i64: 64, 768>}, {pipeline_mode = #tpu.pipeline_mode<synchronous>, transform_indices = @transform_1, window_bounds = array<i64: 768, 256>}, {pipeline_mode = #tpu.pipeline_mode<synchronous>, transform_indices = @transform_2, window_bounds = array<i64: 1, 256>}, {pipeline_mode = #tpu.pipeline_mode<synchronous>, transform_indices = @transform_3, window_bounds = array<i64: 64, 256>}]} {
    %get3A = arith.constant 0 : index
    %get3A_0 = arith.constant 0 : index
    %get3A_1 = vector.load %arg1[%get3A, %get3A_0] : memref<64x768xf32, #tpu.memory_space<vmem>>, vector<64x768xf32>
    %get3A_2 = arith.constant 0 : index
    %get3A_3 = arith.constant 0 : index
    %get3A_4 = vector.load %arg2[%get3A_2, %get3A_3] : memref<768x256xf32, #tpu.memory_space<vmem>>, vector<768x256xf32>
    %dot_general3A = arith.constant dense<0.000000e+00> : vector<64x256xf32>
    %dot_general3A_5 = tpu.matmul %get3A_1, %get3A_4, %dot_general3A {dimension_numbers = #tpu.dot_dimension_numbers<[1], [0], [0], [1], [0, 0, 1, 1], [], []>, transpose_lhs_hint = false} : vector<64x768xf32>, vector<768x256xf32>, vector<64x256xf32> -> vector<64x256xf32>
    %get3A_6 = arith.constant 0 : index
    %get3A_7 = arith.constant 0 : index
    %get3A_8 = vector.load %arg3[%get3A_6, %get3A_7] : memref<1x256xf32, #tpu.memory_space<vmem>>, vector<1x256xf32>
    %add3A = vector.broadcast %get3A_8 : vector<1x256xf32> to vector<64x256xf32>
    %add3A_9 = arith.addf %dot_general3A_5, %add3A : vector<64x256xf32>
    %swap3A = arith.constant 0 : index
    %swap3A_10 = arith.constant 0 : index
    %swap3A_11 = vector.load %arg4[%swap3A, %swap3A_10] : memref<64x256xf32, #tpu.memory_space<vmem>>, vector<64x256xf32>
    tpu.vector_store %arg4[%swap3A, %swap3A_10], %add3A_9 {strides = array<i32>} : memref<64x256xf32, #tpu.memory_space<vmem>>, vector<64x256xf32>,
    return
  }
  func.func @transform_0(%arg0: i32) -> (i32, i32) {
    %c0_i32 = arith.constant 0 : i32
    %c0_i32_0 = arith.constant 0 : i32
    %c0_i32_1 = arith.constant 0 : i32
    return %c0_i32, %c0_i32_0 : i32, i32
  }
  func.func @transform_1(%arg0: i32) -> (i32, i32) {
    %c0_i32 = arith.constant 0 : i32
    %c0_i32_0 = arith.constant 0 : i32
    %c0_i32_1 = arith.constant 0 : i32
    return %c0_i32, %c0_i32_0 : i32, i32
  }
  func.func @transform_2(%arg0: i32) -> (i32, i32) {
    %c0_i32 = arith.constant 0 : i32
    %c0_i32_0 = arith.constant 0 : i32
    %c0_i32_1 = arith.constant 0 : i32
    return %c0_i32, %c0_i32_0 : i32, i32
  }
  func.func @transform_3(%arg0: i32) -> (i32, i32) {
    %c0_i32 = arith.constant 0 : i32
    %c0_i32_0 = arith.constant 0 : i32
    %c0_i32_1 = arith.constant 0 : i32
    return %c0_i32, %c0_i32_0 : i32, i32
  }
}

</mosaic_0001>

<sc_bundles>
// kernel: kernel.14.cloned.1.call-start
scs
__scs_entry_jumppad:
0x0: {  	(pc) =	sbr.rel $0x88, $3  }
0x1: {  	(tag) =	ssettag $0x0;
	lr =	simm.s32 $0x1  }
0x2: {  	[smem:$0x3F93] =	sst lr;
	_ =	strace $0xD0000000  }
0x3: {  	_ = 	snop  }
0x4: {  	_ = 	snop  }
0x5: {  	_ = 	snop  }
0x6: {  	_ = 	snop  }
0x7: {  	_ = 	snop  }
__scs_overlays_trampoline_lowered:
0x8: {  	[smem:$0x3FA2] =	sst s0  }
0x9: {  	[smem:$0x3FA3] =	sst s1  }
0xa: {  	[smem:$0x3FA4] =	sst s2  }
0xb: {  	[smem:$0x3FA5] =	sst s3  }
0xc: {  	[smem:$0x3FA6] =	sst s4  }
0xd: {  	[smem:$0x3FA7] =	sst s5  }
0xe: {  	[smem:$0x3FA8] =	sst s6  }
0xf: {  	[smem:$0x3FA9] =	sst s7  }
0x10: {  	[smem:$0x3FAA] =	sst s8  }
0x11: {  	[smem:$0x3FAB] =	sst s9;
	s0 =	simm.s32 @!p0 $0x0  }
0x12: {  	s1 =	sld [smem:$0x3F91];
	s0 =	simm.s32 @p0 $0x1  }
0x13: {  	[smem:$0x3FAC] =	sst s0;
	s0 =	simm.s32 @!p1 $0x0  }
0x14: {  	s2 =	sld [smem:$0x3F90];
	s0 =	simm.s32 @p1 $0x1  }
0x15: {  	[smem:$0x3FAD] =	sst s0;
	s0 =	simm.s32 @!p2 $0x0  }
0x16: {  	s3 =	sld [smem:$0x3FDB];
	s0 =	simm.s32 @p2 $0x1  }
0x17: {  	s4 =	simm.s32 $0x1BF5;
	[smem:$0x3FAF] =	sst s0  }
0x18: {  	s0 =	sld [smem:$0x3F92];
	_ =	swait.ge [sflag:s4], $0x0  }
0x19: {  	s7 =	sld [smem:$0x3F93]  }
0x1a: {  	s8 =	sadd.s32 $0xFFFFE003, lr  }
0x1b: {  	s9 =	sadd.s32 $0xFFFFFEF7, lr;
	s5 =	simm.s32 $0xFFFFFFFF;
	p2 =	slt.u32 s8, $0xFFFFF086  }
0x1c: {  	p1 =	slt.u32 s9, $0xF7A;
	s5 =	simm.s32 @!p2 $0x0  }
0x1d: {  	s5 =	simm.s32 @p1 $0x1;
	p0 =	seq.s32 s7, s2  }
0x1e: {  	s7 =	smul.u32 @!p0 $0xF7A, s2;
	p2 =	seq.s32 @!p0 s5, $0x0  }
0x1f: {  	s9 =	smul.u32 $0xF7A, s1;
	s8 =	simm.s32 @!p0 $0x1BF5;
	p2 =	por !p2, p0  }
0x20: {  	[sflag:s8] =	ssyncset.s32 @!p0 $0xFFFFF086;
	s6 =	sadd.s32 @!p0 s3, s7;
	s7 =	simm.s32 @!p0 $0x108  }
0x21: {  	s3 =	sadd.s32 s3, s9;
	s6 =	sadd.s32 @!p0 $0x88, s6;
	s7 =	simm.s32 @p2 $0x1082  }
0x22: {  	[simem:s7], [sflag:s8] =	dma.local @!p0 [hbm:s6], $0xF7A  }
0x23: {  	s9 =	sor.u32 $0xD0000000, s2;
	s6 =	simm.s32 $0x108;
	_ =	swait.ge @!p0 [sflag:s8], $0x0  }
0x24: {  	s3 =	sadd.s32 $0x88, s3;
	s6 =	simm.s32 @!p1 $0x1082;
	[sflag:s4] =	ssyncset.s32 $0xFFFFF086  }
0x25: {  	[simem:s6], [sflag:s4] =	dma.local [hbm:s3], $0xF7A  }
0x26: {  	[smem:$0x3F93] =	sst s1;
	(tag) =	ssettag s2;
	_ =	strace s9  }
0x27: {  	s1 =	sld [smem:$0x3FA3]  }
0x28: {  	s2 =	sld [smem:$0x3FA4]  }
0x29: {  	s4 =	sld [smem:$0x3FA6]  }
0x2a: {  	p0 =	seq.s32 s5, $0x0;
	s5 =	sld [smem:$0x3FA7]  }
0x2b: {  	s6 =	sld [smem:$0x3FA8]  }
0x2c: {  	s7 =	sld [smem:$0x3FA9]  }
0x2d: {  	s3 =	simm.s32 $0x108;
	s8 =	sld [smem:$0x3FAA]  }
0x2e: {  	s3 =	simm.s32 @!p0 $0x1082;
	s9 =	sld [smem:$0x3FAB]  }
0x2f: {  	lr =	sadd.s32 s0, s3;
	s0 =	sld [smem:$0x3FA2]  }
0x30: {  	s3 =	sld [smem:$0x3FA5]  }
0x31: {  	[smem:$0x3FAE] =	sst s10  }
0x32: {  	s10 =	sld [smem:$0x3FAC];
	_ =	sdelay $0x3  }
0x33: {  	p0 =	seq.s32 s10, $0x1;
	s10 =	sld [smem:$0x3FAE];
	_ =	sdelay $0x3  }
0x34: {  	[smem:$0x3FAE] =	sst s10  }
0x35: {  	s10 =	sld [smem:$0x3FAD];
	_ =	sdelay $0x3  }
0x36: {  	p1 =	seq.s32 s10, $0x1;
	s10 =	sld [smem:$0x3FAE];
	_ =	sdelay $0x3  }
0x37: {  	[smem:$0x3FAE] =	sst s10  }
0x38: {  	s10 =	sld [smem:$0x3FAF]  }
0x39: {  	_ = 	snop;
	(pc) =	sbr.ind lr, $3  }
0x3a: {  	_ = 	snop  }
0x3b: {  	_ = 	snop  }
0x3c: {  	p2 =	seq.s32 s10, $0x1;
	s10 =	sld [smem:$0x3FAE]  }
0x3d: {  	_ =	shalt  }
0x3e: {  	_ =	shalt  }
0x3f: {  	_ =	shalt  }
0x40: {  	_ =	shalt  }
0x41: {  	_ =	shalt  }
0x42: {  	_ =	shalt  }
0x43: {  	_ =	shalt  }
0x44: {  	_ =	shalt  }
0x45: {  	_ =	shalt  }
0x46: {  	_ =	shalt  }
0x47: {  	_ =	shalt  }
0x48: {  	_ =	shalt  }
0x49: {  	_ =	shalt  }
0x4a: {  	_ =	shalt  }
0x4b: {  	_ =	shalt  }
0x4c: {  	_ =	shalt  }
0x4d: {  	_ =	shalt  }
0x4e: {  	_ =	shalt  }
0x4f: {  	_ =	shalt  }
0x50: {  	_ =	shalt  }
0x51: {  	_ =	shalt  }
0x52: {  	_ =	shalt  }
0x53: {  	_ =	shalt  }
0x54: {  	_ =	shalt  }
0x55: {  	_ =	shalt  }
0x56: {  	_ =	shalt  }
0x57: {  	_ =	shalt  }
0x58: {  	_ =	shalt  }
0x59: {  	_ =	shalt  }
0x5a: {  	_ =	shalt  }
0x5b: {  	_ =	shalt  }
0x5c: {  	_ =	shalt  }
0x5d: {  	_ =	shalt  }
0x5e: {  	_ =	shalt  }
0x5f: {  	_ =	shalt  }
0x60: {  	_ =	shalt  }
0x61: {  	_ =	shalt  }
0x62: {  	_ =	shalt  }
0x63: {  	_ =	shalt  }
0x64: {  	_ =	shalt  }
0x65: {  	_ =	shalt  }
0x66: {  	_ =	shalt  }
0x67: {  	_ =	shalt  }
0x68: {  	_ =	shalt  }
0x69: {  	_ =	shalt  }
0x6a: {  	_ =	shalt  }
0x6b: {  	_ =	shalt  }
0x6c: {  	_ =	shalt  }
0x6d: {  	_ =	shalt  }
0x6e: {  	_ =	shalt  }
0x6f: {  	_ =	shalt  }
0x70: {  	_ =	shalt  }
0x71: {  	_ =	shalt  }
0x72: {  	_ =	shalt  }
0x73: {  	_ =	shalt  }
0x74: {  	_ =	shalt  }
0x75: {  	_ =	shalt  }
0x76: {  	_ =	shalt  }
0x77: {  	_ =	shalt  }
0x78: {  	_ =	shalt  }
0x79: {  	_ =	shalt  }
0x7a: {  	_ =	shalt  }
0x7b: {  	_ =	shalt  }
0x7c: {  	_ =	shalt  }
0x7d: {  	_ =	shalt  }
0x7e: {  	_ =	shalt  }
0x7f: {  	_ =	shalt  }
0x80: {  	_ =	shalt  }
0x81: {  	_ =	shalt  }
0x82: {  	_ =	shalt  }
0x83: {  	_ =	shalt  }
0x84: {  	_ =	shalt  }
0x85: {  	_ =	shalt  }
0x86: {  	_ =	shalt  }
0x87: {  	_ =	shalt  }
.Lfunc_end0:
.L_simem_size_0:
called_computation_lowered:
.L_overlay_start_0:
0x88: {  	s2 =	sld [smem:$0x3FD9]  }
0x89: {  	s3 =	sld [smem:$0x3FFE];
	_ =	sdelay $0x1  }
0x8a: {  	s1 =	srdreg.scid  }
0x8b: {  	s0 =	sand.u32 $0x1, s1  }
0x8c: {  	s16 =	sshll.u32 s0, $0xA;
	s2 =	sadd.s32 s3, s2  }
0x8d: {  	s2 =	sadd.s32 s2, s16  }
0x8e: {  	[smem:$0x3FBA] =	sst s2  }
0x8f: {  	_ = 	snop  }
0x90: {  	(tm) =	ssettm $0x1  }
0x91: {  	s17 =	sld [smem:$0x3FFB];
	_ =	sdelay $0x3  }
0x92: {  	_ =	strace s17  }
0x93: {  	s2 =	sld [smem:$0x3FFC];
	_ =	sdelay $0x3  }
0x94: {  	_ =	strace s2  }
0x95: {  	s2 =	sld [smem:$0x3FFD];
	_ =	sdelay $0x3  }
0x96: {  	_ =	strace s2  }
0x97: {  	_ =	strace $0x8FFFFFFF  }
0x98: {  	s18 =	sld [smem:$0x3FDB];
	_ =	sdelay $0x1  }
0x99: {  	s19 =	simm.s32 $_scs_section_size  }
0x9a: {  	s4 =	simm.s32 $_size__tile_overlayer_lowered;
	s5 =	simm.s32 $_tile_overlayer_lowered  }
0x9b: {  	s22 =	simm.s32 $0x1BFF;
	s21 =	sshll.u32 s5, $0x1;
	s2 =	sadd.s32 s19, s18  }
0x9c: {  	s6 =	simm.s32 $0x0;
	s20 =	sshll.u32 s4, $0x1;
	s4 =	sadd.s32 s21, s2  }
0x9d: {  	[timem:s6], [sflag:s22] =	dma.local [hbm:s4], s20  }
0x9e: {  	_ =	swait.ge [sflag:s22], s20  }
0x9f: {  	s3 =	ssub.s32 $0x0, s20;
	[sflag:s22] =	ssyncset.done $0x0  }
0xa0: {  	[sflag:s22] =	ssyncadd.s32 s3;
	_ =	sdelay $0x1  }
0xa1: {  	s23 =	simm.s32 $0x1B8B  }
0xa2: {  	_ =	swait.ge [sflag:s23], $0x1  }
0xa3: {  	[sflag:s23] =	ssyncset.done $0x0  }
0xa4: {  	s25 =	simm.s32 $0x1B8E;
	s24 =	sld [smem:$0x3FFE];
	[sflag:s23] =	ssyncadd.s32 $0xFFFFFFFF  }
0xa5: {  	s26 =	simm.s32 $execute0_lowered;
	[smem:$0x3FD2] =	sst s25  }
0xa6: {  	s4 =	sshll.u32 s26, $0x1;
	_ =	strace $0x80000046;
	[dreg:$0x1] =	wrdreg $0xFFFFFFFF  }
0xa7: {  	s28 =	simm.s32 $_size_execute0_lowered;
	s2 =	sadd.s32 s2, s4;
	[dreg:$0x0] =	wrdreg $0x0  }
0xa8: {  	s4 =	sshll.u32 s28, $0x1;
	[dreg:$0x2] =	wrdreg s2  }
0xa9: {  	[dreg:$0x3] =	wrdreg s4  }
0xaa: {  	[dreg:$0x4] =	wrdreg $0xC0  }
0xab: {  	_ =	task [dreg:s6], $0x5FFFF  }
0xac: {  	[dreg:$0x1] =	wrdreg $0xFFFFFFFF  }
0xad: {  	[dreg:$0x0] =	wrdreg $0x60  }
0xae: {  	[dreg:$0x2] =	wrdreg s24  }
0xaf: {  	[dreg:$0x3] =	wrdreg $0x80800  }
0xb0: {  	[dreg:$0x4] =	wrdreg $0x9  }
0xb1: {  	_ =	task.clear_ibuf [dreg:s6], $0x5FFFF;
	_ =	strace $0x90000046  }
0xb2: {  	s29 =	simm.s32 $0x9;
	_ =	strace $0x80000048  }
0xb3: {  	_ =	swait.ge [sflag:s29], $0x1  }
0xb4: {  	[sflag:s29] =	ssyncadd.s32 $0xFFFFFFFF  }
0xb5: {  	_ =	strace $0x90000048  }
0xb6: {  	_ =	sfence  }
0xb7: {  	s30 =	sld [smem:$0x0];
	_ =	sdelay $0x2  }
0xb8: {  	s31 =	sshll.u32 s1, $0xD;
	s1 =	sshrl.u32 s1, $0x2  }
0xb9: {  	s3 =	sand.u32 $0x4000, s31;
	s1 =	sadd.s32 s1, s30  }
0xba: {  	s0 =	sor.u32 s3, s0;
	s1 =	sshll.u32 s1, $0x11  }
0xbb: {  	s0 =	sor.u32 s1, s0  }
0xbc: {  	s0 =	sadd.s32 $0x8F2B, s0  }
0xbd: {  	[sflag:s0] =	ssyncadd.remote.s32 $0x1  }
0xbe: {  	_ =	sfence.sel $0xFFFF  }
0xbf: {  	[dreg:$0x0] =	wrdreg $0xFFFFFFFF;
	(pc) =	sbr.abs _section_cstart, $3  }
0xc0: {  	[dreg:$0x1] =	wrdreg $0xFFFFFFFF  }
0xc1: {  	_ =	task.clear_ibuf [dreg:s6], $0x2FFFF;
	_ =	strace $0x9FFFFFFF  }
0xc2: {  	(tm) =	ssettm $0x7FFFFFFF  }
0xc3: {  	_ =	shalt  }
tec
execute0_lowered:
.L_overlay_start_1:
0x0: {  	(tag) =	ssettag $0x1  }
0x1: {  	s6 =	rddreg [dreg:$0x0]  }
0x2: {  	s0 =	srdreg.scid;
	s2 =	rddreg [dreg:$0x1]  }
0x3: {  	s1 =	rddreg [dreg:$0x2];
	s5 =	sand.u32 $0x1, s0  }
0x4: {  	s0 =	stileid.u32;
	s4 =	smul.u32 $0x140000, s5  }
0x5: {  	s3 =	simm.s32 $0x0;
	s14 =	simm.s32 $0x1;
	s7 =	smul.u32 $0x14000, s0  }
0x6: {  	s15 =	simm.s32 $0x80;
	[smem:$0x7FF] =	sst s3;
	s8 =	smul.u32 $0x50000, s0  }
0x7: {  	s18 =	simm.s32 $0x0;
	_ =	strace $0x80000047;
	s10 =	smul.u32 $0x28000, s5  }
0x8: {  	s29 =	ssub.s32 $0x2, s5;
	s12 =	smul.u32 $0x2800, s0;
	s16 =	sshll.u32 s0, $0x6  }
0x9: {  	s31 =	sshrl.u32 s29, $0x1;
	s16 =	sor.u32 $0x1C01, s16;
	s4 =	sadd.s32 s7, s4  }
0xa: {  	s30 =	sshrl.u32 s8, $0x2;
	s13 =	ssub.s32 s29, s31;
	s10 =	sadd.s32 s12, s10  }
0xb: {  	s7 =	sshrl.u32 s4, $0x3;
	s4 =	sadd.s32 $0x3000, s6;
	s5 =	sadd.s32 s30, s2  }
0xc: {  	s12 =	smax.u32 s13, $0x1;
	s13 =	simm.s32 $0x4080;
	s11 =	sadd.s32 s7, s6  }
0xd: {  	s6 =	sadd.s32 $0x4000, s5;
	s7 =	sadd.s32 $0x8000, s5;
	s8 =	sadd.s32 $0xC000, s5  }
0xe: {  	v0 =	vimm.f32 $1.000000000e+00;
	v1 =	vimm.f32 $0.0e+00;
	s9 =	sadd.s32 $0x10000, s5;
	s17 =	sshrl.u32 s5, $0x3;
	s11 =	sadd.s32 $0xD000, s11  }
.LBB2_1:
0xf: {  	s19 =	simm.s32 $0x200;
	s20 =	simm.s32 $0x0  }
.LBB2_2:
0x10: {  	p0 =	sne.s32 s19, $0xFE00;
	[tilespmem:s20+$0x80] =	vst v0;
	s21 =	smov.u32 s19;
	s19 =	sadd.s32 $0x200, s19  }
.Ltmp0:
0x11: {  	[tilespmem:s20+$0x4080] =	vst v1;
	(pc) =	sbr.rel @p0 .LBB2_2-.Ltmp0, $2  }
0x12: {  	_ =	sdelay $0x2  }
0x13: {  	s20 =	sshra.s32 s21, $0x2  }
0x14: {  	[tilespmem:s20+$0x80] =	vst v0  }
0x15: {  	[tilespmem:s20+$0x4080] =	vst v1  }
0x16: {  	[spmem:s5] =	stream.linear.scatter [tilespmem:s13], [sflag:$0x1], $0x4000, $0x38;
	[tilespmem:$0xA880] =	vst v63  }
0x17: {  	_ =	swait.ge [sflag:s14], $0x4000  }
0x18: {  	[sflag:s14] =	ssyncset.done $0x0  }
0x19: {  	[sflag:s14] =	ssyncadd.s32 $0xFFFFC000  }
0x1a: {  	[spmem:s6] =	stream.linear.scatter [tilespmem:s13], [sflag:$0x1], $0x4000, $0x38;
	[tilespmem:$0xA880] =	vst v63  }
0x1b: {  	_ =	swait.ge [sflag:s14], $0x4000  }
0x1c: {  	[sflag:s14] =	ssyncset.done $0x0  }
0x1d: {  	[sflag:s14] =	ssyncadd.s32 $0xFFFFC000  }
0x1e: {  	[spmem:s7] =	stream.linear.scatter [tilespmem:s13], [sflag:$0x1], $0x4000, $0x38;
	[tilespmem:$0xA880] =	vst v63  }
0x1f: {  	_ =	swait.ge [sflag:s14], $0x4000  }
0x20: {  	[sflag:s14] =	ssyncset.done $0x0  }
0x21: {  	[sflag:s14] =	ssyncadd.s32 $0xFFFFC000  }
0x22: {  	[spmem:s8] =	stream.linear.scatter [tilespmem:s13], [sflag:$0x1], $0x4000, $0x38;
	[tilespmem:$0xA880] =	vst v63  }
0x23: {  	_ =	swait.ge [sflag:s14], $0x4000  }
0x24: {  	s19 =	simm.s32 $0x0;
	[sflag:s14] =	ssyncset.done $0x0  }
0x25: {  	s29 =	sand.u32 $0x3C00, s19;
	[sflag:s14] =	ssyncadd.s32 $0xFFFFC000  }
0x26: {  	[spmem:s9] =	stream.linear.scatter [tilespmem:s13], [sflag:$0x1], $0x4000, $0x38;
	[tilespmem:$0xA880] =	vst v63  }
0x27: {  	s19 =	sand.u32 $0x380, s19;
	s20 =	sadd.s32 s29, s10;
	_ =	swait.ge [sflag:s14], $0x4000  }
0x28: {  	s19 =	sor.u32 s19, s20;
	[sflag:s14] =	ssyncset.done $0x0  }
0x29: {  	s19 =	sshrl.u32 s19, $0x3;
	[sflag:s14] =	ssyncadd.s32 $0xFFFFC000  }
0x2a: {  	s19 =	sadd.s32 s4, s19;
	[bflag:$0x0] =	sbarrier.arrive $0xFFFF  }
0x2b: {  	[tilespmem:s3], [sflag:$0x1] =	stream.linear.gather [hbm4b:s19+s3], $0x80, $0x38;
	[tilespmem:$0xA880] =	vst v63  }
0x2c: {  	_ =	swait.ge [sflag:s14], $0x80  }
0x2d: {  	s30 =	simm.s32 $0x80;
	[sflag:s14] =	ssyncset.done $0x0  }
0x2e: {  	s31 =	sand.u32 $0x3C00, s30;
	[sflag:s14] =	ssyncadd.s32 $0xFFFFFF80  }
0x2f: {  	[spmem:s2] =	stream.indirect.scatter.add.f32 [tilespmem:s15], [sflag:$0x1], $0x10, s3, s15, $0xb8;
	[tilespmem:$0xA880] =	vst v63  }
0x30: {  	s21 =	sand.u32 $0x380, s30;
	s20 =	sadd.s32 s31, s10;
	_ =	swait.ge [sflag:s14], $0x800  }
0x31: {  	s20 =	sor.u32 s21, s20;
	s19 =	simm.s32 $0x100;
	[sflag:s14] =	ssyncset.done $0x0  }
.LBB2_4:
0x32: {  	s20 =	sshrl.u32 s20, $0x3  }
0x33: {  	[sflag:s14] =	ssyncadd.s32 $0xFFFFF800;
	s21 =	smov.u32 s19;
	s22 =	sadd.s32 $0x80, s19  }
0x34: {  	p0 =	sne.s32 s19, $0x2780;
	s19 =	sadd.s32 s4, s20  }
0x35: {  	[tilespmem:s3], [sflag:$0x1] =	stream.linear.gather [hbm4b:s19+s3], $0x80, $0x38;
	[tilespmem:$0xA880] =	vst v63  }
0x36: {  	_ =	swait.ge [sflag:s14], $0x80  }
.Ltmp1:
0x37: {  	[sflag:s14] =	ssyncset.done $0x0;
	(pc) =	sbr.rel @p0 .LBB2_4-.Ltmp1, $4  }
0x38: {  	s19 =	sand.u32 $0x3C00, s21;
	[sflag:s14] =	ssyncadd.s32 $0xFFFFFF80  }
0x39: {  	[spmem:s2] =	stream.indirect.scatter.add.f32 [tilespmem:s15], [sflag:$0x1], $0x10, s3, s15, $0xb8;
	[tilespmem:$0xA880] =	vst v63  }
0x3a: {  	s20 =	sand.u32 $0x380, s21;
	s19 =	sadd.s32 s19, s10;
	_ =	swait.ge [sflag:s14], $0x800  }
0x3b: {  	s20 =	sor.u32 s20, s19;
	s19 =	smov.u32 s22;
	[sflag:s14] =	ssyncset.done $0x0  }
0x3c: {  	s19 =	sshrl.u32 s20, $0x3  }
0x3d: {  	[sflag:s14] =	ssyncadd.s32 $0xFFFFF800;
	s19 =	sadd.s32 s4, s19  }
0x3e: {  	[tilespmem:s3], [sflag:$0x1] =	stream.linear.gather [hbm4b:s19+s3], $0x80, $0x38;
	[tilespmem:$0xA880] =	vst v63  }
0x3f: {  	_ =	swait.ge [sflag:s14], $0x80  }
0x40: {  	[sflag:s14] =	ssyncset.done $0x0  }
0x41: {  	[sflag:s14] =	ssyncadd.s32 $0xFFFFFF80  }
0x42: {  	[spmem:s2] =	stream.indirect.scatter.add.f32 [tilespmem:s15], [sflag:$0x1], $0x10, s3, s15, $0xb8;
	[tilespmem:$0xA880] =	vst v63  }
0x43: {  	_ =	swait.ge [sflag:s14], $0x800  }
0x44: {  	s18 =	sadd.s32 $0x1, s18;
	[sflag:s14] =	ssyncset.done $0x0  }
0x45: {  	p0 =	sne.s32 s18, s12;
	[sflag:s14] =	ssyncadd.s32 $0xFFFFF800  }
.Ltmp2:
0x46: {  	[bflag:$0x0] =	sbarrier.arrive $0xFFFF;
	(pc) =	sbr.rel @p0 .LBB2_1-.Ltmp2, $4  }
0x47: {  	[hbm:s11], [sflag:s16] =	dma.local [spmem:s17], $0x2800  }
0x48: {  	_ =	swait.ge [sflag:s14], $0x2800  }
0x49: {  	[sflag:s14] =	ssyncset.done $0x0  }
0x4a: {  	[sflag:s14] =	ssyncadd.s32 $0xFFFFD800  }
0x4b: {  	_ =	sfence.sel $0x180000  }
0x4c: {  	[bflag:$0x0] =	sbarrier.arrive $0xFFFF  }
0x4d: {  	p0 =	sne.s32 s0, $0x0;
	_ =	strace $0x90000047  }
0x4e: {  	s0 =	sadd.s32 @!p0 $0x100000, s1;
	[bflag:$0x2] =	sbarrier.arrive $0xFFFF  }
0x4f: {  	[sflag:s0] =	ssyncadd.tile.s32 @!p0 $0x1;
	_ =	shalt  }
.Lfunc_end2:
_tile_overlayer_lowered:
.L_overlay_start_2:
0x50: {  	(tag) =	ssettag $0x2  }
0x51: {  	s0 =	rddreg [dreg:$0x0];
	s2 =	stileid.u32  }
0x52: {  	s1 =	rddreg [dreg:$0x1];
	p0 =	sne.s32 s2, $0x0  }
0x53: {  	s3 =	rddreg [dreg:$0x2];
	[bflag:$0x3] =	sbarrier.arrive $0xFFFF;
	s2 =	simm.s32 @!p0 $0x1C01  }
0x54: {  	[timem:s3], [sflag:s2] =	dma.local @!p0 [hbm:s0], s1  }
0x55: {  	s0 =	simm.s32 @!p0 $0x1  }
0x56: {  	_ =	swait.ge @!p0 [sflag:s0], s1  }
0x57: {  	s1 =	ssub.s32 @!p0 $0x0, s1;
	[sflag:s0] =	ssyncset.done @!p0 $0x0  }
0x58: {  	[sflag:s0] =	ssyncadd.s32 @!p0 s1  }
0x59: {  	[bflag:$0x3] =	sbarrier.arrive $0xFFFF  }
0x5a: {  	_ =	shalt  }

// kernel: kernel.17.cloned.1.call-start
scs
__scs_entry_jumppad:
0x0: {  	(pc) =	sbr.rel $0x88, $3  }
0x1: {  	(tag) =	ssettag $0x0;
	lr =	simm.s32 $0x1  }
0x2: {  	[smem:$0x3F93] =	sst lr;
	_ =	strace $0xD0000000  }
0x3: {  	_ = 	snop  }
0x4: {  	_ = 	snop  }
0x5: {  	_ = 	snop  }
0x6: {  	_ = 	snop  }
0x7: {  	_ = 	snop  }
__scs_overlays_trampoline_lowered:
0x8: {  	[smem:$0x3FA2] =	sst s0  }
0x9: {  	[smem:$0x3FA3] =	sst s1  }
0xa: {  	[smem:$0x3FA4] =	sst s2  }
0xb: {  	[smem:$0x3FA5] =	sst s3  }
0xc: {  	[smem:$0x3FA6] =	sst s4  }
0xd: {  	[smem:$0x3FA7] =	sst s5  }
0xe: {  	[smem:$0x3FA8] =	sst s6  }
0xf: {  	[smem:$0x3FA9] =	sst s7  }
0x10: {  	[smem:$0x3FAA] =	sst s8  }
0x11: {  	[smem:$0x3FAB] =	sst s9;
	s0 =	simm.s32 @!p0 $0x0  }
0x12: {  	s1 =	sld [smem:$0x3F91];
	s0 =	simm.s32 @p0 $0x1  }
0x13: {  	[smem:$0x3FAC] =	sst s0;
	s0 =	simm.s32 @!p1 $0x0  }
0x14: {  	s2 =	sld [smem:$0x3F90];
	s0 =	simm.s32 @p1 $0x1  }
0x15: {  	[smem:$0x3FAD] =	sst s0;
	s0 =	simm.s32 @!p2 $0x0  }
0x16: {  	s3 =	sld [smem:$0x3FDB];
	s0 =	simm.s32 @p2 $0x1  }
0x17: {  	s4 =	simm.s32 $0x1BF5;
	[smem:$0x3FAF] =	sst s0  }
0x18: {  	s0 =	sld [smem:$0x3F92];
	_ =	swait.ge [sflag:s4], $0x0  }
0x19: {  	s7 =	sld [smem:$0x3F93]  }
0x1a: {  	s8 =	sadd.s32 $0xFFFFE003, lr  }
0x1b: {  	s9 =	sadd.s32 $0xFFFFFEF7, lr;
	s5 =	simm.s32 $0xFFFFFFFF;
	p2 =	slt.u32 s8, $0xFFFFF086  }
0x1c: {  	p1 =	slt.u32 s9, $0xF7A;
	s5 =	simm.s32 @!p2 $0x0  }
0x1d: {  	s5 =	simm.s32 @p1 $0x1;
	p0 =	seq.s32 s7, s2  }
0x1e: {  	s7 =	smul.u32 @!p0 $0xF7A, s2;
	p2 =	seq.s32 @!p0 s5, $0x0  }
0x1f: {  	s9 =	smul.u32 $0xF7A, s1;
	s8 =	simm.s32 @!p0 $0x1BF5;
	p2 =	por !p2, p0  }
0x20: {  	[sflag:s8] =	ssyncset.s32 @!p0 $0xFFFFF086;
	s6 =	sadd.s32 @!p0 s3, s7;
	s7 =	simm.s32 @!p0 $0x108  }
0x21: {  	s3 =	sadd.s32 s3, s9;
	s6 =	sadd.s32 @!p0 $0x88, s6;
	s7 =	simm.s32 @p2 $0x1082  }
0x22: {  	[simem:s7], [sflag:s8] =	dma.local @!p0 [hbm:s6], $0xF7A  }
0x23: {  	s9 =	sor.u32 $0xD0000000, s2;
	s6 =	simm.s32 $0x108;
	_ =	swait.ge @!p0 [sflag:s8], $0x0  }
0x24: {  	s3 =	sadd.s32 $0x88, s3;
	s6 =	simm.s32 @!p1 $0x1082;
	[sflag:s4] =	ssyncset.s32 $0xFFFFF086  }
0x25: {  	[simem:s6], [sflag:s4] =	dma.local [hbm:s3], $0xF7A  }
0x26: {  	[smem:$0x3F93] =	sst s1;
	(tag) =	ssettag s2;
	_ =	strace s9  }
0x27: {  	s1 =	sld [smem:$0x3FA3]  }
0x28: {  	s2 =	sld [smem:$0x3FA4]  }
0x29: {  	s4 =	sld [smem:$0x3FA6]  }
0x2a: {  	p0 =	seq.s32 s5, $0x0;
	s5 =	sld [smem:$0x3FA7]  }
0x2b: {  	s6 =	sld [smem:$0x3FA8]  }
0x2c: {  	s7 =	sld [smem:$0x3FA9]  }
0x2d: {  	s3 =	simm.s32 $0x108;
	s8 =	sld [smem:$0x3FAA]  }
0x2e: {  	s3 =	simm.s32 @!p0 $0x1082;
	s9 =	sld [smem:$0x3FAB]  }
0x2f: {  	lr =	sadd.s32 s0, s3;
	s0 =	sld [smem:$0x3FA2]  }
0x30: {  	s3 =	sld [smem:$0x3FA5]  }
0x31: {  	[smem:$0x3FAE] =	sst s10  }
0x32: {  	s10 =	sld [smem:$0x3FAC];
	_ =	sdelay $0x3  }
0x33: {  	p0 =	seq.s32 s10, $0x1;
	s10 =	sld [smem:$0x3FAE];
	_ =	sdelay $0x3  }
0x34: {  	[smem:$0x3FAE] =	sst s10  }
0x35: {  	s10 =	sld [smem:$0x3FAD];
	_ =	sdelay $0x3  }
0x36: {  	p1 =	seq.s32 s10, $0x1;
	s10 =	sld [smem:$0x3FAE];
	_ =	sdelay $0x3  }
0x37: {  	[smem:$0x3FAE] =	sst s10  }
0x38: {  	s10 =	sld [smem:$0x3FAF]  }
0x39: {  	_ = 	snop;
	(pc) =	sbr.ind lr, $3  }
0x3a: {  	_ = 	snop  }
0x3b: {  	_ = 	snop  }
0x3c: {  	p2 =	seq.s32 s10, $0x1;
	s10 =	sld [smem:$0x3FAE]  }
0x3d: {  	_ =	shalt  }
0x3e: {  	_ =	shalt  }
0x3f: {  	_ =	shalt  }
0x40: {  	_ =	shalt  }
0x41: {  	_ =	shalt  }
0x42: {  	_ =	shalt  }
0x43: {  	_ =	shalt  }
0x44: {  	_ =	shalt  }
0x45: {  	_ =	shalt  }
0x46: {  	_ =	shalt  }
0x47: {  	_ =	shalt  }
0x48: {  	_ =	shalt  }
0x49: {  	_ =	shalt  }
0x4a: {  	_ =	shalt  }
0x4b: {  	_ =	shalt  }
0x4c: {  	_ =	shalt  }
0x4d: {  	_ =	shalt  }
0x4e: {  	_ =	shalt  }
0x4f: {  	_ =	shalt  }
0x50: {  	_ =	shalt  }
0x51: {  	_ =	shalt  }
0x52: {  	_ =	shalt  }
0x53: {  	_ =	shalt  }
0x54: {  	_ =	shalt  }
0x55: {  	_ =	shalt  }
0x56: {  	_ =	shalt  }
0x57: {  	_ =	shalt  }
0x58: {  	_ =	shalt  }
0x59: {  	_ =	shalt  }
0x5a: {  	_ =	shalt  }
0x5b: {  	_ =	shalt  }
0x5c: {  	_ =	shalt  }
0x5d: {  	_ =	shalt  }
0x5e: {  	_ =	shalt  }
0x5f: {  	_ =	shalt  }
0x60: {  	_ =	shalt  }
0x61: {  	_ =	shalt  }
0x62: {  	_ =	shalt  }
0x63: {  	_ =	shalt  }
0x64: {  	_ =	shalt  }
0x65: {  	_ =	shalt  }
0x66: {  	_ =	shalt  }
0x67: {  	_ =	shalt  }
0x68: {  	_ =	shalt  }
0x69: {  	_ =	shalt  }
0x6a: {  	_ =	shalt  }
0x6b: {  	_ =	shalt  }
0x6c: {  	_ =	shalt  }
0x6d: {  	_ =	shalt  }
0x6e: {  	_ =	shalt  }
0x6f: {  	_ =	shalt  }
0x70: {  	_ =	shalt  }
0x71: {  	_ =	shalt  }
0x72: {  	_ =	shalt  }
0x73: {  	_ =	shalt  }
0x74: {  	_ =	shalt  }
0x75: {  	_ =	shalt  }
0x76: {  	_ =	shalt  }
0x77: {  	_ =	shalt  }
0x78: {  	_ =	shalt  }
0x79: {  	_ =	shalt  }
0x7a: {  	_ =	shalt  }
0x7b: {  	_ =	shalt  }
0x7c: {  	_ =	shalt  }
0x7d: {  	_ =	shalt  }
0x7e: {  	_ =	shalt  }
0x7f: {  	_ =	shalt  }
0x80: {  	_ =	shalt  }
0x81: {  	_ =	shalt  }
0x82: {  	_ =	shalt  }
0x83: {  	_ =	shalt  }
0x84: {  	_ =	shalt  }
0x85: {  	_ =	shalt  }
0x86: {  	_ =	shalt  }
0x87: {  	_ =	shalt  }
.Lfunc_end0:
.L_simem_size_0:
called_computation.1_lowered:
.L_overlay_start_0:
0x88: {  	s2 =	sld [smem:$0x3FD9]  }
0x89: {  	s3 =	sld [smem:$0x3FFE];
	_ =	sdelay $0x1  }
0x8a: {  	s1 =	srdreg.scid  }
0x8b: {  	s0 =	sand.u32 $0x1, s1  }
0x8c: {  	s16 =	sshll.u32 s0, $0xA;
	s2 =	sadd.s32 s3, s2  }
0x8d: {  	s2 =	sadd.s32 s2, s16  }
0x8e: {  	[smem:$0x3FBA] =	sst s2  }
0x8f: {  	_ = 	snop  }
0x90: {  	(tm) =	ssettm $0x1  }
0x91: {  	s17 =	sld [smem:$0x3FFB];
	_ =	sdelay $0x3  }
0x92: {  	_ =	strace s17  }
0x93: {  	s2 =	sld [smem:$0x3FFC];
	_ =	sdelay $0x3  }
0x94: {  	_ =	strace s2  }
0x95: {  	s2 =	sld [smem:$0x3FFD];
	_ =	sdelay $0x3  }
0x96: {  	_ =	strace s2  }
0x97: {  	_ =	strace $0x8FFFFFFF  }
0x98: {  	s18 =	sld [smem:$0x3FDB];
	_ =	sdelay $0x1  }
0x99: {  	s19 =	simm.s32 $_scs_section_size  }
0x9a: {  	s4 =	simm.s32 $_size__tile_overlayer_lowered;
	s5 =	simm.s32 $_tile_overlayer_lowered  }
0x9b: {  	s22 =	simm.s32 $0x1BFF;
	s21 =	sshll.u32 s5, $0x1;
	s2 =	sadd.s32 s19, s18  }
0x9c: {  	s6 =	simm.s32 $0x0;
	s20 =	sshll.u32 s4, $0x1;
	s4 =	sadd.s32 s21, s2  }
0x9d: {  	[timem:s6], [sflag:s22] =	dma.local [hbm:s4], s20  }
0x9e: {  	_ =	swait.ge [sflag:s22], s20  }
0x9f: {  	s3 =	ssub.s32 $0x0, s20;
	[sflag:s22] =	ssyncset.done $0x0  }
0xa0: {  	[sflag:s22] =	ssyncadd.s32 s3;
	_ =	sdelay $0x1  }
0xa1: {  	s23 =	simm.s32 $0x1B8B  }
0xa2: {  	_ =	swait.ge [sflag:s23], $0x1  }
0xa3: {  	[sflag:s23] =	ssyncset.done $0x0  }
0xa4: {  	s25 =	simm.s32 $0x1B8E;
	s24 =	sld [smem:$0x3FFE];
	[sflag:s23] =	ssyncadd.s32 $0xFFFFFFFF  }
0xa5: {  	s26 =	simm.s32 $execute0_lowered;
	[smem:$0x3FD2] =	sst s25  }
0xa6: {  	s4 =	sshll.u32 s26, $0x1;
	_ =	strace $0x80000049;
	[dreg:$0x1] =	wrdreg $0xFFFFFFFF  }
0xa7: {  	s28 =	simm.s32 $_size_execute0_lowered;
	s2 =	sadd.s32 s2, s4;
	[dreg:$0x0] =	wrdreg $0x0  }
0xa8: {  	s4 =	sshll.u32 s28, $0x1;
	[dreg:$0x2] =	wrdreg s2  }
0xa9: {  	[dreg:$0x3] =	wrdreg s4  }
0xaa: {  	[dreg:$0x4] =	wrdreg $0xC0  }
0xab: {  	_ =	task [dreg:s6], $0x5FFFF  }
0xac: {  	[dreg:$0x1] =	wrdreg $0xFFFFFFFF  }
0xad: {  	[dreg:$0x0] =	wrdreg $0x60  }
0xae: {  	[dreg:$0x2] =	wrdreg s24  }
0xaf: {  	[dreg:$0x3] =	wrdreg $0x91000  }
0xb0: {  	[dreg:$0x4] =	wrdreg $0x9  }
0xb1: {  	_ =	task.clear_ibuf [dreg:s6], $0x5FFFF;
	_ =	strace $0x90000049  }
0xb2: {  	s29 =	simm.s32 $0x9;
	_ =	strace $0x8000004B  }
0xb3: {  	_ =	swait.ge [sflag:s29], $0x1  }
0xb4: {  	[sflag:s29] =	ssyncadd.s32 $0xFFFFFFFF  }
0xb5: {  	_ =	strace $0x9000004B  }
0xb6: {  	_ =	sfence  }
0xb7: {  	s30 =	sld [smem:$0x0];
	_ =	sdelay $0x2  }
0xb8: {  	s31 =	sshll.u32 s1, $0xD;
	s1 =	sshrl.u32 s1, $0x2  }
0xb9: {  	s3 =	sand.u32 $0x4000, s31;
	s1 =	sadd.s32 s1, s30  }
0xba: {  	s0 =	sor.u32 s3, s0;
	s1 =	sshll.u32 s1, $0x11  }
0xbb: {  	s0 =	sor.u32 s1, s0  }
0xbc: {  	s0 =	sadd.s32 $0x8F2B, s0  }
0xbd: {  	[sflag:s0] =	ssyncadd.remote.s32 $0x1  }
0xbe: {  	_ =	sfence.sel $0xFFFF  }
0xbf: {  	[dreg:$0x0] =	wrdreg $0xFFFFFFFF;
	(pc) =	sbr.abs _section_cstart, $3  }
0xc0: {  	[dreg:$0x1] =	wrdreg $0xFFFFFFFF  }
0xc1: {  	_ =	task.clear_ibuf [dreg:s6], $0x2FFFF;
	_ =	strace $0x9FFFFFFF  }
0xc2: {  	(tm) =	ssettm $0x7FFFFFFF  }
0xc3: {  	_ =	shalt  }
tec
execute0_lowered:
.L_overlay_start_1:
0x0: {  	(tag) =	ssettag $0x1  }
0x1: {  	s0 =	rddreg [dreg:$0x0]  }
0x2: {  	s1 =	rddreg [dreg:$0x1];
	s10 =	stileid.u32  }
0x3: {  	s2 =	srdreg.scid;
	s3 =	simm.s32 $0x0;
	s6 =	smul.u32 $0x14000, s10  }
0x4: {  	s28 =	simm.s32 $0x7100;
	s29 =	simm.s32 $0x1;
	s7 =	smul.u32 $0xA00, s10  }
0x5: {  	s30 =	simm.s32 $0x3;
	s31 =	simm.s32 $0x2;
	s8 =	smul.u32 $0x50000, s10  }
0x6: {  	s2 =	sand.u32 $0x1, s2;
	[smem:$0x7FF] =	sst s3;
	s19 =	smul.u32 $0x5400, s10  }
0x7: {  	s4 =	sadd.s32 $0x3000, s0;
	s5 =	smul.u32 $0x140000, s2;
	_ =	strace $0x8000004A  }
0x8: {  	s18 =	ssub.s32 $0x2, s2;
	s2 =	smul.u32 $0x54000, s2;
	s7 =	sadd.s32 s7, s0  }
0x9: {  	s9 =	sshrl.u32 s18, $0x1;
	s8 =	sshrl.u32 s8, $0x2;
	s6 =	sadd.s32 s6, s5  }
0xa: {  	s5 =	sadd.s32 $0x67000, s0;
	s9 =	ssub.s32 s18, s9;
	s6 =	sshrl.u32 s6, $0x3  }
0xb: {  	s12 =	sadd.s32 s19, s2;
	s0 =	sadd.s32 s6, s0;
	s6 =	sadd.s32 s8, s1  }
0xc: {  	s18 =	sadd.s32 $0x5D000, s7;
	s26 =	sshrl.u32 s12, $0x3;
	s20 =	sadd.s32 $0x2000, s6  }
0xd: {  	s17 =	sadd.s32 s5, s26;
	s21 =	sadd.s32 $0x4000, s6;
	[dreg:$0x3] =	wrdreg s20  }
0xe: {  	s26 =	simm.s32 $0x80;
	s22 =	sadd.s32 $0x6000, s6;
	[dreg:$0x4] =	wrdreg s21  }
0xf: {  	s23 =	sadd.s32 $0x8000, s6;
	s24 =	sadd.s32 $0xA000, s6;
	[dreg:$0x5] =	wrdreg s22  }
0x10: {  	s25 =	sadd.s32 $0xC000, s6;
	s14 =	sadd.s32 $0xE000, s6;
	[dreg:$0x6] =	wrdreg s23  }
0x11: {  	s15 =	sadd.s32 $0x10000, s6;
	s16 =	sadd.s32 $0x12000, s6;
	[dreg:$0x7] =	wrdreg s24  }
0x12: {  	s19 =	sadd.s32 $0x10, s17;
	[dreg:$0x8] =	wrdreg s25;
	s20 =	sadd.s32 $0xCC000, s0  }
0x13: {  	s21 =	smax.u32 s9, $0x1;
	s22 =	simm.s32 $0x5100;
	s23 =	simm.s32 $0x5  }
0x14: {  	v0 =	vimm.f32 $0.0e+00;
	s25 =	simm.s32 $0x40;
	s0 =	simm.s32 $0x4;
	s24 =	simm.s32 $0x0  }
.LBB2_1:
0x15: {  	s2 =	simm.s32 $0x0;
	s7 =	simm.s32 $0x200  }
.LBB2_2:
0x16: {  	p0 =	sne.s32 s7, $0x7E00;
	[tilespmem:s2+$0x5170] =	vst v0  }
0x17: {  	[tilespmem:s2+$0x5100] =	vst v0  }
0x18: {  	[tilespmem:s2+$0x5110] =	vst v0  }
.Ltmp0:
0x19: {  	[tilespmem:s2+$0x5120] =	vst v0;
	(pc) =	sbr.rel @p0 .LBB2_2-.Ltmp0, $4  }
0x1a: {  	[tilespmem:s2+$0x5130] =	vst v0  }
0x1b: {  	[tilespmem:s2+$0x5140] =	vst v0  }
0x1c: {  	[tilespmem:s2+$0x5150] =	vst v0  }
0x1d: {  	[tilespmem:s2+$0x5160] =	vst v0;
	s2 =	sshra.s32 s7, $0x2;
	s7 =	sadd.s32 $0x200, s7  }
0x1e: {  	[tilespmem:s2+$0x5170] =	vst v0  }
0x1f: {  	[tilespmem:s2+$0x5100] =	vst v0  }
0x20: {  	[tilespmem:s2+$0x5110] =	vst v0  }
0x21: {  	[tilespmem:s2+$0x5120] =	vst v0  }
0x22: {  	[tilespmem:s2+$0x5130] =	vst v0  }
0x23: {  	[tilespmem:s2+$0x5140] =	vst v0  }
0x24: {  	[tilespmem:s2+$0x5150] =	vst v0  }
0x25: {  	[tilespmem:s2+$0x5160] =	vst v0  }
0x26: {  	[spmem:s6] =	stream.linear.scatter [tilespmem:s22], [sflag:$0x5], $0x2000, $0x38;
	[tilespmem:$0x1D100] =	vst v63  }
0x27: {  	_ =	swait.ge [sflag:s23], $0x2000  }
0x28: {  	[sflag:s23] =	ssyncset.done $0x0  }
0x29: {  	s8 =	rddreg [dreg:$0x3];
	[sflag:s23] =	ssyncadd.s32 $0xFFFFE000  }
0x2a: {  	[spmem:s8] =	stream.linear.scatter [tilespmem:s22], [sflag:$0x5], $0x2000, $0x38;
	[tilespmem:$0x1D100] =	vst v63  }
0x2b: {  	_ =	swait.ge [sflag:s23], $0x2000  }
0x2c: {  	[sflag:s23] =	ssyncset.done $0x0  }
0x2d: {  	s9 =	rddreg [dreg:$0x4];
	[sflag:s23] =	ssyncadd.s32 $0xFFFFE000  }
0x2e: {  	[spmem:s9] =	stream.linear.scatter [tilespmem:s22], [sflag:$0x5], $0x2000, $0x38;
	[tilespmem:$0x1D100] =	vst v63  }
0x2f: {  	_ =	swait.ge [sflag:s23], $0x2000  }
0x30: {  	[sflag:s23] =	ssyncset.done $0x0  }
0x31: {  	s10 =	rddreg [dreg:$0x5];
	[sflag:s23] =	ssyncadd.s32 $0xFFFFE000  }
0x32: {  	[spmem:s10] =	stream.linear.scatter [tilespmem:s22], [sflag:$0x5], $0x2000, $0x38;
	[tilespmem:$0x1D100] =	vst v63  }
0x33: {  	_ =	swait.ge [sflag:s23], $0x2000  }
0x34: {  	[sflag:s23] =	ssyncset.done $0x0  }
0x35: {  	s11 =	rddreg [dreg:$0x6];
	[sflag:s23] =	ssyncadd.s32 $0xFFFFE000  }
0x36: {  	[spmem:s11] =	stream.linear.scatter [tilespmem:s22], [sflag:$0x5], $0x2000, $0x38;
	[tilespmem:$0x1D100] =	vst v63  }
0x37: {  	_ =	swait.ge [sflag:s23], $0x2000  }
0x38: {  	[sflag:s23] =	ssyncset.done $0x0  }
0x39: {  	s13 =	rddreg [dreg:$0x7];
	[sflag:s23] =	ssyncadd.s32 $0xFFFFE000  }
0x3a: {  	[spmem:s13] =	stream.linear.scatter [tilespmem:s22], [sflag:$0x5], $0x2000, $0x38;
	[tilespmem:$0x1D100] =	vst v63  }
0x3b: {  	_ =	swait.ge [sflag:s23], $0x2000  }
0x3c: {  	[sflag:s23] =	ssyncset.done $0x0  }
0x3d: {  	s7 =	rddreg [dreg:$0x8];
	[sflag:s23] =	ssyncadd.s32 $0xFFFFE000  }
0x3e: {  	[spmem:s7] =	stream.linear.scatter [tilespmem:s22], [sflag:$0x5], $0x2000, $0x38;
	[tilespmem:$0x1D100] =	vst v63  }
0x3f: {  	_ =	swait.ge [sflag:s23], $0x2000  }
0x40: {  	[sflag:s23] =	ssyncset.done $0x0  }
0x41: {  	[sflag:s23] =	ssyncadd.s32 $0xFFFFE000  }
0x42: {  	[spmem:s14] =	stream.linear.scatter [tilespmem:s22], [sflag:$0x5], $0x2000, $0x38;
	[tilespmem:$0x1D100] =	vst v63  }
0x43: {  	_ =	swait.ge [sflag:s23], $0x2000  }
0x44: {  	[sflag:s23] =	ssyncset.done $0x0  }
0x45: {  	[sflag:s23] =	ssyncadd.s32 $0xFFFFE000  }
0x46: {  	[spmem:s15] =	stream.linear.scatter [tilespmem:s22], [sflag:$0x5], $0x2000, $0x38;
	[tilespmem:$0x1D100] =	vst v63  }
0x47: {  	_ =	swait.ge [sflag:s23], $0x2000  }
0x48: {  	[sflag:s23] =	ssyncset.done $0x0  }
0x49: {  	[sflag:s23] =	ssyncadd.s32 $0xFFFFE000  }
0x4a: {  	[spmem:s16] =	stream.linear.scatter [tilespmem:s22], [sflag:$0x5], $0x2000, $0x38;
	[tilespmem:$0x1D100] =	vst v63  }
0x4b: {  	_ =	swait.ge [sflag:s23], $0x2000  }
0x4c: {  	[sflag:s23] =	ssyncset.done $0x0  }
0x4d: {  	s8 =	simm.s32 $0x100;
	[sflag:s23] =	ssyncadd.s32 $0xFFFFE000  }
0x4e: {  	[tilespmem:s8], [sflag:$0x5] =	stream.linear.gather [hbm4b:s18+s3], $0x5000, $0x38;
	[tilespmem:$0x1D100] =	vst v63  }
0x4f: {  	_ =	swait.ge [sflag:s23], $0x5000  }
0x50: {  	[sflag:s23] =	ssyncset.done $0x0  }
0x51: {  	[sflag:s23] =	ssyncadd.s32 $0xFFFFB000  }
0x52: {  	[bflag:$0x0] =	sbarrier.arrive $0xFFFF  }
0x53: {  	[tilespmem:s3], [sflag:$0x5] =	stream.linear.gather [hbm4b:s17+s3], $0x80, $0x38;
	[tilespmem:$0x1D100] =	vst v63  }
0x54: {  	_ =	swait.ge [sflag:s23], $0x80  }
0x55: {  	[sflag:s23] =	ssyncset.done $0x0  }
0x56: {  	[sflag:s23] =	ssyncadd.s32 $0xFFFFFF80  }
0x57: {  	[tilespmem:s22], [sflag:$0x1] =	stream.indirect.gather [hbm4b:s4+s25], $0x80, s3, s25, $0xb8;
	[tilespmem:$0x1D100] =	vst v63  }
0x58: {  	_ = 	snop  }
0x59: {  	[tilespmem:s26], [sflag:$0x5] =	stream.linear.gather [hbm4b:s19+s3], $0x80, $0x38;
	[tilespmem:$0x1D100] =	vst v63  }
0x5a: {  	s9 =	simm.s32 $0x100;
	_ =	swait.ge [sflag:s23], $0x80  }
0x5b: {  	s7 =	sand.u32 $0xFC00, s9;
	[sflag:s23] =	ssyncset.done $0x0  }
0x5c: {  	s2 =	sand.u32 $0x300, s9;
	s7 =	sadd.s32 s12, s7;
	[sflag:s23] =	ssyncadd.s32 $0xFFFFFF80  }
0x5d: {  	[tilespmem:s28], [sflag:$0x2] =	stream.indirect.gather [hbm4b:s4+s25], $0x80, s26, s25, $0xb8;
	[tilespmem:$0x1D100] =	vst v63  }
0x5e: {  	s2 =	sor.u32 s2, s7;
	_ =	swait.ge [sflag:s29], $0x2000  }
0x5f: {  	s2 =	sshrl.u32 s2, $0x3;
	[sflag:s29] =	ssyncset.done $0x0  }
0x60: {  	s2 =	sadd.s32 s5, s2;
	[sflag:s29] =	ssyncadd.s32 $0xFFFFE000  }
0x61: {  	[tilespmem:s3], [sflag:$0x3] =	stream.linear.gather [hbm4b:s2+s3], $0x80, $0x38;
	[tilespmem:$0x1D100] =	vst v63  }
0x62: {  	s10 =	simm.s32 $0x100  }
0x63: {  	[spmem:s1] =	stream.indirect.scatter.add.f32 [tilespmem:s22], [sflag:$0x5], $0x80, s10, s25, $0xb8;
	[tilespmem:$0x1D100] =	vst v63  }
0x64: {  	_ =	swait.ge [sflag:s23], $0x2000  }
0x65: {  	[sflag:s23] =	ssyncset.done $0x0  }
0x66: {  	[sflag:s23] =	ssyncadd.s32 $0xFFFFE000  }
0x67: {  	s11 =	simm.s32 $0x180;
	_ =	swait.ge [sflag:s30], $0x80  }
0x68: {  	s13 =	sand.u32 $0xFC00, s11;
	[sflag:s30] =	ssyncset.done $0x0  }
0x69: {  	s7 =	sadd.s32 s12, s13;
	s8 =	sand.u32 $0x380, s11;
	[sflag:s30] =	ssyncadd.s32 $0xFFFFFF80  }
0x6a: {  	[tilespmem:s22], [sflag:$0x1] =	stream.indirect.gather [hbm4b:s4+s25], $0x80, s3, s25, $0xb8;
	[tilespmem:$0x1D100] =	vst v63  }
0x6b: {  	s7 =	sor.u32 s8, s7;
	_ =	swait.ge [sflag:s31], $0x2000  }
0x6c: {  	s7 =	sshrl.u32 s7, $0x3;
	[sflag:s31] =	ssyncset.done $0x0  }
0x6d: {  	s7 =	sadd.s32 s5, s7;
	[sflag:s31] =	ssyncadd.s32 $0xFFFFE000  }
0x6e: {  	[tilespmem:s26], [sflag:$0x4] =	stream.linear.gather [hbm4b:s7+s3], $0x80, $0x38;
	[tilespmem:$0x1D100] =	vst v63  }
0x6f: {  	_ = 	snop  }
0x70: {  	[spmem:s1] =	stream.indirect.scatter.add.f32 [tilespmem:s28], [sflag:$0x5], $0x80, s11, s25, $0xb8;
	[tilespmem:$0x1D100] =	vst v63  }
0x71: {  	s9 =	simm.s32 $0x200;
	s8 =	simm.s32 $0x380;
	_ =	swait.ge [sflag:s23], $0x2000  }
0x72: {  	s2 =	simm.s32 $0x280;
	s7 =	simm.s32 $0x280;
	[sflag:s23] =	ssyncset.done $0x0  }
.LBB2_4:
0x73: {  	s11 =	sand.u32 $0xFC00, s9  }
0x74: {  	[sflag:s23] =	ssyncadd.s32 $0xFFFFE000;
	s13 =	smov.u32 s8;
	s10 =	sadd.s32 $0x100, s8  }
0x75: {  	s9 =	sand.u32 $0x300, s9;
	s11 =	sadd.s32 s12, s11;
	_ =	swait.ge [sflag:s0], $0x80  }
0x76: {  	p0 =	sne.s32 s8, $0x5080;
	s8 =	sor.u32 s9, s11;
	[sflag:s0] =	ssyncset.done $0x0  }
0x77: {  	s8 =	sshrl.u32 s8, $0x3;
	[sflag:s0] =	ssyncadd.s32 $0xFFFFFF80  }
0x78: {  	[tilespmem:s28], [sflag:$0x2] =	stream.indirect.gather [hbm4b:s4+s25], $0x80, s26, s25, $0xb8;
	[tilespmem:$0x1D100] =	vst v63  }
0x79: {  	_ =	swait.ge [sflag:s29], $0x2000  }
0x7a: {  	[sflag:s29] =	ssyncset.done $0x0  }
0x7b: {  	s8 =	sadd.s32 s5, s8;
	[sflag:s29] =	ssyncadd.s32 $0xFFFFE000  }
0x7c: {  	[tilespmem:s3], [sflag:$0x3] =	stream.linear.gather [hbm4b:s8+s3], $0x80, $0x38;
	[tilespmem:$0x1D100] =	vst v63  }
0x7d: {  	s8 =	sadd.s32 $0xFFFFFF80, s2  }
0x7e: {  	[spmem:s1] =	stream.indirect.scatter.add.f32 [tilespmem:s22], [sflag:$0x5], $0x80, s8, s25, $0xb8;
	[tilespmem:$0x1D100] =	vst v63  }
0x7f: {  	_ =	swait.ge [sflag:s23], $0x2000  }
0x80: {  	[sflag:s23] =	ssyncset.done $0x0  }
0x81: {  	[sflag:s23] =	ssyncadd.s32 $0xFFFFE000  }
0x82: {  	_ =	swait.ge [sflag:s30], $0x80  }
0x83: {  	[sflag:s30] =	ssyncset.done $0x0  }
0x84: {  	s8 =	sand.u32 $0xFC00, s7;
	[sflag:s30] =	ssyncadd.s32 $0xFFFFFF80  }
0x85: {  	[tilespmem:s22], [sflag:$0x1] =	stream.indirect.gather [hbm4b:s4+s25], $0x80, s3, s25, $0xb8;
	[tilespmem:$0x1D100] =	vst v63  }
0x86: {  	s9 =	sand.u32 $0x380, s7;
	s7 =	smov.u32 s13;
	s8 =	sadd.s32 s12, s8  }
0x87: {  	s8 =	sor.u32 s9, s8;
	_ =	swait.ge [sflag:s31], $0x2000  }
0x88: {  	s8 =	sshrl.u32 s8, $0x3;
	[sflag:s31] =	ssyncset.done $0x0  }
0x89: {  	s8 =	sadd.s32 s5, s8;
	[sflag:s31] =	ssyncadd.s32 $0xFFFFE000  }
0x8a: {  	[tilespmem:s26], [sflag:$0x4] =	stream.linear.gather [hbm4b:s8+s3], $0x80, $0x38;
	[tilespmem:$0x1D100] =	vst v63  }
.Ltmp1:
0x8b: {  	_ = 	snop;
	(pc) =	sbr.rel @p0 .LBB2_4-.Ltmp1, $4  }
0x8c: {  	_ = 	snop  }
0x8d: {  	[spmem:s1] =	stream.indirect.scatter.add.f32 [tilespmem:s28], [sflag:$0x5], $0x80, s2, s25, $0xb8;
	[tilespmem:$0x1D100] =	vst v63  }
0x8e: {  	s9 =	sadd.s32 $0xFFFFFF80, s7;
	_ =	swait.ge [sflag:s23], $0x2000  }
0x8f: {  	s8 =	smov.u32 s10;
	s2 =	sadd.s32 $0x100, s2;
	[sflag:s23] =	ssyncset.done $0x0  }
0x90: {  	[sflag:s23] =	ssyncadd.s32 $0xFFFFE000  }
0x91: {  	_ =	swait.ge [sflag:s0], $0x80  }
0x92: {  	s8 =	sand.u32 $0xFC00, s9;
	[sflag:s0] =	ssyncset.done $0x0  }
0x93: {  	s11 =	sand.u32 $0x300, s9;
	s8 =	sadd.s32 s12, s8;
	[sflag:s0] =	ssyncadd.s32 $0xFFFFFF80  }
0x94: {  	[tilespmem:s28], [sflag:$0x2] =	stream.indirect.gather [hbm4b:s4+s25], $0x80, s26, s25, $0xb8;
	[tilespmem:$0x1D100] =	vst v63  }
0x95: {  	s8 =	sor.u32 s11, s8;
	_ =	swait.ge [sflag:s29], $0x2000  }
0x96: {  	s8 =	sshrl.u32 s8, $0x3;
	[sflag:s29] =	ssyncset.done $0x0  }
0x97: {  	s8 =	sadd.s32 s5, s8;
	[sflag:s29] =	ssyncadd.s32 $0xFFFFE000  }
0x98: {  	[tilespmem:s3], [sflag:$0x3] =	stream.linear.gather [hbm4b:s8+s3], $0x80, $0x38;
	[tilespmem:$0x1D100] =	vst v63  }
0x99: {  	s13 =	sadd.s32 $0xFFFFFF80, s2  }
0x9a: {  	[spmem:s1] =	stream.indirect.scatter.add.f32 [tilespmem:s22], [sflag:$0x5], $0x80, s13, s25, $0xb8;
	[tilespmem:$0x1D100] =	vst v63  }
0x9b: {  	_ =	swait.ge [sflag:s23], $0x2000  }
0x9c: {  	[sflag:s23] =	ssyncset.done $0x0  }
0x9d: {  	[sflag:s23] =	ssyncadd.s32 $0xFFFFE000  }
0x9e: {  	_ =	swait.ge [sflag:s30], $0x80  }
0x9f: {  	s9 =	sand.u32 $0xFC00, s7;
	[sflag:s30] =	ssyncset.done $0x0  }
0xa0: {  	s10 =	sand.u32 $0x380, s7;
	s8 =	sadd.s32 s12, s9;
	[sflag:s30] =	ssyncadd.s32 $0xFFFFFF80  }
0xa1: {  	[tilespmem:s22], [sflag:$0x1] =	stream.indirect.gather [hbm4b:s4+s25], $0x80, s3, s25, $0xb8;
	[tilespmem:$0x1D100] =	vst v63  }
0xa2: {  	s7 =	sor.u32 s10, s8;
	_ =	swait.ge [sflag:s31], $0x2000  }
0xa3: {  	s7 =	sshrl.u32 s7, $0x3;
	[sflag:s31] =	ssyncset.done $0x0  }
0xa4: {  	s7 =	sadd.s32 s5, s7;
	[sflag:s31] =	ssyncadd.s32 $0xFFFFE000  }
0xa5: {  	[tilespmem:s26], [sflag:$0x4] =	stream.linear.gather [hbm4b:s7+s3], $0x80, $0x38;
	[tilespmem:$0x1D100] =	vst v63  }
0xa6: {  	_ = 	snop  }
0xa7: {  	[spmem:s1] =	stream.indirect.scatter.add.f32 [tilespmem:s28], [sflag:$0x5], $0x80, s2, s25, $0xb8;
	[tilespmem:$0x1D100] =	vst v63  }
0xa8: {  	_ =	swait.ge [sflag:s23], $0x2000  }
0xa9: {  	[sflag:s23] =	ssyncset.done $0x0  }
0xaa: {  	[sflag:s23] =	ssyncadd.s32 $0xFFFFE000  }
0xab: {  	_ =	swait.ge [sflag:s0], $0x80  }
0xac: {  	[sflag:s0] =	ssyncset.done $0x0  }
0xad: {  	[sflag:s0] =	ssyncadd.s32 $0xFFFFFF80  }
0xae: {  	[tilespmem:s28], [sflag:$0x2] =	stream.indirect.gather [hbm4b:s4+s25], $0x80, s26, s25, $0xb8;
	[tilespmem:$0x1D100] =	vst v63  }
0xaf: {  	_ =	swait.ge [sflag:s29], $0x2000  }
0xb0: {  	[sflag:s29] =	ssyncset.done $0x0  }
0xb1: {  	[sflag:s29] =	ssyncadd.s32 $0xFFFFE000  }
0xb2: {  	s24 =	sadd.s32 $0x1, s24;
	_ =	swait.ge [sflag:s31], $0x2000  }
0xb3: {  	p0 =	sne.s32 s24, s21;
	s11 =	stileid.u32;
	[sflag:s31] =	ssyncset.done $0x0  }
0xb4: {  	s13 =	sshrl.u32 s6, $0x3;
	s2 =	sshll.u32 s11, $0x6;
	[sflag:s31] =	ssyncadd.s32 $0xFFFFE000  }
.Ltmp2:
0xb5: {  	s2 =	sor.u32 $0x1C05, s2;
	[bflag:$0x0] =	sbarrier.arrive $0xFFFF;
	(pc) =	sbr.rel @p0 .LBB2_1-.Ltmp2, $4  }
0xb6: {  	[hbm:s20], [sflag:s2] =	dma.local [spmem:s13], $0x2800  }
0xb7: {  	_ =	swait.ge [sflag:s23], $0x2800  }
0xb8: {  	[sflag:s23] =	ssyncset.done $0x0  }
0xb9: {  	[sflag:s23] =	ssyncadd.s32 $0xFFFFD800  }
0xba: {  	_ =	sfence.sel $0x180000  }
0xbb: {  	[bflag:$0x0] =	sbarrier.arrive $0xFFFF  }
0xbc: {  	_ =	strace $0x9000004A  }
0xbd: {  	s0 =	stileid.u32;
	[bflag:$0x2] =	sbarrier.arrive $0xFFFF  }
0xbe: {  	p0 =	sne.s32 s0, $0x0;
	s0 =	rddreg [dreg:$0x2]  }
0xbf: {  	s0 =	sadd.s32 @!p0 $0x100000, s0  }
0xc0: {  	[sflag:s0] =	ssyncadd.tile.s32 @!p0 $0x1;
	_ =	shalt  }
.Lfunc_end2:
_tile_overlayer_lowered:
.L_overlay_start_2:
0xc1: {  	(tag) =	ssettag $0x2  }
0xc2: {  	s0 =	rddreg [dreg:$0x0];
	s2 =	stileid.u32  }
0xc3: {  	s1 =	rddreg [dreg:$0x1];
	p0 =	sne.s32 s2, $0x0  }
0xc4: {  	s3 =	rddreg [dreg:$0x2];
	[bflag:$0x3] =	sbarrier.arrive $0xFFFF;
	s2 =	simm.s32 @!p0 $0x1C05  }
0xc5: {  	[timem:s3], [sflag:s2] =	dma.local @!p0 [hbm:s0], s1  }
0xc6: {  	s0 =	simm.s32 @!p0 $0x5  }
0xc7: {  	_ =	swait.ge @!p0 [sflag:s0], s1  }
0xc8: {  	s1 =	ssub.s32 @!p0 $0x0, s1;
	[sflag:s0] =	ssyncset.done @!p0 $0x0  }
0xc9: {  	[sflag:s0] =	ssyncadd.s32 @!p0 s1  }
0xca: {  	[bflag:$0x3] =	sbarrier.arrive $0xFFFF  }
0xcb: {  	_ =	shalt  }

// kernel: kernel.20.cloned.1.call-start
scs
__scs_entry_jumppad:
0x0: {  	(pc) =	sbr.rel $0x88, $3  }
0x1: {  	(tag) =	ssettag $0x0;
	lr =	simm.s32 $0x1  }
0x2: {  	[smem:$0x3F93] =	sst lr;
	_ =	strace $0xD0000000  }
0x3: {  	_ = 	snop  }
0x4: {  	_ = 	snop  }
0x5: {  	_ = 	snop  }
0x6: {  	_ = 	snop  }
0x7: {  	_ = 	snop  }
__scs_overlays_trampoline_lowered:
0x8: {  	[smem:$0x3FA2] =	sst s0  }
0x9: {  	[smem:$0x3FA3] =	sst s1  }
0xa: {  	[smem:$0x3FA4] =	sst s2  }
0xb: {  	[smem:$0x3FA5] =	sst s3  }
0xc: {  	[smem:$0x3FA6] =	sst s4  }
0xd: {  	[smem:$0x3FA7] =	sst s5  }
0xe: {  	[smem:$0x3FA8] =	sst s6  }
0xf: {  	[smem:$0x3FA9] =	sst s7  }
0x10: {  	[smem:$0x3FAA] =	sst s8  }
0x11: {  	[smem:$0x3FAB] =	sst s9;
	s0 =	simm.s32 @!p0 $0x0  }
0x12: {  	s1 =	sld [smem:$0x3F91];
	s0 =	simm.s32 @p0 $0x1  }
0x13: {  	[smem:$0x3FAC] =	sst s0;
	s0 =	simm.s32 @!p1 $0x0  }
0x14: {  	s2 =	sld [smem:$0x3F90];
	s0 =	simm.s32 @p1 $0x1  }
0x15: {  	[smem:$0x3FAD] =	sst s0;
	s0 =	simm.s32 @!p2 $0x0  }
0x16: {  	s3 =	sld [smem:$0x3FDB];
	s0 =	simm.s32 @p2 $0x1  }
0x17: {  	s4 =	simm.s32 $0x1BF5;
	[smem:$0x3FAF] =	sst s0  }
0x18: {  	s0 =	sld [smem:$0x3F92];
	_ =	swait.ge [sflag:s4], $0x0  }
0x19: {  	s7 =	sld [smem:$0x3F93]  }
0x1a: {  	s8 =	sadd.s32 $0xFFFFE003, lr  }
0x1b: {  	s9 =	sadd.s32 $0xFFFFFEF7, lr;
	s5 =	simm.s32 $0xFFFFFFFF;
	p2 =	slt.u32 s8, $0xFFFFF086  }
0x1c: {  	p1 =	slt.u32 s9, $0xF7A;
	s5 =	simm.s32 @!p2 $0x0  }
0x1d: {  	s5 =	simm.s32 @p1 $0x1;
	p0 =	seq.s32 s7, s2  }
0x1e: {  	s7 =	smul.u32 @!p0 $0xF7A, s2;
	p2 =	seq.s32 @!p0 s5, $0x0  }
0x1f: {  	s9 =	smul.u32 $0xF7A, s1;
	s8 =	simm.s32 @!p0 $0x1BF5;
	p2 =	por !p2, p0  }
0x20: {  	[sflag:s8] =	ssyncset.s32 @!p0 $0xFFFFF086;
	s6 =	sadd.s32 @!p0 s3, s7;
	s7 =	simm.s32 @!p0 $0x108  }
0x21: {  	s3 =	sadd.s32 s3, s9;
	s6 =	sadd.s32 @!p0 $0x88, s6;
	s7 =	simm.s32 @p2 $0x1082  }
0x22: {  	[simem:s7], [sflag:s8] =	dma.local @!p0 [hbm:s6], $0xF7A  }
0x23: {  	s9 =	sor.u32 $0xD0000000, s2;
	s6 =	simm.s32 $0x108;
	_ =	swait.ge @!p0 [sflag:s8], $0x0  }
0x24: {  	s3 =	sadd.s32 $0x88, s3;
	s6 =	simm.s32 @!p1 $0x1082;
	[sflag:s4] =	ssyncset.s32 $0xFFFFF086  }
0x25: {  	[simem:s6], [sflag:s4] =	dma.local [hbm:s3], $0xF7A  }
0x26: {  	[smem:$0x3F93] =	sst s1;
	(tag) =	ssettag s2;
	_ =	strace s9  }
0x27: {  	s1 =	sld [smem:$0x3FA3]  }
0x28: {  	s2 =	sld [smem:$0x3FA4]  }
0x29: {  	s4 =	sld [smem:$0x3FA6]  }
0x2a: {  	p0 =	seq.s32 s5, $0x0;
	s5 =	sld [smem:$0x3FA7]  }
0x2b: {  	s6 =	sld [smem:$0x3FA8]  }
0x2c: {  	s7 =	sld [smem:$0x3FA9]  }
0x2d: {  	s3 =	simm.s32 $0x108;
	s8 =	sld [smem:$0x3FAA]  }
0x2e: {  	s3 =	simm.s32 @!p0 $0x1082;
	s9 =	sld [smem:$0x3FAB]  }
0x2f: {  	lr =	sadd.s32 s0, s3;
	s0 =	sld [smem:$0x3FA2]  }
0x30: {  	s3 =	sld [smem:$0x3FA5]  }
0x31: {  	[smem:$0x3FAE] =	sst s10  }
0x32: {  	s10 =	sld [smem:$0x3FAC];
	_ =	sdelay $0x3  }
0x33: {  	p0 =	seq.s32 s10, $0x1;
	s10 =	sld [smem:$0x3FAE];
	_ =	sdelay $0x3  }
0x34: {  	[smem:$0x3FAE] =	sst s10  }
0x35: {  	s10 =	sld [smem:$0x3FAD];
	_ =	sdelay $0x3  }
0x36: {  	p1 =	seq.s32 s10, $0x1;
	s10 =	sld [smem:$0x3FAE];
	_ =	sdelay $0x3  }
0x37: {  	[smem:$0x3FAE] =	sst s10  }
0x38: {  	s10 =	sld [smem:$0x3FAF]  }
0x39: {  	_ = 	snop;
	(pc) =	sbr.ind lr, $3  }
0x3a: {  	_ = 	snop  }
0x3b: {  	_ = 	snop  }
0x3c: {  	p2 =	seq.s32 s10, $0x1;
	s10 =	sld [smem:$0x3FAE]  }
0x3d: {  	_ =	shalt  }
0x3e: {  	_ =	shalt  }
0x3f: {  	_ =	shalt  }
0x40: {  	_ =	shalt  }
0x41: {  	_ =	shalt  }
0x42: {  	_ =	shalt  }
0x43: {  	_ =	shalt  }
0x44: {  	_ =	shalt  }
0x45: {  	_ =	shalt  }
0x46: {  	_ =	shalt  }
0x47: {  	_ =	shalt  }
0x48: {  	_ =	shalt  }
0x49: {  	_ =	shalt  }
0x4a: {  	_ =	shalt  }
0x4b: {  	_ =	shalt  }
0x4c: {  	_ =	shalt  }
0x4d: {  	_ =	shalt  }
0x4e: {  	_ =	shalt  }
0x4f: {  	_ =	shalt  }
0x50: {  	_ =	shalt  }
0x51: {  	_ =	shalt  }
0x52: {  	_ =	shalt  }
0x53: {  	_ =	shalt  }
0x54: {  	_ =	shalt  }
0x55: {  	_ =	shalt  }
0x56: {  	_ =	shalt  }
0x57: {  	_ =	shalt  }
0x58: {  	_ =	shalt  }
0x59: {  	_ =	shalt  }
0x5a: {  	_ =	shalt  }
0x5b: {  	_ =	shalt  }
0x5c: {  	_ =	shalt  }
0x5d: {  	_ =	shalt  }
0x5e: {  	_ =	shalt  }
0x5f: {  	_ =	shalt  }
0x60: {  	_ =	shalt  }
0x61: {  	_ =	shalt  }
0x62: {  	_ =	shalt  }
0x63: {  	_ =	shalt  }
0x64: {  	_ =	shalt  }
0x65: {  	_ =	shalt  }
0x66: {  	_ =	shalt  }
0x67: {  	_ =	shalt  }
0x68: {  	_ =	shalt  }
0x69: {  	_ =	shalt  }
0x6a: {  	_ =	shalt  }
0x6b: {  	_ =	shalt  }
0x6c: {  	_ =	shalt  }
0x6d: {  	_ =	shalt  }
0x6e: {  	_ =	shalt  }
0x6f: {  	_ =	shalt  }
0x70: {  	_ =	shalt  }
0x71: {  	_ =	shalt  }
0x72: {  	_ =	shalt  }
0x73: {  	_ =	shalt  }
0x74: {  	_ =	shalt  }
0x75: {  	_ =	shalt  }
0x76: {  	_ =	shalt  }
0x77: {  	_ =	shalt  }
0x78: {  	_ =	shalt  }
0x79: {  	_ =	shalt  }
0x7a: {  	_ =	shalt  }
0x7b: {  	_ =	shalt  }
0x7c: {  	_ =	shalt  }
0x7d: {  	_ =	shalt  }
0x7e: {  	_ =	shalt  }
0x7f: {  	_ =	shalt  }
0x80: {  	_ =	shalt  }
0x81: {  	_ =	shalt  }
0x82: {  	_ =	shalt  }
0x83: {  	_ =	shalt  }
0x84: {  	_ =	shalt  }
0x85: {  	_ =	shalt  }
0x86: {  	_ =	shalt  }
0x87: {  	_ =	shalt  }
.Lfunc_end0:
.L_simem_size_0:
called_computation.2_lowered:
.L_overlay_start_0:
0x88: {  	s2 =	sld [smem:$0x3FD9]  }
0x89: {  	s3 =	sld [smem:$0x3FFE];
	_ =	sdelay $0x1  }
0x8a: {  	s1 =	srdreg.scid  }
0x8b: {  	s0 =	sand.u32 $0x1, s1  }
0x8c: {  	s16 =	sshll.u32 s0, $0xA;
	s2 =	sadd.s32 s3, s2  }
0x8d: {  	s2 =	sadd.s32 s2, s16  }
0x8e: {  	[smem:$0x3FBA] =	sst s2  }
0x8f: {  	_ = 	snop  }
0x90: {  	(tm) =	ssettm $0x1  }
0x91: {  	s17 =	sld [smem:$0x3FFB];
	_ =	sdelay $0x3  }
0x92: {  	_ =	strace s17  }
0x93: {  	s2 =	sld [smem:$0x3FFC];
	_ =	sdelay $0x3  }
0x94: {  	_ =	strace s2  }
0x95: {  	s2 =	sld [smem:$0x3FFD];
	_ =	sdelay $0x3  }
0x96: {  	_ =	strace s2  }
0x97: {  	_ =	strace $0x8FFFFFFF  }
0x98: {  	s18 =	sld [smem:$0x3FDB];
	_ =	sdelay $0x1  }
0x99: {  	s19 =	simm.s32 $_scs_section_size  }
0x9a: {  	s4 =	simm.s32 $_size__tile_overlayer_lowered;
	s5 =	simm.s32 $_tile_overlayer_lowered  }
0x9b: {  	s22 =	simm.s32 $0x1BFF;
	s21 =	sshll.u32 s5, $0x1;
	s2 =	sadd.s32 s19, s18  }
0x9c: {  	s6 =	simm.s32 $0x0;
	s20 =	sshll.u32 s4, $0x1;
	s4 =	sadd.s32 s21, s2  }
0x9d: {  	[timem:s6], [sflag:s22] =	dma.local [hbm:s4], s20  }
0x9e: {  	_ =	swait.ge [sflag:s22], s20  }
0x9f: {  	s3 =	ssub.s32 $0x0, s20;
	[sflag:s22] =	ssyncset.done $0x0  }
0xa0: {  	[sflag:s22] =	ssyncadd.s32 s3;
	_ =	sdelay $0x1  }
0xa1: {  	s23 =	simm.s32 $0x1B8B  }
0xa2: {  	_ =	swait.ge [sflag:s23], $0x1  }
0xa3: {  	[sflag:s23] =	ssyncset.done $0x0  }
0xa4: {  	s25 =	simm.s32 $0x1B8E;
	s24 =	sld [smem:$0x3FFE];
	[sflag:s23] =	ssyncadd.s32 $0xFFFFFFFF  }
0xa5: {  	s26 =	simm.s32 $execute0_lowered;
	[smem:$0x3FD2] =	sst s25  }
0xa6: {  	s4 =	sshll.u32 s26, $0x1;
	_ =	strace $0x8000004C;
	[dreg:$0x1] =	wrdreg $0xFFFFFFFF  }
0xa7: {  	s28 =	simm.s32 $_size_execute0_lowered;
	s2 =	sadd.s32 s2, s4;
	[dreg:$0x0] =	wrdreg $0x0  }
0xa8: {  	s4 =	sshll.u32 s28, $0x1;
	[dreg:$0x2] =	wrdreg s2  }
0xa9: {  	[dreg:$0x3] =	wrdreg s4  }
0xaa: {  	[dreg:$0x4] =	wrdreg $0xC0  }
0xab: {  	_ =	task [dreg:s6], $0x5FFFF  }
0xac: {  	[dreg:$0x1] =	wrdreg $0xFFFFFFFF  }
0xad: {  	[dreg:$0x0] =	wrdreg $0x60  }
0xae: {  	[dreg:$0x2] =	wrdreg s24  }
0xaf: {  	[dreg:$0x3] =	wrdreg $0x91000  }
0xb0: {  	[dreg:$0x4] =	wrdreg $0x9  }
0xb1: {  	_ =	task.clear_ibuf [dreg:s6], $0x5FFFF;
	_ =	strace $0x9000004C  }
0xb2: {  	s29 =	simm.s32 $0x9;
	_ =	strace $0x8000004E  }
0xb3: {  	_ =	swait.ge [sflag:s29], $0x1  }
0xb4: {  	[sflag:s29] =	ssyncadd.s32 $0xFFFFFFFF  }
0xb5: {  	_ =	strace $0x9000004E  }
0xb6: {  	_ =	sfence  }
0xb7: {  	s30 =	sld [smem:$0x0];
	_ =	sdelay $0x2  }
0xb8: {  	s31 =	sshll.u32 s1, $0xD;
	s1 =	sshrl.u32 s1, $0x2  }
0xb9: {  	s3 =	sand.u32 $0x4000, s31;
	s1 =	sadd.s32 s1, s30  }
0xba: {  	s0 =	sor.u32 s3, s0;
	s1 =	sshll.u32 s1, $0x11  }
0xbb: {  	s0 =	sor.u32 s1, s0  }
0xbc: {  	s0 =	sadd.s32 $0x8F2B, s0  }
0xbd: {  	[sflag:s0] =	ssyncadd.remote.s32 $0x1  }
0xbe: {  	_ =	sfence.sel $0xFFFF  }
0xbf: {  	[dreg:$0x0] =	wrdreg $0xFFFFFFFF;
	(pc) =	sbr.abs _section_cstart, $3  }
0xc0: {  	[dreg:$0x1] =	wrdreg $0xFFFFFFFF  }
0xc1: {  	_ =	task.clear_ibuf [dreg:s6], $0x2FFFF;
	_ =	strace $0x9FFFFFFF  }
0xc2: {  	(tm) =	ssettm $0x7FFFFFFF  }
0xc3: {  	_ =	shalt  }
tec
execute0_lowered:
.L_overlay_start_1:
0x0: {  	(tag) =	ssettag $0x1  }
0x1: {  	s0 =	rddreg [dreg:$0x0]  }
0x2: {  	s1 =	rddreg [dreg:$0x1];
	s10 =	stileid.u32  }
0x3: {  	s2 =	srdreg.scid;
	s3 =	simm.s32 $0x0;
	s6 =	smul.u32 $0x14000, s10  }
0x4: {  	s28 =	simm.s32 $0x7100;
	s29 =	simm.s32 $0x1;
	s7 =	smul.u32 $0xA00, s10  }
0x5: {  	s30 =	simm.s32 $0x3;
	s31 =	simm.s32 $0x2;
	s8 =	smul.u32 $0x50000, s10  }
0x6: {  	s2 =	sand.u32 $0x1, s2;
	[smem:$0x7FF] =	sst s3;
	s19 =	smul.u32 $0x5400, s10  }
0x7: {  	s4 =	sadd.s32 $0x3000, s0;
	s5 =	smul.u32 $0x140000, s2;
	_ =	strace $0x8000004D  }
0x8: {  	s18 =	ssub.s32 $0x2, s2;
	s2 =	smul.u32 $0x54000, s2;
	s7 =	sadd.s32 s7, s0  }
0x9: {  	s9 =	sshrl.u32 s18, $0x1;
	s8 =	sshrl.u32 s8, $0x2;
	s6 =	sadd.s32 s6, s5  }
0xa: {  	s5 =	sadd.s32 $0x11C000, s0;
	s9 =	ssub.s32 s18, s9;
	s6 =	sshrl.u32 s6, $0x3  }
0xb: {  	s12 =	sadd.s32 s19, s2;
	s0 =	sadd.s32 s6, s0;
	s6 =	sadd.s32 s8, s1  }
0xc: {  	s18 =	sadd.s32 $0x53000, s7;
	s26 =	sshrl.u32 s12, $0x3;
	s20 =	sadd.s32 $0x2000, s6  }
0xd: {  	s17 =	sadd.s32 s5, s26;
	s21 =	sadd.s32 $0x4000, s6;
	[dreg:$0x3] =	wrdreg s20  }
0xe: {  	s26 =	simm.s32 $0x80;
	s22 =	sadd.s32 $0x6000, s6;
	[dreg:$0x4] =	wrdreg s21  }
0xf: {  	s23 =	sadd.s32 $0x8000, s6;
	s24 =	sadd.s32 $0xA000, s6;
	[dreg:$0x5] =	wrdreg s22  }
0x10: {  	s25 =	sadd.s32 $0xC000, s6;
	s14 =	sadd.s32 $0xE000, s6;
	[dreg:$0x6] =	wrdreg s23  }
0x11: {  	s15 =	sadd.s32 $0x10000, s6;
	s16 =	sadd.s32 $0x12000, s6;
	[dreg:$0x7] =	wrdreg s24  }
0x12: {  	s19 =	sadd.s32 $0x10, s17;
	[dreg:$0x8] =	wrdreg s25;
	s20 =	sadd.s32 $0xCC000, s0  }
0x13: {  	s21 =	smax.u32 s9, $0x1;
	s22 =	simm.s32 $0x5100;
	s23 =	simm.s32 $0x5  }
0x14: {  	v0 =	vimm.f32 $0.0e+00;
	s25 =	simm.s32 $0x40;
	s0 =	simm.s32 $0x4;
	s24 =	simm.s32 $0x0  }
.LBB2_1:
0x15: {  	s2 =	simm.s32 $0x0;
	s7 =	simm.s32 $0x200  }
.LBB2_2:
0x16: {  	p0 =	sne.s32 s7, $0x7E00;
	[tilespmem:s2+$0x5170] =	vst v0  }
0x17: {  	[tilespmem:s2+$0x5100] =	vst v0  }
0x18: {  	[tilespmem:s2+$0x5110] =	vst v0  }
.Ltmp0:
0x19: {  	[tilespmem:s2+$0x5120] =	vst v0;
	(pc) =	sbr.rel @p0 .LBB2_2-.Ltmp0, $4  }
0x1a: {  	[tilespmem:s2+$0x5130] =	vst v0  }
0x1b: {  	[tilespmem:s2+$0x5140] =	vst v0  }
0x1c: {  	[tilespmem:s2+$0x5150] =	vst v0  }
0x1d: {  	[tilespmem:s2+$0x5160] =	vst v0;
	s2 =	sshra.s32 s7, $0x2;
	s7 =	sadd.s32 $0x200, s7  }
0x1e: {  	[tilespmem:s2+$0x5170] =	vst v0  }
0x1f: {  	[tilespmem:s2+$0x5100] =	vst v0  }
0x20: {  	[tilespmem:s2+$0x5110] =	vst v0  }
0x21: {  	[tilespmem:s2+$0x5120] =	vst v0  }
0x22: {  	[tilespmem:s2+$0x5130] =	vst v0  }
0x23: {  	[tilespmem:s2+$0x5140] =	vst v0  }
0x24: {  	[tilespmem:s2+$0x5150] =	vst v0  }
0x25: {  	[tilespmem:s2+$0x5160] =	vst v0  }
0x26: {  	[spmem:s6] =	stream.linear.scatter [tilespmem:s22], [sflag:$0x5], $0x2000, $0x38;
	[tilespmem:$0x1D100] =	vst v63  }
0x27: {  	_ =	swait.ge [sflag:s23], $0x2000  }
0x28: {  	[sflag:s23] =	ssyncset.done $0x0  }
0x29: {  	s8 =	rddreg [dreg:$0x3];
	[sflag:s23] =	ssyncadd.s32 $0xFFFFE000  }
0x2a: {  	[spmem:s8] =	stream.linear.scatter [tilespmem:s22], [sflag:$0x5], $0x2000, $0x38;
	[tilespmem:$0x1D100] =	vst v63  }
0x2b: {  	_ =	swait.ge [sflag:s23], $0x2000  }
0x2c: {  	[sflag:s23] =	ssyncset.done $0x0  }
0x2d: {  	s9 =	rddreg [dreg:$0x4];
	[sflag:s23] =	ssyncadd.s32 $0xFFFFE000  }
0x2e: {  	[spmem:s9] =	stream.linear.scatter [tilespmem:s22], [sflag:$0x5], $0x2000, $0x38;
	[tilespmem:$0x1D100] =	vst v63  }
0x2f: {  	_ =	swait.ge [sflag:s23], $0x2000  }
0x30: {  	[sflag:s23] =	ssyncset.done $0x0  }
0x31: {  	s10 =	rddreg [dreg:$0x5];
	[sflag:s23] =	ssyncadd.s32 $0xFFFFE000  }
0x32: {  	[spmem:s10] =	stream.linear.scatter [tilespmem:s22], [sflag:$0x5], $0x2000, $0x38;
	[tilespmem:$0x1D100] =	vst v63  }
0x33: {  	_ =	swait.ge [sflag:s23], $0x2000  }
0x34: {  	[sflag:s23] =	ssyncset.done $0x0  }
0x35: {  	s11 =	rddreg [dreg:$0x6];
	[sflag:s23] =	ssyncadd.s32 $0xFFFFE000  }
0x36: {  	[spmem:s11] =	stream.linear.scatter [tilespmem:s22], [sflag:$0x5], $0x2000, $0x38;
	[tilespmem:$0x1D100] =	vst v63  }
0x37: {  	_ =	swait.ge [sflag:s23], $0x2000  }
0x38: {  	[sflag:s23] =	ssyncset.done $0x0  }
0x39: {  	s13 =	rddreg [dreg:$0x7];
	[sflag:s23] =	ssyncadd.s32 $0xFFFFE000  }
0x3a: {  	[spmem:s13] =	stream.linear.scatter [tilespmem:s22], [sflag:$0x5], $0x2000, $0x38;
	[tilespmem:$0x1D100] =	vst v63  }
0x3b: {  	_ =	swait.ge [sflag:s23], $0x2000  }
0x3c: {  	[sflag:s23] =	ssyncset.done $0x0  }
0x3d: {  	s7 =	rddreg [dreg:$0x8];
	[sflag:s23] =	ssyncadd.s32 $0xFFFFE000  }
0x3e: {  	[spmem:s7] =	stream.linear.scatter [tilespmem:s22], [sflag:$0x5], $0x2000, $0x38;
	[tilespmem:$0x1D100] =	vst v63  }
0x3f: {  	_ =	swait.ge [sflag:s23], $0x2000  }
0x40: {  	[sflag:s23] =	ssyncset.done $0x0  }
0x41: {  	[sflag:s23] =	ssyncadd.s32 $0xFFFFE000  }
0x42: {  	[spmem:s14] =	stream.linear.scatter [tilespmem:s22], [sflag:$0x5], $0x2000, $0x38;
	[tilespmem:$0x1D100] =	vst v63  }
0x43: {  	_ =	swait.ge [sflag:s23], $0x2000  }
0x44: {  	[sflag:s23] =	ssyncset.done $0x0  }
0x45: {  	[sflag:s23] =	ssyncadd.s32 $0xFFFFE000  }
0x46: {  	[spmem:s15] =	stream.linear.scatter [tilespmem:s22], [sflag:$0x5], $0x2000, $0x38;
	[tilespmem:$0x1D100] =	vst v63  }
0x47: {  	_ =	swait.ge [sflag:s23], $0x2000  }
0x48: {  	[sflag:s23] =	ssyncset.done $0x0  }
0x49: {  	[sflag:s23] =	ssyncadd.s32 $0xFFFFE000  }
0x4a: {  	[spmem:s16] =	stream.linear.scatter [tilespmem:s22], [sflag:$0x5], $0x2000, $0x38;
	[tilespmem:$0x1D100] =	vst v63  }
0x4b: {  	_ =	swait.ge [sflag:s23], $0x2000  }
0x4c: {  	[sflag:s23] =	ssyncset.done $0x0  }
0x4d: {  	s8 =	simm.s32 $0x100;
	[sflag:s23] =	ssyncadd.s32 $0xFFFFE000  }
0x4e: {  	[tilespmem:s8], [sflag:$0x5] =	stream.linear.gather [hbm4b:s18+s3], $0x5000, $0x38;
	[tilespmem:$0x1D100] =	vst v63  }
0x4f: {  	_ =	swait.ge [sflag:s23], $0x5000  }
0x50: {  	[sflag:s23] =	ssyncset.done $0x0  }
0x51: {  	[sflag:s23] =	ssyncadd.s32 $0xFFFFB000  }
0x52: {  	[bflag:$0x0] =	sbarrier.arrive $0xFFFF  }
0x53: {  	[tilespmem:s3], [sflag:$0x5] =	stream.linear.gather [hbm4b:s17+s3], $0x80, $0x38;
	[tilespmem:$0x1D100] =	vst v63  }
0x54: {  	_ =	swait.ge [sflag:s23], $0x80  }
0x55: {  	[sflag:s23] =	ssyncset.done $0x0  }
0x56: {  	[sflag:s23] =	ssyncadd.s32 $0xFFFFFF80  }
0x57: {  	[tilespmem:s22], [sflag:$0x1] =	stream.indirect.gather [hbm4b:s4+s25], $0x80, s3, s25, $0xb8;
	[tilespmem:$0x1D100] =	vst v63  }
0x58: {  	_ = 	snop  }
0x59: {  	[tilespmem:s26], [sflag:$0x5] =	stream.linear.gather [hbm4b:s19+s3], $0x80, $0x38;
	[tilespmem:$0x1D100] =	vst v63  }
0x5a: {  	s9 =	simm.s32 $0x100;
	_ =	swait.ge [sflag:s23], $0x80  }
0x5b: {  	s7 =	sand.u32 $0xFC00, s9;
	[sflag:s23] =	ssyncset.done $0x0  }
0x5c: {  	s2 =	sand.u32 $0x300, s9;
	s7 =	sadd.s32 s12, s7;
	[sflag:s23] =	ssyncadd.s32 $0xFFFFFF80  }
0x5d: {  	[tilespmem:s28], [sflag:$0x2] =	stream.indirect.gather [hbm4b:s4+s25], $0x80, s26, s25, $0xb8;
	[tilespmem:$0x1D100] =	vst v63  }
0x5e: {  	s2 =	sor.u32 s2, s7;
	_ =	swait.ge [sflag:s29], $0x2000  }
0x5f: {  	s2 =	sshrl.u32 s2, $0x3;
	[sflag:s29] =	ssyncset.done $0x0  }
0x60: {  	s2 =	sadd.s32 s5, s2;
	[sflag:s29] =	ssyncadd.s32 $0xFFFFE000  }
0x61: {  	[tilespmem:s3], [sflag:$0x3] =	stream.linear.gather [hbm4b:s2+s3], $0x80, $0x38;
	[tilespmem:$0x1D100] =	vst v63  }
0x62: {  	s10 =	simm.s32 $0x100  }
0x63: {  	[spmem:s1] =	stream.indirect.scatter.add.f32 [tilespmem:s22], [sflag:$0x5], $0x80, s10, s25, $0xb8;
	[tilespmem:$0x1D100] =	vst v63  }
0x64: {  	_ =	swait.ge [sflag:s23], $0x2000  }
0x65: {  	[sflag:s23] =	ssyncset.done $0x0  }
0x66: {  	[sflag:s23] =	ssyncadd.s32 $0xFFFFE000  }
0x67: {  	s11 =	simm.s32 $0x180;
	_ =	swait.ge [sflag:s30], $0x80  }
0x68: {  	s13 =	sand.u32 $0xFC00, s11;
	[sflag:s30] =	ssyncset.done $0x0  }
0x69: {  	s7 =	sadd.s32 s12, s13;
	s8 =	sand.u32 $0x380, s11;
	[sflag:s30] =	ssyncadd.s32 $0xFFFFFF80  }
0x6a: {  	[tilespmem:s22], [sflag:$0x1] =	stream.indirect.gather [hbm4b:s4+s25], $0x80, s3, s25, $0xb8;
	[tilespmem:$0x1D100] =	vst v63  }
0x6b: {  	s7 =	sor.u32 s8, s7;
	_ =	swait.ge [sflag:s31], $0x2000  }
0x6c: {  	s7 =	sshrl.u32 s7, $0x3;
	[sflag:s31] =	ssyncset.done $0x0  }
0x6d: {  	s7 =	sadd.s32 s5, s7;
	[sflag:s31] =	ssyncadd.s32 $0xFFFFE000  }
0x6e: {  	[tilespmem:s26], [sflag:$0x4] =	stream.linear.gather [hbm4b:s7+s3], $0x80, $0x38;
	[tilespmem:$0x1D100] =	vst v63  }
0x6f: {  	_ = 	snop  }
0x70: {  	[spmem:s1] =	stream.indirect.scatter.add.f32 [tilespmem:s28], [sflag:$0x5], $0x80, s11, s25, $0xb8;
	[tilespmem:$0x1D100] =	vst v63  }
0x71: {  	s9 =	simm.s32 $0x200;
	s8 =	simm.s32 $0x380;
	_ =	swait.ge [sflag:s23], $0x2000  }
0x72: {  	s2 =	simm.s32 $0x280;
	s7 =	simm.s32 $0x280;
	[sflag:s23] =	ssyncset.done $0x0  }
.LBB2_4:
0x73: {  	s11 =	sand.u32 $0xFC00, s9  }
0x74: {  	[sflag:s23] =	ssyncadd.s32 $0xFFFFE000;
	s13 =	smov.u32 s8;
	s10 =	sadd.s32 $0x100, s8  }
0x75: {  	s9 =	sand.u32 $0x300, s9;
	s11 =	sadd.s32 s12, s11;
	_ =	swait.ge [sflag:s0], $0x80  }
0x76: {  	p0 =	sne.s32 s8, $0x5080;
	s8 =	sor.u32 s9, s11;
	[sflag:s0] =	ssyncset.done $0x0  }
0x77: {  	s8 =	sshrl.u32 s8, $0x3;
	[sflag:s0] =	ssyncadd.s32 $0xFFFFFF80  }
0x78: {  	[tilespmem:s28], [sflag:$0x2] =	stream.indirect.gather [hbm4b:s4+s25], $0x80, s26, s25, $0xb8;
	[tilespmem:$0x1D100] =	vst v63  }
0x79: {  	_ =	swait.ge [sflag:s29], $0x2000  }
0x7a: {  	[sflag:s29] =	ssyncset.done $0x0  }
0x7b: {  	s8 =	sadd.s32 s5, s8;
	[sflag:s29] =	ssyncadd.s32 $0xFFFFE000  }
0x7c: {  	[tilespmem:s3], [sflag:$0x3] =	stream.linear.gather [hbm4b:s8+s3], $0x80, $0x38;
	[tilespmem:$0x1D100] =	vst v63  }
0x7d: {  	s8 =	sadd.s32 $0xFFFFFF80, s2  }
0x7e: {  	[spmem:s1] =	stream.indirect.scatter.add.f32 [tilespmem:s22], [sflag:$0x5], $0x80, s8, s25, $0xb8;
	[tilespmem:$0x1D100] =	vst v63  }
0x7f: {  	_ =	swait.ge [sflag:s23], $0x2000  }
0x80: {  	[sflag:s23] =	ssyncset.done $0x0  }
0x81: {  	[sflag:s23] =	ssyncadd.s32 $0xFFFFE000  }
0x82: {  	_ =	swait.ge [sflag:s30], $0x80  }
0x83: {  	[sflag:s30] =	ssyncset.done $0x0  }
0x84: {  	s8 =	sand.u32 $0xFC00, s7;
	[sflag:s30] =	ssyncadd.s32 $0xFFFFFF80  }
0x85: {  	[tilespmem:s22], [sflag:$0x1] =	stream.indirect.gather [hbm4b:s4+s25], $0x80, s3, s25, $0xb8;
	[tilespmem:$0x1D100] =	vst v63  }
0x86: {  	s9 =	sand.u32 $0x380, s7;
	s7 =	smov.u32 s13;
	s8 =	sadd.s32 s12, s8  }
0x87: {  	s8 =	sor.u32 s9, s8;
	_ =	swait.ge [sflag:s31], $0x2000  }
0x88: {  	s8 =	sshrl.u32 s8, $0x3;
	[sflag:s31] =	ssyncset.done $0x0  }
0x89: {  	s8 =	sadd.s32 s5, s8;
	[sflag:s31] =	ssyncadd.s32 $0xFFFFE000  }
0x8a: {  	[tilespmem:s26], [sflag:$0x4] =	stream.linear.gather [hbm4b:s8+s3], $0x80, $0x38;
	[tilespmem:$0x1D100] =	vst v63  }
.Ltmp1:
0x8b: {  	_ = 	snop;
	(pc) =	sbr.rel @p0 .LBB2_4-.Ltmp1, $4  }
0x8c: {  	_ = 	snop  }
0x8d: {  	[spmem:s1] =	stream.indirect.scatter.add.f32 [tilespmem:s28], [sflag:$0x5], $0x80, s2, s25, $0xb8;
	[tilespmem:$0x1D100] =	vst v63  }
0x8e: {  	s9 =	sadd.s32 $0xFFFFFF80, s7;
	_ =	swait.ge [sflag:s23], $0x2000  }
0x8f: {  	s8 =	smov.u32 s10;
	s2 =	sadd.s32 $0x100, s2;
	[sflag:s23] =	ssyncset.done $0x0  }
0x90: {  	[sflag:s23] =	ssyncadd.s32 $0xFFFFE000  }
0x91: {  	_ =	swait.ge [sflag:s0], $0x80  }
0x92: {  	s8 =	sand.u32 $0xFC00, s9;
	[sflag:s0] =	ssyncset.done $0x0  }
0x93: {  	s11 =	sand.u32 $0x300, s9;
	s8 =	sadd.s32 s12, s8;
	[sflag:s0] =	ssyncadd.s32 $0xFFFFFF80  }
0x94: {  	[tilespmem:s28], [sflag:$0x2] =	stream.indirect.gather [hbm4b:s4+s25], $0x80, s26, s25, $0xb8;
	[tilespmem:$0x1D100] =	vst v63  }
0x95: {  	s8 =	sor.u32 s11, s8;
	_ =	swait.ge [sflag:s29], $0x2000  }
0x96: {  	s8 =	sshrl.u32 s8, $0x3;
	[sflag:s29] =	ssyncset.done $0x0  }
0x97: {  	s8 =	sadd.s32 s5, s8;
	[sflag:s29] =	ssyncadd.s32 $0xFFFFE000  }
0x98: {  	[tilespmem:s3], [sflag:$0x3] =	stream.linear.gather [hbm4b:s8+s3], $0x80, $0x38;
	[tilespmem:$0x1D100] =	vst v63  }
0x99: {  	s13 =	sadd.s32 $0xFFFFFF80, s2  }
0x9a: {  	[spmem:s1] =	stream.indirect.scatter.add.f32 [tilespmem:s22], [sflag:$0x5], $0x80, s13, s25, $0xb8;
	[tilespmem:$0x1D100] =	vst v63  }
0x9b: {  	_ =	swait.ge [sflag:s23], $0x2000  }
0x9c: {  	[sflag:s23] =	ssyncset.done $0x0  }
0x9d: {  	[sflag:s23] =	ssyncadd.s32 $0xFFFFE000  }
0x9e: {  	_ =	swait.ge [sflag:s30], $0x80  }
0x9f: {  	s9 =	sand.u32 $0xFC00, s7;
	[sflag:s30] =	ssyncset.done $0x0  }
0xa0: {  	s10 =	sand.u32 $0x380, s7;
	s8 =	sadd.s32 s12, s9;
	[sflag:s30] =	ssyncadd.s32 $0xFFFFFF80  }
0xa1: {  	[tilespmem:s22], [sflag:$0x1] =	stream.indirect.gather [hbm4b:s4+s25], $0x80, s3, s25, $0xb8;
	[tilespmem:$0x1D100] =	vst v63  }
0xa2: {  	s7 =	sor.u32 s10, s8;
	_ =	swait.ge [sflag:s31], $0x2000  }
0xa3: {  	s7 =	sshrl.u32 s7, $0x3;
	[sflag:s31] =	ssyncset.done $0x0  }
0xa4: {  	s7 =	sadd.s32 s5, s7;
	[sflag:s31] =	ssyncadd.s32 $0xFFFFE000  }
0xa5: {  	[tilespmem:s26], [sflag:$0x4] =	stream.linear.gather [hbm4b:s7+s3], $0x80, $0x38;
	[tilespmem:$0x1D100] =	vst v63  }
0xa6: {  	_ = 	snop  }
0xa7: {  	[spmem:s1] =	stream.indirect.scatter.add.f32 [tilespmem:s28], [sflag:$0x5], $0x80, s2, s25, $0xb8;
	[tilespmem:$0x1D100] =	vst v63  }
0xa8: {  	_ =	swait.ge [sflag:s23], $0x2000  }
0xa9: {  	[sflag:s23] =	ssyncset.done $0x0  }
0xaa: {  	[sflag:s23] =	ssyncadd.s32 $0xFFFFE000  }
0xab: {  	_ =	swait.ge [sflag:s0], $0x80  }
0xac: {  	[sflag:s0] =	ssyncset.done $0x0  }
0xad: {  	[sflag:s0] =	ssyncadd.s32 $0xFFFFFF80  }
0xae: {  	[tilespmem:s28], [sflag:$0x2] =	stream.indirect.gather [hbm4b:s4+s25], $0x80, s26, s25, $0xb8;
	[tilespmem:$0x1D100] =	vst v63  }
0xaf: {  	_ =	swait.ge [sflag:s29], $0x2000  }
0xb0: {  	[sflag:s29] =	ssyncset.done $0x0  }
0xb1: {  	[sflag:s29] =	ssyncadd.s32 $0xFFFFE000  }
0xb2: {  	s24 =	sadd.s32 $0x1, s24;
	_ =	swait.ge [sflag:s31], $0x2000  }
0xb3: {  	p0 =	sne.s32 s24, s21;
	s11 =	stileid.u32;
	[sflag:s31] =	ssyncset.done $0x0  }
0xb4: {  	s13 =	sshrl.u32 s6, $0x3;
	s2 =	sshll.u32 s11, $0x6;
	[sflag:s31] =	ssyncadd.s32 $0xFFFFE000  }
.Ltmp2:
0xb5: {  	s2 =	sor.u32 $0x1C05, s2;
	[bflag:$0x0] =	sbarrier.arrive $0xFFFF;
	(pc) =	sbr.rel @p0 .LBB2_1-.Ltmp2, $4  }
0xb6: {  	[hbm:s20], [sflag:s2] =	dma.local [spmem:s13], $0x2800  }
0xb7: {  	_ =	swait.ge [sflag:s23], $0x2800  }
0xb8: {  	[sflag:s23] =	ssyncset.done $0x0  }
0xb9: {  	[sflag:s23] =	ssyncadd.s32 $0xFFFFD800  }
0xba: {  	_ =	sfence.sel $0x180000  }
0xbb: {  	[bflag:$0x0] =	sbarrier.arrive $0xFFFF  }
0xbc: {  	_ =	strace $0x9000004D  }
0xbd: {  	s0 =	stileid.u32;
	[bflag:$0x2] =	sbarrier.arrive $0xFFFF  }
0xbe: {  	p0 =	sne.s32 s0, $0x0;
	s0 =	rddreg [dreg:$0x2]  }
0xbf: {  	s0 =	sadd.s32 @!p0 $0x100000, s0  }
0xc0: {  	[sflag:s0] =	ssyncadd.tile.s32 @!p0 $0x1;
	_ =	shalt  }
.Lfunc_end2:
_tile_overlayer_lowered:
.L_overlay_start_2:
0xc1: {  	(tag) =	ssettag $0x2  }
0xc2: {  	s0 =	rddreg [dreg:$0x0];
	s2 =	stileid.u32  }
0xc3: {  	s1 =	rddreg [dreg:$0x1];
	p0 =	sne.s32 s2, $0x0  }
0xc4: {  	s3 =	rddreg [dreg:$0x2];
	[bflag:$0x3] =	sbarrier.arrive $0xFFFF;
	s2 =	simm.s32 @!p0 $0x1C05  }
0xc5: {  	[timem:s3], [sflag:s2] =	dma.local @!p0 [hbm:s0], s1  }
0xc6: {  	s0 =	simm.s32 @!p0 $0x5  }
0xc7: {  	_ =	swait.ge @!p0 [sflag:s0], s1  }
0xc8: {  	s1 =	ssub.s32 @!p0 $0x0, s1;
	[sflag:s0] =	ssyncset.done @!p0 $0x0  }
0xc9: {  	[sflag:s0] =	ssyncadd.s32 @!p0 s1  }
0xca: {  	[bflag:$0x3] =	sbarrier.arrive $0xFFFF  }
0xcb: {  	_ =	shalt  }

// kernel: kernel.23.cloned.1.call-start
scs
__scs_entry_jumppad:
0x0: {  	(pc) =	sbr.rel $0x88, $3  }
0x1: {  	(tag) =	ssettag $0x0;
	lr =	simm.s32 $0x1  }
0x2: {  	[smem:$0x3F93] =	sst lr;
	_ =	strace $0xD0000000  }
0x3: {  	_ = 	snop  }
0x4: {  	_ = 	snop  }
0x5: {  	_ = 	snop  }
0x6: {  	_ = 	snop  }
0x7: {  	_ = 	snop  }
__scs_overlays_trampoline_lowered:
0x8: {  	[smem:$0x3FA2] =	sst s0  }
0x9: {  	[smem:$0x3FA3] =	sst s1  }
0xa: {  	[smem:$0x3FA4] =	sst s2  }
0xb: {  	[smem:$0x3FA5] =	sst s3  }
0xc: {  	[smem:$0x3FA6] =	sst s4  }
0xd: {  	[smem:$0x3FA7] =	sst s5  }
0xe: {  	[smem:$0x3FA8] =	sst s6  }
0xf: {  	[smem:$0x3FA9] =	sst s7  }
0x10: {  	[smem:$0x3FAA] =	sst s8  }
0x11: {  	[smem:$0x3FAB] =	sst s9;
	s0 =	simm.s32 @!p0 $0x0  }
0x12: {  	s1 =	sld [smem:$0x3F91];
	s0 =	simm.s32 @p0 $0x1  }
0x13: {  	[smem:$0x3FAC] =	sst s0;
	s0 =	simm.s32 @!p1 $0x0  }
0x14: {  	s2 =	sld [smem:$0x3F90];
	s0 =	simm.s32 @p1 $0x1  }
0x15: {  	[smem:$0x3FAD] =	sst s0;
	s0 =	simm.s32 @!p2 $0x0  }
0x16: {  	s3 =	sld [smem:$0x3FDB];
	s0 =	simm.s32 @p2 $0x1  }
0x17: {  	s4 =	simm.s32 $0x1BF5;
	[smem:$0x3FAF] =	sst s0  }
0x18: {  	s0 =	sld [smem:$0x3F92];
	_ =	swait.ge [sflag:s4], $0x0  }
0x19: {  	s7 =	sld [smem:$0x3F93]  }
0x1a: {  	s8 =	sadd.s32 $0xFFFFE003, lr  }
0x1b: {  	s9 =	sadd.s32 $0xFFFFFEF7, lr;
	s5 =	simm.s32 $0xFFFFFFFF;
	p2 =	slt.u32 s8, $0xFFFFF086  }
0x1c: {  	p1 =	slt.u32 s9, $0xF7A;
	s5 =	simm.s32 @!p2 $0x0  }
0x1d: {  	s5 =	simm.s32 @p1 $0x1;
	p0 =	seq.s32 s7, s2  }
0x1e: {  	s7 =	smul.u32 @!p0 $0xF7A, s2;
	p2 =	seq.s32 @!p0 s5, $0x0  }
0x1f: {  	s9 =	smul.u32 $0xF7A, s1;
	s8 =	simm.s32 @!p0 $0x1BF5;
	p2 =	por !p2, p0  }
0x20: {  	[sflag:s8] =	ssyncset.s32 @!p0 $0xFFFFF086;
	s6 =	sadd.s32 @!p0 s3, s7;
	s7 =	simm.s32 @!p0 $0x108  }
0x21: {  	s3 =	sadd.s32 s3, s9;
	s6 =	sadd.s32 @!p0 $0x88, s6;
	s7 =	simm.s32 @p2 $0x1082  }
0x22: {  	[simem:s7], [sflag:s8] =	dma.local @!p0 [hbm:s6], $0xF7A  }
0x23: {  	s9 =	sor.u32 $0xD0000000, s2;
	s6 =	simm.s32 $0x108;
	_ =	swait.ge @!p0 [sflag:s8], $0x0  }
0x24: {  	s3 =	sadd.s32 $0x88, s3;
	s6 =	simm.s32 @!p1 $0x1082;
	[sflag:s4] =	ssyncset.s32 $0xFFFFF086  }
0x25: {  	[simem:s6], [sflag:s4] =	dma.local [hbm:s3], $0xF7A  }
0x26: {  	[smem:$0x3F93] =	sst s1;
	(tag) =	ssettag s2;
	_ =	strace s9  }
0x27: {  	s1 =	sld [smem:$0x3FA3]  }
0x28: {  	s2 =	sld [smem:$0x3FA4]  }
0x29: {  	s4 =	sld [smem:$0x3FA6]  }
0x2a: {  	p0 =	seq.s32 s5, $0x0;
	s5 =	sld [smem:$0x3FA7]  }
0x2b: {  	s6 =	sld [smem:$0x3FA8]  }
0x2c: {  	s7 =	sld [smem:$0x3FA9]  }
0x2d: {  	s3 =	simm.s32 $0x108;
	s8 =	sld [smem:$0x3FAA]  }
0x2e: {  	s3 =	simm.s32 @!p0 $0x1082;
	s9 =	sld [smem:$0x3FAB]  }
0x2f: {  	lr =	sadd.s32 s0, s3;
	s0 =	sld [smem:$0x3FA2]  }
0x30: {  	s3 =	sld [smem:$0x3FA5]  }
0x31: {  	[smem:$0x3FAE] =	sst s10  }
0x32: {  	s10 =	sld [smem:$0x3FAC];
	_ =	sdelay $0x3  }
0x33: {  	p0 =	seq.s32 s10, $0x1;
	s10 =	sld [smem:$0x3FAE];
	_ =	sdelay $0x3  }
0x34: {  	[smem:$0x3FAE] =	sst s10  }
0x35: {  	s10 =	sld [smem:$0x3FAD];
	_ =	sdelay $0x3  }
0x36: {  	p1 =	seq.s32 s10, $0x1;
	s10 =	sld [smem:$0x3FAE];
	_ =	sdelay $0x3  }
0x37: {  	[smem:$0x3FAE] =	sst s10  }
0x38: {  	s10 =	sld [smem:$0x3FAF]  }
0x39: {  	_ = 	snop;
	(pc) =	sbr.ind lr, $3  }
0x3a: {  	_ = 	snop  }
0x3b: {  	_ = 	snop  }
0x3c: {  	p2 =	seq.s32 s10, $0x1;
	s10 =	sld [smem:$0x3FAE]  }
0x3d: {  	_ =	shalt  }
0x3e: {  	_ =	shalt  }
0x3f: {  	_ =	shalt  }
0x40: {  	_ =	shalt  }
0x41: {  	_ =	shalt  }
0x42: {  	_ =	shalt  }
0x43: {  	_ =	shalt  }
0x44: {  	_ =	shalt  }
0x45: {  	_ =	shalt  }
0x46: {  	_ =	shalt  }
0x47: {  	_ =	shalt  }
0x48: {  	_ =	shalt  }
0x49: {  	_ =	shalt  }
0x4a: {  	_ =	shalt  }
0x4b: {  	_ =	shalt  }
0x4c: {  	_ =	shalt  }
0x4d: {  	_ =	shalt  }
0x4e: {  	_ =	shalt  }
0x4f: {  	_ =	shalt  }
0x50: {  	_ =	shalt  }
0x51: {  	_ =	shalt  }
0x52: {  	_ =	shalt  }
0x53: {  	_ =	shalt  }
0x54: {  	_ =	shalt  }
0x55: {  	_ =	shalt  }
0x56: {  	_ =	shalt  }
0x57: {  	_ =	shalt  }
0x58: {  	_ =	shalt  }
0x59: {  	_ =	shalt  }
0x5a: {  	_ =	shalt  }
0x5b: {  	_ =	shalt  }
0x5c: {  	_ =	shalt  }
0x5d: {  	_ =	shalt  }
0x5e: {  	_ =	shalt  }
0x5f: {  	_ =	shalt  }
0x60: {  	_ =	shalt  }
0x61: {  	_ =	shalt  }
0x62: {  	_ =	shalt  }
0x63: {  	_ =	shalt  }
0x64: {  	_ =	shalt  }
0x65: {  	_ =	shalt  }
0x66: {  	_ =	shalt  }
0x67: {  	_ =	shalt  }
0x68: {  	_ =	shalt  }
0x69: {  	_ =	shalt  }
0x6a: {  	_ =	shalt  }
0x6b: {  	_ =	shalt  }
0x6c: {  	_ =	shalt  }
0x6d: {  	_ =	shalt  }
0x6e: {  	_ =	shalt  }
0x6f: {  	_ =	shalt  }
0x70: {  	_ =	shalt  }
0x71: {  	_ =	shalt  }
0x72: {  	_ =	shalt  }
0x73: {  	_ =	shalt  }
0x74: {  	_ =	shalt  }
0x75: {  	_ =	shalt  }
0x76: {  	_ =	shalt  }
0x77: {  	_ =	shalt  }
0x78: {  	_ =	shalt  }
0x79: {  	_ =	shalt  }
0x7a: {  	_ =	shalt  }
0x7b: {  	_ =	shalt  }
0x7c: {  	_ =	shalt  }
0x7d: {  	_ =	shalt  }
0x7e: {  	_ =	shalt  }
0x7f: {  	_ =	shalt  }
0x80: {  	_ =	shalt  }
0x81: {  	_ =	shalt  }
0x82: {  	_ =	shalt  }
0x83: {  	_ =	shalt  }
0x84: {  	_ =	shalt  }
0x85: {  	_ =	shalt  }
0x86: {  	_ =	shalt  }
0x87: {  	_ =	shalt  }
.Lfunc_end0:
.L_simem_size_0:
called_computation.3_lowered:
.L_overlay_start_0:
0x88: {  	s2 =	sld [smem:$0x3FD9]  }
0x89: {  	s3 =	sld [smem:$0x3FFE];
	_ =	sdelay $0x1  }
0x8a: {  	s1 =	srdreg.scid  }
0x8b: {  	s0 =	sand.u32 $0x1, s1  }
0x8c: {  	s16 =	sshll.u32 s0, $0xA;
	s2 =	sadd.s32 s3, s2  }
0x8d: {  	s2 =	sadd.s32 s2, s16  }
0x8e: {  	[smem:$0x3FBA] =	sst s2  }
0x8f: {  	_ = 	snop  }
0x90: {  	(tm) =	ssettm $0x1  }
0x91: {  	s17 =	sld [smem:$0x3FFB];
	_ =	sdelay $0x3  }
0x92: {  	_ =	strace s17  }
0x93: {  	s2 =	sld [smem:$0x3FFC];
	_ =	sdelay $0x3  }
0x94: {  	_ =	strace s2  }
0x95: {  	s2 =	sld [smem:$0x3FFD];
	_ =	sdelay $0x3  }
0x96: {  	_ =	strace s2  }
0x97: {  	_ =	strace $0x8FFFFFFF  }
0x98: {  	s18 =	sld [smem:$0x3FDB];
	_ =	sdelay $0x1  }
0x99: {  	s19 =	simm.s32 $_scs_section_size  }
0x9a: {  	s4 =	simm.s32 $_size__tile_overlayer_lowered;
	s5 =	simm.s32 $_tile_overlayer_lowered  }
0x9b: {  	s22 =	simm.s32 $0x1BFF;
	s21 =	sshll.u32 s5, $0x1;
	s2 =	sadd.s32 s19, s18  }
0x9c: {  	s6 =	simm.s32 $0x0;
	s20 =	sshll.u32 s4, $0x1;
	s4 =	sadd.s32 s21, s2  }
0x9d: {  	[timem:s6], [sflag:s22] =	dma.local [hbm:s4], s20  }
0x9e: {  	_ =	swait.ge [sflag:s22], s20  }
0x9f: {  	s3 =	ssub.s32 $0x0, s20;
	[sflag:s22] =	ssyncset.done $0x0  }
0xa0: {  	[sflag:s22] =	ssyncadd.s32 s3;
	_ =	sdelay $0x1  }
0xa1: {  	s23 =	simm.s32 $0x1B8B  }
0xa2: {  	_ =	swait.ge [sflag:s23], $0x1  }
0xa3: {  	[sflag:s23] =	ssyncset.done $0x0  }
0xa4: {  	s25 =	simm.s32 $0x1B8E;
	s24 =	sld [smem:$0x3FFE];
	[sflag:s23] =	ssyncadd.s32 $0xFFFFFFFF  }
0xa5: {  	s26 =	simm.s32 $execute0_lowered;
	[smem:$0x3FD2] =	sst s25  }
0xa6: {  	s4 =	sshll.u32 s26, $0x1;
	_ =	strace $0x8000004F;
	[dreg:$0x1] =	wrdreg $0xFFFFFFFF  }
0xa7: {  	s28 =	simm.s32 $_size_execute0_lowered;
	s2 =	sadd.s32 s2, s4;
	[dreg:$0x0] =	wrdreg $0x0  }
0xa8: {  	s4 =	sshll.u32 s28, $0x1;
	[dreg:$0x2] =	wrdreg s2  }
0xa9: {  	[dreg:$0x3] =	wrdreg s4  }
0xaa: {  	[dreg:$0x4] =	wrdreg $0xC0  }
0xab: {  	_ =	task [dreg:s6], $0x5FFFF  }
0xac: {  	[dreg:$0x1] =	wrdreg $0xFFFFFFFF  }
0xad: {  	[dreg:$0x0] =	wrdreg $0x60  }
0xae: {  	[dreg:$0x2] =	wrdreg s24  }
0xaf: {  	[dreg:$0x3] =	wrdreg $0x91000  }
0xb0: {  	[dreg:$0x4] =	wrdreg $0x9  }
0xb1: {  	_ =	task.clear_ibuf [dreg:s6], $0x5FFFF;
	_ =	strace $0x9000004F  }
0xb2: {  	s29 =	simm.s32 $0x9;
	_ =	strace $0x80000051  }
0xb3: {  	_ =	swait.ge [sflag:s29], $0x1  }
0xb4: {  	[sflag:s29] =	ssyncadd.s32 $0xFFFFFFFF  }
0xb5: {  	_ =	strace $0x90000051  }
0xb6: {  	_ =	sfence  }
0xb7: {  	s30 =	sld [smem:$0x0];
	_ =	sdelay $0x2  }
0xb8: {  	s31 =	sshll.u32 s1, $0xD;
	s1 =	sshrl.u32 s1, $0x2  }
0xb9: {  	s3 =	sand.u32 $0x4000, s31;
	s1 =	sadd.s32 s1, s30  }
0xba: {  	s0 =	sor.u32 s3, s0;
	s1 =	sshll.u32 s1, $0x11  }
0xbb: {  	s0 =	sor.u32 s1, s0  }
0xbc: {  	s0 =	sadd.s32 $0x8F2B, s0  }
0xbd: {  	[sflag:s0] =	ssyncadd.remote.s32 $0x1  }
0xbe: {  	_ =	sfence.sel $0xFFFF  }
0xbf: {  	[dreg:$0x0] =	wrdreg $0xFFFFFFFF;
	(pc) =	sbr.abs _section_cstart, $3  }
0xc0: {  	[dreg:$0x1] =	wrdreg $0xFFFFFFFF  }
0xc1: {  	_ =	task.clear_ibuf [dreg:s6], $0x2FFFF;
	_ =	strace $0x9FFFFFFF  }
0xc2: {  	(tm) =	ssettm $0x7FFFFFFF  }
0xc3: {  	_ =	shalt  }
tec
execute0_lowered:
.L_overlay_start_1:
0x0: {  	(tag) =	ssettag $0x1  }
0x1: {  	s0 =	rddreg [dreg:$0x0]  }
0x2: {  	s1 =	rddreg [dreg:$0x1];
	s10 =	stileid.u32  }
0x3: {  	s2 =	srdreg.scid;
	s3 =	simm.s32 $0x0;
	s6 =	smul.u32 $0x14000, s10  }
0x4: {  	s28 =	simm.s32 $0x7100;
	s29 =	simm.s32 $0x1;
	s7 =	smul.u32 $0xA00, s10  }
0x5: {  	s30 =	simm.s32 $0x3;
	s31 =	simm.s32 $0x2;
	s8 =	smul.u32 $0x50000, s10  }
0x6: {  	s2 =	sand.u32 $0x1, s2;
	[smem:$0x7FF] =	sst s3;
	s19 =	smul.u32 $0x5400, s10  }
0x7: {  	s4 =	sadd.s32 $0x3000, s0;
	s5 =	smul.u32 $0x140000, s2;
	_ =	strace $0x80000050  }
0x8: {  	s18 =	ssub.s32 $0x2, s2;
	s2 =	smul.u32 $0x54000, s2;
	s7 =	sadd.s32 s7, s0  }
0x9: {  	s9 =	sshrl.u32 s18, $0x1;
	s8 =	sshrl.u32 s8, $0x2;
	s6 =	sadd.s32 s6, s5  }
0xa: {  	s5 =	sadd.s32 $0x67000, s0;
	s9 =	ssub.s32 s18, s9;
	s6 =	sshrl.u32 s6, $0x3  }
0xb: {  	s12 =	sadd.s32 s19, s2;
	s0 =	sadd.s32 s6, s0;
	s6 =	sadd.s32 s8, s1  }
0xc: {  	s18 =	sadd.s32 $0x5D000, s7;
	s26 =	sshrl.u32 s12, $0x3;
	s20 =	sadd.s32 $0x2000, s6  }
0xd: {  	s17 =	sadd.s32 s5, s26;
	s21 =	sadd.s32 $0x4000, s6;
	[dreg:$0x3] =	wrdreg s20  }
0xe: {  	s26 =	simm.s32 $0x80;
	s22 =	sadd.s32 $0x6000, s6;
	[dreg:$0x4] =	wrdreg s21  }
0xf: {  	s23 =	sadd.s32 $0x8000, s6;
	s24 =	sadd.s32 $0xA000, s6;
	[dreg:$0x5] =	wrdreg s22  }
0x10: {  	s25 =	sadd.s32 $0xC000, s6;
	s14 =	sadd.s32 $0xE000, s6;
	[dreg:$0x6] =	wrdreg s23  }
0x11: {  	s15 =	sadd.s32 $0x10000, s6;
	s16 =	sadd.s32 $0x12000, s6;
	[dreg:$0x7] =	wrdreg s24  }
0x12: {  	s19 =	sadd.s32 $0x10, s17;
	[dreg:$0x8] =	wrdreg s25;
	s20 =	sadd.s32 $0xCC000, s0  }
0x13: {  	s21 =	smax.u32 s9, $0x1;
	s22 =	simm.s32 $0x5100;
	s23 =	simm.s32 $0x5  }
0x14: {  	v0 =	vimm.f32 $0.0e+00;
	s25 =	simm.s32 $0x40;
	s0 =	simm.s32 $0x4;
	s24 =	simm.s32 $0x0  }
.LBB2_1:
0x15: {  	s2 =	simm.s32 $0x0;
	s7 =	simm.s32 $0x200  }
.LBB2_2:
0x16: {  	p0 =	sne.s32 s7, $0x7E00;
	[tilespmem:s2+$0x5170] =	vst v0  }
0x17: {  	[tilespmem:s2+$0x5100] =	vst v0  }
0x18: {  	[tilespmem:s2+$0x5110] =	vst v0  }
.Ltmp0:
0x19: {  	[tilespmem:s2+$0x5120] =	vst v0;
	(pc) =	sbr.rel @p0 .LBB2_2-.Ltmp0, $4  }
0x1a: {  	[tilespmem:s2+$0x5130] =	vst v0  }
0x1b: {  	[tilespmem:s2+$0x5140] =	vst v0  }
0x1c: {  	[tilespmem:s2+$0x5150] =	vst v0  }
0x1d: {  	[tilespmem:s2+$0x5160] =	vst v0;
	s2 =	sshra.s32 s7, $0x2;
	s7 =	sadd.s32 $0x200, s7  }
0x1e: {  	[tilespmem:s2+$0x5170] =	vst v0  }
0x1f: {  	[tilespmem:s2+$0x5100] =	vst v0  }
0x20: {  	[tilespmem:s2+$0x5110] =	vst v0  }
0x21: {  	[tilespmem:s2+$0x5120] =	vst v0  }
0x22: {  	[tilespmem:s2+$0x5130] =	vst v0  }
0x23: {  	[tilespmem:s2+$0x5140] =	vst v0  }
0x24: {  	[tilespmem:s2+$0x5150] =	vst v0  }
0x25: {  	[tilespmem:s2+$0x5160] =	vst v0  }
0x26: {  	[spmem:s6] =	stream.linear.scatter [tilespmem:s22], [sflag:$0x5], $0x2000, $0x38;
	[tilespmem:$0x1D100] =	vst v63  }
0x27: {  	_ =	swait.ge [sflag:s23], $0x2000  }
0x28: {  	[sflag:s23] =	ssyncset.done $0x0  }
0x29: {  	s8 =	rddreg [dreg:$0x3];
	[sflag:s23] =	ssyncadd.s32 $0xFFFFE000  }
0x2a: {  	[spmem:s8] =	stream.linear.scatter [tilespmem:s22], [sflag:$0x5], $0x2000, $0x38;
	[tilespmem:$0x1D100] =	vst v63  }
0x2b: {  	_ =	swait.ge [sflag:s23], $0x2000  }
0x2c: {  	[sflag:s23] =	ssyncset.done $0x0  }
0x2d: {  	s9 =	rddreg [dreg:$0x4];
	[sflag:s23] =	ssyncadd.s32 $0xFFFFE000  }
0x2e: {  	[spmem:s9] =	stream.linear.scatter [tilespmem:s22], [sflag:$0x5], $0x2000, $0x38;
	[tilespmem:$0x1D100] =	vst v63  }
0x2f: {  	_ =	swait.ge [sflag:s23], $0x2000  }
0x30: {  	[sflag:s23] =	ssyncset.done $0x0  }
0x31: {  	s10 =	rddreg [dreg:$0x5];
	[sflag:s23] =	ssyncadd.s32 $0xFFFFE000  }
0x32: {  	[spmem:s10] =	stream.linear.scatter [tilespmem:s22], [sflag:$0x5], $0x2000, $0x38;
	[tilespmem:$0x1D100] =	vst v63  }
0x33: {  	_ =	swait.ge [sflag:s23], $0x2000  }
0x34: {  	[sflag:s23] =	ssyncset.done $0x0  }
0x35: {  	s11 =	rddreg [dreg:$0x6];
	[sflag:s23] =	ssyncadd.s32 $0xFFFFE000  }
0x36: {  	[spmem:s11] =	stream.linear.scatter [tilespmem:s22], [sflag:$0x5], $0x2000, $0x38;
	[tilespmem:$0x1D100] =	vst v63  }
0x37: {  	_ =	swait.ge [sflag:s23], $0x2000  }
0x38: {  	[sflag:s23] =	ssyncset.done $0x0  }
0x39: {  	s13 =	rddreg [dreg:$0x7];
	[sflag:s23] =	ssyncadd.s32 $0xFFFFE000  }
0x3a: {  	[spmem:s13] =	stream.linear.scatter [tilespmem:s22], [sflag:$0x5], $0x2000, $0x38;
	[tilespmem:$0x1D100] =	vst v63  }
0x3b: {  	_ =	swait.ge [sflag:s23], $0x2000  }
0x3c: {  	[sflag:s23] =	ssyncset.done $0x0  }
0x3d: {  	s7 =	rddreg [dreg:$0x8];
	[sflag:s23] =	ssyncadd.s32 $0xFFFFE000  }
0x3e: {  	[spmem:s7] =	stream.linear.scatter [tilespmem:s22], [sflag:$0x5], $0x2000, $0x38;
	[tilespmem:$0x1D100] =	vst v63  }
0x3f: {  	_ =	swait.ge [sflag:s23], $0x2000  }
0x40: {  	[sflag:s23] =	ssyncset.done $0x0  }
0x41: {  	[sflag:s23] =	ssyncadd.s32 $0xFFFFE000  }
0x42: {  	[spmem:s14] =	stream.linear.scatter [tilespmem:s22], [sflag:$0x5], $0x2000, $0x38;
	[tilespmem:$0x1D100] =	vst v63  }
0x43: {  	_ =	swait.ge [sflag:s23], $0x2000  }
0x44: {  	[sflag:s23] =	ssyncset.done $0x0  }
0x45: {  	[sflag:s23] =	ssyncadd.s32 $0xFFFFE000  }
0x46: {  	[spmem:s15] =	stream.linear.scatter [tilespmem:s22], [sflag:$0x5], $0x2000, $0x38;
	[tilespmem:$0x1D100] =	vst v63  }
0x47: {  	_ =	swait.ge [sflag:s23], $0x2000  }
0x48: {  	[sflag:s23] =	ssyncset.done $0x0  }
0x49: {  	[sflag:s23] =	ssyncadd.s32 $0xFFFFE000  }
0x4a: {  	[spmem:s16] =	stream.linear.scatter [tilespmem:s22], [sflag:$0x5], $0x2000, $0x38;
	[tilespmem:$0x1D100] =	vst v63  }
0x4b: {  	_ =	swait.ge [sflag:s23], $0x2000  }
0x4c: {  	[sflag:s23] =	ssyncset.done $0x0  }
0x4d: {  	s8 =	simm.s32 $0x100;
	[sflag:s23] =	ssyncadd.s32 $0xFFFFE000  }
0x4e: {  	[tilespmem:s8], [sflag:$0x5] =	stream.linear.gather [hbm4b:s18+s3], $0x5000, $0x38;
	[tilespmem:$0x1D100] =	vst v63  }
0x4f: {  	_ =	swait.ge [sflag:s23], $0x5000  }
0x50: {  	[sflag:s23] =	ssyncset.done $0x0  }
0x51: {  	[sflag:s23] =	ssyncadd.s32 $0xFFFFB000  }
0x52: {  	[bflag:$0x0] =	sbarrier.arrive $0xFFFF  }
0x53: {  	[tilespmem:s3], [sflag:$0x5] =	stream.linear.gather [hbm4b:s17+s3], $0x80, $0x38;
	[tilespmem:$0x1D100] =	vst v63  }
0x54: {  	_ =	swait.ge [sflag:s23], $0x80  }
0x55: {  	[sflag:s23] =	ssyncset.done $0x0  }
0x56: {  	[sflag:s23] =	ssyncadd.s32 $0xFFFFFF80  }
0x57: {  	[tilespmem:s22], [sflag:$0x1] =	stream.indirect.gather [hbm4b:s4+s25], $0x80, s3, s25, $0xb8;
	[tilespmem:$0x1D100] =	vst v63  }
0x58: {  	_ = 	snop  }
0x59: {  	[tilespmem:s26], [sflag:$0x5] =	stream.linear.gather [hbm4b:s19+s3], $0x80, $0x38;
	[tilespmem:$0x1D100] =	vst v63  }
0x5a: {  	s9 =	simm.s32 $0x100;
	_ =	swait.ge [sflag:s23], $0x80  }
0x5b: {  	s7 =	sand.u32 $0xFC00, s9;
	[sflag:s23] =	ssyncset.done $0x0  }
0x5c: {  	s2 =	sand.u32 $0x300, s9;
	s7 =	sadd.s32 s12, s7;
	[sflag:s23] =	ssyncadd.s32 $0xFFFFFF80  }
0x5d: {  	[tilespmem:s28], [sflag:$0x2] =	stream.indirect.gather [hbm4b:s4+s25], $0x80, s26, s25, $0xb8;
	[tilespmem:$0x1D100] =	vst v63  }
0x5e: {  	s2 =	sor.u32 s2, s7;
	_ =	swait.ge [sflag:s29], $0x2000  }
0x5f: {  	s2 =	sshrl.u32 s2, $0x3;
	[sflag:s29] =	ssyncset.done $0x0  }
0x60: {  	s2 =	sadd.s32 s5, s2;
	[sflag:s29] =	ssyncadd.s32 $0xFFFFE000  }
0x61: {  	[tilespmem:s3], [sflag:$0x3] =	stream.linear.gather [hbm4b:s2+s3], $0x80, $0x38;
	[tilespmem:$0x1D100] =	vst v63  }
0x62: {  	s10 =	simm.s32 $0x100  }
0x63: {  	[spmem:s1] =	stream.indirect.scatter.add.f32 [tilespmem:s22], [sflag:$0x5], $0x80, s10, s25, $0xb8;
	[tilespmem:$0x1D100] =	vst v63  }
0x64: {  	_ =	swait.ge [sflag:s23], $0x2000  }
0x65: {  	[sflag:s23] =	ssyncset.done $0x0  }
0x66: {  	[sflag:s23] =	ssyncadd.s32 $0xFFFFE000  }
0x67: {  	s11 =	simm.s32 $0x180;
	_ =	swait.ge [sflag:s30], $0x80  }
0x68: {  	s13 =	sand.u32 $0xFC00, s11;
	[sflag:s30] =	ssyncset.done $0x0  }
0x69: {  	s7 =	sadd.s32 s12, s13;
	s8 =	sand.u32 $0x380, s11;
	[sflag:s30] =	ssyncadd.s32 $0xFFFFFF80  }
0x6a: {  	[tilespmem:s22], [sflag:$0x1] =	stream.indirect.gather [hbm4b:s4+s25], $0x80, s3, s25, $0xb8;
	[tilespmem:$0x1D100] =	vst v63  }
0x6b: {  	s7 =	sor.u32 s8, s7;
	_ =	swait.ge [sflag:s31], $0x2000  }
0x6c: {  	s7 =	sshrl.u32 s7, $0x3;
	[sflag:s31] =	ssyncset.done $0x0  }
0x6d: {  	s7 =	sadd.s32 s5, s7;
	[sflag:s31] =	ssyncadd.s32 $0xFFFFE000  }
0x6e: {  	[tilespmem:s26], [sflag:$0x4] =	stream.linear.gather [hbm4b:s7+s3], $0x80, $0x38;
	[tilespmem:$0x1D100] =	vst v63  }
0x6f: {  	_ = 	snop  }
0x70: {  	[spmem:s1] =	stream.indirect.scatter.add.f32 [tilespmem:s28], [sflag:$0x5], $0x80, s11, s25, $0xb8;
	[tilespmem:$0x1D100] =	vst v63  }
0x71: {  	s9 =	simm.s32 $0x200;
	s8 =	simm.s32 $0x380;
	_ =	swait.ge [sflag:s23], $0x2000  }
0x72: {  	s2 =	simm.s32 $0x280;
	s7 =	simm.s32 $0x280;
	[sflag:s23] =	ssyncset.done $0x0  }
.LBB2_4:
0x73: {  	s11 =	sand.u32 $0xFC00, s9  }
0x74: {  	[sflag:s23] =	ssyncadd.s32 $0xFFFFE000;
	s13 =	smov.u32 s8;
	s10 =	sadd.s32 $0x100, s8  }
0x75: {  	s9 =	sand.u32 $0x300, s9;
	s11 =	sadd.s32 s12, s11;
	_ =	swait.ge [sflag:s0], $0x80  }
0x76: {  	p0 =	sne.s32 s8, $0x5080;
	s8 =	sor.u32 s9, s11;
	[sflag:s0] =	ssyncset.done $0x0  }
0x77: {  	s8 =	sshrl.u32 s8, $0x3;
	[sflag:s0] =	ssyncadd.s32 $0xFFFFFF80  }
0x78: {  	[tilespmem:s28], [sflag:$0x2] =	stream.indirect.gather [hbm4b:s4+s25], $0x80, s26, s25, $0xb8;
	[tilespmem:$0x1D100] =	vst v63  }
0x79: {  	_ =	swait.ge [sflag:s29], $0x2000  }
0x7a: {  	[sflag:s29] =	ssyncset.done $0x0  }
0x7b: {  	s8 =	sadd.s32 s5, s8;
	[sflag:s29] =	ssyncadd.s32 $0xFFFFE000  }
0x7c: {  	[tilespmem:s3], [sflag:$0x3] =	stream.linear.gather [hbm4b:s8+s3], $0x80, $0x38;
	[tilespmem:$0x1D100] =	vst v63  }
0x7d: {  	s8 =	sadd.s32 $0xFFFFFF80, s2  }
0x7e: {  	[spmem:s1] =	stream.indirect.scatter.add.f32 [tilespmem:s22], [sflag:$0x5], $0x80, s8, s25, $0xb8;
	[tilespmem:$0x1D100] =	vst v63  }
0x7f: {  	_ =	swait.ge [sflag:s23], $0x2000  }
0x80: {  	[sflag:s23] =	ssyncset.done $0x0  }
0x81: {  	[sflag:s23] =	ssyncadd.s32 $0xFFFFE000  }
0x82: {  	_ =	swait.ge [sflag:s30], $0x80  }
0x83: {  	[sflag:s30] =	ssyncset.done $0x0  }
0x84: {  	s8 =	sand.u32 $0xFC00, s7;
	[sflag:s30] =	ssyncadd.s32 $0xFFFFFF80  }
0x85: {  	[tilespmem:s22], [sflag:$0x1] =	stream.indirect.gather [hbm4b:s4+s25], $0x80, s3, s25, $0xb8;
	[tilespmem:$0x1D100] =	vst v63  }
0x86: {  	s9 =	sand.u32 $0x380, s7;
	s7 =	smov.u32 s13;
	s8 =	sadd.s32 s12, s8  }
0x87: {  	s8 =	sor.u32 s9, s8;
	_ =	swait.ge [sflag:s31], $0x2000  }
0x88: {  	s8 =	sshrl.u32 s8, $0x3;
	[sflag:s31] =	ssyncset.done $0x0  }
0x89: {  	s8 =	sadd.s32 s5, s8;
	[sflag:s31] =	ssyncadd.s32 $0xFFFFE000  }
0x8a: {  	[tilespmem:s26], [sflag:$0x4] =	stream.linear.gather [hbm4b:s8+s3], $0x80, $0x38;
	[tilespmem:$0x1D100] =	vst v63  }
.Ltmp1:
0x8b: {  	_ = 	snop;
	(pc) =	sbr.rel @p0 .LBB2_4-.Ltmp1, $4  }
0x8c: {  	_ = 	snop  }
0x8d: {  	[spmem:s1] =	stream.indirect.scatter.add.f32 [tilespmem:s28], [sflag:$0x5], $0x80, s2, s25, $0xb8;
	[tilespmem:$0x1D100] =	vst v63  }
0x8e: {  	s9 =	sadd.s32 $0xFFFFFF80, s7;
	_ =	swait.ge [sflag:s23], $0x2000  }
0x8f: {  	s8 =	smov.u32 s10;
	s2 =	sadd.s32 $0x100, s2;
	[sflag:s23] =	ssyncset.done $0x0  }
0x90: {  	[sflag:s23] =	ssyncadd.s32 $0xFFFFE000  }
0x91: {  	_ =	swait.ge [sflag:s0], $0x80  }
0x92: {  	s8 =	sand.u32 $0xFC00, s9;
	[sflag:s0] =	ssyncset.done $0x0  }
0x93: {  	s11 =	sand.u32 $0x300, s9;
	s8 =	sadd.s32 s12, s8;
	[sflag:s0] =	ssyncadd.s32 $0xFFFFFF80  }
0x94: {  	[tilespmem:s28], [sflag:$0x2] =	stream.indirect.gather [hbm4b:s4+s25], $0x80, s26, s25, $0xb8;
	[tilespmem:$0x1D100] =	vst v63  }
0x95: {  	s8 =	sor.u32 s11, s8;
	_ =	swait.ge [sflag:s29], $0x2000  }
0x96: {  	s8 =	sshrl.u32 s8, $0x3;
	[sflag:s29] =	ssyncset.done $0x0  }
0x97: {  	s8 =	sadd.s32 s5, s8;
	[sflag:s29] =	ssyncadd.s32 $0xFFFFE000  }
0x98: {  	[tilespmem:s3], [sflag:$0x3] =	stream.linear.gather [hbm4b:s8+s3], $0x80, $0x38;
	[tilespmem:$0x1D100] =	vst v63  }
0x99: {  	s13 =	sadd.s32 $0xFFFFFF80, s2  }
0x9a: {  	[spmem:s1] =	stream.indirect.scatter.add.f32 [tilespmem:s22], [sflag:$0x5], $0x80, s13, s25, $0xb8;
	[tilespmem:$0x1D100] =	vst v63  }
0x9b: {  	_ =	swait.ge [sflag:s23], $0x2000  }
0x9c: {  	[sflag:s23] =	ssyncset.done $0x0  }
0x9d: {  	[sflag:s23] =	ssyncadd.s32 $0xFFFFE000  }
0x9e: {  	_ =	swait.ge [sflag:s30], $0x80  }
0x9f: {  	s9 =	sand.u32 $0xFC00, s7;
	[sflag:s30] =	ssyncset.done $0x0  }
0xa0: {  	s10 =	sand.u32 $0x380, s7;
	s8 =	sadd.s32 s12, s9;
	[sflag:s30] =	ssyncadd.s32 $0xFFFFFF80  }
0xa1: {  	[tilespmem:s22], [sflag:$0x1] =	stream.indirect.gather [hbm4b:s4+s25], $0x80, s3, s25, $0xb8;
	[tilespmem:$0x1D100] =	vst v63  }
0xa2: {  	s7 =	sor.u32 s10, s8;
	_ =	swait.ge [sflag:s31], $0x2000  }
0xa3: {  	s7 =	sshrl.u32 s7, $0x3;
	[sflag:s31] =	ssyncset.done $0x0  }
0xa4: {  	s7 =	sadd.s32 s5, s7;
	[sflag:s31] =	ssyncadd.s32 $0xFFFFE000  }
0xa5: {  	[tilespmem:s26], [sflag:$0x4] =	stream.linear.gather [hbm4b:s7+s3], $0x80, $0x38;
	[tilespmem:$0x1D100] =	vst v63  }
0xa6: {  	_ = 	snop  }
0xa7: {  	[spmem:s1] =	stream.indirect.scatter.add.f32 [tilespmem:s28], [sflag:$0x5], $0x80, s2, s25, $0xb8;
	[tilespmem:$0x1D100] =	vst v63  }
0xa8: {  	_ =	swait.ge [sflag:s23], $0x2000  }
0xa9: {  	[sflag:s23] =	ssyncset.done $0x0  }
0xaa: {  	[sflag:s23] =	ssyncadd.s32 $0xFFFFE000  }
0xab: {  	_ =	swait.ge [sflag:s0], $0x80  }
0xac: {  	[sflag:s0] =	ssyncset.done $0x0  }
0xad: {  	[sflag:s0] =	ssyncadd.s32 $0xFFFFFF80  }
0xae: {  	[tilespmem:s28], [sflag:$0x2] =	stream.indirect.gather [hbm4b:s4+s25], $0x80, s26, s25, $0xb8;
	[tilespmem:$0x1D100] =	vst v63  }
0xaf: {  	_ =	swait.ge [sflag:s29], $0x2000  }
0xb0: {  	[sflag:s29] =	ssyncset.done $0x0  }
0xb1: {  	[sflag:s29] =	ssyncadd.s32 $0xFFFFE000  }
0xb2: {  	s24 =	sadd.s32 $0x1, s24;
	_ =	swait.ge [sflag:s31], $0x2000  }
0xb3: {  	p0 =	sne.s32 s24, s21;
	s11 =	stileid.u32;
	[sflag:s31] =	ssyncset.done $0x0  }
0xb4: {  	s13 =	sshrl.u32 s6, $0x3;
	s2 =	sshll.u32 s11, $0x6;
	[sflag:s31] =	ssyncadd.s32 $0xFFFFE000  }
.Ltmp2:
0xb5: {  	s2 =	sor.u32 $0x1C05, s2;
	[bflag:$0x0] =	sbarrier.arrive $0xFFFF;
	(pc) =	sbr.rel @p0 .LBB2_1-.Ltmp2, $4  }
0xb6: {  	[hbm:s20], [sflag:s2] =	dma.local [spmem:s13], $0x2800  }
0xb7: {  	_ =	swait.ge [sflag:s23], $0x2800  }
0xb8: {  	[sflag:s23] =	ssyncset.done $0x0  }
0xb9: {  	[sflag:s23] =	ssyncadd.s32 $0xFFFFD800  }
0xba: {  	_ =	sfence.sel $0x180000  }
0xbb: {  	[bflag:$0x0] =	sbarrier.arrive $0xFFFF  }
0xbc: {  	_ =	strace $0x90000050  }
0xbd: {  	s0 =	stileid.u32;
	[bflag:$0x2] =	sbarrier.arrive $0xFFFF  }
0xbe: {  	p0 =	sne.s32 s0, $0x0;
	s0 =	rddreg [dreg:$0x2]  }
0xbf: {  	s0 =	sadd.s32 @!p0 $0x100000, s0  }
0xc0: {  	[sflag:s0] =	ssyncadd.tile.s32 @!p0 $0x1;
	_ =	shalt  }
.Lfunc_end2:
_tile_overlayer_lowered:
.L_overlay_start_2:
0xc1: {  	(tag) =	ssettag $0x2  }
0xc2: {  	s0 =	rddreg [dreg:$0x0];
	s2 =	stileid.u32  }
0xc3: {  	s1 =	rddreg [dreg:$0x1];
	p0 =	sne.s32 s2, $0x0  }
0xc4: {  	s3 =	rddreg [dreg:$0x2];
	[bflag:$0x3] =	sbarrier.arrive $0xFFFF;
	s2 =	simm.s32 @!p0 $0x1C05  }
0xc5: {  	[timem:s3], [sflag:s2] =	dma.local @!p0 [hbm:s0], s1  }
0xc6: {  	s0 =	simm.s32 @!p0 $0x5  }
0xc7: {  	_ =	swait.ge @!p0 [sflag:s0], s1  }
0xc8: {  	s1 =	ssub.s32 @!p0 $0x0, s1;
	[sflag:s0] =	ssyncset.done @!p0 $0x0  }
0xc9: {  	[sflag:s0] =	ssyncadd.s32 @!p0 s1  }
0xca: {  	[bflag:$0x3] =	sbarrier.arrive $0xFFFF  }
0xcb: {  	_ =	shalt  }

// kernel: kernel.26.cloned.1.call-start
scs
__scs_entry_jumppad:
0x0: {  	(pc) =	sbr.rel $0x88, $3  }
0x1: {  	(tag) =	ssettag $0x0;
	lr =	simm.s32 $0x1  }
0x2: {  	[smem:$0x3F93] =	sst lr;
	_ =	strace $0xD0000000  }
0x3: {  	_ = 	snop  }
0x4: {  	_ = 	snop  }
0x5: {  	_ = 	snop  }
0x6: {  	_ = 	snop  }
0x7: {  	_ = 	snop  }
__scs_overlays_trampoline_lowered:
0x8: {  	[smem:$0x3FA2] =	sst s0  }
0x9: {  	[smem:$0x3FA3] =	sst s1  }
0xa: {  	[smem:$0x3FA4] =	sst s2  }
0xb: {  	[smem:$0x3FA5] =	sst s3  }
0xc: {  	[smem:$0x3FA6] =	sst s4  }
0xd: {  	[smem:$0x3FA7] =	sst s5  }
0xe: {  	[smem:$0x3FA8] =	sst s6  }
0xf: {  	[smem:$0x3FA9] =	sst s7  }
0x10: {  	[smem:$0x3FAA] =	sst s8  }
0x11: {  	[smem:$0x3FAB] =	sst s9;
	s0 =	simm.s32 @!p0 $0x0  }
0x12: {  	s1 =	sld [smem:$0x3F91];
	s0 =	simm.s32 @p0 $0x1  }
0x13: {  	[smem:$0x3FAC] =	sst s0;
	s0 =	simm.s32 @!p1 $0x0  }
0x14: {  	s2 =	sld [smem:$0x3F90];
	s0 =	simm.s32 @p1 $0x1  }
0x15: {  	[smem:$0x3FAD] =	sst s0;
	s0 =	simm.s32 @!p2 $0x0  }
0x16: {  	s3 =	sld [smem:$0x3FDB];
	s0 =	simm.s32 @p2 $0x1  }
0x17: {  	s4 =	simm.s32 $0x1BF5;
	[smem:$0x3FAF] =	sst s0  }
0x18: {  	s0 =	sld [smem:$0x3F92];
	_ =	swait.ge [sflag:s4], $0x0  }
0x19: {  	s7 =	sld [smem:$0x3F93]  }
0x1a: {  	s8 =	sadd.s32 $0xFFFFE003, lr  }
0x1b: {  	s9 =	sadd.s32 $0xFFFFFEF7, lr;
	s5 =	simm.s32 $0xFFFFFFFF;
	p2 =	slt.u32 s8, $0xFFFFF086  }
0x1c: {  	p1 =	slt.u32 s9, $0xF7A;
	s5 =	simm.s32 @!p2 $0x0  }
0x1d: {  	s5 =	simm.s32 @p1 $0x1;
	p0 =	seq.s32 s7, s2  }
0x1e: {  	s7 =	smul.u32 @!p0 $0xF7A, s2;
	p2 =	seq.s32 @!p0 s5, $0x0  }
0x1f: {  	s9 =	smul.u32 $0xF7A, s1;
	s8 =	simm.s32 @!p0 $0x1BF5;
	p2 =	por !p2, p0  }
0x20: {  	[sflag:s8] =	ssyncset.s32 @!p0 $0xFFFFF086;
	s6 =	sadd.s32 @!p0 s3, s7;
	s7 =	simm.s32 @!p0 $0x108  }
0x21: {  	s3 =	sadd.s32 s3, s9;
	s6 =	sadd.s32 @!p0 $0x88, s6;
	s7 =	simm.s32 @p2 $0x1082  }
0x22: {  	[simem:s7], [sflag:s8] =	dma.local @!p0 [hbm:s6], $0xF7A  }
0x23: {  	s9 =	sor.u32 $0xD0000000, s2;
	s6 =	simm.s32 $0x108;
	_ =	swait.ge @!p0 [sflag:s8], $0x0  }
0x24: {  	s3 =	sadd.s32 $0x88, s3;
	s6 =	simm.s32 @!p1 $0x1082;
	[sflag:s4] =	ssyncset.s32 $0xFFFFF086  }
0x25: {  	[simem:s6], [sflag:s4] =	dma.local [hbm:s3], $0xF7A  }
0x26: {  	[smem:$0x3F93] =	sst s1;
	(tag) =	ssettag s2;
	_ =	strace s9  }
0x27: {  	s1 =	sld [smem:$0x3FA3]  }
0x28: {  	s2 =	sld [smem:$0x3FA4]  }
0x29: {  	s4 =	sld [smem:$0x3FA6]  }
0x2a: {  	p0 =	seq.s32 s5, $0x0;
	s5 =	sld [smem:$0x3FA7]  }
0x2b: {  	s6 =	sld [smem:$0x3FA8]  }
0x2c: {  	s7 =	sld [smem:$0x3FA9]  }
0x2d: {  	s3 =	simm.s32 $0x108;
	s8 =	sld [smem:$0x3FAA]  }
0x2e: {  	s3 =	simm.s32 @!p0 $0x1082;
	s9 =	sld [smem:$0x3FAB]  }
0x2f: {  	lr =	sadd.s32 s0, s3;
	s0 =	sld [smem:$0x3FA2]  }
0x30: {  	s3 =	sld [smem:$0x3FA5]  }
0x31: {  	[smem:$0x3FAE] =	sst s10  }
0x32: {  	s10 =	sld [smem:$0x3FAC];
	_ =	sdelay $0x3  }
0x33: {  	p0 =	seq.s32 s10, $0x1;
	s10 =	sld [smem:$0x3FAE];
	_ =	sdelay $0x3  }
0x34: {  	[smem:$0x3FAE] =	sst s10  }
0x35: {  	s10 =	sld [smem:$0x3FAD];
	_ =	sdelay $0x3  }
0x36: {  	p1 =	seq.s32 s10, $0x1;
	s10 =	sld [smem:$0x3FAE];
	_ =	sdelay $0x3  }
0x37: {  	[smem:$0x3FAE] =	sst s10  }
0x38: {  	s10 =	sld [smem:$0x3FAF]  }
0x39: {  	_ = 	snop;
	(pc) =	sbr.ind lr, $3  }
0x3a: {  	_ = 	snop  }
0x3b: {  	_ = 	snop  }
0x3c: {  	p2 =	seq.s32 s10, $0x1;
	s10 =	sld [smem:$0x3FAE]  }
0x3d: {  	_ =	shalt  }
0x3e: {  	_ =	shalt  }
0x3f: {  	_ =	shalt  }
0x40: {  	_ =	shalt  }
0x41: {  	_ =	shalt  }
0x42: {  	_ =	shalt  }
0x43: {  	_ =	shalt  }
0x44: {  	_ =	shalt  }
0x45: {  	_ =	shalt  }
0x46: {  	_ =	shalt  }
0x47: {  	_ =	shalt  }
0x48: {  	_ =	shalt  }
0x49: {  	_ =	shalt  }
0x4a: {  	_ =	shalt  }
0x4b: {  	_ =	shalt  }
0x4c: {  	_ =	shalt  }
0x4d: {  	_ =	shalt  }
0x4e: {  	_ =	shalt  }
0x4f: {  	_ =	shalt  }
0x50: {  	_ =	shalt  }
0x51: {  	_ =	shalt  }
0x52: {  	_ =	shalt  }
0x53: {  	_ =	shalt  }
0x54: {  	_ =	shalt  }
0x55: {  	_ =	shalt  }
0x56: {  	_ =	shalt  }
0x57: {  	_ =	shalt  }
0x58: {  	_ =	shalt  }
0x59: {  	_ =	shalt  }
0x5a: {  	_ =	shalt  }
0x5b: {  	_ =	shalt  }
0x5c: {  	_ =	shalt  }
0x5d: {  	_ =	shalt  }
0x5e: {  	_ =	shalt  }
0x5f: {  	_ =	shalt  }
0x60: {  	_ =	shalt  }
0x61: {  	_ =	shalt  }
0x62: {  	_ =	shalt  }
0x63: {  	_ =	shalt  }
0x64: {  	_ =	shalt  }
0x65: {  	_ =	shalt  }
0x66: {  	_ =	shalt  }
0x67: {  	_ =	shalt  }
0x68: {  	_ =	shalt  }
0x69: {  	_ =	shalt  }
0x6a: {  	_ =	shalt  }
0x6b: {  	_ =	shalt  }
0x6c: {  	_ =	shalt  }
0x6d: {  	_ =	shalt  }
0x6e: {  	_ =	shalt  }
0x6f: {  	_ =	shalt  }
0x70: {  	_ =	shalt  }
0x71: {  	_ =	shalt  }
0x72: {  	_ =	shalt  }
0x73: {  	_ =	shalt  }
0x74: {  	_ =	shalt  }
0x75: {  	_ =	shalt  }
0x76: {  	_ =	shalt  }
0x77: {  	_ =	shalt  }
0x78: {  	_ =	shalt  }
0x79: {  	_ =	shalt  }
0x7a: {  	_ =	shalt  }
0x7b: {  	_ =	shalt  }
0x7c: {  	_ =	shalt  }
0x7d: {  	_ =	shalt  }
0x7e: {  	_ =	shalt  }
0x7f: {  	_ =	shalt  }
0x80: {  	_ =	shalt  }
0x81: {  	_ =	shalt  }
0x82: {  	_ =	shalt  }
0x83: {  	_ =	shalt  }
0x84: {  	_ =	shalt  }
0x85: {  	_ =	shalt  }
0x86: {  	_ =	shalt  }
0x87: {  	_ =	shalt  }
.Lfunc_end0:
.L_simem_size_0:
called_computation.4_lowered:
.L_overlay_start_0:
0x88: {  	s2 =	sld [smem:$0x3FD9]  }
0x89: {  	s3 =	sld [smem:$0x3FFE];
	_ =	sdelay $0x1  }
0x8a: {  	s1 =	srdreg.scid  }
0x8b: {  	s0 =	sand.u32 $0x1, s1  }
0x8c: {  	s16 =	sshll.u32 s0, $0xA;
	s2 =	sadd.s32 s3, s2  }
0x8d: {  	s2 =	sadd.s32 s2, s16  }
0x8e: {  	[smem:$0x3FBA] =	sst s2  }
0x8f: {  	_ = 	snop  }
0x90: {  	(tm) =	ssettm $0x1  }
0x91: {  	s17 =	sld [smem:$0x3FFB];
	_ =	sdelay $0x3  }
0x92: {  	_ =	strace s17  }
0x93: {  	s2 =	sld [smem:$0x3FFC];
	_ =	sdelay $0x3  }
0x94: {  	_ =	strace s2  }
0x95: {  	s2 =	sld [smem:$0x3FFD];
	_ =	sdelay $0x3  }
0x96: {  	_ =	strace s2  }
0x97: {  	_ =	strace $0x8FFFFFFF  }
0x98: {  	s18 =	sld [smem:$0x3FDB];
	_ =	sdelay $0x1  }
0x99: {  	s19 =	simm.s32 $_scs_section_size  }
0x9a: {  	s4 =	simm.s32 $_size__tile_overlayer_lowered;
	s5 =	simm.s32 $_tile_overlayer_lowered  }
0x9b: {  	s22 =	simm.s32 $0x1BFF;
	s21 =	sshll.u32 s5, $0x1;
	s2 =	sadd.s32 s19, s18  }
0x9c: {  	s6 =	simm.s32 $0x0;
	s20 =	sshll.u32 s4, $0x1;
	s4 =	sadd.s32 s21, s2  }
0x9d: {  	[timem:s6], [sflag:s22] =	dma.local [hbm:s4], s20  }
0x9e: {  	_ =	swait.ge [sflag:s22], s20  }
0x9f: {  	s3 =	ssub.s32 $0x0, s20;
	[sflag:s22] =	ssyncset.done $0x0  }
0xa0: {  	[sflag:s22] =	ssyncadd.s32 s3;
	_ =	sdelay $0x1  }
0xa1: {  	s23 =	simm.s32 $0x1B8B  }
0xa2: {  	_ =	swait.ge [sflag:s23], $0x1  }
0xa3: {  	[sflag:s23] =	ssyncset.done $0x0  }
0xa4: {  	s25 =	simm.s32 $0x1B8E;
	s24 =	sld [smem:$0x3FFE];
	[sflag:s23] =	ssyncadd.s32 $0xFFFFFFFF  }
0xa5: {  	s26 =	simm.s32 $execute0_lowered;
	[smem:$0x3FD2] =	sst s25  }
0xa6: {  	s4 =	sshll.u32 s26, $0x1;
	_ =	strace $0x80000052;
	[dreg:$0x1] =	wrdreg $0xFFFFFFFF  }
0xa7: {  	s28 =	simm.s32 $_size_execute0_lowered;
	s2 =	sadd.s32 s2, s4;
	[dreg:$0x0] =	wrdreg $0x0  }
0xa8: {  	s4 =	sshll.u32 s28, $0x1;
	[dreg:$0x2] =	wrdreg s2  }
0xa9: {  	[dreg:$0x3] =	wrdreg s4  }
0xaa: {  	[dreg:$0x4] =	wrdreg $0xC0  }
0xab: {  	_ =	task [dreg:s6], $0x5FFFF  }
0xac: {  	[dreg:$0x1] =	wrdreg $0xFFFFFFFF  }
0xad: {  	[dreg:$0x0] =	wrdreg $0x60  }
0xae: {  	[dreg:$0x2] =	wrdreg s24  }
0xaf: {  	[dreg:$0x3] =	wrdreg $0x91000  }
0xb0: {  	[dreg:$0x4] =	wrdreg $0x9  }
0xb1: {  	_ =	task.clear_ibuf [dreg:s6], $0x5FFFF;
	_ =	strace $0x90000052  }
0xb2: {  	s29 =	simm.s32 $0x9;
	_ =	strace $0x80000054  }
0xb3: {  	_ =	swait.ge [sflag:s29], $0x1  }
0xb4: {  	[sflag:s29] =	ssyncadd.s32 $0xFFFFFFFF  }
0xb5: {  	_ =	strace $0x90000054  }
0xb6: {  	_ =	sfence  }
0xb7: {  	s30 =	sld [smem:$0x0];
	_ =	sdelay $0x2  }
0xb8: {  	s31 =	sshll.u32 s1, $0xD;
	s1 =	sshrl.u32 s1, $0x2  }
0xb9: {  	s3 =	sand.u32 $0x4000, s31;
	s1 =	sadd.s32 s1, s30  }
0xba: {  	s0 =	sor.u32 s3, s0;
	s1 =	sshll.u32 s1, $0x11  }
0xbb: {  	s0 =	sor.u32 s1, s0  }
0xbc: {  	s0 =	sadd.s32 $0x8F2B, s0  }
0xbd: {  	[sflag:s0] =	ssyncadd.remote.s32 $0x1  }
0xbe: {  	_ =	sfence.sel $0xFFFF  }
0xbf: {  	[dreg:$0x0] =	wrdreg $0xFFFFFFFF;
	(pc) =	sbr.abs _section_cstart, $3  }
0xc0: {  	[dreg:$0x1] =	wrdreg $0xFFFFFFFF  }
0xc1: {  	_ =	task.clear_ibuf [dreg:s6], $0x2FFFF;
	_ =	strace $0x9FFFFFFF  }
0xc2: {  	(tm) =	ssettm $0x7FFFFFFF  }
0xc3: {  	_ =	shalt  }
tec
execute0_lowered:
.L_overlay_start_1:
0x0: {  	(tag) =	ssettag $0x1  }
0x1: {  	s0 =	rddreg [dreg:$0x0]  }
0x2: {  	s1 =	rddreg [dreg:$0x1];
	s10 =	stileid.u32  }
0x3: {  	s2 =	srdreg.scid;
	s3 =	simm.s32 $0x0;
	s6 =	smul.u32 $0x14000, s10  }
0x4: {  	s28 =	simm.s32 $0x7100;
	s29 =	simm.s32 $0x1;
	s7 =	smul.u32 $0xA00, s10  }
0x5: {  	s30 =	simm.s32 $0x3;
	s31 =	simm.s32 $0x2;
	s8 =	smul.u32 $0x50000, s10  }
0x6: {  	s2 =	sand.u32 $0x1, s2;
	[smem:$0x7FF] =	sst s3;
	s19 =	smul.u32 $0x5400, s10  }
0x7: {  	s4 =	sadd.s32 $0x3000, s0;
	s5 =	smul.u32 $0x140000, s2;
	_ =	strace $0x80000053  }
0x8: {  	s18 =	ssub.s32 $0x2, s2;
	s2 =	smul.u32 $0x54000, s2;
	s7 =	sadd.s32 s7, s0  }
0x9: {  	s9 =	sshrl.u32 s18, $0x1;
	s8 =	sshrl.u32 s8, $0x2;
	s6 =	sadd.s32 s6, s5  }
0xa: {  	s5 =	sadd.s32 $0x11C000, s0;
	s9 =	ssub.s32 s18, s9;
	s6 =	sshrl.u32 s6, $0x3  }
0xb: {  	s12 =	sadd.s32 s19, s2;
	s0 =	sadd.s32 s6, s0;
	s6 =	sadd.s32 s8, s1  }
0xc: {  	s18 =	sadd.s32 $0x53000, s7;
	s26 =	sshrl.u32 s12, $0x3;
	s20 =	sadd.s32 $0x2000, s6  }
0xd: {  	s17 =	sadd.s32 s5, s26;
	s21 =	sadd.s32 $0x4000, s6;
	[dreg:$0x3] =	wrdreg s20  }
0xe: {  	s26 =	simm.s32 $0x80;
	s22 =	sadd.s32 $0x6000, s6;
	[dreg:$0x4] =	wrdreg s21  }
0xf: {  	s23 =	sadd.s32 $0x8000, s6;
	s24 =	sadd.s32 $0xA000, s6;
	[dreg:$0x5] =	wrdreg s22  }
0x10: {  	s25 =	sadd.s32 $0xC000, s6;
	s14 =	sadd.s32 $0xE000, s6;
	[dreg:$0x6] =	wrdreg s23  }
0x11: {  	s15 =	sadd.s32 $0x10000, s6;
	s16 =	sadd.s32 $0x12000, s6;
	[dreg:$0x7] =	wrdreg s24  }
0x12: {  	s19 =	sadd.s32 $0x10, s17;
	[dreg:$0x8] =	wrdreg s25;
	s20 =	sadd.s32 $0xCC000, s0  }
0x13: {  	s21 =	smax.u32 s9, $0x1;
	s22 =	simm.s32 $0x5100;
	s23 =	simm.s32 $0x5  }
0x14: {  	v0 =	vimm.f32 $0.0e+00;
	s25 =	simm.s32 $0x40;
	s0 =	simm.s32 $0x4;
	s24 =	simm.s32 $0x0  }
.LBB2_1:
0x15: {  	s2 =	simm.s32 $0x0;
	s7 =	simm.s32 $0x200  }
.LBB2_2:
0x16: {  	p0 =	sne.s32 s7, $0x7E00;
	[tilespmem:s2+$0x5170] =	vst v0  }
0x17: {  	[tilespmem:s2+$0x5100] =	vst v0  }
0x18: {  	[tilespmem:s2+$0x5110] =	vst v0  }
.Ltmp0:
0x19: {  	[tilespmem:s2+$0x5120] =	vst v0;
	(pc) =	sbr.rel @p0 .LBB2_2-.Ltmp0, $4  }
0x1a: {  	[tilespmem:s2+$0x5130] =	vst v0  }
0x1b: {  	[tilespmem:s2+$0x5140] =	vst v0  }
0x1c: {  	[tilespmem:s2+$0x5150] =	vst v0  }
0x1d: {  	[tilespmem:s2+$0x5160] =	vst v0;
	s2 =	sshra.s32 s7, $0x2;
	s7 =	sadd.s32 $0x200, s7  }
0x1e: {  	[tilespmem:s2+$0x5170] =	vst v0  }
0x1f: {  	[tilespmem:s2+$0x5100] =	vst v0  }
0x20: {  	[tilespmem:s2+$0x5110] =	vst v0  }
0x21: {  	[tilespmem:s2+$0x5120] =	vst v0  }
0x22: {  	[tilespmem:s2+$0x5130] =	vst v0  }
0x23: {  	[tilespmem:s2+$0x5140] =	vst v0  }
0x24: {  	[tilespmem:s2+$0x5150] =	vst v0  }
0x25: {  	[tilespmem:s2+$0x5160] =	vst v0  }
0x26: {  	[spmem:s6] =	stream.linear.scatter [tilespmem:s22], [sflag:$0x5], $0x2000, $0x38;
	[tilespmem:$0x1D100] =	vst v63  }
0x27: {  	_ =	swait.ge [sflag:s23], $0x2000  }
0x28: {  	[sflag:s23] =	ssyncset.done $0x0  }
0x29: {  	s8 =	rddreg [dreg:$0x3];
	[sflag:s23] =	ssyncadd.s32 $0xFFFFE000  }
0x2a: {  	[spmem:s8] =	stream.linear.scatter [tilespmem:s22], [sflag:$0x5], $0x2000, $0x38;
	[tilespmem:$0x1D100] =	vst v63  }
0x2b: {  	_ =	swait.ge [sflag:s23], $0x2000  }
0x2c: {  	[sflag:s23] =	ssyncset.done $0x0  }
0x2d: {  	s9 =	rddreg [dreg:$0x4];
	[sflag:s23] =	ssyncadd.s32 $0xFFFFE000  }
0x2e: {  	[spmem:s9] =	stream.linear.scatter [tilespmem:s22], [sflag:$0x5], $0x2000, $0x38;
	[tilespmem:$0x1D100] =	vst v63  }
0x2f: {  	_ =	swait.ge [sflag:s23], $0x2000  }
0x30: {  	[sflag:s23] =	ssyncset.done $0x0  }
0x31: {  	s10 =	rddreg [dreg:$0x5];
	[sflag:s23] =	ssyncadd.s32 $0xFFFFE000  }
0x32: {  	[spmem:s10] =	stream.linear.scatter [tilespmem:s22], [sflag:$0x5], $0x2000, $0x38;
	[tilespmem:$0x1D100] =	vst v63  }
0x33: {  	_ =	swait.ge [sflag:s23], $0x2000  }
0x34: {  	[sflag:s23] =	ssyncset.done $0x0  }
0x35: {  	s11 =	rddreg [dreg:$0x6];
	[sflag:s23] =	ssyncadd.s32 $0xFFFFE000  }
0x36: {  	[spmem:s11] =	stream.linear.scatter [tilespmem:s22], [sflag:$0x5], $0x2000, $0x38;
	[tilespmem:$0x1D100] =	vst v63  }
0x37: {  	_ =	swait.ge [sflag:s23], $0x2000  }
0x38: {  	[sflag:s23] =	ssyncset.done $0x0  }
0x39: {  	s13 =	rddreg [dreg:$0x7];
	[sflag:s23] =	ssyncadd.s32 $0xFFFFE000  }
0x3a: {  	[spmem:s13] =	stream.linear.scatter [tilespmem:s22], [sflag:$0x5], $0x2000, $0x38;
	[tilespmem:$0x1D100] =	vst v63  }
0x3b: {  	_ =	swait.ge [sflag:s23], $0x2000  }
0x3c: {  	[sflag:s23] =	ssyncset.done $0x0  }
0x3d: {  	s7 =	rddreg [dreg:$0x8];
	[sflag:s23] =	ssyncadd.s32 $0xFFFFE000  }
0x3e: {  	[spmem:s7] =	stream.linear.scatter [tilespmem:s22], [sflag:$0x5], $0x2000, $0x38;
	[tilespmem:$0x1D100] =	vst v63  }
0x3f: {  	_ =	swait.ge [sflag:s23], $0x2000  }
0x40: {  	[sflag:s23] =	ssyncset.done $0x0  }
0x41: {  	[sflag:s23] =	ssyncadd.s32 $0xFFFFE000  }
0x42: {  	[spmem:s14] =	stream.linear.scatter [tilespmem:s22], [sflag:$0x5], $0x2000, $0x38;
	[tilespmem:$0x1D100] =	vst v63  }
0x43: {  	_ =	swait.ge [sflag:s23], $0x2000  }
0x44: {  	[sflag:s23] =	ssyncset.done $0x0  }
0x45: {  	[sflag:s23] =	ssyncadd.s32 $0xFFFFE000  }
0x46: {  	[spmem:s15] =	stream.linear.scatter [tilespmem:s22], [sflag:$0x5], $0x2000, $0x38;
	[tilespmem:$0x1D100] =	vst v63  }
0x47: {  	_ =	swait.ge [sflag:s23], $0x2000  }
0x48: {  	[sflag:s23] =	ssyncset.done $0x0  }
0x49: {  	[sflag:s23] =	ssyncadd.s32 $0xFFFFE000  }
0x4a: {  	[spmem:s16] =	stream.linear.scatter [tilespmem:s22], [sflag:$0x5], $0x2000, $0x38;
	[tilespmem:$0x1D100] =	vst v63  }
0x4b: {  	_ =	swait.ge [sflag:s23], $0x2000  }
0x4c: {  	[sflag:s23] =	ssyncset.done $0x0  }
0x4d: {  	s8 =	simm.s32 $0x100;
	[sflag:s23] =	ssyncadd.s32 $0xFFFFE000  }
0x4e: {  	[tilespmem:s8], [sflag:$0x5] =	stream.linear.gather [hbm4b:s18+s3], $0x5000, $0x38;
	[tilespmem:$0x1D100] =	vst v63  }
0x4f: {  	_ =	swait.ge [sflag:s23], $0x5000  }
0x50: {  	[sflag:s23] =	ssyncset.done $0x0  }
0x51: {  	[sflag:s23] =	ssyncadd.s32 $0xFFFFB000  }
0x52: {  	[bflag:$0x0] =	sbarrier.arrive $0xFFFF  }
0x53: {  	[tilespmem:s3], [sflag:$0x5] =	stream.linear.gather [hbm4b:s17+s3], $0x80, $0x38;
	[tilespmem:$0x1D100] =	vst v63  }
0x54: {  	_ =	swait.ge [sflag:s23], $0x80  }
0x55: {  	[sflag:s23] =	ssyncset.done $0x0  }
0x56: {  	[sflag:s23] =	ssyncadd.s32 $0xFFFFFF80  }
0x57: {  	[tilespmem:s22], [sflag:$0x1] =	stream.indirect.gather [hbm4b:s4+s25], $0x80, s3, s25, $0xb8;
	[tilespmem:$0x1D100] =	vst v63  }
0x58: {  	_ = 	snop  }
0x59: {  	[tilespmem:s26], [sflag:$0x5] =	stream.linear.gather [hbm4b:s19+s3], $0x80, $0x38;
	[tilespmem:$0x1D100] =	vst v63  }
0x5a: {  	s9 =	simm.s32 $0x100;
	_ =	swait.ge [sflag:s23], $0x80  }
0x5b: {  	s7 =	sand.u32 $0xFC00, s9;
	[sflag:s23] =	ssyncset.done $0x0  }
0x5c: {  	s2 =	sand.u32 $0x300, s9;
	s7 =	sadd.s32 s12, s7;
	[sflag:s23] =	ssyncadd.s32 $0xFFFFFF80  }
0x5d: {  	[tilespmem:s28], [sflag:$0x2] =	stream.indirect.gather [hbm4b:s4+s25], $0x80, s26, s25, $0xb8;
	[tilespmem:$0x1D100] =	vst v63  }
0x5e: {  	s2 =	sor.u32 s2, s7;
	_ =	swait.ge [sflag:s29], $0x2000  }
0x5f: {  	s2 =	sshrl.u32 s2, $0x3;
	[sflag:s29] =	ssyncset.done $0x0  }
0x60: {  	s2 =	sadd.s32 s5, s2;
	[sflag:s29] =	ssyncadd.s32 $0xFFFFE000  }
0x61: {  	[tilespmem:s3], [sflag:$0x3] =	stream.linear.gather [hbm4b:s2+s3], $0x80, $0x38;
	[tilespmem:$0x1D100] =	vst v63  }
0x62: {  	s10 =	simm.s32 $0x100  }
0x63: {  	[spmem:s1] =	stream.indirect.scatter.add.f32 [tilespmem:s22], [sflag:$0x5], $0x80, s10, s25, $0xb8;
	[tilespmem:$0x1D100] =	vst v63  }
0x64: {  	_ =	swait.ge [sflag:s23], $0x2000  }
0x65: {  	[sflag:s23] =	ssyncset.done $0x0  }
0x66: {  	[sflag:s23] =	ssyncadd.s32 $0xFFFFE000  }
0x67: {  	s11 =	simm.s32 $0x180;
	_ =	swait.ge [sflag:s30], $0x80  }
0x68: {  	s13 =	sand.u32 $0xFC00, s11;
	[sflag:s30] =	ssyncset.done $0x0  }
0x69: {  	s7 =	sadd.s32 s12, s13;
	s8 =	sand.u32 $0x380, s11;
	[sflag:s30] =	ssyncadd.s32 $0xFFFFFF80  }
0x6a: {  	[tilespmem:s22], [sflag:$0x1] =	stream.indirect.gather [hbm4b:s4+s25], $0x80, s3, s25, $0xb8;
	[tilespmem:$0x1D100] =	vst v63  }
0x6b: {  	s7 =	sor.u32 s8, s7;
	_ =	swait.ge [sflag:s31], $0x2000  }
0x6c: {  	s7 =	sshrl.u32 s7, $0x3;
	[sflag:s31] =	ssyncset.done $0x0  }
0x6d: {  	s7 =	sadd.s32 s5, s7;
	[sflag:s31] =	ssyncadd.s32 $0xFFFFE000  }
0x6e: {  	[tilespmem:s26], [sflag:$0x4] =	stream.linear.gather [hbm4b:s7+s3], $0x80, $0x38;
	[tilespmem:$0x1D100] =	vst v63  }
0x6f: {  	_ = 	snop  }
0x70: {  	[spmem:s1] =	stream.indirect.scatter.add.f32 [tilespmem:s28], [sflag:$0x5], $0x80, s11, s25, $0xb8;
	[tilespmem:$0x1D100] =	vst v63  }
0x71: {  	s9 =	simm.s32 $0x200;
	s8 =	simm.s32 $0x380;
	_ =	swait.ge [sflag:s23], $0x2000  }
0x72: {  	s2 =	simm.s32 $0x280;
	s7 =	simm.s32 $0x280;
	[sflag:s23] =	ssyncset.done $0x0  }
.LBB2_4:
0x73: {  	s11 =	sand.u32 $0xFC00, s9  }
0x74: {  	[sflag:s23] =	ssyncadd.s32 $0xFFFFE000;
	s13 =	smov.u32 s8;
	s10 =	sadd.s32 $0x100, s8  }
0x75: {  	s9 =	sand.u32 $0x300, s9;
	s11 =	sadd.s32 s12, s11;
	_ =	swait.ge [sflag:s0], $0x80  }
0x76: {  	p0 =	sne.s32 s8, $0x5080;
	s8 =	sor.u32 s9, s11;
	[sflag:s0] =	ssyncset.done $0x0  }
0x77: {  	s8 =	sshrl.u32 s8, $0x3;
	[sflag:s0] =	ssyncadd.s32 $0xFFFFFF80  }
0x78: {  	[tilespmem:s28], [sflag:$0x2] =	stream.indirect.gather [hbm4b:s4+s25], $0x80, s26, s25, $0xb8;
	[tilespmem:$0x1D100] =	vst v63  }
0x79: {  	_ =	swait.ge [sflag:s29], $0x2000  }
0x7a: {  	[sflag:s29] =	ssyncset.done $0x0  }
0x7b: {  	s8 =	sadd.s32 s5, s8;
	[sflag:s29] =	ssyncadd.s32 $0xFFFFE000  }
0x7c: {  	[tilespmem:s3], [sflag:$0x3] =	stream.linear.gather [hbm4b:s8+s3], $0x80, $0x38;
	[tilespmem:$0x1D100] =	vst v63  }
0x7d: {  	s8 =	sadd.s32 $0xFFFFFF80, s2  }
0x7e: {  	[spmem:s1] =	stream.indirect.scatter.add.f32 [tilespmem:s22], [sflag:$0x5], $0x80, s8, s25, $0xb8;
	[tilespmem:$0x1D100] =	vst v63  }
0x7f: {  	_ =	swait.ge [sflag:s23], $0x2000  }
0x80: {  	[sflag:s23] =	ssyncset.done $0x0  }
0x81: {  	[sflag:s23] =	ssyncadd.s32 $0xFFFFE000  }
0x82: {  	_ =	swait.ge [sflag:s30], $0x80  }
0x83: {  	[sflag:s30] =	ssyncset.done $0x0  }
0x84: {  	s8 =	sand.u32 $0xFC00, s7;
	[sflag:s30] =	ssyncadd.s32 $0xFFFFFF80  }
0x85: {  	[tilespmem:s22], [sflag:$0x1] =	stream.indirect.gather [hbm4b:s4+s25], $0x80, s3, s25, $0xb8;
	[tilespmem:$0x1D100] =	vst v63  }
0x86: {  	s9 =	sand.u32 $0x380, s7;
	s7 =	smov.u32 s13;
	s8 =	sadd.s32 s12, s8  }
0x87: {  	s8 =	sor.u32 s9, s8;
	_ =	swait.ge [sflag:s31], $0x2000  }
0x88: {  	s8 =	sshrl.u32 s8, $0x3;
	[sflag:s31] =	ssyncset.done $0x0  }
0x89: {  	s8 =	sadd.s32 s5, s8;
	[sflag:s31] =	ssyncadd.s32 $0xFFFFE000  }
0x8a: {  	[tilespmem:s26], [sflag:$0x4] =	stream.linear.gather [hbm4b:s8+s3], $0x80, $0x38;
	[tilespmem:$0x1D100] =	vst v63  }
.Ltmp1:
0x8b: {  	_ = 	snop;
	(pc) =	sbr.rel @p0 .LBB2_4-.Ltmp1, $4  }
0x8c: {  	_ = 	snop  }
0x8d: {  	[spmem:s1] =	stream.indirect.scatter.add.f32 [tilespmem:s28], [sflag:$0x5], $0x80, s2, s25, $0xb8;
	[tilespmem:$0x1D100] =	vst v63  }
0x8e: {  	s9 =	sadd.s32 $0xFFFFFF80, s7;
	_ =	swait.ge [sflag:s23], $0x2000  }
0x8f: {  	s8 =	smov.u32 s10;
	s2 =	sadd.s32 $0x100, s2;
	[sflag:s23] =	ssyncset.done $0x0  }
0x90: {  	[sflag:s23] =	ssyncadd.s32 $0xFFFFE000  }
0x91: {  	_ =	swait.ge [sflag:s0], $0x80  }
0x92: {  	s8 =	sand.u32 $0xFC00, s9;
	[sflag:s0] =	ssyncset.done $0x0  }
0x93: {  	s11 =	sand.u32 $0x300, s9;
	s8 =	sadd.s32 s12, s8;
	[sflag:s0] =	ssyncadd.s32 $0xFFFFFF80  }
0x94: {  	[tilespmem:s28], [sflag:$0x2] =	stream.indirect.gather [hbm4b:s4+s25], $0x80, s26, s25, $0xb8;
	[tilespmem:$0x1D100] =	vst v63  }
0x95: {  	s8 =	sor.u32 s11, s8;
	_ =	swait.ge [sflag:s29], $0x2000  }
0x96: {  	s8 =	sshrl.u32 s8, $0x3;
	[sflag:s29] =	ssyncset.done $0x0  }
0x97: {  	s8 =	sadd.s32 s5, s8;
	[sflag:s29] =	ssyncadd.s32 $0xFFFFE000  }
0x98: {  	[tilespmem:s3], [sflag:$0x3] =	stream.linear.gather [hbm4b:s8+s3], $0x80, $0x38;
	[tilespmem:$0x1D100] =	vst v63  }
0x99: {  	s13 =	sadd.s32 $0xFFFFFF80, s2  }
0x9a: {  	[spmem:s1] =	stream.indirect.scatter.add.f32 [tilespmem:s22], [sflag:$0x5], $0x80, s13, s25, $0xb8;
	[tilespmem:$0x1D100] =	vst v63  }
0x9b: {  	_ =	swait.ge [sflag:s23], $0x2000  }
0x9c: {  	[sflag:s23] =	ssyncset.done $0x0  }
0x9d: {  	[sflag:s23] =	ssyncadd.s32 $0xFFFFE000  }
0x9e: {  	_ =	swait.ge [sflag:s30], $0x80  }
0x9f: {  	s9 =	sand.u32 $0xFC00, s7;
	[sflag:s30] =	ssyncset.done $0x0  }
0xa0: {  	s10 =	sand.u32 $0x380, s7;
	s8 =	sadd.s32 s12, s9;
	[sflag:s30] =	ssyncadd.s32 $0xFFFFFF80  }
0xa1: {  	[tilespmem:s22], [sflag:$0x1] =	stream.indirect.gather [hbm4b:s4+s25], $0x80, s3, s25, $0xb8;
	[tilespmem:$0x1D100] =	vst v63  }
0xa2: {  	s7 =	sor.u32 s10, s8;
	_ =	swait.ge [sflag:s31], $0x2000  }
0xa3: {  	s7 =	sshrl.u32 s7, $0x3;
	[sflag:s31] =	ssyncset.done $0x0  }
0xa4: {  	s7 =	sadd.s32 s5, s7;
	[sflag:s31] =	ssyncadd.s32 $0xFFFFE000  }
0xa5: {  	[tilespmem:s26], [sflag:$0x4] =	stream.linear.gather [hbm4b:s7+s3], $0x80, $0x38;
	[tilespmem:$0x1D100] =	vst v63  }
0xa6: {  	_ = 	snop  }
0xa7: {  	[spmem:s1] =	stream.indirect.scatter.add.f32 [tilespmem:s28], [sflag:$0x5], $0x80, s2, s25, $0xb8;
	[tilespmem:$0x1D100] =	vst v63  }
0xa8: {  	_ =	swait.ge [sflag:s23], $0x2000  }
0xa9: {  	[sflag:s23] =	ssyncset.done $0x0  }
0xaa: {  	[sflag:s23] =	ssyncadd.s32 $0xFFFFE000  }
0xab: {  	_ =	swait.ge [sflag:s0], $0x80  }
0xac: {  	[sflag:s0] =	ssyncset.done $0x0  }
0xad: {  	[sflag:s0] =	ssyncadd.s32 $0xFFFFFF80  }
0xae: {  	[tilespmem:s28], [sflag:$0x2] =	stream.indirect.gather [hbm4b:s4+s25], $0x80, s26, s25, $0xb8;
	[tilespmem:$0x1D100] =	vst v63  }
0xaf: {  	_ =	swait.ge [sflag:s29], $0x2000  }
0xb0: {  	[sflag:s29] =	ssyncset.done $0x0  }
0xb1: {  	[sflag:s29] =	ssyncadd.s32 $0xFFFFE000  }
0xb2: {  	s24 =	sadd.s32 $0x1, s24;
	_ =	swait.ge [sflag:s31], $0x2000  }
0xb3: {  	p0 =	sne.s32 s24, s21;
	s11 =	stileid.u32;
	[sflag:s31] =	ssyncset.done $0x0  }
0xb4: {  	s13 =	sshrl.u32 s6, $0x3;
	s2 =	sshll.u32 s11, $0x6;
	[sflag:s31] =	ssyncadd.s32 $0xFFFFE000  }
.Ltmp2:
0xb5: {  	s2 =	sor.u32 $0x1C05, s2;
	[bflag:$0x0] =	sbarrier.arrive $0xFFFF;
	(pc) =	sbr.rel @p0 .LBB2_1-.Ltmp2, $4  }
0xb6: {  	[hbm:s20], [sflag:s2] =	dma.local [spmem:s13], $0x2800  }
0xb7: {  	_ =	swait.ge [sflag:s23], $0x2800  }
0xb8: {  	[sflag:s23] =	ssyncset.done $0x0  }
0xb9: {  	[sflag:s23] =	ssyncadd.s32 $0xFFFFD800  }
0xba: {  	_ =	sfence.sel $0x180000  }
0xbb: {  	[bflag:$0x0] =	sbarrier.arrive $0xFFFF  }
0xbc: {  	_ =	strace $0x90000053  }
0xbd: {  	s0 =	stileid.u32;
	[bflag:$0x2] =	sbarrier.arrive $0xFFFF  }
0xbe: {  	p0 =	sne.s32 s0, $0x0;
	s0 =	rddreg [dreg:$0x2]  }
0xbf: {  	s0 =	sadd.s32 @!p0 $0x100000, s0  }
0xc0: {  	[sflag:s0] =	ssyncadd.tile.s32 @!p0 $0x1;
	_ =	shalt  }
.Lfunc_end2:
_tile_overlayer_lowered:
.L_overlay_start_2:
0xc1: {  	(tag) =	ssettag $0x2  }
0xc2: {  	s0 =	rddreg [dreg:$0x0];
	s2 =	stileid.u32  }
0xc3: {  	s1 =	rddreg [dreg:$0x1];
	p0 =	sne.s32 s2, $0x0  }
0xc4: {  	s3 =	rddreg [dreg:$0x2];
	[bflag:$0x3] =	sbarrier.arrive $0xFFFF;
	s2 =	simm.s32 @!p0 $0x1C05  }
0xc5: {  	[timem:s3], [sflag:s2] =	dma.local @!p0 [hbm:s0], s1  }
0xc6: {  	s0 =	simm.s32 @!p0 $0x5  }
0xc7: {  	_ =	swait.ge @!p0 [sflag:s0], s1  }
0xc8: {  	s1 =	ssub.s32 @!p0 $0x0, s1;
	[sflag:s0] =	ssyncset.done @!p0 $0x0  }
0xc9: {  	[sflag:s0] =	ssyncadd.s32 @!p0 s1  }
0xca: {  	[bflag:$0x3] =	sbarrier.arrive $0xFFFF  }
0xcb: {  	_ =	shalt  }

</sc_bundles>
